<compile_context>
chip_gen: v7x
topology: tpu7x:2x2x1
jax: 0.10.2.dev20260603
libtpu: 0.0.44.dev20260713+nightly
codegen_flags: <defaults>
</compile_context>

<pallas_src>
import functools

import jax
import jax.numpy as jnp
from jax import lax
from jax.experimental import pallas as pl
from jax.experimental.pallas import tpu as pltpu
from jax.experimental.pallas import tpu_sc as plsc

N_NODES = 10000
D = 128
N0 = 4096
S1 = 5
S2 = 2
H1 = 64
T = 5
NCLS = 64

NC = 2
NS = 16
L = 16
NW = NC * NS
SEEDS_PER_W = N0 // NW

_PREC = lax.Precision.HIGHEST


def _prep_body(x_ref, wl_ref, wr_ref, b0_ref, plr_ref, prt_ref, plt_ref):
    xv = x_ref[...]
    dl = lax.dot_general(xv, wl_ref[...], (((1,), (1,)), ((), ())),
                         preferred_element_type=jnp.float32, precision=_PREC)
    dr = lax.dot_general(xv, wr_ref[...], (((1,), (1,)), ((), ())),
                         preferred_element_type=jnp.float32, precision=_PREC)
    plb = dl + b0_ref[0]
    plr_ref[:, :D] = plb
    plr_ref[:, D:] = dr * 0.2
    prt_ref[...] = dr * 0.5
    plt_ref[...] = plb


_RB = 5000

_prep = pl.pallas_call(
    _prep_body,
    grid=(N_NODES // _RB,),
    in_specs=[
        pl.BlockSpec((_RB, D), lambda i: (i, 0)),
        pl.BlockSpec((D, D), lambda i: (0, 0)),
        pl.BlockSpec((D, D), lambda i: (0, 0)),
        pl.BlockSpec((1, D), lambda i: (0, 0)),
    ],
    out_specs=[
        pl.BlockSpec((_RB, 2 * D), lambda i: (i, 0)),
        pl.BlockSpec((_RB, D), lambda i: (i, 0)),
        pl.BlockSpec((_RB, D), lambda i: (i, 0)),
    ],
    out_shape=[
        jax.ShapeDtypeStruct((N_NODES, 2 * D), jnp.float32),
        jax.ShapeDtypeStruct((N_NODES, D), jnp.float32),
        jax.ShapeDtypeStruct((N_NODES, D), jnp.float32),
    ],
)


CH = 8
CPT = SEEDS_PER_W // CH
NFLAT = T * CPT
NPAIR = NFLAT // 2
R1C = S1 * CH
R2C = S1 * S2 * CH


@functools.partial(
    pl.kernel,
    out_type=jax.ShapeDtypeStruct((T, N0, 2 * D), jnp.float32),
    mesh=plsc.VectorSubcoreMesh(core_axis_name="c", subcore_axis_name="s"),
    scratch_types=[
        pltpu.VMEM((SEEDS_PER_W,), jnp.int32),
        pltpu.VMEM((T * S1 * SEEDS_PER_W,), jnp.int32),
        pltpu.VMEM((T * S1 * S2 * SEEDS_PER_W,), jnp.int32),
        pltpu.VMEM((SEEDS_PER_W, D), jnp.float32),
        pltpu.VMEM((R1C, 2 * D), jnp.float32),
        pltpu.VMEM((R1C, 2 * D), jnp.float32),
        pltpu.VMEM((R2C, D), jnp.float32),
        pltpu.VMEM((R2C, D), jnp.float32),
        pltpu.VMEM((SEEDS_PER_W, 2 * D), jnp.float32),
        pltpu.SemaphoreType.DMA,
        pltpu.SemaphoreType.DMA,
        pltpu.SemaphoreType.DMA,
    ],
)
def _sc_gather(plr_hbm, prt_hbm, plt_hbm, nodes_hbm, nbr1_hbm, nbr2_hbm,
               out_hbm, idxn, idx1, idx2, g0, g1a, g1b, g2a, g2b,
               outT, semA, semB, sem0):
    cid = lax.axis_index("c")
    sid = lax.axis_index("s")
    wid = sid * NC + cid
    base = wid * SEEDS_PER_W

    n1w = S1 * SEEDS_PER_W
    n2w = S1 * S2 * SEEDS_PER_W
    stage = [
        pltpu.async_copy(nodes_hbm.at[pl.ds(base, SEEDS_PER_W)], idxn, sem0),
    ]
    for t in range(T):
        stage.append(pltpu.async_copy(
            nbr1_hbm.at[pl.ds(t * (N0 * S1) + S1 * base, n1w)],
            idx1.at[pl.ds(t * n1w, n1w)], sem0))
        stage.append(pltpu.async_copy(
            nbr2_hbm.at[pl.ds(t * (N0 * S1 * S2) + S1 * S2 * base, n2w)],
            idx2.at[pl.ds(t * n2w, n2w)], sem0))
    for cp in stage:
        cp.wait()
    pltpu.async_copy(plt_hbm.at[idxn], g0, sem0).wait()

    def issue(i, g1, g2, semX):
        pltpu.async_copy(plr_hbm.at[idx1.at[pl.ds(i * R1C, R1C)]], g1, semX)
        pltpu.async_copy(prt_hbm.at[idx2.at[pl.ds(i * R2C, R2C)]], g2, semX)

    def drain(g1, g2, semX):
        pltpu.make_async_copy(
            plr_hbm.at[idx1.at[pl.ds(0, R1C)]], g1, semX).wait()
        pltpu.make_async_copy(
            prt_hbm.at[idx2.at[pl.ds(0, R2C)]], g2, semX).wait()

    def compute(i, g1, g2):
        row0 = lax.rem(i, CPT) * CH

        NB = D // L

        def ld_a(s, c):
            col = c * L
            return ([g1[S1 * s + j, pl.ds(D + col, L)] for j in range(S1)],
                    g0[row0 + s, pl.ds(col, L)])

        def ld_nj(s, c, j):
            col = c * L
            return (g1[S1 * s + j, pl.ds(col, L)],
                    g2[S1 * S2 * s + S2 * j, pl.ds(col, L)],
                    g2[S1 * S2 * s + S2 * j + 1, pl.ds(col, L)])

        def s_body(s, carry_s):
            orow = row0 + s
            a_c, g0_c = ld_a(s, 0)
            n_c = [ld_nj(s, 0, j) for j in range(S1)]
            for c in range(NB):
                col = c * L
                nxt = c + 1 < NB
                if nxt:
                    a_n, g0_n = ld_a(s, c + 1)
                so = ((a_c[0] + a_c[1]) + (a_c[2] + a_c[3])) + (a_c[4] + g0_c)
                outT[orow, pl.ds(col, L)] = jnp.where(so > 1.0, 1.0, 0.0)
                sp = []
                n_n = []
                for j in range(S1):
                    if nxt:
                        n_n.append(ld_nj(s, c + 1, j))
                    bj, pj0, pj1 = n_c[j]
                    sp.append(jnp.where(bj + (pj0 + pj1) > 1.0, 1.0, 0.0))
                outT[orow, pl.ds(D + col, L)] = (
                    (sp[0] + sp[1]) + (sp[2] + sp[3])) + sp[4]
                if nxt:
                    a_c, g0_c, n_c = a_n, g0_n, n_n
            return carry_s

        lax.fori_loop(0, CH, s_body, 0)

    issue(0, g1a, g2a, semA)

    def g_body(g, carry):
        i0 = 2 * g
        issue(i0 + 1, g1b, g2b, semB)

        @pl.when(jnp.logical_and(lax.rem(g, CPT // 2) == 0, g > 0))
        def _():
            tprev = lax.div(g, CPT // 2) - 1
            pltpu.sync_copy(outT, out_hbm.at[tprev, pl.ds(base, SEEDS_PER_W)])

        drain(g1a, g2a, semA)
        compute(i0, g1a, g2a)

        @pl.when(g < NPAIR - 1)
        def _():
            issue(i0 + 2, g1a, g2a, semA)

        drain(g1b, g2b, semB)
        compute(i0 + 1, g1b, g2b)
        return carry

    lax.fori_loop(0, NPAIR, g_body, 0)
    pltpu.sync_copy(outT, out_hbm.at[T - 1, pl.ds(base, SEEDS_PER_W)])


def _head_body(h_ref, w1l_ref, w1r_ref, b1l_ref, b1r_ref, wp_ref, bp_ref,
               out_ref):
    t = pl.program_id(0)
    a = h_ref[0, :, :D]
    bm = h_ref[0, :, D:]
    dl = lax.dot_general(a, w1l_ref[...], (((1,), (1,)), ((), ())),
                         preferred_element_type=jnp.float32, precision=_PREC)
    dr = lax.dot_general(bm, w1r_ref[...] * 0.2, (((1,), (1,)), ((), ())),
                         preferred_element_type=jnp.float32, precision=_PREC)
    out1 = dl + b1l_ref[0] + dr + b1r_ref[0]
    s1 = jnp.where(out1 > 1.0, 1.0, 0.0)
    contrib = lax.dot_general(s1, wp_ref[0], (((1,), (1,)), ((), ())),
                              preferred_element_type=jnp.float32,
                              precision=_PREC)

    @pl.when(t == 0)
    def _():
        out_ref[...] = jnp.broadcast_to(bp_ref[0], (N0, NCLS))

    out_ref[...] += contrib


_head = pl.pallas_call(
    _head_body,
    grid=(T,),
    in_specs=[
        pl.BlockSpec((1, N0, 2 * D), lambda t: (t, 0, 0)),
        pl.BlockSpec((H1, D), lambda t: (0, 0)),
        pl.BlockSpec((H1, D), lambda t: (0, 0)),
        pl.BlockSpec((1, H1), lambda t: (0, 0)),
        pl.BlockSpec((1, H1), lambda t: (0, 0)),
        pl.BlockSpec((1, H1, H1), lambda t: (t, 0, 0)),
        pl.BlockSpec((1, NCLS), lambda t: (0, 0)),
    ],
    out_specs=pl.BlockSpec((N0, NCLS), lambda t: (0, 0)),
    out_shape=jax.ShapeDtypeStruct((N0, NCLS), jnp.float32),
)


def kernel(x, nodes, nbr1, nbr2, W0l, b0l, W0r, b0r, W1l, b1l, W1r, b1r,
           Wp, bp):
    b0 = (b0l + b0r).reshape(1, D)
    plr, prt, plt = _prep(x, W0l, W0r, b0)
    h = _sc_gather(plr, prt, plt, nodes, nbr1.reshape(-1), nbr2.reshape(-1))
    wp_t = Wp.reshape(NCLS, T, H1).transpose(1, 0, 2)
    return _head(h, W1l, W1r, b1l.reshape(1, H1), b1r.reshape(1, H1), wp_t,
                 bp.reshape(1, NCLS))

# --- scband reference (transcript-rebuilt; emitter-appended) ---
"""Pipeline reference for scband-spike-net-89687507076361 (READ-ONLY COPY).

The authoritative reference and input builder live on the scoring server;
editing this copy changes nothing except your own understanding.
"""

import jax, jax.numpy as jnp
import numpy as np

N_NODES = 10000
D_FEAT = 128
N0 = 4096
SIZES = (5, 2)
HIDS = (128, 64)
T = 5
NUM_CLASSES = 64
TAU = 1.0
ALPHA = 1.0
V_TH = 1.0

# Heaviside spike with triangle surrogate gradient (SpikeNet 'triangle' surrogate, alpha=1.0)
@jax.custom_vjp
def spike_fn(x):
    return (x > 0).astype(x.dtype)

def _spike_fwd(x):
    return spike_fn(x), x

def _spike_bwd(x, g):
    return (g * (1.0 / ALPHA) ** 2 * jnp.clip(ALPHA - jnp.abs(x), 0.0, None),)

spike_fn.defvjp(_spike_fwd, _spike_bwd)


def setup_inputs(seed: int = 0):
    key = jax.random.key(seed)
    ks = jax.random.split(key, 16)
    x = jax.random.normal(ks[0], (N_NODES, D_FEAT), dtype=jnp.float32)
    nodes = jax.random.randint(ks[1], (N0,), 0, N_NODES, dtype=jnp.int32)
    # Pre-sampled neighbor indices (stand-in for the SAGE neighborhood sampler; resampled each time step)
    nbr1 = jax.random.randint(ks[2], (T, N0 * SIZES[0]), 0, N_NODES, dtype=jnp.int32)
    nbr2 = jax.random.randint(ks[3], (T, N0 * SIZES[0] * SIZES[1]), 0, N_NODES, dtype=jnp.int32)
    s0 = 1.0 / np.sqrt(D_FEAT)
    s1 = 1.0 / np.sqrt(HIDS[0])
    sp = 1.0 / np.sqrt(T * HIDS[1])
    W0l = jax.random.uniform(ks[4], (HIDS[0], D_FEAT), minval=-s0, maxval=s0, dtype=jnp.float32)
    b0l = jax.random.uniform(ks[5], (HIDS[0],), minval=-s0, maxval=s0, dtype=jnp.float32)
    W0r = jax.random.uniform(ks[6], (HIDS[0], D_FEAT), minval=-s0, maxval=s0, dtype=jnp.float32)
    b0r = jax.random.uniform(ks[7], (HIDS[0],), minval=-s0, maxval=s0, dtype=jnp.float32)
    W1l = jax.random.uniform(ks[8], (HIDS[1], HIDS[0]), minval=-s1, maxval=s1, dtype=jnp.float32)
    b1l = jax.random.uniform(ks[9], (HIDS[1],), minval=-s1, maxval=s1, dtype=jnp.float32)
    W1r = jax.random.uniform(ks[10], (HIDS[1], HIDS[0]), minval=-s1, maxval=s1, dtype=jnp.float32)
    b1r = jax.random.uniform(ks[11], (HIDS[1],), minval=-s1, maxval=s1, dtype=jnp.float32)
    Wp = jax.random.uniform(ks[12], (NUM_CLASSES, T * HIDS[1]), minval=-sp, maxval=sp, dtype=jnp.float32)
    bp = jax.random.uniform(ks[13], (NUM_CLASSES,), minval=-sp, maxval=sp, dtype=jnp.float32)
    return {"x": x, "nodes": nodes, "nbr1": nbr1, "nbr2": nbr2,
            "W0l": W0l, "b0l": b0l, "W0r": W0r, "b0r": b0r,
            "W1l": W1l, "b1l": b1l, "W1r": W1r, "b1r": b1r,
            "Wp": Wp, "bp": bp}


def reference(x, nodes, nbr1, nbr2, W0l, b0l, W0r, b0r, W1l, b1l, W1r, b1r, Wp, bp):
    # SpikeNet.forward (eval mode; dropout is identity). LIF with tau=1.0, hard reset.
    v0 = jnp.zeros((N0 * (1 + SIZES[0]), HIDS[0]), dtype=x.dtype)
    v1 = jnp.zeros((N0, HIDS[1]), dtype=x.dtype)
    spikes = []
    for t in range(T):
        h0 = jnp.take(x, nodes, axis=0)
        h1 = jnp.take(x, nbr1[t], axis=0)
        h2 = jnp.take(x, nbr2[t], axis=0)
        # layer 0 SAGE aggregator (mean over sampled neighbors, sum combine)
        self_x = jnp.concatenate([h0, h1], axis=0)
        neigh_x = jnp.concatenate([
            h1.reshape(-1, SIZES[0], D_FEAT).mean(axis=1),
            h2.reshape(-1, SIZES[1], D_FEAT).mean(axis=1)], axis=0)
        out0 = self_x @ W0l.T + b0l + neigh_x @ W0r.T + b0r
        v0 = v0 + (out0 - v0) / TAU
        s0 = spike_fn(v0 - V_TH)
        v0 = (1.0 - s0) * v0
        h0n = s0[:N0]
        h1n = s0[N0:]
        # layer 1 SAGE aggregator
        out1 = h0n @ W1l.T + b1l + h1n.reshape(-1, SIZES[0], HIDS[0]).mean(axis=1) @ W1r.T + b1r
        v1 = v1 + (out1 - v1) / TAU
        s1 = spike_fn(v1 - V_TH)
        v1 = (1.0 - s1) * v1
        spikes.append(s1)
    sp = jnp.concatenate(spikes, axis=1)
    return sp @ Wp.T + bp

if __name__ == "__main__":
    import jax
    _d = setup_inputs()
    print(jax.jit(kernel)(*tuple(_d.values())))

</pallas_src>

<mosaic_0001>
#map = affine_map<(d0, d1) -> (0, 0)>
#map1 = affine_map<(d0, d1) -> (0)>
#map2 = affine_map<(d0, d1) -> (0, 0, 0)>
module attributes {stable_mosaic.version = 14 : i64} {
  func.func @_sc_gather(%arg0: i32, %arg1: i32, %arg2: memref<10000x256xf32, #tpu.memory_space<hbm>>, %arg3: memref<10000x128xf32, #tpu.memory_space<hbm>>, %arg4: memref<10000x128xf32, #tpu.memory_space<hbm>>, %arg5: memref<4096xi32, #tpu.memory_space<hbm>>, %arg6: memref<102400xi32, #tpu.memory_space<hbm>>, %arg7: memref<204800xi32, #tpu.memory_space<hbm>>, %arg8: memref<5x4096x256xf32, #tpu.memory_space<hbm>>, %arg9: memref<128xi32, #tpu.memory_space<vmem>>, %arg10: memref<3200xi32, #tpu.memory_space<vmem>>, %arg11: memref<6400xi32, #tpu.memory_space<vmem>>, %arg12: memref<128x128xf32, #tpu.memory_space<vmem>>, %arg13: memref<40x256xf32, #tpu.memory_space<vmem>>, %arg14: memref<40x256xf32, #tpu.memory_space<vmem>>, %arg15: memref<80x128xf32, #tpu.memory_space<vmem>>, %arg16: memref<80x128xf32, #tpu.memory_space<vmem>>, %arg17: memref<128x256xf32, #tpu.memory_space<vmem>>, %arg18: memref<!tpu.dma_semaphore, #tpu.memory_space<semaphore_mem>>, %arg19: memref<!tpu.dma_semaphore, #tpu.memory_space<semaphore_mem>>, %arg20: memref<!tpu.dma_semaphore, #tpu.memory_space<semaphore_mem>>) attributes {dimension_semantics = [#tpu.dimension_semantics<core_parallel>, #tpu.dimension_semantics<subcore_parallel>], iteration_bounds = array<i64: 2, 16>, scalar_prefetch = 0 : i64, scratch_operands = 12 : i64, tpu.core_type = #tpu.core_type<sc_vector_subcore>, window_params = [{transform_indices = #map}, {transform_indices = #map}, {transform_indices = #map}, {transform_indices = #map1}, {transform_indices = #map1}, {transform_indices = #map1}, {transform_indices = #map2}]} {
    %mul3A = arith.constant 2 : i32
    %mul3A_0 = arith.muli %arg1, %mul3A : i32
    %add3A = arith.addi %mul3A_0, %arg0 : i32
    %mul3A_1 = arith.constant 128 : i32
    %mul3A_2 = arith.muli %add3A, %mul3A_1 : i32
    %dma_start3A = tpu.memref_slice %arg5[%mul3A_2] : memref<4096xi32, #tpu.memory_space<hbm>> -> memref<128xi32, #tpu.memory_space<hbm>>
    %dma_start3A_3 = tpu.memref_slice %arg5[%mul3A_2] : memref<4096xi32, #tpu.memory_space<hbm>> -> memref<128xi32, #tpu.memory_space<hbm>>
    tpu.enqueue_dma source(%dma_start3A_3 : memref<128xi32, #tpu.memory_space<hbm>>) target(%arg9 : memref<128xi32, #tpu.memory_space<vmem>>) target_semaphore(%arg20 : memref<!tpu.dma_semaphore, #tpu.memory_space<semaphore_mem>>)
    %mul3A_4 = arith.constant 5 : i32
    %mul3A_5 = arith.muli %mul3A_4, %mul3A_2 : i32
    %add3A_6 = arith.constant 0 : i32
    %add3A_7 = arith.addi %add3A_6, %mul3A_5 : i32
    %dma_start3A_8 = arith.constant 0 : i32
    %dma_start3A_9 = tpu.memref_slice %arg10[%dma_start3A_8] : memref<3200xi32, #tpu.memory_space<vmem>> -> memref<640xi32, #tpu.memory_space<vmem>>
    %dma_start3A_10 = tpu.memref_slice %arg6[%add3A_7] : memref<102400xi32, #tpu.memory_space<hbm>> -> memref<640xi32, #tpu.memory_space<hbm>>
    %dma_start3A_11 = arith.constant 0 : i32
    %dma_start3A_12 = tpu.memref_slice %arg10[%dma_start3A_11] : memref<3200xi32, #tpu.memory_space<vmem>> -> memref<640xi32, #tpu.memory_space<vmem>>
    %dma_start3A_13 = tpu.memref_slice %arg6[%add3A_7] : memref<102400xi32, #tpu.memory_space<hbm>> -> memref<640xi32, #tpu.memory_space<hbm>>
    tpu.enqueue_dma source(%dma_start3A_13 : memref<640xi32, #tpu.memory_space<hbm>>) target(%dma_start3A_12 : memref<640xi32, #tpu.memory_space<vmem>>) target_semaphore(%arg20 : memref<!tpu.dma_semaphore, #tpu.memory_space<semaphore_mem>>)
    %mul3A_14 = arith.constant 10 : i32
    %mul3A_15 = arith.muli %mul3A_14, %mul3A_2 : i32
    %add3A_16 = arith.constant 0 : i32
    %add3A_17 = arith.addi %add3A_16, %mul3A_15 : i32
    %dma_start3A_18 = arith.constant 0 : i32
    %dma_start3A_19 = tpu.memref_slice %arg11[%dma_start3A_18] : memref<6400xi32, #tpu.memory_space<vmem>> -> memref<1280xi32, #tpu.memory_space<vmem>>
    %dma_start3A_20 = tpu.memref_slice %arg7[%add3A_17] : memref<204800xi32, #tpu.memory_space<hbm>> -> memref<1280xi32, #tpu.memory_space<hbm>>
    %dma_start3A_21 = arith.constant 0 : i32
    %dma_start3A_22 = tpu.memref_slice %arg11[%dma_start3A_21] : memref<6400xi32, #tpu.memory_space<vmem>> -> memref<1280xi32, #tpu.memory_space<vmem>>
    %dma_start3A_23 = tpu.memref_slice %arg7[%add3A_17] : memref<204800xi32, #tpu.memory_space<hbm>> -> memref<1280xi32, #tpu.memory_space<hbm>>
    tpu.enqueue_dma source(%dma_start3A_23 : memref<1280xi32, #tpu.memory_space<hbm>>) target(%dma_start3A_22 : memref<1280xi32, #tpu.memory_space<vmem>>) target_semaphore(%arg20 : memref<!tpu.dma_semaphore, #tpu.memory_space<semaphore_mem>>)
    %mul3A_24 = arith.constant 5 : i32
    %mul3A_25 = arith.muli %mul3A_24, %mul3A_2 : i32
    %add3A_26 = arith.constant 20480 : i32
    %add3A_27 = arith.addi %add3A_26, %mul3A_25 : i32
    %dma_start3A_28 = arith.constant 640 : i32
    %dma_start3A_29 = tpu.memref_slice %arg10[%dma_start3A_28] : memref<3200xi32, #tpu.memory_space<vmem>> -> memref<640xi32, #tpu.memory_space<vmem>>
    %dma_start3A_30 = tpu.memref_slice %arg6[%add3A_27] : memref<102400xi32, #tpu.memory_space<hbm>> -> memref<640xi32, #tpu.memory_space<hbm>>
    %dma_start3A_31 = arith.constant 640 : i32
    %dma_start3A_32 = tpu.memref_slice %arg10[%dma_start3A_31] : memref<3200xi32, #tpu.memory_space<vmem>> -> memref<640xi32, #tpu.memory_space<vmem>>
    %dma_start3A_33 = tpu.memref_slice %arg6[%add3A_27] : memref<102400xi32, #tpu.memory_space<hbm>> -> memref<640xi32, #tpu.memory_space<hbm>>
    tpu.enqueue_dma source(%dma_start3A_33 : memref<640xi32, #tpu.memory_space<hbm>>) target(%dma_start3A_32 : memref<640xi32, #tpu.memory_space<vmem>>) target_semaphore(%arg20 : memref<!tpu.dma_semaphore, #tpu.memory_space<semaphore_mem>>)
    %mul3A_34 = arith.constant 10 : i32
    %mul3A_35 = arith.muli %mul3A_34, %mul3A_2 : i32
    %add3A_36 = arith.constant 40960 : i32
    %add3A_37 = arith.addi %add3A_36, %mul3A_35 : i32
    %dma_start3A_38 = arith.constant 1280 : i32
    %dma_start3A_39 = tpu.memref_slice %arg11[%dma_start3A_38] : memref<6400xi32, #tpu.memory_space<vmem>> -> memref<1280xi32, #tpu.memory_space<vmem>>
    %dma_start3A_40 = tpu.memref_slice %arg7[%add3A_37] : memref<204800xi32, #tpu.memory_space<hbm>> -> memref<1280xi32, #tpu.memory_space<hbm>>
    %dma_start3A_41 = arith.constant 1280 : i32
    %dma_start3A_42 = tpu.memref_slice %arg11[%dma_start3A_41] : memref<6400xi32, #tpu.memory_space<vmem>> -> memref<1280xi32, #tpu.memory_space<vmem>>
    %dma_start3A_43 = tpu.memref_slice %arg7[%add3A_37] : memref<204800xi32, #tpu.memory_space<hbm>> -> memref<1280xi32, #tpu.memory_space<hbm>>
    tpu.enqueue_dma source(%dma_start3A_43 : memref<1280xi32, #tpu.memory_space<hbm>>) target(%dma_start3A_42 : memref<1280xi32, #tpu.memory_space<vmem>>) target_semaphore(%arg20 : memref<!tpu.dma_semaphore, #tpu.memory_space<semaphore_mem>>)
    %mul3A_44 = arith.constant 5 : i32
    %mul3A_45 = arith.muli %mul3A_44, %mul3A_2 : i32
    %add3A_46 = arith.constant 40960 : i32
    %add3A_47 = arith.addi %add3A_46, %mul3A_45 : i32
    %dma_start3A_48 = arith.constant 1280 : i32
    %dma_start3A_49 = tpu.memref_slice %arg10[%dma_start3A_48] : memref<3200xi32, #tpu.memory_space<vmem>> -> memref<640xi32, #tpu.memory_space<vmem>>
    %dma_start3A_50 = tpu.memref_slice %arg6[%add3A_47] : memref<102400xi32, #tpu.memory_space<hbm>> -> memref<640xi32, #tpu.memory_space<hbm>>
    %dma_start3A_51 = arith.constant 1280 : i32
    %dma_start3A_52 = tpu.memref_slice %arg10[%dma_start3A_51] : memref<3200xi32, #tpu.memory_space<vmem>> -> memref<640xi32, #tpu.memory_space<vmem>>
    %dma_start3A_53 = tpu.memref_slice %arg6[%add3A_47] : memref<102400xi32, #tpu.memory_space<hbm>> -> memref<640xi32, #tpu.memory_space<hbm>>
    tpu.enqueue_dma source(%dma_start3A_53 : memref<640xi32, #tpu.memory_space<hbm>>) target(%dma_start3A_52 : memref<640xi32, #tpu.memory_space<vmem>>) target_semaphore(%arg20 : memref<!tpu.dma_semaphore, #tpu.memory_space<semaphore_mem>>)
    %mul3A_54 = arith.constant 10 : i32
    %mul3A_55 = arith.muli %mul3A_54, %mul3A_2 : i32
    %add3A_56 = arith.constant 81920 : i32
    %add3A_57 = arith.addi %add3A_56, %mul3A_55 : i32
    %dma_start3A_58 = arith.constant 2560 : i32
    %dma_start3A_59 = tpu.memref_slice %arg11[%dma_start3A_58] : memref<6400xi32, #tpu.memory_space<vmem>> -> memref<1280xi32, #tpu.memory_space<vmem>>
    %dma_start3A_60 = tpu.memref_slice %arg7[%add3A_57] : memref<204800xi32, #tpu.memory_space<hbm>> -> memref<1280xi32, #tpu.memory_space<hbm>>
    %dma_start3A_61 = arith.constant 2560 : i32
    %dma_start3A_62 = tpu.memref_slice %arg11[%dma_start3A_61] : memref<6400xi32, #tpu.memory_space<vmem>> -> memref<1280xi32, #tpu.memory_space<vmem>>
    %dma_start3A_63 = tpu.memref_slice %arg7[%add3A_57] : memref<204800xi32, #tpu.memory_space<hbm>> -> memref<1280xi32, #tpu.memory_space<hbm>>
    tpu.enqueue_dma source(%dma_start3A_63 : memref<1280xi32, #tpu.memory_space<hbm>>) target(%dma_start3A_62 : memref<1280xi32, #tpu.memory_space<vmem>>) target_semaphore(%arg20 : memref<!tpu.dma_semaphore, #tpu.memory_space<semaphore_mem>>)
    %mul3A_64 = arith.constant 5 : i32
    %mul3A_65 = arith.muli %mul3A_64, %mul3A_2 : i32
    %add3A_66 = arith.constant 61440 : i32
    %add3A_67 = arith.addi %add3A_66, %mul3A_65 : i32
    %dma_start3A_68 = arith.constant 1920 : i32
    %dma_start3A_69 = tpu.memref_slice %arg10[%dma_start3A_68] : memref<3200xi32, #tpu.memory_space<vmem>> -> memref<640xi32, #tpu.memory_space<vmem>>
    %dma_start3A_70 = tpu.memref_slice %arg6[%add3A_67] : memref<102400xi32, #tpu.memory_space<hbm>> -> memref<640xi32, #tpu.memory_space<hbm>>
    %dma_start3A_71 = arith.constant 1920 : i32
    %dma_start3A_72 = tpu.memref_slice %arg10[%dma_start3A_71] : memref<3200xi32, #tpu.memory_space<vmem>> -> memref<640xi32, #tpu.memory_space<vmem>>
    %dma_start3A_73 = tpu.memref_slice %arg6[%add3A_67] : memref<102400xi32, #tpu.memory_space<hbm>> -> memref<640xi32, #tpu.memory_space<hbm>>
    tpu.enqueue_dma source(%dma_start3A_73 : memref<640xi32, #tpu.memory_space<hbm>>) target(%dma_start3A_72 : memref<640xi32, #tpu.memory_space<vmem>>) target_semaphore(%arg20 : memref<!tpu.dma_semaphore, #tpu.memory_space<semaphore_mem>>)
    %mul3A_74 = arith.constant 10 : i32
    %mul3A_75 = arith.muli %mul3A_74, %mul3A_2 : i32
    %add3A_76 = arith.constant 122880 : i32
    %add3A_77 = arith.addi %add3A_76, %mul3A_75 : i32
    %dma_start3A_78 = arith.constant 3840 : i32
    %dma_start3A_79 = tpu.memref_slice %arg11[%dma_start3A_78] : memref<6400xi32, #tpu.memory_space<vmem>> -> memref<1280xi32, #tpu.memory_space<vmem>>
    %dma_start3A_80 = tpu.memref_slice %arg7[%add3A_77] : memref<204800xi32, #tpu.memory_space<hbm>> -> memref<1280xi32, #tpu.memory_space<hbm>>
    %dma_start3A_81 = arith.constant 3840 : i32
    %dma_start3A_82 = tpu.memref_slice %arg11[%dma_start3A_81] : memref<6400xi32, #tpu.memory_space<vmem>> -> memref<1280xi32, #tpu.memory_space<vmem>>
    %dma_start3A_83 = tpu.memref_slice %arg7[%add3A_77] : memref<204800xi32, #tpu.memory_space<hbm>> -> memref<1280xi32, #tpu.memory_space<hbm>>
    tpu.enqueue_dma source(%dma_start3A_83 : memref<1280xi32, #tpu.memory_space<hbm>>) target(%dma_start3A_82 : memref<1280xi32, #tpu.memory_space<vmem>>) target_semaphore(%arg20 : memref<!tpu.dma_semaphore, #tpu.memory_space<semaphore_mem>>)
    %mul3A_84 = arith.constant 5 : i32
    %mul3A_85 = arith.muli %mul3A_84, %mul3A_2 : i32
    %add3A_86 = arith.constant 81920 : i32
    %add3A_87 = arith.addi %add3A_86, %mul3A_85 : i32
    %dma_start3A_88 = arith.constant 2560 : i32
    %dma_start3A_89 = tpu.memref_slice %arg10[%dma_start3A_88] : memref<3200xi32, #tpu.memory_space<vmem>> -> memref<640xi32, #tpu.memory_space<vmem>>
    %dma_start3A_90 = tpu.memref_slice %arg6[%add3A_87] : memref<102400xi32, #tpu.memory_space<hbm>> -> memref<640xi32, #tpu.memory_space<hbm>>
    %dma_start3A_91 = arith.constant 2560 : i32
    %dma_start3A_92 = tpu.memref_slice %arg10[%dma_start3A_91] : memref<3200xi32, #tpu.memory_space<vmem>> -> memref<640xi32, #tpu.memory_space<vmem>>
    %dma_start3A_93 = tpu.memref_slice %arg6[%add3A_87] : memref<102400xi32, #tpu.memory_space<hbm>> -> memref<640xi32, #tpu.memory_space<hbm>>
    tpu.enqueue_dma source(%dma_start3A_93 : memref<640xi32, #tpu.memory_space<hbm>>) target(%dma_start3A_92 : memref<640xi32, #tpu.memory_space<vmem>>) target_semaphore(%arg20 : memref<!tpu.dma_semaphore, #tpu.memory_space<semaphore_mem>>)
    %mul3A_94 = arith.constant 10 : i32
    %mul3A_95 = arith.muli %mul3A_94, %mul3A_2 : i32
    %add3A_96 = arith.constant 163840 : i32
    %add3A_97 = arith.addi %add3A_96, %mul3A_95 : i32
    %dma_start3A_98 = arith.constant 5120 : i32
    %dma_start3A_99 = tpu.memref_slice %arg11[%dma_start3A_98] : memref<6400xi32, #tpu.memory_space<vmem>> -> memref<1280xi32, #tpu.memory_space<vmem>>
    %dma_start3A_100 = tpu.memref_slice %arg7[%add3A_97] : memref<204800xi32, #tpu.memory_space<hbm>> -> memref<1280xi32, #tpu.memory_space<hbm>>
    %dma_start3A_101 = arith.constant 5120 : i32
    %dma_start3A_102 = tpu.memref_slice %arg11[%dma_start3A_101] : memref<6400xi32, #tpu.memory_space<vmem>> -> memref<1280xi32, #tpu.memory_space<vmem>>
    %dma_start3A_103 = tpu.memref_slice %arg7[%add3A_97] : memref<204800xi32, #tpu.memory_space<hbm>> -> memref<1280xi32, #tpu.memory_space<hbm>>
    tpu.enqueue_dma source(%dma_start3A_103 : memref<1280xi32, #tpu.memory_space<hbm>>) target(%dma_start3A_102 : memref<1280xi32, #tpu.memory_space<vmem>>) target_semaphore(%arg20 : memref<!tpu.dma_semaphore, #tpu.memory_space<semaphore_mem>>)
    %dma_wait3A = tpu.memref_slice %arg5[%mul3A_2] : memref<4096xi32, #tpu.memory_space<hbm>> -> memref<128xi32, #tpu.memory_space<hbm>>
    %dma_wait3A_104 = tpu.memref_slice %arg5[%mul3A_2] : memref<4096xi32, #tpu.memory_space<hbm>> -> memref<128xi32, #tpu.memory_space<hbm>>
    tpu.wait_dma2 semaphore(%arg20 : memref<!tpu.dma_semaphore, #tpu.memory_space<semaphore_mem>>) src(%dma_wait3A_104 : memref<128xi32, #tpu.memory_space<hbm>>) dst(%arg9 : memref<128xi32, #tpu.memory_space<vmem>>)
    %dma_wait3A_105 = arith.constant 0 : i32
    %dma_wait3A_106 = tpu.memref_slice %arg10[%dma_wait3A_105] : memref<3200xi32, #tpu.memory_space<vmem>> -> memref<640xi32, #tpu.memory_space<vmem>>
    %dma_wait3A_107 = tpu.memref_slice %arg6[%add3A_7] : memref<102400xi32, #tpu.memory_space<hbm>> -> memref<640xi32, #tpu.memory_space<hbm>>
    %dma_wait3A_108 = arith.constant 0 : i32
    %dma_wait3A_109 = tpu.memref_slice %arg10[%dma_wait3A_108] : memref<3200xi32, #tpu.memory_space<vmem>> -> memref<640xi32, #tpu.memory_space<vmem>>
    %dma_wait3A_110 = tpu.memref_slice %arg6[%add3A_7] : memref<102400xi32, #tpu.memory_space<hbm>> -> memref<640xi32, #tpu.memory_space<hbm>>
    tpu.wait_dma2 semaphore(%arg20 : memref<!tpu.dma_semaphore, #tpu.memory_space<semaphore_mem>>) src(%dma_wait3A_110 : memref<640xi32, #tpu.memory_space<hbm>>) dst(%dma_wait3A_109 : memref<640xi32, #tpu.memory_space<vmem>>)
    %dma_wait3A_111 = arith.constant 0 : i32
    %dma_wait3A_112 = tpu.memref_slice %arg11[%dma_wait3A_111] : memref<6400xi32, #tpu.memory_space<vmem>> -> memref<1280xi32, #tpu.memory_space<vmem>>
    %dma_wait3A_113 = tpu.memref_slice %arg7[%add3A_17] : memref<204800xi32, #tpu.memory_space<hbm>> -> memref<1280xi32, #tpu.memory_space<hbm>>
    %dma_wait3A_114 = arith.constant 0 : i32
    %dma_wait3A_115 = tpu.memref_slice %arg11[%dma_wait3A_114] : memref<6400xi32, #tpu.memory_space<vmem>> -> memref<1280xi32, #tpu.memory_space<vmem>>
    %dma_wait3A_116 = tpu.memref_slice %arg7[%add3A_17] : memref<204800xi32, #tpu.memory_space<hbm>> -> memref<1280xi32, #tpu.memory_space<hbm>>
    tpu.wait_dma2 semaphore(%arg20 : memref<!tpu.dma_semaphore, #tpu.memory_space<semaphore_mem>>) src(%dma_wait3A_116 : memref<1280xi32, #tpu.memory_space<hbm>>) dst(%dma_wait3A_115 : memref<1280xi32, #tpu.memory_space<vmem>>)
    %dma_wait3A_117 = arith.constant 640 : i32
    %dma_wait3A_118 = tpu.memref_slice %arg10[%dma_wait3A_117] : memref<3200xi32, #tpu.memory_space<vmem>> -> memref<640xi32, #tpu.memory_space<vmem>>
    %dma_wait3A_119 = tpu.memref_slice %arg6[%add3A_27] : memref<102400xi32, #tpu.memory_space<hbm>> -> memref<640xi32, #tpu.memory_space<hbm>>
    %dma_wait3A_120 = arith.constant 640 : i32
    %dma_wait3A_121 = tpu.memref_slice %arg10[%dma_wait3A_120] : memref<3200xi32, #tpu.memory_space<vmem>> -> memref<640xi32, #tpu.memory_space<vmem>>
    %dma_wait3A_122 = tpu.memref_slice %arg6[%add3A_27] : memref<102400xi32, #tpu.memory_space<hbm>> -> memref<640xi32, #tpu.memory_space<hbm>>
    tpu.wait_dma2 semaphore(%arg20 : memref<!tpu.dma_semaphore, #tpu.memory_space<semaphore_mem>>) src(%dma_wait3A_122 : memref<640xi32, #tpu.memory_space<hbm>>) dst(%dma_wait3A_121 : memref<640xi32, #tpu.memory_space<vmem>>)
    %dma_wait3A_123 = arith.constant 1280 : i32
    %dma_wait3A_124 = tpu.memref_slice %arg11[%dma_wait3A_123] : memref<6400xi32, #tpu.memory_space<vmem>> -> memref<1280xi32, #tpu.memory_space<vmem>>
    %dma_wait3A_125 = tpu.memref_slice %arg7[%add3A_37] : memref<204800xi32, #tpu.memory_space<hbm>> -> memref<1280xi32, #tpu.memory_space<hbm>>
    %dma_wait3A_126 = arith.constant 1280 : i32
    %dma_wait3A_127 = tpu.memref_slice %arg11[%dma_wait3A_126] : memref<6400xi32, #tpu.memory_space<vmem>> -> memref<1280xi32, #tpu.memory_space<vmem>>
    %dma_wait3A_128 = tpu.memref_slice %arg7[%add3A_37] : memref<204800xi32, #tpu.memory_space<hbm>> -> memref<1280xi32, #tpu.memory_space<hbm>>
    tpu.wait_dma2 semaphore(%arg20 : memref<!tpu.dma_semaphore, #tpu.memory_space<semaphore_mem>>) src(%dma_wait3A_128 : memref<1280xi32, #tpu.memory_space<hbm>>) dst(%dma_wait3A_127 : memref<1280xi32, #tpu.memory_space<vmem>>)
    %dma_wait3A_129 = arith.constant 1280 : i32
    %dma_wait3A_130 = tpu.memref_slice %arg10[%dma_wait3A_129] : memref<3200xi32, #tpu.memory_space<vmem>> -> memref<640xi32, #tpu.memory_space<vmem>>
    %dma_wait3A_131 = tpu.memref_slice %arg6[%add3A_47] : memref<102400xi32, #tpu.memory_space<hbm>> -> memref<640xi32, #tpu.memory_space<hbm>>
    %dma_wait3A_132 = arith.constant 1280 : i32
    %dma_wait3A_133 = tpu.memref_slice %arg10[%dma_wait3A_132] : memref<3200xi32, #tpu.memory_space<vmem>> -> memref<640xi32, #tpu.memory_space<vmem>>
    %dma_wait3A_134 = tpu.memref_slice %arg6[%add3A_47] : memref<102400xi32, #tpu.memory_space<hbm>> -> memref<640xi32, #tpu.memory_space<hbm>>
    tpu.wait_dma2 semaphore(%arg20 : memref<!tpu.dma_semaphore, #tpu.memory_space<semaphore_mem>>) src(%dma_wait3A_134 : memref<640xi32, #tpu.memory_space<hbm>>) dst(%dma_wait3A_133 : memref<640xi32, #tpu.memory_space<vmem>>)
    %dma_wait3A_135 = arith.constant 2560 : i32
    %dma_wait3A_136 = tpu.memref_slice %arg11[%dma_wait3A_135] : memref<6400xi32, #tpu.memory_space<vmem>> -> memref<1280xi32, #tpu.memory_space<vmem>>
    %dma_wait3A_137 = tpu.memref_slice %arg7[%add3A_57] : memref<204800xi32, #tpu.memory_space<hbm>> -> memref<1280xi32, #tpu.memory_space<hbm>>
    %dma_wait3A_138 = arith.constant 2560 : i32
    %dma_wait3A_139 = tpu.memref_slice %arg11[%dma_wait3A_138] : memref<6400xi32, #tpu.memory_space<vmem>> -> memref<1280xi32, #tpu.memory_space<vmem>>
    %dma_wait3A_140 = tpu.memref_slice %arg7[%add3A_57] : memref<204800xi32, #tpu.memory_space<hbm>> -> memref<1280xi32, #tpu.memory_space<hbm>>
    tpu.wait_dma2 semaphore(%arg20 : memref<!tpu.dma_semaphore, #tpu.memory_space<semaphore_mem>>) src(%dma_wait3A_140 : memref<1280xi32, #tpu.memory_space<hbm>>) dst(%dma_wait3A_139 : memref<1280xi32, #tpu.memory_space<vmem>>)
    %dma_wait3A_141 = arith.constant 1920 : i32
    %dma_wait3A_142 = tpu.memref_slice %arg10[%dma_wait3A_141] : memref<3200xi32, #tpu.memory_space<vmem>> -> memref<640xi32, #tpu.memory_space<vmem>>
    %dma_wait3A_143 = tpu.memref_slice %arg6[%add3A_67] : memref<102400xi32, #tpu.memory_space<hbm>> -> memref<640xi32, #tpu.memory_space<hbm>>
    %dma_wait3A_144 = arith.constant 1920 : i32
    %dma_wait3A_145 = tpu.memref_slice %arg10[%dma_wait3A_144] : memref<3200xi32, #tpu.memory_space<vmem>> -> memref<640xi32, #tpu.memory_space<vmem>>
    %dma_wait3A_146 = tpu.memref_slice %arg6[%add3A_67] : memref<102400xi32, #tpu.memory_space<hbm>> -> memref<640xi32, #tpu.memory_space<hbm>>
    tpu.wait_dma2 semaphore(%arg20 : memref<!tpu.dma_semaphore, #tpu.memory_space<semaphore_mem>>) src(%dma_wait3A_146 : memref<640xi32, #tpu.memory_space<hbm>>) dst(%dma_wait3A_145 : memref<640xi32, #tpu.memory_space<vmem>>)
    %dma_wait3A_147 = arith.constant 3840 : i32
    %dma_wait3A_148 = tpu.memref_slice %arg11[%dma_wait3A_147] : memref<6400xi32, #tpu.memory_space<vmem>> -> memref<1280xi32, #tpu.memory_space<vmem>>
    %dma_wait3A_149 = tpu.memref_slice %arg7[%add3A_77] : memref<204800xi32, #tpu.memory_space<hbm>> -> memref<1280xi32, #tpu.memory_space<hbm>>
    %dma_wait3A_150 = arith.constant 3840 : i32
    %dma_wait3A_151 = tpu.memref_slice %arg11[%dma_wait3A_150] : memref<6400xi32, #tpu.memory_space<vmem>> -> memref<1280xi32, #tpu.memory_space<vmem>>
    %dma_wait3A_152 = tpu.memref_slice %arg7[%add3A_77] : memref<204800xi32, #tpu.memory_space<hbm>> -> memref<1280xi32, #tpu.memory_space<hbm>>
    tpu.wait_dma2 semaphore(%arg20 : memref<!tpu.dma_semaphore, #tpu.memory_space<semaphore_mem>>) src(%dma_wait3A_152 : memref<1280xi32, #tpu.memory_space<hbm>>) dst(%dma_wait3A_151 : memref<1280xi32, #tpu.memory_space<vmem>>)
    %dma_wait3A_153 = arith.constant 2560 : i32
    %dma_wait3A_154 = tpu.memref_slice %arg10[%dma_wait3A_153] : memref<3200xi32, #tpu.memory_space<vmem>> -> memref<640xi32, #tpu.memory_space<vmem>>
    %dma_wait3A_155 = tpu.memref_slice %arg6[%add3A_87] : memref<102400xi32, #tpu.memory_space<hbm>> -> memref<640xi32, #tpu.memory_space<hbm>>
    %dma_wait3A_156 = arith.constant 2560 : i32
    %dma_wait3A_157 = tpu.memref_slice %arg10[%dma_wait3A_156] : memref<3200xi32, #tpu.memory_space<vmem>> -> memref<640xi32, #tpu.memory_space<vmem>>
    %dma_wait3A_158 = tpu.memref_slice %arg6[%add3A_87] : memref<102400xi32, #tpu.memory_space<hbm>> -> memref<640xi32, #tpu.memory_space<hbm>>
    tpu.wait_dma2 semaphore(%arg20 : memref<!tpu.dma_semaphore, #tpu.memory_space<semaphore_mem>>) src(%dma_wait3A_158 : memref<640xi32, #tpu.memory_space<hbm>>) dst(%dma_wait3A_157 : memref<640xi32, #tpu.memory_space<vmem>>)
    %dma_wait3A_159 = arith.constant 5120 : i32
    %dma_wait3A_160 = tpu.memref_slice %arg11[%dma_wait3A_159] : memref<6400xi32, #tpu.memory_space<vmem>> -> memref<1280xi32, #tpu.memory_space<vmem>>
    %dma_wait3A_161 = tpu.memref_slice %arg7[%add3A_97] : memref<204800xi32, #tpu.memory_space<hbm>> -> memref<1280xi32, #tpu.memory_space<hbm>>
    %dma_wait3A_162 = arith.constant 5120 : i32
    %dma_wait3A_163 = tpu.memref_slice %arg11[%dma_wait3A_162] : memref<6400xi32, #tpu.memory_space<vmem>> -> memref<1280xi32, #tpu.memory_space<vmem>>
    %dma_wait3A_164 = tpu.memref_slice %arg7[%add3A_97] : memref<204800xi32, #tpu.memory_space<hbm>> -> memref<1280xi32, #tpu.memory_space<hbm>>
    tpu.wait_dma2 semaphore(%arg20 : memref<!tpu.dma_semaphore, #tpu.memory_space<semaphore_mem>>) src(%dma_wait3A_164 : memref<1280xi32, #tpu.memory_space<hbm>>) dst(%dma_wait3A_163 : memref<1280xi32, #tpu.memory_space<vmem>>)
    %dma_start3A_165 = arith.constant 0 : i32
    %dma_start3A_166 = arith.constant 0 : i32
    %dma_start3A_167 = tpu.memref_slice %arg4[%dma_start3A_165, %dma_start3A_166] : memref<10000x128xf32, #tpu.memory_space<hbm>> -> memref<10000x128xf32, #tpu.memory_space<hbm>>
    tpu.enqueue_indirect_dma source(%dma_start3A_167 : memref<10000x128xf32, #tpu.memory_space<hbm>>) target(%arg12 : memref<128x128xf32, #tpu.memory_space<vmem>>) offsets(%arg9 : memref<128xi32, #tpu.memory_space<vmem>>) semaphore(%arg20 : memref<!tpu.dma_semaphore, #tpu.memory_space<semaphore_mem>>)
    %dma_wait3A_168 = arith.constant 0 : i32
    %dma_wait3A_169 = arith.constant 0 : i32
    %dma_wait3A_170 = tpu.memref_slice %arg4[%dma_wait3A_168, %dma_wait3A_169] : memref<10000x128xf32, #tpu.memory_space<hbm>> -> memref<10000x128xf32, #tpu.memory_space<hbm>>
    tpu.wait_indirect_dma semaphore(%arg20 : memref<!tpu.dma_semaphore, #tpu.memory_space<semaphore_mem>>) src(%dma_wait3A_170 : memref<10000x128xf32, #tpu.memory_space<hbm>>) dst(%arg12 : memref<128x128xf32, #tpu.memory_space<vmem>>)
    %dma_start3A_171 = arith.constant 0 : i32
    %dma_start3A_172 = tpu.memref_slice %arg10[%dma_start3A_171] : memref<3200xi32, #tpu.memory_space<vmem>> -> memref<40xi32, #tpu.memory_space<vmem>>
    %dma_start3A_173 = arith.constant 0 : i32
    %dma_start3A_174 = arith.constant 0 : i32
    %dma_start3A_175 = tpu.memref_slice %arg2[%dma_start3A_173, %dma_start3A_174] : memref<10000x256xf32, #tpu.memory_space<hbm>> -> memref<10000x256xf32, #tpu.memory_space<hbm>>
    tpu.enqueue_indirect_dma source(%dma_start3A_175 : memref<10000x256xf32, #tpu.memory_space<hbm>>) target(%arg13 : memref<40x256xf32, #tpu.memory_space<vmem>>) offsets(%dma_start3A_172 : memref<40xi32, #tpu.memory_space<vmem>>) semaphore(%arg18 : memref<!tpu.dma_semaphore, #tpu.memory_space<semaphore_mem>>)
    %dma_start3A_176 = arith.constant 0 : i32
    %dma_start3A_177 = tpu.memref_slice %arg11[%dma_start3A_176] : memref<6400xi32, #tpu.memory_space<vmem>> -> memref<80xi32, #tpu.memory_space<vmem>>
    %dma_start3A_178 = arith.constant 0 : i32
    %dma_start3A_179 = arith.constant 0 : i32
    %dma_start3A_180 = tpu.memref_slice %arg3[%dma_start3A_178, %dma_start3A_179] : memref<10000x128xf32, #tpu.memory_space<hbm>> -> memref<10000x128xf32, #tpu.memory_space<hbm>>
    tpu.enqueue_indirect_dma source(%dma_start3A_180 : memref<10000x128xf32, #tpu.memory_space<hbm>>) target(%arg15 : memref<80x128xf32, #tpu.memory_space<vmem>>) offsets(%dma_start3A_177 : memref<80xi32, #tpu.memory_space<vmem>>) semaphore(%arg18 : memref<!tpu.dma_semaphore, #tpu.memory_space<semaphore_mem>>)
    %scan3A = arith.constant 0 : i32
    %scan3A_181 = arith.constant 0 : i32
    %scan3A_182 = arith.constant 40 : i32
    %scan3A_183 = arith.addi %scan3A_181, %scan3A_182 : i32
    %scan3A_184 = arith.constant 1 : i32
    scf.for %scan3A_186 = %scan3A_181 to %scan3A_183 step %scan3A_184  : i32 {
      %mul3A_187 = arith.constant 2 : i32
      %mul3A_188 = arith.muli %mul3A_187, %scan3A_186 : i32
      %add3A_189 = arith.constant 1 : i32
      %add3A_190 = arith.addi %mul3A_188, %add3A_189 : i32
      %mul3A_191 = arith.constant 40 : i32
      %mul3A_192 = arith.muli %add3A_190, %mul3A_191 : i32
      %dma_start3A_193 = tpu.memref_slice %arg10[%mul3A_192] : memref<3200xi32, #tpu.memory_space<vmem>> -> memref<40xi32, #tpu.memory_space<vmem>>
      %dma_start3A_194 = arith.constant 0 : i32
      %dma_start3A_195 = arith.constant 0 : i32
      %dma_start3A_196 = tpu.memref_slice %arg2[%dma_start3A_194, %dma_start3A_195] : memref<10000x256xf32, #tpu.memory_space<hbm>> -> memref<10000x256xf32, #tpu.memory_space<hbm>>
      tpu.enqueue_indirect_dma source(%dma_start3A_196 : memref<10000x256xf32, #tpu.memory_space<hbm>>) target(%arg14 : memref<40x256xf32, #tpu.memory_space<vmem>>) offsets(%dma_start3A_193 : memref<40xi32, #tpu.memory_space<vmem>>) semaphore(%arg19 : memref<!tpu.dma_semaphore, #tpu.memory_space<semaphore_mem>>)
      %mul3A_197 = arith.constant 80 : i32
      %mul3A_198 = arith.muli %add3A_190, %mul3A_197 : i32
      %dma_start3A_199 = tpu.memref_slice %arg11[%mul3A_198] : memref<6400xi32, #tpu.memory_space<vmem>> -> memref<80xi32, #tpu.memory_space<vmem>>
      %dma_start3A_200 = arith.constant 0 : i32
      %dma_start3A_201 = arith.constant 0 : i32
      %dma_start3A_202 = tpu.memref_slice %arg3[%dma_start3A_200, %dma_start3A_201] : memref<10000x128xf32, #tpu.memory_space<hbm>> -> memref<10000x128xf32, #tpu.memory_space<hbm>>
      tpu.enqueue_indirect_dma source(%dma_start3A_202 : memref<10000x128xf32, #tpu.memory_space<hbm>>) target(%arg16 : memref<80x128xf32, #tpu.memory_space<vmem>>) offsets(%dma_start3A_199 : memref<80xi32, #tpu.memory_space<vmem>>) semaphore(%arg19 : memref<!tpu.dma_semaphore, #tpu.memory_space<semaphore_mem>>)
      %rem3A = arith.constant 8 : i32
      %rem3A_203 = arith.remsi %scan3A_186, %rem3A : i32
      %eq3A = arith.constant 0 : i32
      %eq3A_204 = arith.cmpi eq, %rem3A_203, %eq3A : i32
      %gt3A = arith.constant 0 : i32
      %gt3A_205 = arith.cmpi sgt, %scan3A_186, %gt3A : i32
      %and3A = arith.andi %eq3A_204, %gt3A_205 : i1
      %convert_element_type3A = arith.extui %and3A : i1 to i32
      %cond3A = arith.constant 0 : i32
      %cond3A_206 = arith.cmpi ne, %convert_element_type3A, %cond3A : i32
      scf.if %cond3A_206 {
        %div3A = arith.constant 8 : i32
        %div3A_253 = arith.divsi %scan3A_186, %div3A : i32
        %sub3A = arith.constant 1 : i32
        %sub3A_254 = arith.subi %div3A_253, %sub3A : i32
        "tpu.region"() ({
          %run_scoped3A_255 = tpu.sem_alloc : memref<!tpu.dma_semaphore, #tpu.memory_space<semaphore_mem>>
          %dma_start3A_256 = arith.constant 0 : i32
          %dma_start3A_257 = tpu.memref_slice %arg8[%sub3A_254, %mul3A_2, %dma_start3A_256] : memref<5x4096x256xf32, #tpu.memory_space<hbm>> -> memref<1x128x256xf32, #tpu.memory_space<hbm>>
          %dma_start3A_258 = tpu.memref_squeeze %dma_start3A_257 : memref<1x128x256xf32, #tpu.memory_space<hbm>> -> memref<128x256xf32, #tpu.memory_space<hbm>>
          %dma_start3A_259 = arith.constant 0 : i32
          %dma_start3A_260 = tpu.memref_slice %arg8[%sub3A_254, %mul3A_2, %dma_start3A_259] : memref<5x4096x256xf32, #tpu.memory_space<hbm>> -> memref<1x128x256xf32, #tpu.memory_space<hbm>>
          %dma_start3A_261 = tpu.memref_squeeze %dma_start3A_260 : memref<1x128x256xf32, #tpu.memory_space<hbm>> -> memref<128x256xf32, #tpu.memory_space<hbm>>
          tpu.enqueue_dma source(%arg17 : memref<128x256xf32, #tpu.memory_space<vmem>>) target(%dma_start3A_261 : memref<128x256xf32, #tpu.memory_space<hbm>>) target_semaphore(%run_scoped3A_255 : memref<!tpu.dma_semaphore, #tpu.memory_space<semaphore_mem>>)
          %dma_wait3A_262 = arith.constant 0 : i32
          %dma_wait3A_263 = tpu.memref_slice %arg8[%sub3A_254, %mul3A_2, %dma_wait3A_262] : memref<5x4096x256xf32, #tpu.memory_space<hbm>> -> memref<1x128x256xf32, #tpu.memory_space<hbm>>
          %dma_wait3A_264 = tpu.memref_squeeze %dma_wait3A_263 : memref<1x128x256xf32, #tpu.memory_space<hbm>> -> memref<128x256xf32, #tpu.memory_space<hbm>>
          %dma_wait3A_265 = arith.constant 0 : i32
          %dma_wait3A_266 = tpu.memref_slice %arg8[%sub3A_254, %mul3A_2, %dma_wait3A_265] : memref<5x4096x256xf32, #tpu.memory_space<hbm>> -> memref<1x128x256xf32, #tpu.memory_space<hbm>>
          %dma_wait3A_267 = tpu.memref_squeeze %dma_wait3A_266 : memref<1x128x256xf32, #tpu.memory_space<hbm>> -> memref<128x256xf32, #tpu.memory_space<hbm>>
          tpu.wait_dma2 semaphore(%run_scoped3A_255 : memref<!tpu.dma_semaphore, #tpu.memory_space<semaphore_mem>>) src(%arg17 : memref<128x256xf32, #tpu.memory_space<vmem>>) dst(%dma_wait3A_267 : memref<128x256xf32, #tpu.memory_space<hbm>>)
          tpu.yield
        }) : () -> ()
      } else {
      }
      %dma_wait3A_207 = arith.constant 0 : i32
      %dma_wait3A_208 = tpu.memref_slice %arg10[%dma_wait3A_207] : memref<3200xi32, #tpu.memory_space<vmem>> -> memref<40xi32, #tpu.memory_space<vmem>>
      %dma_wait3A_209 = arith.constant 0 : i32
      %dma_wait3A_210 = arith.constant 0 : i32
      %dma_wait3A_211 = tpu.memref_slice %arg2[%dma_wait3A_209, %dma_wait3A_210] : memref<10000x256xf32, #tpu.memory_space<hbm>> -> memref<10000x256xf32, #tpu.memory_space<hbm>>
      tpu.wait_indirect_dma semaphore(%arg18 : memref<!tpu.dma_semaphore, #tpu.memory_space<semaphore_mem>>) src(%dma_wait3A_211 : memref<10000x256xf32, #tpu.memory_space<hbm>>) dst(%arg13 : memref<40x256xf32, #tpu.memory_space<vmem>>)
      %dma_wait3A_212 = arith.constant 0 : i32
      %dma_wait3A_213 = tpu.memref_slice %arg11[%dma_wait3A_212] : memref<6400xi32, #tpu.memory_space<vmem>> -> memref<80xi32, #tpu.memory_space<vmem>>
      %dma_wait3A_214 = arith.constant 0 : i32
      %dma_wait3A_215 = arith.constant 0 : i32
      %dma_wait3A_216 = tpu.memref_slice %arg3[%dma_wait3A_214, %dma_wait3A_215] : memref<10000x128xf32, #tpu.memory_space<hbm>> -> memref<10000x128xf32, #tpu.memory_space<hbm>>
      tpu.wait_indirect_dma semaphore(%arg18 : memref<!tpu.dma_semaphore, #tpu.memory_space<semaphore_mem>>) src(%dma_wait3A_216 : memref<10000x128xf32, #tpu.memory_space<hbm>>) dst(%arg15 : memref<80x128xf32, #tpu.memory_space<vmem>>)
      %rem3A_217 = arith.constant 16 : i32
      %rem3A_218 = arith.remsi %mul3A_188, %rem3A_217 : i32
      %mul3A_219 = arith.constant 8 : i32
      %mul3A_220 = arith.muli %rem3A_218, %mul3A_219 : i32
      %scan3A_221 = arith.constant 0 : i32
      %scan3A_222 = arith.constant 0 : i32
      %scan3A_223 = arith.constant 8 : i32
      %scan3A_224 = arith.addi %scan3A_222, %scan3A_223 : i32
      %scan3A_225 = arith.constant 1 : i32
      scf.for %scan3A_253 = %scan3A_222 to %scan3A_224 step %scan3A_225  : i32 {
        %add3A_254 = arith.addi %mul3A_220, %scan3A_253 : i32
        %mul3A_255 = arith.constant 5 : i32
        %mul3A_256 = arith.muli %mul3A_255, %scan3A_253 : i32
        %add3A_257 = arith.constant 0 : i32
        %add3A_258 = arith.addi %mul3A_256, %add3A_257 : i32
        %get3A = arith.index_cast %add3A_258 : i32 to index
        %get3A_259 = arith.constant 128 : index
        %get3A_260 = tpu.vector_load %arg13[%get3A, %get3A_259] {strides = array<i32>} : memref<40x256xf32, #tpu.memory_space<vmem>>, vector<1x16xf32>,
        %get3A_261 = vector.shape_cast %get3A_260 : vector<1x16xf32> to vector<16xf32>
        %mul3A_262 = arith.constant 5 : i32
        %mul3A_263 = arith.muli %mul3A_262, %scan3A_253 : i32
        %add3A_264 = arith.constant 1 : i32
        %add3A_265 = arith.addi %mul3A_263, %add3A_264 : i32
        %get3A_266 = arith.index_cast %add3A_265 : i32 to index
        %get3A_267 = arith.constant 128 : index
        %get3A_268 = tpu.vector_load %arg13[%get3A_266, %get3A_267] {strides = array<i32>} : memref<40x256xf32, #tpu.memory_space<vmem>>, vector<1x16xf32>,
        %get3A_269 = vector.shape_cast %get3A_268 : vector<1x16xf32> to vector<16xf32>
        %mul3A_270 = arith.constant 5 : i32
        %mul3A_271 = arith.muli %mul3A_270, %scan3A_253 : i32
        %add3A_272 = arith.constant 2 : i32
        %add3A_273 = arith.addi %mul3A_271, %add3A_272 : i32
        %get3A_274 = arith.index_cast %add3A_273 : i32 to index
        %get3A_275 = arith.constant 128 : index
        %get3A_276 = tpu.vector_load %arg13[%get3A_274, %get3A_275] {strides = array<i32>} : memref<40x256xf32, #tpu.memory_space<vmem>>, vector<1x16xf32>,
        %get3A_277 = vector.shape_cast %get3A_276 : vector<1x16xf32> to vector<16xf32>
        %mul3A_278 = arith.constant 5 : i32
        %mul3A_279 = arith.muli %mul3A_278, %scan3A_253 : i32
        %add3A_280 = arith.constant 3 : i32
        %add3A_281 = arith.addi %mul3A_279, %add3A_280 : i32
        %get3A_282 = arith.index_cast %add3A_281 : i32 to index
        %get3A_283 = arith.constant 128 : index
        %get3A_284 = tpu.vector_load %arg13[%get3A_282, %get3A_283] {strides = array<i32>} : memref<40x256xf32, #tpu.memory_space<vmem>>, vector<1x16xf32>,
        %get3A_285 = vector.shape_cast %get3A_284 : vector<1x16xf32> to vector<16xf32>
        %mul3A_286 = arith.constant 5 : i32
        %mul3A_287 = arith.muli %mul3A_286, %scan3A_253 : i32
        %add3A_288 = arith.constant 4 : i32
        %add3A_289 = arith.addi %mul3A_287, %add3A_288 : i32
        %get3A_290 = arith.index_cast %add3A_289 : i32 to index
        %get3A_291 = arith.constant 128 : index
        %get3A_292 = tpu.vector_load %arg13[%get3A_290, %get3A_291] {strides = array<i32>} : memref<40x256xf32, #tpu.memory_space<vmem>>, vector<1x16xf32>,
        %get3A_293 = vector.shape_cast %get3A_292 : vector<1x16xf32> to vector<16xf32>
        %add3A_294 = arith.addi %mul3A_220, %scan3A_253 : i32
        %get3A_295 = arith.index_cast %add3A_294 : i32 to index
        %get3A_296 = arith.constant 0 : index
        %get3A_297 = tpu.vector_load %arg12[%get3A_295, %get3A_296] {strides = array<i32>} : memref<128x128xf32, #tpu.memory_space<vmem>>, vector<1x16xf32>,
        %get3A_298 = vector.shape_cast %get3A_297 : vector<1x16xf32> to vector<16xf32>
        %mul3A_299 = arith.constant 5 : i32
        %mul3A_300 = arith.muli %mul3A_299, %scan3A_253 : i32
        %add3A_301 = arith.constant 0 : i32
        %add3A_302 = arith.addi %mul3A_300, %add3A_301 : i32
        %get3A_303 = arith.index_cast %add3A_302 : i32 to index
        %get3A_304 = arith.constant 0 : index
        %get3A_305 = tpu.vector_load %arg13[%get3A_303, %get3A_304] {strides = array<i32>} : memref<40x256xf32, #tpu.memory_space<vmem>>, vector<1x16xf32>,
        %get3A_306 = vector.shape_cast %get3A_305 : vector<1x16xf32> to vector<16xf32>
        %mul3A_307 = arith.constant 10 : i32
        %mul3A_308 = arith.muli %mul3A_307, %scan3A_253 : i32
        %add3A_309 = arith.constant 0 : i32
        %add3A_310 = arith.addi %mul3A_308, %add3A_309 : i32
        %get3A_311 = arith.index_cast %add3A_310 : i32 to index
        %get3A_312 = arith.constant 0 : index
        %get3A_313 = tpu.vector_load %arg15[%get3A_311, %get3A_312] {strides = array<i32>} : memref<80x128xf32, #tpu.memory_space<vmem>>, vector<1x16xf32>,
        %get3A_314 = vector.shape_cast %get3A_313 : vector<1x16xf32> to vector<16xf32>
        %mul3A_315 = arith.constant 10 : i32
        %mul3A_316 = arith.muli %mul3A_315, %scan3A_253 : i32
        %add3A_317 = arith.constant 0 : i32
        %add3A_318 = arith.addi %mul3A_316, %add3A_317 : i32
        %add3A_319 = arith.constant 1 : i32
        %add3A_320 = arith.addi %add3A_318, %add3A_319 : i32
        %get3A_321 = arith.index_cast %add3A_320 : i32 to index
        %get3A_322 = arith.constant 0 : index
        %get3A_323 = tpu.vector_load %arg15[%get3A_321, %get3A_322] {strides = array<i32>} : memref<80x128xf32, #tpu.memory_space<vmem>>, vector<1x16xf32>,
        %get3A_324 = vector.shape_cast %get3A_323 : vector<1x16xf32> to vector<16xf32>
        %mul3A_325 = arith.constant 5 : i32
        %mul3A_326 = arith.muli %mul3A_325, %scan3A_253 : i32
        %add3A_327 = arith.constant 1 : i32
        %add3A_328 = arith.addi %mul3A_326, %add3A_327 : i32
        %get3A_329 = arith.index_cast %add3A_328 : i32 to index
        %get3A_330 = arith.constant 0 : index
        %get3A_331 = tpu.vector_load %arg13[%get3A_329, %get3A_330] {strides = array<i32>} : memref<40x256xf32, #tpu.memory_space<vmem>>, vector<1x16xf32>,
        %get3A_332 = vector.shape_cast %get3A_331 : vector<1x16xf32> to vector<16xf32>
        %mul3A_333 = arith.constant 10 : i32
        %mul3A_334 = arith.muli %mul3A_333, %scan3A_253 : i32
        %add3A_335 = arith.constant 2 : i32
        %add3A_336 = arith.addi %mul3A_334, %add3A_335 : i32
        %get3A_337 = arith.index_cast %add3A_336 : i32 to index
        %get3A_338 = arith.constant 0 : index
        %get3A_339 = tpu.vector_load %arg15[%get3A_337, %get3A_338] {strides = array<i32>} : memref<80x128xf32, #tpu.memory_space<vmem>>, vector<1x16xf32>,
        %get3A_340 = vector.shape_cast %get3A_339 : vector<1x16xf32> to vector<16xf32>
        %mul3A_341 = arith.constant 10 : i32
        %mul3A_342 = arith.muli %mul3A_341, %scan3A_253 : i32
        %add3A_343 = arith.constant 2 : i32
        %add3A_344 = arith.addi %mul3A_342, %add3A_343 : i32
        %add3A_345 = arith.constant 1 : i32
        %add3A_346 = arith.addi %add3A_344, %add3A_345 : i32
        %get3A_347 = arith.index_cast %add3A_346 : i32 to index
        %get3A_348 = arith.constant 0 : index
        %get3A_349 = tpu.vector_load %arg15[%get3A_347, %get3A_348] {strides = array<i32>} : memref<80x128xf32, #tpu.memory_space<vmem>>, vector<1x16xf32>,
        %get3A_350 = vector.shape_cast %get3A_349 : vector<1x16xf32> to vector<16xf32>
        %mul3A_351 = arith.constant 5 : i32
        %mul3A_352 = arith.muli %mul3A_351, %scan3A_253 : i32
        %add3A_353 = arith.constant 2 : i32
        %add3A_354 = arith.addi %mul3A_352, %add3A_353 : i32
        %get3A_355 = arith.index_cast %add3A_354 : i32 to index
        %get3A_356 = arith.constant 0 : index
        %get3A_357 = tpu.vector_load %arg13[%get3A_355, %get3A_356] {strides = array<i32>} : memref<40x256xf32, #tpu.memory_space<vmem>>, vector<1x16xf32>,
        %get3A_358 = vector.shape_cast %get3A_357 : vector<1x16xf32> to vector<16xf32>
        %mul3A_359 = arith.constant 10 : i32
        %mul3A_360 = arith.muli %mul3A_359, %scan3A_253 : i32
        %add3A_361 = arith.constant 4 : i32
        %add3A_362 = arith.addi %mul3A_360, %add3A_361 : i32
        %get3A_363 = arith.index_cast %add3A_362 : i32 to index
        %get3A_364 = arith.constant 0 : index
        %get3A_365 = tpu.vector_load %arg15[%get3A_363, %get3A_364] {strides = array<i32>} : memref<80x128xf32, #tpu.memory_space<vmem>>, vector<1x16xf32>,
        %get3A_366 = vector.shape_cast %get3A_365 : vector<1x16xf32> to vector<16xf32>
        %mul3A_367 = arith.constant 10 : i32
        %mul3A_368 = arith.muli %mul3A_367, %scan3A_253 : i32
        %add3A_369 = arith.constant 4 : i32
        %add3A_370 = arith.addi %mul3A_368, %add3A_369 : i32
        %add3A_371 = arith.constant 1 : i32
        %add3A_372 = arith.addi %add3A_370, %add3A_371 : i32
        %get3A_373 = arith.index_cast %add3A_372 : i32 to index
        %get3A_374 = arith.constant 0 : index
        %get3A_375 = tpu.vector_load %arg15[%get3A_373, %get3A_374] {strides = array<i32>} : memref<80x128xf32, #tpu.memory_space<vmem>>, vector<1x16xf32>,
        %get3A_376 = vector.shape_cast %get3A_375 : vector<1x16xf32> to vector<16xf32>
        %mul3A_377 = arith.constant 5 : i32
        %mul3A_378 = arith.muli %mul3A_377, %scan3A_253 : i32
        %add3A_379 = arith.constant 3 : i32
        %add3A_380 = arith.addi %mul3A_378, %add3A_379 : i32
        %get3A_381 = arith.index_cast %add3A_380 : i32 to index
        %get3A_382 = arith.constant 0 : index
        %get3A_383 = tpu.vector_load %arg13[%get3A_381, %get3A_382] {strides = array<i32>} : memref<40x256xf32, #tpu.memory_space<vmem>>, vector<1x16xf32>,
        %get3A_384 = vector.shape_cast %get3A_383 : vector<1x16xf32> to vector<16xf32>
        %mul3A_385 = arith.constant 10 : i32
        %mul3A_386 = arith.muli %mul3A_385, %scan3A_253 : i32
        %add3A_387 = arith.constant 6 : i32
        %add3A_388 = arith.addi %mul3A_386, %add3A_387 : i32
        %get3A_389 = arith.index_cast %add3A_388 : i32 to index
        %get3A_390 = arith.constant 0 : index
        %get3A_391 = tpu.vector_load %arg15[%get3A_389, %get3A_390] {strides = array<i32>} : memref<80x128xf32, #tpu.memory_space<vmem>>, vector<1x16xf32>,
        %get3A_392 = vector.shape_cast %get3A_391 : vector<1x16xf32> to vector<16xf32>
        %mul3A_393 = arith.constant 10 : i32
        %mul3A_394 = arith.muli %mul3A_393, %scan3A_253 : i32
        %add3A_395 = arith.constant 6 : i32
        %add3A_396 = arith.addi %mul3A_394, %add3A_395 : i32
        %add3A_397 = arith.constant 1 : i32
        %add3A_398 = arith.addi %add3A_396, %add3A_397 : i32
        %get3A_399 = arith.index_cast %add3A_398 : i32 to index
        %get3A_400 = arith.constant 0 : index
        %get3A_401 = tpu.vector_load %arg15[%get3A_399, %get3A_400] {strides = array<i32>} : memref<80x128xf32, #tpu.memory_space<vmem>>, vector<1x16xf32>,
        %get3A_402 = vector.shape_cast %get3A_401 : vector<1x16xf32> to vector<16xf32>
        %mul3A_403 = arith.constant 5 : i32
        %mul3A_404 = arith.muli %mul3A_403, %scan3A_253 : i32
        %add3A_405 = arith.constant 4 : i32
        %add3A_406 = arith.addi %mul3A_404, %add3A_405 : i32
        %get3A_407 = arith.index_cast %add3A_406 : i32 to index
        %get3A_408 = arith.constant 0 : index
        %get3A_409 = tpu.vector_load %arg13[%get3A_407, %get3A_408] {strides = array<i32>} : memref<40x256xf32, #tpu.memory_space<vmem>>, vector<1x16xf32>,
        %get3A_410 = vector.shape_cast %get3A_409 : vector<1x16xf32> to vector<16xf32>
        %mul3A_411 = arith.constant 10 : i32
        %mul3A_412 = arith.muli %mul3A_411, %scan3A_253 : i32
        %add3A_413 = arith.constant 8 : i32
        %add3A_414 = arith.addi %mul3A_412, %add3A_413 : i32
        %get3A_415 = arith.index_cast %add3A_414 : i32 to index
        %get3A_416 = arith.constant 0 : index
        %get3A_417 = tpu.vector_load %arg15[%get3A_415, %get3A_416] {strides = array<i32>} : memref<80x128xf32, #tpu.memory_space<vmem>>, vector<1x16xf32>,
        %get3A_418 = vector.shape_cast %get3A_417 : vector<1x16xf32> to vector<16xf32>
        %mul3A_419 = arith.constant 10 : i32
        %mul3A_420 = arith.muli %mul3A_419, %scan3A_253 : i32
        %add3A_421 = arith.constant 8 : i32
        %add3A_422 = arith.addi %mul3A_420, %add3A_421 : i32
        %add3A_423 = arith.constant 1 : i32
        %add3A_424 = arith.addi %add3A_422, %add3A_423 : i32
        %get3A_425 = arith.index_cast %add3A_424 : i32 to index
        %get3A_426 = arith.constant 0 : index
        %get3A_427 = tpu.vector_load %arg15[%get3A_425, %get3A_426] {strides = array<i32>} : memref<80x128xf32, #tpu.memory_space<vmem>>, vector<1x16xf32>,
        %get3A_428 = vector.shape_cast %get3A_427 : vector<1x16xf32> to vector<16xf32>
        %mul3A_429 = arith.constant 5 : i32
        %mul3A_430 = arith.muli %mul3A_429, %scan3A_253 : i32
        %add3A_431 = arith.constant 0 : i32
        %add3A_432 = arith.addi %mul3A_430, %add3A_431 : i32
        %get3A_433 = arith.index_cast %add3A_432 : i32 to index
        %get3A_434 = arith.constant 144 : index
        %get3A_435 = tpu.vector_load %arg13[%get3A_433, %get3A_434] {strides = array<i32>} : memref<40x256xf32, #tpu.memory_space<vmem>>, vector<1x16xf32>,
        %get3A_436 = vector.shape_cast %get3A_435 : vector<1x16xf32> to vector<16xf32>
        %mul3A_437 = arith.constant 5 : i32
        %mul3A_438 = arith.muli %mul3A_437, %scan3A_253 : i32
        %add3A_439 = arith.constant 1 : i32
        %add3A_440 = arith.addi %mul3A_438, %add3A_439 : i32
        %get3A_441 = arith.index_cast %add3A_440 : i32 to index
        %get3A_442 = arith.constant 144 : index
        %get3A_443 = tpu.vector_load %arg13[%get3A_441, %get3A_442] {strides = array<i32>} : memref<40x256xf32, #tpu.memory_space<vmem>>, vector<1x16xf32>,
        %get3A_444 = vector.shape_cast %get3A_443 : vector<1x16xf32> to vector<16xf32>
        %mul3A_445 = arith.constant 5 : i32
        %mul3A_446 = arith.muli %mul3A_445, %scan3A_253 : i32
        %add3A_447 = arith.constant 2 : i32
        %add3A_448 = arith.addi %mul3A_446, %add3A_447 : i32
        %get3A_449 = arith.index_cast %add3A_448 : i32 to index
        %get3A_450 = arith.constant 144 : index
        %get3A_451 = tpu.vector_load %arg13[%get3A_449, %get3A_450] {strides = array<i32>} : memref<40x256xf32, #tpu.memory_space<vmem>>, vector<1x16xf32>,
        %get3A_452 = vector.shape_cast %get3A_451 : vector<1x16xf32> to vector<16xf32>
        %mul3A_453 = arith.constant 5 : i32
        %mul3A_454 = arith.muli %mul3A_453, %scan3A_253 : i32
        %add3A_455 = arith.constant 3 : i32
        %add3A_456 = arith.addi %mul3A_454, %add3A_455 : i32
        %get3A_457 = arith.index_cast %add3A_456 : i32 to index
        %get3A_458 = arith.constant 144 : index
        %get3A_459 = tpu.vector_load %arg13[%get3A_457, %get3A_458] {strides = array<i32>} : memref<40x256xf32, #tpu.memory_space<vmem>>, vector<1x16xf32>,
        %get3A_460 = vector.shape_cast %get3A_459 : vector<1x16xf32> to vector<16xf32>
        %mul3A_461 = arith.constant 5 : i32
        %mul3A_462 = arith.muli %mul3A_461, %scan3A_253 : i32
        %add3A_463 = arith.constant 4 : i32
        %add3A_464 = arith.addi %mul3A_462, %add3A_463 : i32
        %get3A_465 = arith.index_cast %add3A_464 : i32 to index
        %get3A_466 = arith.constant 144 : index
        %get3A_467 = tpu.vector_load %arg13[%get3A_465, %get3A_466] {strides = array<i32>} : memref<40x256xf32, #tpu.memory_space<vmem>>, vector<1x16xf32>,
        %get3A_468 = vector.shape_cast %get3A_467 : vector<1x16xf32> to vector<16xf32>
        %add3A_469 = arith.addi %mul3A_220, %scan3A_253 : i32
        %get3A_470 = arith.index_cast %add3A_469 : i32 to index
        %get3A_471 = arith.constant 16 : index
        %get3A_472 = tpu.vector_load %arg12[%get3A_470, %get3A_471] {strides = array<i32>} : memref<128x128xf32, #tpu.memory_space<vmem>>, vector<1x16xf32>,
        %get3A_473 = vector.shape_cast %get3A_472 : vector<1x16xf32> to vector<16xf32>
        %add3A_474 = arith.addf %get3A_261, %get3A_269 : vector<16xf32>
        %add3A_475 = arith.addf %get3A_277, %get3A_285 : vector<16xf32>
        %add3A_476 = arith.addf %add3A_474, %add3A_475 : vector<16xf32>
        %add3A_477 = arith.addf %get3A_293, %get3A_298 : vector<16xf32>
        %add3A_478 = arith.addf %add3A_476, %add3A_477 : vector<16xf32>
        %gt3A_479 = arith.constant 1.000000e+00 : f32
        %gt3A_480 = vector.broadcast %gt3A_479 : f32 to vector<16xf32>
        %gt3A_481 = arith.cmpf ogt, %add3A_478, %gt3A_480 : vector<16xf32>
        %jit3A = arith.constant 1.000000e+00 : f32
        %jit3A_482 = arith.constant 0.000000e+00 : f32
        %broadcast_in_dim3A = vector.broadcast %jit3A : f32 to vector<16xf32>
        %broadcast_in_dim3A_483 = vector.broadcast %jit3A_482 : f32 to vector<16xf32>
        %select_n3A = arith.select %gt3A_481, %broadcast_in_dim3A, %broadcast_in_dim3A_483 : vector<16xi1>, vector<16xf32>
        %swap3A = arith.index_cast %add3A_254 : i32 to index
        %swap3A_484 = arith.constant 0 : index
        %swap3A_485 = tpu.vector_load %arg17[%swap3A, %swap3A_484] {strides = array<i32>} : memref<128x256xf32, #tpu.memory_space<vmem>>, vector<1x16xf32>,
        %swap3A_486 = vector.shape_cast %swap3A_485 : vector<1x16xf32> to vector<16xf32>
        %swap3A_487 = vector.shape_cast %select_n3A : vector<16xf32> to vector<1x16xf32>
        tpu.vector_store %arg17[%swap3A, %swap3A_484], %swap3A_487 {strides = array<i32>} : memref<128x256xf32, #tpu.memory_space<vmem>>, vector<1x16xf32>,
        %mul3A_488 = arith.constant 5 : i32
        %mul3A_489 = arith.muli %mul3A_488, %scan3A_253 : i32
        %add3A_490 = arith.constant 0 : i32
        %add3A_491 = arith.addi %mul3A_489, %add3A_490 : i32
        %get3A_492 = arith.index_cast %add3A_491 : i32 to index
        %get3A_493 = arith.constant 16 : index
        %get3A_494 = tpu.vector_load %arg13[%get3A_492, %get3A_493] {strides = array<i32>} : memref<40x256xf32, #tpu.memory_space<vmem>>, vector<1x16xf32>,
        %get3A_495 = vector.shape_cast %get3A_494 : vector<1x16xf32> to vector<16xf32>
        %mul3A_496 = arith.constant 10 : i32
        %mul3A_497 = arith.muli %mul3A_496, %scan3A_253 : i32
        %add3A_498 = arith.constant 0 : i32
        %add3A_499 = arith.addi %mul3A_497, %add3A_498 : i32
        %get3A_500 = arith.index_cast %add3A_499 : i32 to index
        %get3A_501 = arith.constant 16 : index
        %get3A_502 = tpu.vector_load %arg15[%get3A_500, %get3A_501] {strides = array<i32>} : memref<80x128xf32, #tpu.memory_space<vmem>>, vector<1x16xf32>,
        %get3A_503 = vector.shape_cast %get3A_502 : vector<1x16xf32> to vector<16xf32>
        %mul3A_504 = arith.constant 10 : i32
        %mul3A_505 = arith.muli %mul3A_504, %scan3A_253 : i32
        %add3A_506 = arith.constant 0 : i32
        %add3A_507 = arith.addi %mul3A_505, %add3A_506 : i32
        %add3A_508 = arith.constant 1 : i32
        %add3A_509 = arith.addi %add3A_507, %add3A_508 : i32
        %get3A_510 = arith.index_cast %add3A_509 : i32 to index
        %get3A_511 = arith.constant 16 : index
        %get3A_512 = tpu.vector_load %arg15[%get3A_510, %get3A_511] {strides = array<i32>} : memref<80x128xf32, #tpu.memory_space<vmem>>, vector<1x16xf32>,
        %get3A_513 = vector.shape_cast %get3A_512 : vector<1x16xf32> to vector<16xf32>
        %add3A_514 = arith.addf %get3A_314, %get3A_324 : vector<16xf32>
        %add3A_515 = arith.addf %get3A_306, %add3A_514 : vector<16xf32>
        %gt3A_516 = arith.constant 1.000000e+00 : f32
        %gt3A_517 = vector.broadcast %gt3A_516 : f32 to vector<16xf32>
        %gt3A_518 = arith.cmpf ogt, %add3A_515, %gt3A_517 : vector<16xf32>
        %jit3A_519 = arith.constant 1.000000e+00 : f32
        %jit3A_520 = arith.constant 0.000000e+00 : f32
        %broadcast_in_dim3A_521 = vector.broadcast %jit3A_519 : f32 to vector<16xf32>
        %broadcast_in_dim3A_522 = vector.broadcast %jit3A_520 : f32 to vector<16xf32>
        %select_n3A_523 = arith.select %gt3A_518, %broadcast_in_dim3A_521, %broadcast_in_dim3A_522 : vector<16xi1>, vector<16xf32>
        %mul3A_524 = arith.constant 5 : i32
        %mul3A_525 = arith.muli %mul3A_524, %scan3A_253 : i32
        %add3A_526 = arith.constant 1 : i32
        %add3A_527 = arith.addi %mul3A_525, %add3A_526 : i32
        %get3A_528 = arith.index_cast %add3A_527 : i32 to index
        %get3A_529 = arith.constant 16 : index
        %get3A_530 = tpu.vector_load %arg13[%get3A_528, %get3A_529] {strides = array<i32>} : memref<40x256xf32, #tpu.memory_space<vmem>>, vector<1x16xf32>,
        %get3A_531 = vector.shape_cast %get3A_530 : vector<1x16xf32> to vector<16xf32>
        %mul3A_532 = arith.constant 10 : i32
        %mul3A_533 = arith.muli %mul3A_532, %scan3A_253 : i32
        %add3A_534 = arith.constant 2 : i32
        %add3A_535 = arith.addi %mul3A_533, %add3A_534 : i32
        %get3A_536 = arith.index_cast %add3A_535 : i32 to index
        %get3A_537 = arith.constant 16 : index
        %get3A_538 = tpu.vector_load %arg15[%get3A_536, %get3A_537] {strides = array<i32>} : memref<80x128xf32, #tpu.memory_space<vmem>>, vector<1x16xf32>,
        %get3A_539 = vector.shape_cast %get3A_538 : vector<1x16xf32> to vector<16xf32>
        %mul3A_540 = arith.constant 10 : i32
        %mul3A_541 = arith.muli %mul3A_540, %scan3A_253 : i32
        %add3A_542 = arith.constant 2 : i32
        %add3A_543 = arith.addi %mul3A_541, %add3A_542 : i32
        %add3A_544 = arith.constant 1 : i32
        %add3A_545 = arith.addi %add3A_543, %add3A_544 : i32
        %get3A_546 = arith.index_cast %add3A_545 : i32 to index
        %get3A_547 = arith.constant 16 : index
        %get3A_548 = tpu.vector_load %arg15[%get3A_546, %get3A_547] {strides = array<i32>} : memref<80x128xf32, #tpu.memory_space<vmem>>, vector<1x16xf32>,
        %get3A_549 = vector.shape_cast %get3A_548 : vector<1x16xf32> to vector<16xf32>
        %add3A_550 = arith.addf %get3A_340, %get3A_350 : vector<16xf32>
        %add3A_551 = arith.addf %get3A_332, %add3A_550 : vector<16xf32>
        %gt3A_552 = arith.constant 1.000000e+00 : f32
        %gt3A_553 = vector.broadcast %gt3A_552 : f32 to vector<16xf32>
        %gt3A_554 = arith.cmpf ogt, %add3A_551, %gt3A_553 : vector<16xf32>
        %jit3A_555 = arith.constant 1.000000e+00 : f32
        %jit3A_556 = arith.constant 0.000000e+00 : f32
        %broadcast_in_dim3A_557 = vector.broadcast %jit3A_555 : f32 to vector<16xf32>
        %broadcast_in_dim3A_558 = vector.broadcast %jit3A_556 : f32 to vector<16xf32>
        %select_n3A_559 = arith.select %gt3A_554, %broadcast_in_dim3A_557, %broadcast_in_dim3A_558 : vector<16xi1>, vector<16xf32>
        %mul3A_560 = arith.constant 5 : i32
        %mul3A_561 = arith.muli %mul3A_560, %scan3A_253 : i32
        %add3A_562 = arith.constant 2 : i32
        %add3A_563 = arith.addi %mul3A_561, %add3A_562 : i32
        %get3A_564 = arith.index_cast %add3A_563 : i32 to index
        %get3A_565 = arith.constant 16 : index
        %get3A_566 = tpu.vector_load %arg13[%get3A_564, %get3A_565] {strides = array<i32>} : memref<40x256xf32, #tpu.memory_space<vmem>>, vector<1x16xf32>,
        %get3A_567 = vector.shape_cast %get3A_566 : vector<1x16xf32> to vector<16xf32>
        %mul3A_568 = arith.constant 10 : i32
        %mul3A_569 = arith.muli %mul3A_568, %scan3A_253 : i32
        %add3A_570 = arith.constant 4 : i32
        %add3A_571 = arith.addi %mul3A_569, %add3A_570 : i32
        %get3A_572 = arith.index_cast %add3A_571 : i32 to index
        %get3A_573 = arith.constant 16 : index
        %get3A_574 = tpu.vector_load %arg15[%get3A_572, %get3A_573] {strides = array<i32>} : memref<80x128xf32, #tpu.memory_space<vmem>>, vector<1x16xf32>,
        %get3A_575 = vector.shape_cast %get3A_574 : vector<1x16xf32> to vector<16xf32>
        %mul3A_576 = arith.constant 10 : i32
        %mul3A_577 = arith.muli %mul3A_576, %scan3A_253 : i32
        %add3A_578 = arith.constant 4 : i32
        %add3A_579 = arith.addi %mul3A_577, %add3A_578 : i32
        %add3A_580 = arith.constant 1 : i32
        %add3A_581 = arith.addi %add3A_579, %add3A_580 : i32
        %get3A_582 = arith.index_cast %add3A_581 : i32 to index
        %get3A_583 = arith.constant 16 : index
        %get3A_584 = tpu.vector_load %arg15[%get3A_582, %get3A_583] {strides = array<i32>} : memref<80x128xf32, #tpu.memory_space<vmem>>, vector<1x16xf32>,
        %get3A_585 = vector.shape_cast %get3A_584 : vector<1x16xf32> to vector<16xf32>
        %add3A_586 = arith.addf %get3A_366, %get3A_376 : vector<16xf32>
        %add3A_587 = arith.addf %get3A_358, %add3A_586 : vector<16xf32>
        %gt3A_588 = arith.constant 1.000000e+00 : f32
        %gt3A_589 = vector.broadcast %gt3A_588 : f32 to vector<16xf32>
        %gt3A_590 = arith.cmpf ogt, %add3A_587, %gt3A_589 : vector<16xf32>
        %jit3A_591 = arith.constant 1.000000e+00 : f32
        %jit3A_592 = arith.constant 0.000000e+00 : f32
        %broadcast_in_dim3A_593 = vector.broadcast %jit3A_591 : f32 to vector<16xf32>
        %broadcast_in_dim3A_594 = vector.broadcast %jit3A_592 : f32 to vector<16xf32>
        %select_n3A_595 = arith.select %gt3A_590, %broadcast_in_dim3A_593, %broadcast_in_dim3A_594 : vector<16xi1>, vector<16xf32>
        %mul3A_596 = arith.constant 5 : i32
        %mul3A_597 = arith.muli %mul3A_596, %scan3A_253 : i32
        %add3A_598 = arith.constant 3 : i32
        %add3A_599 = arith.addi %mul3A_597, %add3A_598 : i32
        %get3A_600 = arith.index_cast %add3A_599 : i32 to index
        %get3A_601 = arith.constant 16 : index
        %get3A_602 = tpu.vector_load %arg13[%get3A_600, %get3A_601] {strides = array<i32>} : memref<40x256xf32, #tpu.memory_space<vmem>>, vector<1x16xf32>,
        %get3A_603 = vector.shape_cast %get3A_602 : vector<1x16xf32> to vector<16xf32>
        %mul3A_604 = arith.constant 10 : i32
        %mul3A_605 = arith.muli %mul3A_604, %scan3A_253 : i32
        %add3A_606 = arith.constant 6 : i32
        %add3A_607 = arith.addi %mul3A_605, %add3A_606 : i32
        %get3A_608 = arith.index_cast %add3A_607 : i32 to index
        %get3A_609 = arith.constant 16 : index
        %get3A_610 = tpu.vector_load %arg15[%get3A_608, %get3A_609] {strides = array<i32>} : memref<80x128xf32, #tpu.memory_space<vmem>>, vector<1x16xf32>,
        %get3A_611 = vector.shape_cast %get3A_610 : vector<1x16xf32> to vector<16xf32>
        %mul3A_612 = arith.constant 10 : i32
        %mul3A_613 = arith.muli %mul3A_612, %scan3A_253 : i32
        %add3A_614 = arith.constant 6 : i32
        %add3A_615 = arith.addi %mul3A_613, %add3A_614 : i32
        %add3A_616 = arith.constant 1 : i32
        %add3A_617 = arith.addi %add3A_615, %add3A_616 : i32
        %get3A_618 = arith.index_cast %add3A_617 : i32 to index
        %get3A_619 = arith.constant 16 : index
        %get3A_620 = tpu.vector_load %arg15[%get3A_618, %get3A_619] {strides = array<i32>} : memref<80x128xf32, #tpu.memory_space<vmem>>, vector<1x16xf32>,
        %get3A_621 = vector.shape_cast %get3A_620 : vector<1x16xf32> to vector<16xf32>
        %add3A_622 = arith.addf %get3A_392, %get3A_402 : vector<16xf32>
        %add3A_623 = arith.addf %get3A_384, %add3A_622 : vector<16xf32>
        %gt3A_624 = arith.constant 1.000000e+00 : f32
        %gt3A_625 = vector.broadcast %gt3A_624 : f32 to vector<16xf32>
        %gt3A_626 = arith.cmpf ogt, %add3A_623, %gt3A_625 : vector<16xf32>
        %jit3A_627 = arith.constant 1.000000e+00 : f32
        %jit3A_628 = arith.constant 0.000000e+00 : f32
        %broadcast_in_dim3A_629 = vector.broadcast %jit3A_627 : f32 to vector<16xf32>
        %broadcast_in_dim3A_630 = vector.broadcast %jit3A_628 : f32 to vector<16xf32>
        %select_n3A_631 = arith.select %gt3A_626, %broadcast_in_dim3A_629, %broadcast_in_dim3A_630 : vector<16xi1>, vector<16xf32>
        %mul3A_632 = arith.constant 5 : i32
        %mul3A_633 = arith.muli %mul3A_632, %scan3A_253 : i32
        %add3A_634 = arith.constant 4 : i32
        %add3A_635 = arith.addi %mul3A_633, %add3A_634 : i32
        %get3A_636 = arith.index_cast %add3A_635 : i32 to index
        %get3A_637 = arith.constant 16 : index
        %get3A_638 = tpu.vector_load %arg13[%get3A_636, %get3A_637] {strides = array<i32>} : memref<40x256xf32, #tpu.memory_space<vmem>>, vector<1x16xf32>,
        %get3A_639 = vector.shape_cast %get3A_638 : vector<1x16xf32> to vector<16xf32>
        %mul3A_640 = arith.constant 10 : i32
        %mul3A_641 = arith.muli %mul3A_640, %scan3A_253 : i32
        %add3A_642 = arith.constant 8 : i32
        %add3A_643 = arith.addi %mul3A_641, %add3A_642 : i32
        %get3A_644 = arith.index_cast %add3A_643 : i32 to index
        %get3A_645 = arith.constant 16 : index
        %get3A_646 = tpu.vector_load %arg15[%get3A_644, %get3A_645] {strides = array<i32>} : memref<80x128xf32, #tpu.memory_space<vmem>>, vector<1x16xf32>,
        %get3A_647 = vector.shape_cast %get3A_646 : vector<1x16xf32> to vector<16xf32>
        %mul3A_648 = arith.constant 10 : i32
        %mul3A_649 = arith.muli %mul3A_648, %scan3A_253 : i32
        %add3A_650 = arith.constant 8 : i32
        %add3A_651 = arith.addi %mul3A_649, %add3A_650 : i32
        %add3A_652 = arith.constant 1 : i32
        %add3A_653 = arith.addi %add3A_651, %add3A_652 : i32
        %get3A_654 = arith.index_cast %add3A_653 : i32 to index
        %get3A_655 = arith.constant 16 : index
        %get3A_656 = tpu.vector_load %arg15[%get3A_654, %get3A_655] {strides = array<i32>} : memref<80x128xf32, #tpu.memory_space<vmem>>, vector<1x16xf32>,
        %get3A_657 = vector.shape_cast %get3A_656 : vector<1x16xf32> to vector<16xf32>
        %add3A_658 = arith.addf %get3A_418, %get3A_428 : vector<16xf32>
        %add3A_659 = arith.addf %get3A_410, %add3A_658 : vector<16xf32>
        %gt3A_660 = arith.constant 1.000000e+00 : f32
        %gt3A_661 = vector.broadcast %gt3A_660 : f32 to vector<16xf32>
        %gt3A_662 = arith.cmpf ogt, %add3A_659, %gt3A_661 : vector<16xf32>
        %jit3A_663 = arith.constant 1.000000e+00 : f32
        %jit3A_664 = arith.constant 0.000000e+00 : f32
        %broadcast_in_dim3A_665 = vector.broadcast %jit3A_663 : f32 to vector<16xf32>
        %broadcast_in_dim3A_666 = vector.broadcast %jit3A_664 : f32 to vector<16xf32>
        %select_n3A_667 = arith.select %gt3A_662, %broadcast_in_dim3A_665, %broadcast_in_dim3A_666 : vector<16xi1>, vector<16xf32>
        %add3A_668 = arith.addf %select_n3A_523, %select_n3A_559 : vector<16xf32>
        %add3A_669 = arith.addf %select_n3A_595, %select_n3A_631 : vector<16xf32>
        %add3A_670 = arith.addf %add3A_668, %add3A_669 : vector<16xf32>
        %add3A_671 = arith.addf %add3A_670, %select_n3A_667 : vector<16xf32>
        %swap3A_672 = arith.index_cast %add3A_254 : i32 to index
        %swap3A_673 = arith.constant 128 : index
        %swap3A_674 = tpu.vector_load %arg17[%swap3A_672, %swap3A_673] {strides = array<i32>} : memref<128x256xf32, #tpu.memory_space<vmem>>, vector<1x16xf32>,
        %swap3A_675 = vector.shape_cast %swap3A_674 : vector<1x16xf32> to vector<16xf32>
        %swap3A_676 = vector.shape_cast %add3A_671 : vector<16xf32> to vector<1x16xf32>
        tpu.vector_store %arg17[%swap3A_672, %swap3A_673], %swap3A_676 {strides = array<i32>} : memref<128x256xf32, #tpu.memory_space<vmem>>, vector<1x16xf32>,
        %mul3A_677 = arith.constant 5 : i32
        %mul3A_678 = arith.muli %mul3A_677, %scan3A_253 : i32
        %add3A_679 = arith.constant 0 : i32
        %add3A_680 = arith.addi %mul3A_678, %add3A_679 : i32
        %get3A_681 = arith.index_cast %add3A_680 : i32 to index
        %get3A_682 = arith.constant 160 : index
        %get3A_683 = tpu.vector_load %arg13[%get3A_681, %get3A_682] {strides = array<i32>} : memref<40x256xf32, #tpu.memory_space<vmem>>, vector<1x16xf32>,
        %get3A_684 = vector.shape_cast %get3A_683 : vector<1x16xf32> to vector<16xf32>
        %mul3A_685 = arith.constant 5 : i32
        %mul3A_686 = arith.muli %mul3A_685, %scan3A_253 : i32
        %add3A_687 = arith.constant 1 : i32
        %add3A_688 = arith.addi %mul3A_686, %add3A_687 : i32
        %get3A_689 = arith.index_cast %add3A_688 : i32 to index
        %get3A_690 = arith.constant 160 : index
        %get3A_691 = tpu.vector_load %arg13[%get3A_689, %get3A_690] {strides = array<i32>} : memref<40x256xf32, #tpu.memory_space<vmem>>, vector<1x16xf32>,
        %get3A_692 = vector.shape_cast %get3A_691 : vector<1x16xf32> to vector<16xf32>
        %mul3A_693 = arith.constant 5 : i32
        %mul3A_694 = arith.muli %mul3A_693, %scan3A_253 : i32
        %add3A_695 = arith.constant 2 : i32
        %add3A_696 = arith.addi %mul3A_694, %add3A_695 : i32
        %get3A_697 = arith.index_cast %add3A_696 : i32 to index
        %get3A_698 = arith.constant 160 : index
        %get3A_699 = tpu.vector_load %arg13[%get3A_697, %get3A_698] {strides = array<i32>} : memref<40x256xf32, #tpu.memory_space<vmem>>, vector<1x16xf32>,
        %get3A_700 = vector.shape_cast %get3A_699 : vector<1x16xf32> to vector<16xf32>
        %mul3A_701 = arith.constant 5 : i32
        %mul3A_702 = arith.muli %mul3A_701, %scan3A_253 : i32
        %add3A_703 = arith.constant 3 : i32
        %add3A_704 = arith.addi %mul3A_702, %add3A_703 : i32
        %get3A_705 = arith.index_cast %add3A_704 : i32 to index
        %get3A_706 = arith.constant 160 : index
        %get3A_707 = tpu.vector_load %arg13[%get3A_705, %get3A_706] {strides = array<i32>} : memref<40x256xf32, #tpu.memory_space<vmem>>, vector<1x16xf32>,
        %get3A_708 = vector.shape_cast %get3A_707 : vector<1x16xf32> to vector<16xf32>
        %mul3A_709 = arith.constant 5 : i32
        %mul3A_710 = arith.muli %mul3A_709, %scan3A_253 : i32
        %add3A_711 = arith.constant 4 : i32
        %add3A_712 = arith.addi %mul3A_710, %add3A_711 : i32
        %get3A_713 = arith.index_cast %add3A_712 : i32 to index
        %get3A_714 = arith.constant 160 : index
        %get3A_715 = tpu.vector_load %arg13[%get3A_713, %get3A_714] {strides = array<i32>} : memref<40x256xf32, #tpu.memory_space<vmem>>, vector<1x16xf32>,
        %get3A_716 = vector.shape_cast %get3A_715 : vector<1x16xf32> to vector<16xf32>
        %add3A_717 = arith.addi %mul3A_220, %scan3A_253 : i32
        %get3A_718 = arith.index_cast %add3A_717 : i32 to index
        %get3A_719 = arith.constant 32 : index
        %get3A_720 = tpu.vector_load %arg12[%get3A_718, %get3A_719] {strides = array<i32>} : memref<128x128xf32, #tpu.memory_space<vmem>>, vector<1x16xf32>,
        %get3A_721 = vector.shape_cast %get3A_720 : vector<1x16xf32> to vector<16xf32>
        %add3A_722 = arith.addf %get3A_436, %get3A_444 : vector<16xf32>
        %add3A_723 = arith.addf %get3A_452, %get3A_460 : vector<16xf32>
        %add3A_724 = arith.addf %add3A_722, %add3A_723 : vector<16xf32>
        %add3A_725 = arith.addf %get3A_468, %get3A_473 : vector<16xf32>
        %add3A_726 = arith.addf %add3A_724, %add3A_725 : vector<16xf32>
        %gt3A_727 = arith.constant 1.000000e+00 : f32
        %gt3A_728 = vector.broadcast %gt3A_727 : f32 to vector<16xf32>
        %gt3A_729 = arith.cmpf ogt, %add3A_726, %gt3A_728 : vector<16xf32>
        %jit3A_730 = arith.constant 1.000000e+00 : f32
        %jit3A_731 = arith.constant 0.000000e+00 : f32
        %broadcast_in_dim3A_732 = vector.broadcast %jit3A_730 : f32 to vector<16xf32>
        %broadcast_in_dim3A_733 = vector.broadcast %jit3A_731 : f32 to vector<16xf32>
        %select_n3A_734 = arith.select %gt3A_729, %broadcast_in_dim3A_732, %broadcast_in_dim3A_733 : vector<16xi1>, vector<16xf32>
        %swap3A_735 = arith.index_cast %add3A_254 : i32 to index
        %swap3A_736 = arith.constant 16 : index
        %swap3A_737 = tpu.vector_load %arg17[%swap3A_735, %swap3A_736] {strides = array<i32>} : memref<128x256xf32, #tpu.memory_space<vmem>>, vector<1x16xf32>,
        %swap3A_738 = vector.shape_cast %swap3A_737 : vector<1x16xf32> to vector<16xf32>
        %swap3A_739 = vector.shape_cast %select_n3A_734 : vector<16xf32> to vector<1x16xf32>
        tpu.vector_store %arg17[%swap3A_735, %swap3A_736], %swap3A_739 {strides = array<i32>} : memref<128x256xf32, #tpu.memory_space<vmem>>, vector<1x16xf32>,
        %mul3A_740 = arith.constant 5 : i32
        %mul3A_741 = arith.muli %mul3A_740, %scan3A_253 : i32
        %add3A_742 = arith.constant 0 : i32
        %add3A_743 = arith.addi %mul3A_741, %add3A_742 : i32
        %get3A_744 = arith.index_cast %add3A_743 : i32 to index
        %get3A_745 = arith.constant 32 : index
        %get3A_746 = tpu.vector_load %arg13[%get3A_744, %get3A_745] {strides = array<i32>} : memref<40x256xf32, #tpu.memory_space<vmem>>, vector<1x16xf32>,
        %get3A_747 = vector.shape_cast %get3A_746 : vector<1x16xf32> to vector<16xf32>
        %mul3A_748 = arith.constant 10 : i32
        %mul3A_749 = arith.muli %mul3A_748, %scan3A_253 : i32
        %add3A_750 = arith.constant 0 : i32
        %add3A_751 = arith.addi %mul3A_749, %add3A_750 : i32
        %get3A_752 = arith.index_cast %add3A_751 : i32 to index
        %get3A_753 = arith.constant 32 : index
        %get3A_754 = tpu.vector_load %arg15[%get3A_752, %get3A_753] {strides = array<i32>} : memref<80x128xf32, #tpu.memory_space<vmem>>, vector<1x16xf32>,
        %get3A_755 = vector.shape_cast %get3A_754 : vector<1x16xf32> to vector<16xf32>
        %mul3A_756 = arith.constant 10 : i32
        %mul3A_757 = arith.muli %mul3A_756, %scan3A_253 : i32
        %add3A_758 = arith.constant 0 : i32
        %add3A_759 = arith.addi %mul3A_757, %add3A_758 : i32
        %add3A_760 = arith.constant 1 : i32
        %add3A_761 = arith.addi %add3A_759, %add3A_760 : i32
        %get3A_762 = arith.index_cast %add3A_761 : i32 to index
        %get3A_763 = arith.constant 32 : index
        %get3A_764 = tpu.vector_load %arg15[%get3A_762, %get3A_763] {strides = array<i32>} : memref<80x128xf32, #tpu.memory_space<vmem>>, vector<1x16xf32>,
        %get3A_765 = vector.shape_cast %get3A_764 : vector<1x16xf32> to vector<16xf32>
        %add3A_766 = arith.addf %get3A_503, %get3A_513 : vector<16xf32>
        %add3A_767 = arith.addf %get3A_495, %add3A_766 : vector<16xf32>
        %gt3A_768 = arith.constant 1.000000e+00 : f32
        %gt3A_769 = vector.broadcast %gt3A_768 : f32 to vector<16xf32>
        %gt3A_770 = arith.cmpf ogt, %add3A_767, %gt3A_769 : vector<16xf32>
        %jit3A_771 = arith.constant 1.000000e+00 : f32
        %jit3A_772 = arith.constant 0.000000e+00 : f32
        %broadcast_in_dim3A_773 = vector.broadcast %jit3A_771 : f32 to vector<16xf32>
        %broadcast_in_dim3A_774 = vector.broadcast %jit3A_772 : f32 to vector<16xf32>
        %select_n3A_775 = arith.select %gt3A_770, %broadcast_in_dim3A_773, %broadcast_in_dim3A_774 : vector<16xi1>, vector<16xf32>
        %mul3A_776 = arith.constant 5 : i32
        %mul3A_777 = arith.muli %mul3A_776, %scan3A_253 : i32
        %add3A_778 = arith.constant 1 : i32
        %add3A_779 = arith.addi %mul3A_777, %add3A_778 : i32
        %get3A_780 = arith.index_cast %add3A_779 : i32 to index
        %get3A_781 = arith.constant 32 : index
        %get3A_782 = tpu.vector_load %arg13[%get3A_780, %get3A_781] {strides = array<i32>} : memref<40x256xf32, #tpu.memory_space<vmem>>, vector<1x16xf32>,
        %get3A_783 = vector.shape_cast %get3A_782 : vector<1x16xf32> to vector<16xf32>
        %mul3A_784 = arith.constant 10 : i32
        %mul3A_785 = arith.muli %mul3A_784, %scan3A_253 : i32
        %add3A_786 = arith.constant 2 : i32
        %add3A_787 = arith.addi %mul3A_785, %add3A_786 : i32
        %get3A_788 = arith.index_cast %add3A_787 : i32 to index
        %get3A_789 = arith.constant 32 : index
        %get3A_790 = tpu.vector_load %arg15[%get3A_788, %get3A_789] {strides = array<i32>} : memref<80x128xf32, #tpu.memory_space<vmem>>, vector<1x16xf32>,
        %get3A_791 = vector.shape_cast %get3A_790 : vector<1x16xf32> to vector<16xf32>
        %mul3A_792 = arith.constant 10 : i32
        %mul3A_793 = arith.muli %mul3A_792, %scan3A_253 : i32
        %add3A_794 = arith.constant 2 : i32
        %add3A_795 = arith.addi %mul3A_793, %add3A_794 : i32
        %add3A_796 = arith.constant 1 : i32
        %add3A_797 = arith.addi %add3A_795, %add3A_796 : i32
        %get3A_798 = arith.index_cast %add3A_797 : i32 to index
        %get3A_799 = arith.constant 32 : index
        %get3A_800 = tpu.vector_load %arg15[%get3A_798, %get3A_799] {strides = array<i32>} : memref<80x128xf32, #tpu.memory_space<vmem>>, vector<1x16xf32>,
        %get3A_801 = vector.shape_cast %get3A_800 : vector<1x16xf32> to vector<16xf32>
        %add3A_802 = arith.addf %get3A_539, %get3A_549 : vector<16xf32>
        %add3A_803 = arith.addf %get3A_531, %add3A_802 : vector<16xf32>
        %gt3A_804 = arith.constant 1.000000e+00 : f32
        %gt3A_805 = vector.broadcast %gt3A_804 : f32 to vector<16xf32>
        %gt3A_806 = arith.cmpf ogt, %add3A_803, %gt3A_805 : vector<16xf32>
        %jit3A_807 = arith.constant 1.000000e+00 : f32
        %jit3A_808 = arith.constant 0.000000e+00 : f32
        %broadcast_in_dim3A_809 = vector.broadcast %jit3A_807 : f32 to vector<16xf32>
        %broadcast_in_dim3A_810 = vector.broadcast %jit3A_808 : f32 to vector<16xf32>
        %select_n3A_811 = arith.select %gt3A_806, %broadcast_in_dim3A_809, %broadcast_in_dim3A_810 : vector<16xi1>, vector<16xf32>
        %mul3A_812 = arith.constant 5 : i32
        %mul3A_813 = arith.muli %mul3A_812, %scan3A_253 : i32
        %add3A_814 = arith.constant 2 : i32
        %add3A_815 = arith.addi %mul3A_813, %add3A_814 : i32
        %get3A_816 = arith.index_cast %add3A_815 : i32 to index
        %get3A_817 = arith.constant 32 : index
        %get3A_818 = tpu.vector_load %arg13[%get3A_816, %get3A_817] {strides = array<i32>} : memref<40x256xf32, #tpu.memory_space<vmem>>, vector<1x16xf32>,
        %get3A_819 = vector.shape_cast %get3A_818 : vector<1x16xf32> to vector<16xf32>
        %mul3A_820 = arith.constant 10 : i32
        %mul3A_821 = arith.muli %mul3A_820, %scan3A_253 : i32
        %add3A_822 = arith.constant 4 : i32
        %add3A_823 = arith.addi %mul3A_821, %add3A_822 : i32
        %get3A_824 = arith.index_cast %add3A_823 : i32 to index
        %get3A_825 = arith.constant 32 : index
        %get3A_826 = tpu.vector_load %arg15[%get3A_824, %get3A_825] {strides = array<i32>} : memref<80x128xf32, #tpu.memory_space<vmem>>, vector<1x16xf32>,
        %get3A_827 = vector.shape_cast %get3A_826 : vector<1x16xf32> to vector<16xf32>
        %mul3A_828 = arith.constant 10 : i32
        %mul3A_829 = arith.muli %mul3A_828, %scan3A_253 : i32
        %add3A_830 = arith.constant 4 : i32
        %add3A_831 = arith.addi %mul3A_829, %add3A_830 : i32
        %add3A_832 = arith.constant 1 : i32
        %add3A_833 = arith.addi %add3A_831, %add3A_832 : i32
        %get3A_834 = arith.index_cast %add3A_833 : i32 to index
        %get3A_835 = arith.constant 32 : index
        %get3A_836 = tpu.vector_load %arg15[%get3A_834, %get3A_835] {strides = array<i32>} : memref<80x128xf32, #tpu.memory_space<vmem>>, vector<1x16xf32>,
        %get3A_837 = vector.shape_cast %get3A_836 : vector<1x16xf32> to vector<16xf32>
        %add3A_838 = arith.addf %get3A_575, %get3A_585 : vector<16xf32>
        %add3A_839 = arith.addf %get3A_567, %add3A_838 : vector<16xf32>
        %gt3A_840 = arith.constant 1.000000e+00 : f32
        %gt3A_841 = vector.broadcast %gt3A_840 : f32 to vector<16xf32>
        %gt3A_842 = arith.cmpf ogt, %add3A_839, %gt3A_841 : vector<16xf32>
        %jit3A_843 = arith.constant 1.000000e+00 : f32
        %jit3A_844 = arith.constant 0.000000e+00 : f32
        %broadcast_in_dim3A_845 = vector.broadcast %jit3A_843 : f32 to vector<16xf32>
        %broadcast_in_dim3A_846 = vector.broadcast %jit3A_844 : f32 to vector<16xf32>
        %select_n3A_847 = arith.select %gt3A_842, %broadcast_in_dim3A_845, %broadcast_in_dim3A_846 : vector<16xi1>, vector<16xf32>
        %mul3A_848 = arith.constant 5 : i32
        %mul3A_849 = arith.muli %mul3A_848, %scan3A_253 : i32
        %add3A_850 = arith.constant 3 : i32
        %add3A_851 = arith.addi %mul3A_849, %add3A_850 : i32
        %get3A_852 = arith.index_cast %add3A_851 : i32 to index
        %get3A_853 = arith.constant 32 : index
        %get3A_854 = tpu.vector_load %arg13[%get3A_852, %get3A_853] {strides = array<i32>} : memref<40x256xf32, #tpu.memory_space<vmem>>, vector<1x16xf32>,
        %get3A_855 = vector.shape_cast %get3A_854 : vector<1x16xf32> to vector<16xf32>
        %mul3A_856 = arith.constant 10 : i32
        %mul3A_857 = arith.muli %mul3A_856, %scan3A_253 : i32
        %add3A_858 = arith.constant 6 : i32
        %add3A_859 = arith.addi %mul3A_857, %add3A_858 : i32
        %get3A_860 = arith.index_cast %add3A_859 : i32 to index
        %get3A_861 = arith.constant 32 : index
        %get3A_862 = tpu.vector_load %arg15[%get3A_860, %get3A_861] {strides = array<i32>} : memref<80x128xf32, #tpu.memory_space<vmem>>, vector<1x16xf32>,
        %get3A_863 = vector.shape_cast %get3A_862 : vector<1x16xf32> to vector<16xf32>
        %mul3A_864 = arith.constant 10 : i32
        %mul3A_865 = arith.muli %mul3A_864, %scan3A_253 : i32
        %add3A_866 = arith.constant 6 : i32
        %add3A_867 = arith.addi %mul3A_865, %add3A_866 : i32
        %add3A_868 = arith.constant 1 : i32
        %add3A_869 = arith.addi %add3A_867, %add3A_868 : i32
        %get3A_870 = arith.index_cast %add3A_869 : i32 to index
        %get3A_871 = arith.constant 32 : index
        %get3A_872 = tpu.vector_load %arg15[%get3A_870, %get3A_871] {strides = array<i32>} : memref<80x128xf32, #tpu.memory_space<vmem>>, vector<1x16xf32>,
        %get3A_873 = vector.shape_cast %get3A_872 : vector<1x16xf32> to vector<16xf32>
        %add3A_874 = arith.addf %get3A_611, %get3A_621 : vector<16xf32>
        %add3A_875 = arith.addf %get3A_603, %add3A_874 : vector<16xf32>
        %gt3A_876 = arith.constant 1.000000e+00 : f32
        %gt3A_877 = vector.broadcast %gt3A_876 : f32 to vector<16xf32>
        %gt3A_878 = arith.cmpf ogt, %add3A_875, %gt3A_877 : vector<16xf32>
        %jit3A_879 = arith.constant 1.000000e+00 : f32
        %jit3A_880 = arith.constant 0.000000e+00 : f32
        %broadcast_in_dim3A_881 = vector.broadcast %jit3A_879 : f32 to vector<16xf32>
        %broadcast_in_dim3A_882 = vector.broadcast %jit3A_880 : f32 to vector<16xf32>
        %select_n3A_883 = arith.select %gt3A_878, %broadcast_in_dim3A_881, %broadcast_in_dim3A_882 : vector<16xi1>, vector<16xf32>
        %mul3A_884 = arith.constant 5 : i32
        %mul3A_885 = arith.muli %mul3A_884, %scan3A_253 : i32
        %add3A_886 = arith.constant 4 : i32
        %add3A_887 = arith.addi %mul3A_885, %add3A_886 : i32
        %get3A_888 = arith.index_cast %add3A_887 : i32 to index
        %get3A_889 = arith.constant 32 : index
        %get3A_890 = tpu.vector_load %arg13[%get3A_888, %get3A_889] {strides = array<i32>} : memref<40x256xf32, #tpu.memory_space<vmem>>, vector<1x16xf32>,
        %get3A_891 = vector.shape_cast %get3A_890 : vector<1x16xf32> to vector<16xf32>
        %mul3A_892 = arith.constant 10 : i32
        %mul3A_893 = arith.muli %mul3A_892, %scan3A_253 : i32
        %add3A_894 = arith.constant 8 : i32
        %add3A_895 = arith.addi %mul3A_893, %add3A_894 : i32
        %get3A_896 = arith.index_cast %add3A_895 : i32 to index
        %get3A_897 = arith.constant 32 : index
        %get3A_898 = tpu.vector_load %arg15[%get3A_896, %get3A_897] {strides = array<i32>} : memref<80x128xf32, #tpu.memory_space<vmem>>, vector<1x16xf32>,
        %get3A_899 = vector.shape_cast %get3A_898 : vector<1x16xf32> to vector<16xf32>
        %mul3A_900 = arith.constant 10 : i32
        %mul3A_901 = arith.muli %mul3A_900, %scan3A_253 : i32
        %add3A_902 = arith.constant 8 : i32
        %add3A_903 = arith.addi %mul3A_901, %add3A_902 : i32
        %add3A_904 = arith.constant 1 : i32
        %add3A_905 = arith.addi %add3A_903, %add3A_904 : i32
        %get3A_906 = arith.index_cast %add3A_905 : i32 to index
        %get3A_907 = arith.constant 32 : index
        %get3A_908 = tpu.vector_load %arg15[%get3A_906, %get3A_907] {strides = array<i32>} : memref<80x128xf32, #tpu.memory_space<vmem>>, vector<1x16xf32>,
        %get3A_909 = vector.shape_cast %get3A_908 : vector<1x16xf32> to vector<16xf32>
        %add3A_910 = arith.addf %get3A_647, %get3A_657 : vector<16xf32>
        %add3A_911 = arith.addf %get3A_639, %add3A_910 : vector<16xf32>
        %gt3A_912 = arith.constant 1.000000e+00 : f32
        %gt3A_913 = vector.broadcast %gt3A_912 : f32 to vector<16xf32>
        %gt3A_914 = arith.cmpf ogt, %add3A_911, %gt3A_913 : vector<16xf32>
        %jit3A_915 = arith.constant 1.000000e+00 : f32
        %jit3A_916 = arith.constant 0.000000e+00 : f32
        %broadcast_in_dim3A_917 = vector.broadcast %jit3A_915 : f32 to vector<16xf32>
        %broadcast_in_dim3A_918 = vector.broadcast %jit3A_916 : f32 to vector<16xf32>
        %select_n3A_919 = arith.select %gt3A_914, %broadcast_in_dim3A_917, %broadcast_in_dim3A_918 : vector<16xi1>, vector<16xf32>
        %add3A_920 = arith.addf %select_n3A_775, %select_n3A_811 : vector<16xf32>
        %add3A_921 = arith.addf %select_n3A_847, %select_n3A_883 : vector<16xf32>
        %add3A_922 = arith.addf %add3A_920, %add3A_921 : vector<16xf32>
        %add3A_923 = arith.addf %add3A_922, %select_n3A_919 : vector<16xf32>
        %swap3A_924 = arith.index_cast %add3A_254 : i32 to index
        %swap3A_925 = arith.constant 144 : index
        %swap3A_926 = tpu.vector_load %arg17[%swap3A_924, %swap3A_925] {strides = array<i32>} : memref<128x256xf32, #tpu.memory_space<vmem>>, vector<1x16xf32>,
        %swap3A_927 = vector.shape_cast %swap3A_926 : vector<1x16xf32> to vector<16xf32>
        %swap3A_928 = vector.shape_cast %add3A_923 : vector<16xf32> to vector<1x16xf32>
        tpu.vector_store %arg17[%swap3A_924, %swap3A_925], %swap3A_928 {strides = array<i32>} : memref<128x256xf32, #tpu.memory_space<vmem>>, vector<1x16xf32>,
        %mul3A_929 = arith.constant 5 : i32
        %mul3A_930 = arith.muli %mul3A_929, %scan3A_253 : i32
        %add3A_931 = arith.constant 0 : i32
        %add3A_932 = arith.addi %mul3A_930, %add3A_931 : i32
        %get3A_933 = arith.index_cast %add3A_932 : i32 to index
        %get3A_934 = arith.constant 176 : index
        %get3A_935 = tpu.vector_load %arg13[%get3A_933, %get3A_934] {strides = array<i32>} : memref<40x256xf32, #tpu.memory_space<vmem>>, vector<1x16xf32>,
        %get3A_936 = vector.shape_cast %get3A_935 : vector<1x16xf32> to vector<16xf32>
        %mul3A_937 = arith.constant 5 : i32
        %mul3A_938 = arith.muli %mul3A_937, %scan3A_253 : i32
        %add3A_939 = arith.constant 1 : i32
        %add3A_940 = arith.addi %mul3A_938, %add3A_939 : i32
        %get3A_941 = arith.index_cast %add3A_940 : i32 to index
        %get3A_942 = arith.constant 176 : index
        %get3A_943 = tpu.vector_load %arg13[%get3A_941, %get3A_942] {strides = array<i32>} : memref<40x256xf32, #tpu.memory_space<vmem>>, vector<1x16xf32>,
        %get3A_944 = vector.shape_cast %get3A_943 : vector<1x16xf32> to vector<16xf32>
        %mul3A_945 = arith.constant 5 : i32
        %mul3A_946 = arith.muli %mul3A_945, %scan3A_253 : i32
        %add3A_947 = arith.constant 2 : i32
        %add3A_948 = arith.addi %mul3A_946, %add3A_947 : i32
        %get3A_949 = arith.index_cast %add3A_948 : i32 to index
        %get3A_950 = arith.constant 176 : index
        %get3A_951 = tpu.vector_load %arg13[%get3A_949, %get3A_950] {strides = array<i32>} : memref<40x256xf32, #tpu.memory_space<vmem>>, vector<1x16xf32>,
        %get3A_952 = vector.shape_cast %get3A_951 : vector<1x16xf32> to vector<16xf32>
        %mul3A_953 = arith.constant 5 : i32
        %mul3A_954 = arith.muli %mul3A_953, %scan3A_253 : i32
        %add3A_955 = arith.constant 3 : i32
        %add3A_956 = arith.addi %mul3A_954, %add3A_955 : i32
        %get3A_957 = arith.index_cast %add3A_956 : i32 to index
        %get3A_958 = arith.constant 176 : index
        %get3A_959 = tpu.vector_load %arg13[%get3A_957, %get3A_958] {strides = array<i32>} : memref<40x256xf32, #tpu.memory_space<vmem>>, vector<1x16xf32>,
        %get3A_960 = vector.shape_cast %get3A_959 : vector<1x16xf32> to vector<16xf32>
        %mul3A_961 = arith.constant 5 : i32
        %mul3A_962 = arith.muli %mul3A_961, %scan3A_253 : i32
        %add3A_963 = arith.constant 4 : i32
        %add3A_964 = arith.addi %mul3A_962, %add3A_963 : i32
        %get3A_965 = arith.index_cast %add3A_964 : i32 to index
        %get3A_966 = arith.constant 176 : index
        %get3A_967 = tpu.vector_load %arg13[%get3A_965, %get3A_966] {strides = array<i32>} : memref<40x256xf32, #tpu.memory_space<vmem>>, vector<1x16xf32>,
        %get3A_968 = vector.shape_cast %get3A_967 : vector<1x16xf32> to vector<16xf32>
        %add3A_969 = arith.addi %mul3A_220, %scan3A_253 : i32
        %get3A_970 = arith.index_cast %add3A_969 : i32 to index
        %get3A_971 = arith.constant 48 : index
        %get3A_972 = tpu.vector_load %arg12[%get3A_970, %get3A_971] {strides = array<i32>} : memref<128x128xf32, #tpu.memory_space<vmem>>, vector<1x16xf32>,
        %get3A_973 = vector.shape_cast %get3A_972 : vector<1x16xf32> to vector<16xf32>
        %add3A_974 = arith.addf %get3A_684, %get3A_692 : vector<16xf32>
        %add3A_975 = arith.addf %get3A_700, %get3A_708 : vector<16xf32>
        %add3A_976 = arith.addf %add3A_974, %add3A_975 : vector<16xf32>
        %add3A_977 = arith.addf %get3A_716, %get3A_721 : vector<16xf32>
        %add3A_978 = arith.addf %add3A_976, %add3A_977 : vector<16xf32>
        %gt3A_979 = arith.constant 1.000000e+00 : f32
        %gt3A_980 = vector.broadcast %gt3A_979 : f32 to vector<16xf32>
        %gt3A_981 = arith.cmpf ogt, %add3A_978, %gt3A_980 : vector<16xf32>
        %jit3A_982 = arith.constant 1.000000e+00 : f32
        %jit3A_983 = arith.constant 0.000000e+00 : f32
        %broadcast_in_dim3A_984 = vector.broadcast %jit3A_982 : f32 to vector<16xf32>
        %broadcast_in_dim3A_985 = vector.broadcast %jit3A_983 : f32 to vector<16xf32>
        %select_n3A_986 = arith.select %gt3A_981, %broadcast_in_dim3A_984, %broadcast_in_dim3A_985 : vector<16xi1>, vector<16xf32>
        %swap3A_987 = arith.index_cast %add3A_254 : i32 to index
        %swap3A_988 = arith.constant 32 : index
        %swap3A_989 = tpu.vector_load %arg17[%swap3A_987, %swap3A_988] {strides = array<i32>} : memref<128x256xf32, #tpu.memory_space<vmem>>, vector<1x16xf32>,
        %swap3A_990 = vector.shape_cast %swap3A_989 : vector<1x16xf32> to vector<16xf32>
        %swap3A_991 = vector.shape_cast %select_n3A_986 : vector<16xf32> to vector<1x16xf32>
        tpu.vector_store %arg17[%swap3A_987, %swap3A_988], %swap3A_991 {strides = array<i32>} : memref<128x256xf32, #tpu.memory_space<vmem>>, vector<1x16xf32>,
        %mul3A_992 = arith.constant 5 : i32
        %mul3A_993 = arith.muli %mul3A_992, %scan3A_253 : i32
        %add3A_994 = arith.constant 0 : i32
        %add3A_995 = arith.addi %mul3A_993, %add3A_994 : i32
        %get3A_996 = arith.index_cast %add3A_995 : i32 to index
        %get3A_997 = arith.constant 48 : index
        %get3A_998 = tpu.vector_load %arg13[%get3A_996, %get3A_997] {strides = array<i32>} : memref<40x256xf32, #tpu.memory_space<vmem>>, vector<1x16xf32>,
        %get3A_999 = vector.shape_cast %get3A_998 : vector<1x16xf32> to vector<16xf32>
        %mul3A_1000 = arith.constant 10 : i32
        %mul3A_1001 = arith.muli %mul3A_1000, %scan3A_253 : i32
        %add3A_1002 = arith.constant 0 : i32
        %add3A_1003 = arith.addi %mul3A_1001, %add3A_1002 : i32
        %get3A_1004 = arith.index_cast %add3A_1003 : i32 to index
        %get3A_1005 = arith.constant 48 : index
        %get3A_1006 = tpu.vector_load %arg15[%get3A_1004, %get3A_1005] {strides = array<i32>} : memref<80x128xf32, #tpu.memory_space<vmem>>, vector<1x16xf32>,
        %get3A_1007 = vector.shape_cast %get3A_1006 : vector<1x16xf32> to vector<16xf32>
        %mul3A_1008 = arith.constant 10 : i32
        %mul3A_1009 = arith.muli %mul3A_1008, %scan3A_253 : i32
        %add3A_1010 = arith.constant 0 : i32
        %add3A_1011 = arith.addi %mul3A_1009, %add3A_1010 : i32
        %add3A_1012 = arith.constant 1 : i32
        %add3A_1013 = arith.addi %add3A_1011, %add3A_1012 : i32
        %get3A_1014 = arith.index_cast %add3A_1013 : i32 to index
        %get3A_1015 = arith.constant 48 : index
        %get3A_1016 = tpu.vector_load %arg15[%get3A_1014, %get3A_1015] {strides = array<i32>} : memref<80x128xf32, #tpu.memory_space<vmem>>, vector<1x16xf32>,
        %get3A_1017 = vector.shape_cast %get3A_1016 : vector<1x16xf32> to vector<16xf32>
        %add3A_1018 = arith.addf %get3A_755, %get3A_765 : vector<16xf32>
        %add3A_1019 = arith.addf %get3A_747, %add3A_1018 : vector<16xf32>
        %gt3A_1020 = arith.constant 1.000000e+00 : f32
        %gt3A_1021 = vector.broadcast %gt3A_1020 : f32 to vector<16xf32>
        %gt3A_1022 = arith.cmpf ogt, %add3A_1019, %gt3A_1021 : vector<16xf32>
        %jit3A_1023 = arith.constant 1.000000e+00 : f32
        %jit3A_1024 = arith.constant 0.000000e+00 : f32
        %broadcast_in_dim3A_1025 = vector.broadcast %jit3A_1023 : f32 to vector<16xf32>
        %broadcast_in_dim3A_1026 = vector.broadcast %jit3A_1024 : f32 to vector<16xf32>
        %select_n3A_1027 = arith.select %gt3A_1022, %broadcast_in_dim3A_1025, %broadcast_in_dim3A_1026 : vector<16xi1>, vector<16xf32>
        %mul3A_1028 = arith.constant 5 : i32
        %mul3A_1029 = arith.muli %mul3A_1028, %scan3A_253 : i32
        %add3A_1030 = arith.constant 1 : i32
        %add3A_1031 = arith.addi %mul3A_1029, %add3A_1030 : i32
        %get3A_1032 = arith.index_cast %add3A_1031 : i32 to index
        %get3A_1033 = arith.constant 48 : index
        %get3A_1034 = tpu.vector_load %arg13[%get3A_1032, %get3A_1033] {strides = array<i32>} : memref<40x256xf32, #tpu.memory_space<vmem>>, vector<1x16xf32>,
        %get3A_1035 = vector.shape_cast %get3A_1034 : vector<1x16xf32> to vector<16xf32>
        %mul3A_1036 = arith.constant 10 : i32
        %mul3A_1037 = arith.muli %mul3A_1036, %scan3A_253 : i32
        %add3A_1038 = arith.constant 2 : i32
        %add3A_1039 = arith.addi %mul3A_1037, %add3A_1038 : i32
        %get3A_1040 = arith.index_cast %add3A_1039 : i32 to index
        %get3A_1041 = arith.constant 48 : index
        %get3A_1042 = tpu.vector_load %arg15[%get3A_1040, %get3A_1041] {strides = array<i32>} : memref<80x128xf32, #tpu.memory_space<vmem>>, vector<1x16xf32>,
        %get3A_1043 = vector.shape_cast %get3A_1042 : vector<1x16xf32> to vector<16xf32>
        %mul3A_1044 = arith.constant 10 : i32
        %mul3A_1045 = arith.muli %mul3A_1044, %scan3A_253 : i32
        %add3A_1046 = arith.constant 2 : i32
        %add3A_1047 = arith.addi %mul3A_1045, %add3A_1046 : i32
        %add3A_1048 = arith.constant 1 : i32
        %add3A_1049 = arith.addi %add3A_1047, %add3A_1048 : i32
        %get3A_1050 = arith.index_cast %add3A_1049 : i32 to index
        %get3A_1051 = arith.constant 48 : index
        %get3A_1052 = tpu.vector_load %arg15[%get3A_1050, %get3A_1051] {strides = array<i32>} : memref<80x128xf32, #tpu.memory_space<vmem>>, vector<1x16xf32>,
        %get3A_1053 = vector.shape_cast %get3A_1052 : vector<1x16xf32> to vector<16xf32>
        %add3A_1054 = arith.addf %get3A_791, %get3A_801 : vector<16xf32>
        %add3A_1055 = arith.addf %get3A_783, %add3A_1054 : vector<16xf32>
        %gt3A_1056 = arith.constant 1.000000e+00 : f32
        %gt3A_1057 = vector.broadcast %gt3A_1056 : f32 to vector<16xf32>
        %gt3A_1058 = arith.cmpf ogt, %add3A_1055, %gt3A_1057 : vector<16xf32>
        %jit3A_1059 = arith.constant 1.000000e+00 : f32
        %jit3A_1060 = arith.constant 0.000000e+00 : f32
        %broadcast_in_dim3A_1061 = vector.broadcast %jit3A_1059 : f32 to vector<16xf32>
        %broadcast_in_dim3A_1062 = vector.broadcast %jit3A_1060 : f32 to vector<16xf32>
        %select_n3A_1063 = arith.select %gt3A_1058, %broadcast_in_dim3A_1061, %broadcast_in_dim3A_1062 : vector<16xi1>, vector<16xf32>
        %mul3A_1064 = arith.constant 5 : i32
        %mul3A_1065 = arith.muli %mul3A_1064, %scan3A_253 : i32
        %add3A_1066 = arith.constant 2 : i32
        %add3A_1067 = arith.addi %mul3A_1065, %add3A_1066 : i32
        %get3A_1068 = arith.index_cast %add3A_1067 : i32 to index
        %get3A_1069 = arith.constant 48 : index
        %get3A_1070 = tpu.vector_load %arg13[%get3A_1068, %get3A_1069] {strides = array<i32>} : memref<40x256xf32, #tpu.memory_space<vmem>>, vector<1x16xf32>,
        %get3A_1071 = vector.shape_cast %get3A_1070 : vector<1x16xf32> to vector<16xf32>
        %mul3A_1072 = arith.constant 10 : i32
        %mul3A_1073 = arith.muli %mul3A_1072, %scan3A_253 : i32
        %add3A_1074 = arith.constant 4 : i32
        %add3A_1075 = arith.addi %mul3A_1073, %add3A_1074 : i32
        %get3A_1076 = arith.index_cast %add3A_1075 : i32 to index
        %get3A_1077 = arith.constant 48 : index
        %get3A_1078 = tpu.vector_load %arg15[%get3A_1076, %get3A_1077] {strides = array<i32>} : memref<80x128xf32, #tpu.memory_space<vmem>>, vector<1x16xf32>,
        %get3A_1079 = vector.shape_cast %get3A_1078 : vector<1x16xf32> to vector<16xf32>
        %mul3A_1080 = arith.constant 10 : i32
        %mul3A_1081 = arith.muli %mul3A_1080, %scan3A_253 : i32
        %add3A_1082 = arith.constant 4 : i32
        %add3A_1083 = arith.addi %mul3A_1081, %add3A_1082 : i32
        %add3A_1084 = arith.constant 1 : i32
        %add3A_1085 = arith.addi %add3A_1083, %add3A_1084 : i32
        %get3A_1086 = arith.index_cast %add3A_1085 : i32 to index
        %get3A_1087 = arith.constant 48 : index
        %get3A_1088 = tpu.vector_load %arg15[%get3A_1086, %get3A_1087] {strides = array<i32>} : memref<80x128xf32, #tpu.memory_space<vmem>>, vector<1x16xf32>,
        %get3A_1089 = vector.shape_cast %get3A_1088 : vector<1x16xf32> to vector<16xf32>
        %add3A_1090 = arith.addf %get3A_827, %get3A_837 : vector<16xf32>
        %add3A_1091 = arith.addf %get3A_819, %add3A_1090 : vector<16xf32>
        %gt3A_1092 = arith.constant 1.000000e+00 : f32
        %gt3A_1093 = vector.broadcast %gt3A_1092 : f32 to vector<16xf32>
        %gt3A_1094 = arith.cmpf ogt, %add3A_1091, %gt3A_1093 : vector<16xf32>
        %jit3A_1095 = arith.constant 1.000000e+00 : f32
        %jit3A_1096 = arith.constant 0.000000e+00 : f32
        %broadcast_in_dim3A_1097 = vector.broadcast %jit3A_1095 : f32 to vector<16xf32>
        %broadcast_in_dim3A_1098 = vector.broadcast %jit3A_1096 : f32 to vector<16xf32>
        %select_n3A_1099 = arith.select %gt3A_1094, %broadcast_in_dim3A_1097, %broadcast_in_dim3A_1098 : vector<16xi1>, vector<16xf32>
        %mul3A_1100 = arith.constant 5 : i32
        %mul3A_1101 = arith.muli %mul3A_1100, %scan3A_253 : i32
        %add3A_1102 = arith.constant 3 : i32
        %add3A_1103 = arith.addi %mul3A_1101, %add3A_1102 : i32
        %get3A_1104 = arith.index_cast %add3A_1103 : i32 to index
        %get3A_1105 = arith.constant 48 : index
        %get3A_1106 = tpu.vector_load %arg13[%get3A_1104, %get3A_1105] {strides = array<i32>} : memref<40x256xf32, #tpu.memory_space<vmem>>, vector<1x16xf32>,
        %get3A_1107 = vector.shape_cast %get3A_1106 : vector<1x16xf32> to vector<16xf32>
        %mul3A_1108 = arith.constant 10 : i32
        %mul3A_1109 = arith.muli %mul3A_1108, %scan3A_253 : i32
        %add3A_1110 = arith.constant 6 : i32
        %add3A_1111 = arith.addi %mul3A_1109, %add3A_1110 : i32
        %get3A_1112 = arith.index_cast %add3A_1111 : i32 to index
        %get3A_1113 = arith.constant 48 : index
        %get3A_1114 = tpu.vector_load %arg15[%get3A_1112, %get3A_1113] {strides = array<i32>} : memref<80x128xf32, #tpu.memory_space<vmem>>, vector<1x16xf32>,
        %get3A_1115 = vector.shape_cast %get3A_1114 : vector<1x16xf32> to vector<16xf32>
        %mul3A_1116 = arith.constant 10 : i32
        %mul3A_1117 = arith.muli %mul3A_1116, %scan3A_253 : i32
        %add3A_1118 = arith.constant 6 : i32
        %add3A_1119 = arith.addi %mul3A_1117, %add3A_1118 : i32
        %add3A_1120 = arith.constant 1 : i32
        %add3A_1121 = arith.addi %add3A_1119, %add3A_1120 : i32
        %get3A_1122 = arith.index_cast %add3A_1121 : i32 to index
        %get3A_1123 = arith.constant 48 : index
        %get3A_1124 = tpu.vector_load %arg15[%get3A_1122, %get3A_1123] {strides = array<i32>} : memref<80x128xf32, #tpu.memory_space<vmem>>, vector<1x16xf32>,
        %get3A_1125 = vector.shape_cast %get3A_1124 : vector<1x16xf32> to vector<16xf32>
        %add3A_1126 = arith.addf %get3A_863, %get3A_873 : vector<16xf32>
        %add3A_1127 = arith.addf %get3A_855, %add3A_1126 : vector<16xf32>
        %gt3A_1128 = arith.constant 1.000000e+00 : f32
        %gt3A_1129 = vector.broadcast %gt3A_1128 : f32 to vector<16xf32>
        %gt3A_1130 = arith.cmpf ogt, %add3A_1127, %gt3A_1129 : vector<16xf32>
        %jit3A_1131 = arith.constant 1.000000e+00 : f32
        %jit3A_1132 = arith.constant 0.000000e+00 : f32
        %broadcast_in_dim3A_1133 = vector.broadcast %jit3A_1131 : f32 to vector<16xf32>
        %broadcast_in_dim3A_1134 = vector.broadcast %jit3A_1132 : f32 to vector<16xf32>
        %select_n3A_1135 = arith.select %gt3A_1130, %broadcast_in_dim3A_1133, %broadcast_in_dim3A_1134 : vector<16xi1>, vector<16xf32>
        %mul3A_1136 = arith.constant 5 : i32
        %mul3A_1137 = arith.muli %mul3A_1136, %scan3A_253 : i32
        %add3A_1138 = arith.constant 4 : i32
        %add3A_1139 = arith.addi %mul3A_1137, %add3A_1138 : i32
        %get3A_1140 = arith.index_cast %add3A_1139 : i32 to index
        %get3A_1141 = arith.constant 48 : index
        %get3A_1142 = tpu.vector_load %arg13[%get3A_1140, %get3A_1141] {strides = array<i32>} : memref<40x256xf32, #tpu.memory_space<vmem>>, vector<1x16xf32>,
        %get3A_1143 = vector.shape_cast %get3A_1142 : vector<1x16xf32> to vector<16xf32>
        %mul3A_1144 = arith.constant 10 : i32
        %mul3A_1145 = arith.muli %mul3A_1144, %scan3A_253 : i32
        %add3A_1146 = arith.constant 8 : i32
        %add3A_1147 = arith.addi %mul3A_1145, %add3A_1146 : i32
        %get3A_1148 = arith.index_cast %add3A_1147 : i32 to index
        %get3A_1149 = arith.constant 48 : index
        %get3A_1150 = tpu.vector_load %arg15[%get3A_1148, %get3A_1149] {strides = array<i32>} : memref<80x128xf32, #tpu.memory_space<vmem>>, vector<1x16xf32>,
        %get3A_1151 = vector.shape_cast %get3A_1150 : vector<1x16xf32> to vector<16xf32>
        %mul3A_1152 = arith.constant 10 : i32
        %mul3A_1153 = arith.muli %mul3A_1152, %scan3A_253 : i32
        %add3A_1154 = arith.constant 8 : i32
        %add3A_1155 = arith.addi %mul3A_1153, %add3A_1154 : i32
        %add3A_1156 = arith.constant 1 : i32
        %add3A_1157 = arith.addi %add3A_1155, %add3A_1156 : i32
        %get3A_1158 = arith.index_cast %add3A_1157 : i32 to index
        %get3A_1159 = arith.constant 48 : index
        %get3A_1160 = tpu.vector_load %arg15[%get3A_1158, %get3A_1159] {strides = array<i32>} : memref<80x128xf32, #tpu.memory_space<vmem>>, vector<1x16xf32>,
        %get3A_1161 = vector.shape_cast %get3A_1160 : vector<1x16xf32> to vector<16xf32>
        %add3A_1162 = arith.addf %get3A_899, %get3A_909 : vector<16xf32>
        %add3A_1163 = arith.addf %get3A_891, %add3A_1162 : vector<16xf32>
        %gt3A_1164 = arith.constant 1.000000e+00 : f32
        %gt3A_1165 = vector.broadcast %gt3A_1164 : f32 to vector<16xf32>
        %gt3A_1166 = arith.cmpf ogt, %add3A_1163, %gt3A_1165 : vector<16xf32>
        %jit3A_1167 = arith.constant 1.000000e+00 : f32
        %jit3A_1168 = arith.constant 0.000000e+00 : f32
        %broadcast_in_dim3A_1169 = vector.broadcast %jit3A_1167 : f32 to vector<16xf32>
        %broadcast_in_dim3A_1170 = vector.broadcast %jit3A_1168 : f32 to vector<16xf32>
        %select_n3A_1171 = arith.select %gt3A_1166, %broadcast_in_dim3A_1169, %broadcast_in_dim3A_1170 : vector<16xi1>, vector<16xf32>
        %add3A_1172 = arith.addf %select_n3A_1027, %select_n3A_1063 : vector<16xf32>
        %add3A_1173 = arith.addf %select_n3A_1099, %select_n3A_1135 : vector<16xf32>
        %add3A_1174 = arith.addf %add3A_1172, %add3A_1173 : vector<16xf32>
        %add3A_1175 = arith.addf %add3A_1174, %select_n3A_1171 : vector<16xf32>
        %swap3A_1176 = arith.index_cast %add3A_254 : i32 to index
        %swap3A_1177 = arith.constant 160 : index
        %swap3A_1178 = tpu.vector_load %arg17[%swap3A_1176, %swap3A_1177] {strides = array<i32>} : memref<128x256xf32, #tpu.memory_space<vmem>>, vector<1x16xf32>,
        %swap3A_1179 = vector.shape_cast %swap3A_1178 : vector<1x16xf32> to vector<16xf32>
        %swap3A_1180 = vector.shape_cast %add3A_1175 : vector<16xf32> to vector<1x16xf32>
        tpu.vector_store %arg17[%swap3A_1176, %swap3A_1177], %swap3A_1180 {strides = array<i32>} : memref<128x256xf32, #tpu.memory_space<vmem>>, vector<1x16xf32>,
        %mul3A_1181 = arith.constant 5 : i32
        %mul3A_1182 = arith.muli %mul3A_1181, %scan3A_253 : i32
        %add3A_1183 = arith.constant 0 : i32
        %add3A_1184 = arith.addi %mul3A_1182, %add3A_1183 : i32
        %get3A_1185 = arith.index_cast %add3A_1184 : i32 to index
        %get3A_1186 = arith.constant 192 : index
        %get3A_1187 = tpu.vector_load %arg13[%get3A_1185, %get3A_1186] {strides = array<i32>} : memref<40x256xf32, #tpu.memory_space<vmem>>, vector<1x16xf32>,
        %get3A_1188 = vector.shape_cast %get3A_1187 : vector<1x16xf32> to vector<16xf32>
        %mul3A_1189 = arith.constant 5 : i32
        %mul3A_1190 = arith.muli %mul3A_1189, %scan3A_253 : i32
        %add3A_1191 = arith.constant 1 : i32
        %add3A_1192 = arith.addi %mul3A_1190, %add3A_1191 : i32
        %get3A_1193 = arith.index_cast %add3A_1192 : i32 to index
        %get3A_1194 = arith.constant 192 : index
        %get3A_1195 = tpu.vector_load %arg13[%get3A_1193, %get3A_1194] {strides = array<i32>} : memref<40x256xf32, #tpu.memory_space<vmem>>, vector<1x16xf32>,
        %get3A_1196 = vector.shape_cast %get3A_1195 : vector<1x16xf32> to vector<16xf32>
        %mul3A_1197 = arith.constant 5 : i32
        %mul3A_1198 = arith.muli %mul3A_1197, %scan3A_253 : i32
        %add3A_1199 = arith.constant 2 : i32
        %add3A_1200 = arith.addi %mul3A_1198, %add3A_1199 : i32
        %get3A_1201 = arith.index_cast %add3A_1200 : i32 to index
        %get3A_1202 = arith.constant 192 : index
        %get3A_1203 = tpu.vector_load %arg13[%get3A_1201, %get3A_1202] {strides = array<i32>} : memref<40x256xf32, #tpu.memory_space<vmem>>, vector<1x16xf32>,
        %get3A_1204 = vector.shape_cast %get3A_1203 : vector<1x16xf32> to vector<16xf32>
        %mul3A_1205 = arith.constant 5 : i32
        %mul3A_1206 = arith.muli %mul3A_1205, %scan3A_253 : i32
        %add3A_1207 = arith.constant 3 : i32
        %add3A_1208 = arith.addi %mul3A_1206, %add3A_1207 : i32
        %get3A_1209 = arith.index_cast %add3A_1208 : i32 to index
        %get3A_1210 = arith.constant 192 : index
        %get3A_1211 = tpu.vector_load %arg13[%get3A_1209, %get3A_1210] {strides = array<i32>} : memref<40x256xf32, #tpu.memory_space<vmem>>, vector<1x16xf32>,
        %get3A_1212 = vector.shape_cast %get3A_1211 : vector<1x16xf32> to vector<16xf32>
        %mul3A_1213 = arith.constant 5 : i32
        %mul3A_1214 = arith.muli %mul3A_1213, %scan3A_253 : i32
        %add3A_1215 = arith.constant 4 : i32
        %add3A_1216 = arith.addi %mul3A_1214, %add3A_1215 : i32
        %get3A_1217 = arith.index_cast %add3A_1216 : i32 to index
        %get3A_1218 = arith.constant 192 : index
        %get3A_1219 = tpu.vector_load %arg13[%get3A_1217, %get3A_1218] {strides = array<i32>} : memref<40x256xf32, #tpu.memory_space<vmem>>, vector<1x16xf32>,
        %get3A_1220 = vector.shape_cast %get3A_1219 : vector<1x16xf32> to vector<16xf32>
        %add3A_1221 = arith.addi %mul3A_220, %scan3A_253 : i32
        %get3A_1222 = arith.index_cast %add3A_1221 : i32 to index
        %get3A_1223 = arith.constant 64 : index
        %get3A_1224 = tpu.vector_load %arg12[%get3A_1222, %get3A_1223] {strides = array<i32>} : memref<128x128xf32, #tpu.memory_space<vmem>>, vector<1x16xf32>,
        %get3A_1225 = vector.shape_cast %get3A_1224 : vector<1x16xf32> to vector<16xf32>
        %add3A_1226 = arith.addf %get3A_936, %get3A_944 : vector<16xf32>
        %add3A_1227 = arith.addf %get3A_952, %get3A_960 : vector<16xf32>
        %add3A_1228 = arith.addf %add3A_1226, %add3A_1227 : vector<16xf32>
        %add3A_1229 = arith.addf %get3A_968, %get3A_973 : vector<16xf32>
        %add3A_1230 = arith.addf %add3A_1228, %add3A_1229 : vector<16xf32>
        %gt3A_1231 = arith.constant 1.000000e+00 : f32
        %gt3A_1232 = vector.broadcast %gt3A_1231 : f32 to vector<16xf32>
        %gt3A_1233 = arith.cmpf ogt, %add3A_1230, %gt3A_1232 : vector<16xf32>
        %jit3A_1234 = arith.constant 1.000000e+00 : f32
        %jit3A_1235 = arith.constant 0.000000e+00 : f32
        %broadcast_in_dim3A_1236 = vector.broadcast %jit3A_1234 : f32 to vector<16xf32>
        %broadcast_in_dim3A_1237 = vector.broadcast %jit3A_1235 : f32 to vector<16xf32>
        %select_n3A_1238 = arith.select %gt3A_1233, %broadcast_in_dim3A_1236, %broadcast_in_dim3A_1237 : vector<16xi1>, vector<16xf32>
        %swap3A_1239 = arith.index_cast %add3A_254 : i32 to index
        %swap3A_1240 = arith.constant 48 : index
        %swap3A_1241 = tpu.vector_load %arg17[%swap3A_1239, %swap3A_1240] {strides = array<i32>} : memref<128x256xf32, #tpu.memory_space<vmem>>, vector<1x16xf32>,
        %swap3A_1242 = vector.shape_cast %swap3A_1241 : vector<1x16xf32> to vector<16xf32>
        %swap3A_1243 = vector.shape_cast %select_n3A_1238 : vector<16xf32> to vector<1x16xf32>
        tpu.vector_store %arg17[%swap3A_1239, %swap3A_1240], %swap3A_1243 {strides = array<i32>} : memref<128x256xf32, #tpu.memory_space<vmem>>, vector<1x16xf32>,
        %mul3A_1244 = arith.constant 5 : i32
        %mul3A_1245 = arith.muli %mul3A_1244, %scan3A_253 : i32
        %add3A_1246 = arith.constant 0 : i32
        %add3A_1247 = arith.addi %mul3A_1245, %add3A_1246 : i32
        %get3A_1248 = arith.index_cast %add3A_1247 : i32 to index
        %get3A_1249 = arith.constant 64 : index
        %get3A_1250 = tpu.vector_load %arg13[%get3A_1248, %get3A_1249] {strides = array<i32>} : memref<40x256xf32, #tpu.memory_space<vmem>>, vector<1x16xf32>,
        %get3A_1251 = vector.shape_cast %get3A_1250 : vector<1x16xf32> to vector<16xf32>
        %mul3A_1252 = arith.constant 10 : i32
        %mul3A_1253 = arith.muli %mul3A_1252, %scan3A_253 : i32
        %add3A_1254 = arith.constant 0 : i32
        %add3A_1255 = arith.addi %mul3A_1253, %add3A_1254 : i32
        %get3A_1256 = arith.index_cast %add3A_1255 : i32 to index
        %get3A_1257 = arith.constant 64 : index
        %get3A_1258 = tpu.vector_load %arg15[%get3A_1256, %get3A_1257] {strides = array<i32>} : memref<80x128xf32, #tpu.memory_space<vmem>>, vector<1x16xf32>,
        %get3A_1259 = vector.shape_cast %get3A_1258 : vector<1x16xf32> to vector<16xf32>
        %mul3A_1260 = arith.constant 10 : i32
        %mul3A_1261 = arith.muli %mul3A_1260, %scan3A_253 : i32
        %add3A_1262 = arith.constant 0 : i32
        %add3A_1263 = arith.addi %mul3A_1261, %add3A_1262 : i32
        %add3A_1264 = arith.constant 1 : i32
        %add3A_1265 = arith.addi %add3A_1263, %add3A_1264 : i32
        %get3A_1266 = arith.index_cast %add3A_1265 : i32 to index
        %get3A_1267 = arith.constant 64 : index
        %get3A_1268 = tpu.vector_load %arg15[%get3A_1266, %get3A_1267] {strides = array<i32>} : memref<80x128xf32, #tpu.memory_space<vmem>>, vector<1x16xf32>,
        %get3A_1269 = vector.shape_cast %get3A_1268 : vector<1x16xf32> to vector<16xf32>
        %add3A_1270 = arith.addf %get3A_1007, %get3A_1017 : vector<16xf32>
        %add3A_1271 = arith.addf %get3A_999, %add3A_1270 : vector<16xf32>
        %gt3A_1272 = arith.constant 1.000000e+00 : f32
        %gt3A_1273 = vector.broadcast %gt3A_1272 : f32 to vector<16xf32>
        %gt3A_1274 = arith.cmpf ogt, %add3A_1271, %gt3A_1273 : vector<16xf32>
        %jit3A_1275 = arith.constant 1.000000e+00 : f32
        %jit3A_1276 = arith.constant 0.000000e+00 : f32
        %broadcast_in_dim3A_1277 = vector.broadcast %jit3A_1275 : f32 to vector<16xf32>
        %broadcast_in_dim3A_1278 = vector.broadcast %jit3A_1276 : f32 to vector<16xf32>
        %select_n3A_1279 = arith.select %gt3A_1274, %broadcast_in_dim3A_1277, %broadcast_in_dim3A_1278 : vector<16xi1>, vector<16xf32>
        %mul3A_1280 = arith.constant 5 : i32
        %mul3A_1281 = arith.muli %mul3A_1280, %scan3A_253 : i32
        %add3A_1282 = arith.constant 1 : i32
        %add3A_1283 = arith.addi %mul3A_1281, %add3A_1282 : i32
        %get3A_1284 = arith.index_cast %add3A_1283 : i32 to index
        %get3A_1285 = arith.constant 64 : index
        %get3A_1286 = tpu.vector_load %arg13[%get3A_1284, %get3A_1285] {strides = array<i32>} : memref<40x256xf32, #tpu.memory_space<vmem>>, vector<1x16xf32>,
        %get3A_1287 = vector.shape_cast %get3A_1286 : vector<1x16xf32> to vector<16xf32>
        %mul3A_1288 = arith.constant 10 : i32
        %mul3A_1289 = arith.muli %mul3A_1288, %scan3A_253 : i32
        %add3A_1290 = arith.constant 2 : i32
        %add3A_1291 = arith.addi %mul3A_1289, %add3A_1290 : i32
        %get3A_1292 = arith.index_cast %add3A_1291 : i32 to index
        %get3A_1293 = arith.constant 64 : index
        %get3A_1294 = tpu.vector_load %arg15[%get3A_1292, %get3A_1293] {strides = array<i32>} : memref<80x128xf32, #tpu.memory_space<vmem>>, vector<1x16xf32>,
        %get3A_1295 = vector.shape_cast %get3A_1294 : vector<1x16xf32> to vector<16xf32>
        %mul3A_1296 = arith.constant 10 : i32
        %mul3A_1297 = arith.muli %mul3A_1296, %scan3A_253 : i32
        %add3A_1298 = arith.constant 2 : i32
        %add3A_1299 = arith.addi %mul3A_1297, %add3A_1298 : i32
        %add3A_1300 = arith.constant 1 : i32
        %add3A_1301 = arith.addi %add3A_1299, %add3A_1300 : i32
        %get3A_1302 = arith.index_cast %add3A_1301 : i32 to index
        %get3A_1303 = arith.constant 64 : index
        %get3A_1304 = tpu.vector_load %arg15[%get3A_1302, %get3A_1303] {strides = array<i32>} : memref<80x128xf32, #tpu.memory_space<vmem>>, vector<1x16xf32>,
        %get3A_1305 = vector.shape_cast %get3A_1304 : vector<1x16xf32> to vector<16xf32>
        %add3A_1306 = arith.addf %get3A_1043, %get3A_1053 : vector<16xf32>
        %add3A_1307 = arith.addf %get3A_1035, %add3A_1306 : vector<16xf32>
        %gt3A_1308 = arith.constant 1.000000e+00 : f32
        %gt3A_1309 = vector.broadcast %gt3A_1308 : f32 to vector<16xf32>
        %gt3A_1310 = arith.cmpf ogt, %add3A_1307, %gt3A_1309 : vector<16xf32>
        %jit3A_1311 = arith.constant 1.000000e+00 : f32
        %jit3A_1312 = arith.constant 0.000000e+00 : f32
        %broadcast_in_dim3A_1313 = vector.broadcast %jit3A_1311 : f32 to vector<16xf32>
        %broadcast_in_dim3A_1314 = vector.broadcast %jit3A_1312 : f32 to vector<16xf32>
        %select_n3A_1315 = arith.select %gt3A_1310, %broadcast_in_dim3A_1313, %broadcast_in_dim3A_1314 : vector<16xi1>, vector<16xf32>
        %mul3A_1316 = arith.constant 5 : i32
        %mul3A_1317 = arith.muli %mul3A_1316, %scan3A_253 : i32
        %add3A_1318 = arith.constant 2 : i32
        %add3A_1319 = arith.addi %mul3A_1317, %add3A_1318 : i32
        %get3A_1320 = arith.index_cast %add3A_1319 : i32 to index
        %get3A_1321 = arith.constant 64 : index
        %get3A_1322 = tpu.vector_load %arg13[%get3A_1320, %get3A_1321] {strides = array<i32>} : memref<40x256xf32, #tpu.memory_space<vmem>>, vector<1x16xf32>,
        %get3A_1323 = vector.shape_cast %get3A_1322 : vector<1x16xf32> to vector<16xf32>
        %mul3A_1324 = arith.constant 10 : i32
        %mul3A_1325 = arith.muli %mul3A_1324, %scan3A_253 : i32
        %add3A_1326 = arith.constant 4 : i32
        %add3A_1327 = arith.addi %mul3A_1325, %add3A_1326 : i32
        %get3A_1328 = arith.index_cast %add3A_1327 : i32 to index
        %get3A_1329 = arith.constant 64 : index
        %get3A_1330 = tpu.vector_load %arg15[%get3A_1328, %get3A_1329] {strides = array<i32>} : memref<80x128xf32, #tpu.memory_space<vmem>>, vector<1x16xf32>,
        %get3A_1331 = vector.shape_cast %get3A_1330 : vector<1x16xf32> to vector<16xf32>
        %mul3A_1332 = arith.constant 10 : i32
        %mul3A_1333 = arith.muli %mul3A_1332, %scan3A_253 : i32
        %add3A_1334 = arith.constant 4 : i32
        %add3A_1335 = arith.addi %mul3A_1333, %add3A_1334 : i32
        %add3A_1336 = arith.constant 1 : i32
        %add3A_1337 = arith.addi %add3A_1335, %add3A_1336 : i32
        %get3A_1338 = arith.index_cast %add3A_1337 : i32 to index
        %get3A_1339 = arith.constant 64 : index
        %get3A_1340 = tpu.vector_load %arg15[%get3A_1338, %get3A_1339] {strides = array<i32>} : memref<80x128xf32, #tpu.memory_space<vmem>>, vector<1x16xf32>,
        %get3A_1341 = vector.shape_cast %get3A_1340 : vector<1x16xf32> to vector<16xf32>
        %add3A_1342 = arith.addf %get3A_1079, %get3A_1089 : vector<16xf32>
        %add3A_1343 = arith.addf %get3A_1071, %add3A_1342 : vector<16xf32>
        %gt3A_1344 = arith.constant 1.000000e+00 : f32
        %gt3A_1345 = vector.broadcast %gt3A_1344 : f32 to vector<16xf32>
        %gt3A_1346 = arith.cmpf ogt, %add3A_1343, %gt3A_1345 : vector<16xf32>
        %jit3A_1347 = arith.constant 1.000000e+00 : f32
        %jit3A_1348 = arith.constant 0.000000e+00 : f32
        %broadcast_in_dim3A_1349 = vector.broadcast %jit3A_1347 : f32 to vector<16xf32>
        %broadcast_in_dim3A_1350 = vector.broadcast %jit3A_1348 : f32 to vector<16xf32>
        %select_n3A_1351 = arith.select %gt3A_1346, %broadcast_in_dim3A_1349, %broadcast_in_dim3A_1350 : vector<16xi1>, vector<16xf32>
        %mul3A_1352 = arith.constant 5 : i32
        %mul3A_1353 = arith.muli %mul3A_1352, %scan3A_253 : i32
        %add3A_1354 = arith.constant 3 : i32
        %add3A_1355 = arith.addi %mul3A_1353, %add3A_1354 : i32
        %get3A_1356 = arith.index_cast %add3A_1355 : i32 to index
        %get3A_1357 = arith.constant 64 : index
        %get3A_1358 = tpu.vector_load %arg13[%get3A_1356, %get3A_1357] {strides = array<i32>} : memref<40x256xf32, #tpu.memory_space<vmem>>, vector<1x16xf32>,
        %get3A_1359 = vector.shape_cast %get3A_1358 : vector<1x16xf32> to vector<16xf32>
        %mul3A_1360 = arith.constant 10 : i32
        %mul3A_1361 = arith.muli %mul3A_1360, %scan3A_253 : i32
        %add3A_1362 = arith.constant 6 : i32
        %add3A_1363 = arith.addi %mul3A_1361, %add3A_1362 : i32
        %get3A_1364 = arith.index_cast %add3A_1363 : i32 to index
        %get3A_1365 = arith.constant 64 : index
        %get3A_1366 = tpu.vector_load %arg15[%get3A_1364, %get3A_1365] {strides = array<i32>} : memref<80x128xf32, #tpu.memory_space<vmem>>, vector<1x16xf32>,
        %get3A_1367 = vector.shape_cast %get3A_1366 : vector<1x16xf32> to vector<16xf32>
        %mul3A_1368 = arith.constant 10 : i32
        %mul3A_1369 = arith.muli %mul3A_1368, %scan3A_253 : i32
        %add3A_1370 = arith.constant 6 : i32
        %add3A_1371 = arith.addi %mul3A_1369, %add3A_1370 : i32
        %add3A_1372 = arith.constant 1 : i32
        %add3A_1373 = arith.addi %add3A_1371, %add3A_1372 : i32
        %get3A_1374 = arith.index_cast %add3A_1373 : i32 to index
        %get3A_1375 = arith.constant 64 : index
        %get3A_1376 = tpu.vector_load %arg15[%get3A_1374, %get3A_1375] {strides = array<i32>} : memref<80x128xf32, #tpu.memory_space<vmem>>, vector<1x16xf32>,
        %get3A_1377 = vector.shape_cast %get3A_1376 : vector<1x16xf32> to vector<16xf32>
        %add3A_1378 = arith.addf %get3A_1115, %get3A_1125 : vector<16xf32>
        %add3A_1379 = arith.addf %get3A_1107, %add3A_1378 : vector<16xf32>
        %gt3A_1380 = arith.constant 1.000000e+00 : f32
        %gt3A_1381 = vector.broadcast %gt3A_1380 : f32 to vector<16xf32>
        %gt3A_1382 = arith.cmpf ogt, %add3A_1379, %gt3A_1381 : vector<16xf32>
        %jit3A_1383 = arith.constant 1.000000e+00 : f32
        %jit3A_1384 = arith.constant 0.000000e+00 : f32
        %broadcast_in_dim3A_1385 = vector.broadcast %jit3A_1383 : f32 to vector<16xf32>
        %broadcast_in_dim3A_1386 = vector.broadcast %jit3A_1384 : f32 to vector<16xf32>
        %select_n3A_1387 = arith.select %gt3A_1382, %broadcast_in_dim3A_1385, %broadcast_in_dim3A_1386 : vector<16xi1>, vector<16xf32>
        %mul3A_1388 = arith.constant 5 : i32
        %mul3A_1389 = arith.muli %mul3A_1388, %scan3A_253 : i32
        %add3A_1390 = arith.constant 4 : i32
        %add3A_1391 = arith.addi %mul3A_1389, %add3A_1390 : i32
        %get3A_1392 = arith.index_cast %add3A_1391 : i32 to index
        %get3A_1393 = arith.constant 64 : index
        %get3A_1394 = tpu.vector_load %arg13[%get3A_1392, %get3A_1393] {strides = array<i32>} : memref<40x256xf32, #tpu.memory_space<vmem>>, vector<1x16xf32>,
        %get3A_1395 = vector.shape_cast %get3A_1394 : vector<1x16xf32> to vector<16xf32>
        %mul3A_1396 = arith.constant 10 : i32
        %mul3A_1397 = arith.muli %mul3A_1396, %scan3A_253 : i32
        %add3A_1398 = arith.constant 8 : i32
        %add3A_1399 = arith.addi %mul3A_1397, %add3A_1398 : i32
        %get3A_1400 = arith.index_cast %add3A_1399 : i32 to index
        %get3A_1401 = arith.constant 64 : index
        %get3A_1402 = tpu.vector_load %arg15[%get3A_1400, %get3A_1401] {strides = array<i32>} : memref<80x128xf32, #tpu.memory_space<vmem>>, vector<1x16xf32>,
        %get3A_1403 = vector.shape_cast %get3A_1402 : vector<1x16xf32> to vector<16xf32>
        %mul3A_1404 = arith.constant 10 : i32
        %mul3A_1405 = arith.muli %mul3A_1404, %scan3A_253 : i32
        %add3A_1406 = arith.constant 8 : i32
        %add3A_1407 = arith.addi %mul3A_1405, %add3A_1406 : i32
        %add3A_1408 = arith.constant 1 : i32
        %add3A_1409 = arith.addi %add3A_1407, %add3A_1408 : i32
        %get3A_1410 = arith.index_cast %add3A_1409 : i32 to index
        %get3A_1411 = arith.constant 64 : index
        %get3A_1412 = tpu.vector_load %arg15[%get3A_1410, %get3A_1411] {strides = array<i32>} : memref<80x128xf32, #tpu.memory_space<vmem>>, vector<1x16xf32>,
        %get3A_1413 = vector.shape_cast %get3A_1412 : vector<1x16xf32> to vector<16xf32>
        %add3A_1414 = arith.addf %get3A_1151, %get3A_1161 : vector<16xf32>
        %add3A_1415 = arith.addf %get3A_1143, %add3A_1414 : vector<16xf32>
        %gt3A_1416 = arith.constant 1.000000e+00 : f32
        %gt3A_1417 = vector.broadcast %gt3A_1416 : f32 to vector<16xf32>
        %gt3A_1418 = arith.cmpf ogt, %add3A_1415, %gt3A_1417 : vector<16xf32>
        %jit3A_1419 = arith.constant 1.000000e+00 : f32
        %jit3A_1420 = arith.constant 0.000000e+00 : f32
        %broadcast_in_dim3A_1421 = vector.broadcast %jit3A_1419 : f32 to vector<16xf32>
        %broadcast_in_dim3A_1422 = vector.broadcast %jit3A_1420 : f32 to vector<16xf32>
        %select_n3A_1423 = arith.select %gt3A_1418, %broadcast_in_dim3A_1421, %broadcast_in_dim3A_1422 : vector<16xi1>, vector<16xf32>
        %add3A_1424 = arith.addf %select_n3A_1279, %select_n3A_1315 : vector<16xf32>
        %add3A_1425 = arith.addf %select_n3A_1351, %select_n3A_1387 : vector<16xf32>
        %add3A_1426 = arith.addf %add3A_1424, %add3A_1425 : vector<16xf32>
        %add3A_1427 = arith.addf %add3A_1426, %select_n3A_1423 : vector<16xf32>
        %swap3A_1428 = arith.index_cast %add3A_254 : i32 to index
        %swap3A_1429 = arith.constant 176 : index
        %swap3A_1430 = tpu.vector_load %arg17[%swap3A_1428, %swap3A_1429] {strides = array<i32>} : memref<128x256xf32, #tpu.memory_space<vmem>>, vector<1x16xf32>,
        %swap3A_1431 = vector.shape_cast %swap3A_1430 : vector<1x16xf32> to vector<16xf32>
        %swap3A_1432 = vector.shape_cast %add3A_1427 : vector<16xf32> to vector<1x16xf32>
        tpu.vector_store %arg17[%swap3A_1428, %swap3A_1429], %swap3A_1432 {strides = array<i32>} : memref<128x256xf32, #tpu.memory_space<vmem>>, vector<1x16xf32>,
        %mul3A_1433 = arith.constant 5 : i32
        %mul3A_1434 = arith.muli %mul3A_1433, %scan3A_253 : i32
        %add3A_1435 = arith.constant 0 : i32
        %add3A_1436 = arith.addi %mul3A_1434, %add3A_1435 : i32
        %get3A_1437 = arith.index_cast %add3A_1436 : i32 to index
        %get3A_1438 = arith.constant 208 : index
        %get3A_1439 = tpu.vector_load %arg13[%get3A_1437, %get3A_1438] {strides = array<i32>} : memref<40x256xf32, #tpu.memory_space<vmem>>, vector<1x16xf32>,
        %get3A_1440 = vector.shape_cast %get3A_1439 : vector<1x16xf32> to vector<16xf32>
        %mul3A_1441 = arith.constant 5 : i32
        %mul3A_1442 = arith.muli %mul3A_1441, %scan3A_253 : i32
        %add3A_1443 = arith.constant 1 : i32
        %add3A_1444 = arith.addi %mul3A_1442, %add3A_1443 : i32
        %get3A_1445 = arith.index_cast %add3A_1444 : i32 to index
        %get3A_1446 = arith.constant 208 : index
        %get3A_1447 = tpu.vector_load %arg13[%get3A_1445, %get3A_1446] {strides = array<i32>} : memref<40x256xf32, #tpu.memory_space<vmem>>, vector<1x16xf32>,
        %get3A_1448 = vector.shape_cast %get3A_1447 : vector<1x16xf32> to vector<16xf32>
        %mul3A_1449 = arith.constant 5 : i32
        %mul3A_1450 = arith.muli %mul3A_1449, %scan3A_253 : i32
        %add3A_1451 = arith.constant 2 : i32
        %add3A_1452 = arith.addi %mul3A_1450, %add3A_1451 : i32
        %get3A_1453 = arith.index_cast %add3A_1452 : i32 to index
        %get3A_1454 = arith.constant 208 : index
        %get3A_1455 = tpu.vector_load %arg13[%get3A_1453, %get3A_1454] {strides = array<i32>} : memref<40x256xf32, #tpu.memory_space<vmem>>, vector<1x16xf32>,
        %get3A_1456 = vector.shape_cast %get3A_1455 : vector<1x16xf32> to vector<16xf32>
        %mul3A_1457 = arith.constant 5 : i32
        %mul3A_1458 = arith.muli %mul3A_1457, %scan3A_253 : i32
        %add3A_1459 = arith.constant 3 : i32
        %add3A_1460 = arith.addi %mul3A_1458, %add3A_1459 : i32
        %get3A_1461 = arith.index_cast %add3A_1460 : i32 to index
        %get3A_1462 = arith.constant 208 : index
        %get3A_1463 = tpu.vector_load %arg13[%get3A_1461, %get3A_1462] {strides = array<i32>} : memref<40x256xf32, #tpu.memory_space<vmem>>, vector<1x16xf32>,
        %get3A_1464 = vector.shape_cast %get3A_1463 : vector<1x16xf32> to vector<16xf32>
        %mul3A_1465 = arith.constant 5 : i32
        %mul3A_1466 = arith.muli %mul3A_1465, %scan3A_253 : i32
        %add3A_1467 = arith.constant 4 : i32
        %add3A_1468 = arith.addi %mul3A_1466, %add3A_1467 : i32
        %get3A_1469 = arith.index_cast %add3A_1468 : i32 to index
        %get3A_1470 = arith.constant 208 : index
        %get3A_1471 = tpu.vector_load %arg13[%get3A_1469, %get3A_1470] {strides = array<i32>} : memref<40x256xf32, #tpu.memory_space<vmem>>, vector<1x16xf32>,
        %get3A_1472 = vector.shape_cast %get3A_1471 : vector<1x16xf32> to vector<16xf32>
        %add3A_1473 = arith.addi %mul3A_220, %scan3A_253 : i32
        %get3A_1474 = arith.index_cast %add3A_1473 : i32 to index
        %get3A_1475 = arith.constant 80 : index
        %get3A_1476 = tpu.vector_load %arg12[%get3A_1474, %get3A_1475] {strides = array<i32>} : memref<128x128xf32, #tpu.memory_space<vmem>>, vector<1x16xf32>,
        %get3A_1477 = vector.shape_cast %get3A_1476 : vector<1x16xf32> to vector<16xf32>
        %add3A_1478 = arith.addf %get3A_1188, %get3A_1196 : vector<16xf32>
        %add3A_1479 = arith.addf %get3A_1204, %get3A_1212 : vector<16xf32>
        %add3A_1480 = arith.addf %add3A_1478, %add3A_1479 : vector<16xf32>
        %add3A_1481 = arith.addf %get3A_1220, %get3A_1225 : vector<16xf32>
        %add3A_1482 = arith.addf %add3A_1480, %add3A_1481 : vector<16xf32>
        %gt3A_1483 = arith.constant 1.000000e+00 : f32
        %gt3A_1484 = vector.broadcast %gt3A_1483 : f32 to vector<16xf32>
        %gt3A_1485 = arith.cmpf ogt, %add3A_1482, %gt3A_1484 : vector<16xf32>
        %jit3A_1486 = arith.constant 1.000000e+00 : f32
        %jit3A_1487 = arith.constant 0.000000e+00 : f32
        %broadcast_in_dim3A_1488 = vector.broadcast %jit3A_1486 : f32 to vector<16xf32>
        %broadcast_in_dim3A_1489 = vector.broadcast %jit3A_1487 : f32 to vector<16xf32>
        %select_n3A_1490 = arith.select %gt3A_1485, %broadcast_in_dim3A_1488, %broadcast_in_dim3A_1489 : vector<16xi1>, vector<16xf32>
        %swap3A_1491 = arith.index_cast %add3A_254 : i32 to index
        %swap3A_1492 = arith.constant 64 : index
        %swap3A_1493 = tpu.vector_load %arg17[%swap3A_1491, %swap3A_1492] {strides = array<i32>} : memref<128x256xf32, #tpu.memory_space<vmem>>, vector<1x16xf32>,
        %swap3A_1494 = vector.shape_cast %swap3A_1493 : vector<1x16xf32> to vector<16xf32>
        %swap3A_1495 = vector.shape_cast %select_n3A_1490 : vector<16xf32> to vector<1x16xf32>
        tpu.vector_store %arg17[%swap3A_1491, %swap3A_1492], %swap3A_1495 {strides = array<i32>} : memref<128x256xf32, #tpu.memory_space<vmem>>, vector<1x16xf32>,
        %mul3A_1496 = arith.constant 5 : i32
        %mul3A_1497 = arith.muli %mul3A_1496, %scan3A_253 : i32
        %add3A_1498 = arith.constant 0 : i32
        %add3A_1499 = arith.addi %mul3A_1497, %add3A_1498 : i32
        %get3A_1500 = arith.index_cast %add3A_1499 : i32 to index
        %get3A_1501 = arith.constant 80 : index
        %get3A_1502 = tpu.vector_load %arg13[%get3A_1500, %get3A_1501] {strides = array<i32>} : memref<40x256xf32, #tpu.memory_space<vmem>>, vector<1x16xf32>,
        %get3A_1503 = vector.shape_cast %get3A_1502 : vector<1x16xf32> to vector<16xf32>
        %mul3A_1504 = arith.constant 10 : i32
        %mul3A_1505 = arith.muli %mul3A_1504, %scan3A_253 : i32
        %add3A_1506 = arith.constant 0 : i32
        %add3A_1507 = arith.addi %mul3A_1505, %add3A_1506 : i32
        %get3A_1508 = arith.index_cast %add3A_1507 : i32 to index
        %get3A_1509 = arith.constant 80 : index
        %get3A_1510 = tpu.vector_load %arg15[%get3A_1508, %get3A_1509] {strides = array<i32>} : memref<80x128xf32, #tpu.memory_space<vmem>>, vector<1x16xf32>,
        %get3A_1511 = vector.shape_cast %get3A_1510 : vector<1x16xf32> to vector<16xf32>
        %mul3A_1512 = arith.constant 10 : i32
        %mul3A_1513 = arith.muli %mul3A_1512, %scan3A_253 : i32
        %add3A_1514 = arith.constant 0 : i32
        %add3A_1515 = arith.addi %mul3A_1513, %add3A_1514 : i32
        %add3A_1516 = arith.constant 1 : i32
        %add3A_1517 = arith.addi %add3A_1515, %add3A_1516 : i32
        %get3A_1518 = arith.index_cast %add3A_1517 : i32 to index
        %get3A_1519 = arith.constant 80 : index
        %get3A_1520 = tpu.vector_load %arg15[%get3A_1518, %get3A_1519] {strides = array<i32>} : memref<80x128xf32, #tpu.memory_space<vmem>>, vector<1x16xf32>,
        %get3A_1521 = vector.shape_cast %get3A_1520 : vector<1x16xf32> to vector<16xf32>
        %add3A_1522 = arith.addf %get3A_1259, %get3A_1269 : vector<16xf32>
        %add3A_1523 = arith.addf %get3A_1251, %add3A_1522 : vector<16xf32>
        %gt3A_1524 = arith.constant 1.000000e+00 : f32
        %gt3A_1525 = vector.broadcast %gt3A_1524 : f32 to vector<16xf32>
        %gt3A_1526 = arith.cmpf ogt, %add3A_1523, %gt3A_1525 : vector<16xf32>
        %jit3A_1527 = arith.constant 1.000000e+00 : f32
        %jit3A_1528 = arith.constant 0.000000e+00 : f32
        %broadcast_in_dim3A_1529 = vector.broadcast %jit3A_1527 : f32 to vector<16xf32>
        %broadcast_in_dim3A_1530 = vector.broadcast %jit3A_1528 : f32 to vector<16xf32>
        %select_n3A_1531 = arith.select %gt3A_1526, %broadcast_in_dim3A_1529, %broadcast_in_dim3A_1530 : vector<16xi1>, vector<16xf32>
        %mul3A_1532 = arith.constant 5 : i32
        %mul3A_1533 = arith.muli %mul3A_1532, %scan3A_253 : i32
        %add3A_1534 = arith.constant 1 : i32
        %add3A_1535 = arith.addi %mul3A_1533, %add3A_1534 : i32
        %get3A_1536 = arith.index_cast %add3A_1535 : i32 to index
        %get3A_1537 = arith.constant 80 : index
        %get3A_1538 = tpu.vector_load %arg13[%get3A_1536, %get3A_1537] {strides = array<i32>} : memref<40x256xf32, #tpu.memory_space<vmem>>, vector<1x16xf32>,
        %get3A_1539 = vector.shape_cast %get3A_1538 : vector<1x16xf32> to vector<16xf32>
        %mul3A_1540 = arith.constant 10 : i32
        %mul3A_1541 = arith.muli %mul3A_1540, %scan3A_253 : i32
        %add3A_1542 = arith.constant 2 : i32
        %add3A_1543 = arith.addi %mul3A_1541, %add3A_1542 : i32
        %get3A_1544 = arith.index_cast %add3A_1543 : i32 to index
        %get3A_1545 = arith.constant 80 : index
        %get3A_1546 = tpu.vector_load %arg15[%get3A_1544, %get3A_1545] {strides = array<i32>} : memref<80x128xf32, #tpu.memory_space<vmem>>, vector<1x16xf32>,
        %get3A_1547 = vector.shape_cast %get3A_1546 : vector<1x16xf32> to vector<16xf32>
        %mul3A_1548 = arith.constant 10 : i32
        %mul3A_1549 = arith.muli %mul3A_1548, %scan3A_253 : i32
        %add3A_1550 = arith.constant 2 : i32
        %add3A_1551 = arith.addi %mul3A_1549, %add3A_1550 : i32
        %add3A_1552 = arith.constant 1 : i32
        %add3A_1553 = arith.addi %add3A_1551, %add3A_1552 : i32
        %get3A_1554 = arith.index_cast %add3A_1553 : i32 to index
        %get3A_1555 = arith.constant 80 : index
        %get3A_1556 = tpu.vector_load %arg15[%get3A_1554, %get3A_1555] {strides = array<i32>} : memref<80x128xf32, #tpu.memory_space<vmem>>, vector<1x16xf32>,
        %get3A_1557 = vector.shape_cast %get3A_1556 : vector<1x16xf32> to vector<16xf32>
        %add3A_1558 = arith.addf %get3A_1295, %get3A_1305 : vector<16xf32>
        %add3A_1559 = arith.addf %get3A_1287, %add3A_1558 : vector<16xf32>
        %gt3A_1560 = arith.constant 1.000000e+00 : f32
        %gt3A_1561 = vector.broadcast %gt3A_1560 : f32 to vector<16xf32>
        %gt3A_1562 = arith.cmpf ogt, %add3A_1559, %gt3A_1561 : vector<16xf32>
        %jit3A_1563 = arith.constant 1.000000e+00 : f32
        %jit3A_1564 = arith.constant 0.000000e+00 : f32
        %broadcast_in_dim3A_1565 = vector.broadcast %jit3A_1563 : f32 to vector<16xf32>
        %broadcast_in_dim3A_1566 = vector.broadcast %jit3A_1564 : f32 to vector<16xf32>
        %select_n3A_1567 = arith.select %gt3A_1562, %broadcast_in_dim3A_1565, %broadcast_in_dim3A_1566 : vector<16xi1>, vector<16xf32>
        %mul3A_1568 = arith.constant 5 : i32
        %mul3A_1569 = arith.muli %mul3A_1568, %scan3A_253 : i32
        %add3A_1570 = arith.constant 2 : i32
        %add3A_1571 = arith.addi %mul3A_1569, %add3A_1570 : i32
        %get3A_1572 = arith.index_cast %add3A_1571 : i32 to index
        %get3A_1573 = arith.constant 80 : index
        %get3A_1574 = tpu.vector_load %arg13[%get3A_1572, %get3A_1573] {strides = array<i32>} : memref<40x256xf32, #tpu.memory_space<vmem>>, vector<1x16xf32>,
        %get3A_1575 = vector.shape_cast %get3A_1574 : vector<1x16xf32> to vector<16xf32>
        %mul3A_1576 = arith.constant 10 : i32
        %mul3A_1577 = arith.muli %mul3A_1576, %scan3A_253 : i32
        %add3A_1578 = arith.constant 4 : i32
        %add3A_1579 = arith.addi %mul3A_1577, %add3A_1578 : i32
        %get3A_1580 = arith.index_cast %add3A_1579 : i32 to index
        %get3A_1581 = arith.constant 80 : index
        %get3A_1582 = tpu.vector_load %arg15[%get3A_1580, %get3A_1581] {strides = array<i32>} : memref<80x128xf32, #tpu.memory_space<vmem>>, vector<1x16xf32>,
        %get3A_1583 = vector.shape_cast %get3A_1582 : vector<1x16xf32> to vector<16xf32>
        %mul3A_1584 = arith.constant 10 : i32
        %mul3A_1585 = arith.muli %mul3A_1584, %scan3A_253 : i32
        %add3A_1586 = arith.constant 4 : i32
        %add3A_1587 = arith.addi %mul3A_1585, %add3A_1586 : i32
        %add3A_1588 = arith.constant 1 : i32
        %add3A_1589 = arith.addi %add3A_1587, %add3A_1588 : i32
        %get3A_1590 = arith.index_cast %add3A_1589 : i32 to index
        %get3A_1591 = arith.constant 80 : index
        %get3A_1592 = tpu.vector_load %arg15[%get3A_1590, %get3A_1591] {strides = array<i32>} : memref<80x128xf32, #tpu.memory_space<vmem>>, vector<1x16xf32>,
        %get3A_1593 = vector.shape_cast %get3A_1592 : vector<1x16xf32> to vector<16xf32>
        %add3A_1594 = arith.addf %get3A_1331, %get3A_1341 : vector<16xf32>
        %add3A_1595 = arith.addf %get3A_1323, %add3A_1594 : vector<16xf32>
        %gt3A_1596 = arith.constant 1.000000e+00 : f32
        %gt3A_1597 = vector.broadcast %gt3A_1596 : f32 to vector<16xf32>
        %gt3A_1598 = arith.cmpf ogt, %add3A_1595, %gt3A_1597 : vector<16xf32>
        %jit3A_1599 = arith.constant 1.000000e+00 : f32
        %jit3A_1600 = arith.constant 0.000000e+00 : f32
        %broadcast_in_dim3A_1601 = vector.broadcast %jit3A_1599 : f32 to vector<16xf32>
        %broadcast_in_dim3A_1602 = vector.broadcast %jit3A_1600 : f32 to vector<16xf32>
        %select_n3A_1603 = arith.select %gt3A_1598, %broadcast_in_dim3A_1601, %broadcast_in_dim3A_1602 : vector<16xi1>, vector<16xf32>
        %mul3A_1604 = arith.constant 5 : i32
        %mul3A_1605 = arith.muli %mul3A_1604, %scan3A_253 : i32
        %add3A_1606 = arith.constant 3 : i32
        %add3A_1607 = arith.addi %mul3A_1605, %add3A_1606 : i32
        %get3A_1608 = arith.index_cast %add3A_1607 : i32 to index
        %get3A_1609 = arith.constant 80 : index
        %get3A_1610 = tpu.vector_load %arg13[%get3A_1608, %get3A_1609] {strides = array<i32>} : memref<40x256xf32, #tpu.memory_space<vmem>>, vector<1x16xf32>,
        %get3A_1611 = vector.shape_cast %get3A_1610 : vector<1x16xf32> to vector<16xf32>
        %mul3A_1612 = arith.constant 10 : i32
        %mul3A_1613 = arith.muli %mul3A_1612, %scan3A_253 : i32
        %add3A_1614 = arith.constant 6 : i32
        %add3A_1615 = arith.addi %mul3A_1613, %add3A_1614 : i32
        %get3A_1616 = arith.index_cast %add3A_1615 : i32 to index
        %get3A_1617 = arith.constant 80 : index
        %get3A_1618 = tpu.vector_load %arg15[%get3A_1616, %get3A_1617] {strides = array<i32>} : memref<80x128xf32, #tpu.memory_space<vmem>>, vector<1x16xf32>,
        %get3A_1619 = vector.shape_cast %get3A_1618 : vector<1x16xf32> to vector<16xf32>
        %mul3A_1620 = arith.constant 10 : i32
        %mul3A_1621 = arith.muli %mul3A_1620, %scan3A_253 : i32
        %add3A_1622 = arith.constant 6 : i32
        %add3A_1623 = arith.addi %mul3A_1621, %add3A_1622 : i32
        %add3A_1624 = arith.constant 1 : i32
        %add3A_1625 = arith.addi %add3A_1623, %add3A_1624 : i32
        %get3A_1626 = arith.index_cast %add3A_1625 : i32 to index
        %get3A_1627 = arith.constant 80 : index
        %get3A_1628 = tpu.vector_load %arg15[%get3A_1626, %get3A_1627] {strides = array<i32>} : memref<80x128xf32, #tpu.memory_space<vmem>>, vector<1x16xf32>,
        %get3A_1629 = vector.shape_cast %get3A_1628 : vector<1x16xf32> to vector<16xf32>
        %add3A_1630 = arith.addf %get3A_1367, %get3A_1377 : vector<16xf32>
        %add3A_1631 = arith.addf %get3A_1359, %add3A_1630 : vector<16xf32>
        %gt3A_1632 = arith.constant 1.000000e+00 : f32
        %gt3A_1633 = vector.broadcast %gt3A_1632 : f32 to vector<16xf32>
        %gt3A_1634 = arith.cmpf ogt, %add3A_1631, %gt3A_1633 : vector<16xf32>
        %jit3A_1635 = arith.constant 1.000000e+00 : f32
        %jit3A_1636 = arith.constant 0.000000e+00 : f32
        %broadcast_in_dim3A_1637 = vector.broadcast %jit3A_1635 : f32 to vector<16xf32>
        %broadcast_in_dim3A_1638 = vector.broadcast %jit3A_1636 : f32 to vector<16xf32>
        %select_n3A_1639 = arith.select %gt3A_1634, %broadcast_in_dim3A_1637, %broadcast_in_dim3A_1638 : vector<16xi1>, vector<16xf32>
        %mul3A_1640 = arith.constant 5 : i32
        %mul3A_1641 = arith.muli %mul3A_1640, %scan3A_253 : i32
        %add3A_1642 = arith.constant 4 : i32
        %add3A_1643 = arith.addi %mul3A_1641, %add3A_1642 : i32
        %get3A_1644 = arith.index_cast %add3A_1643 : i32 to index
        %get3A_1645 = arith.constant 80 : index
        %get3A_1646 = tpu.vector_load %arg13[%get3A_1644, %get3A_1645] {strides = array<i32>} : memref<40x256xf32, #tpu.memory_space<vmem>>, vector<1x16xf32>,
        %get3A_1647 = vector.shape_cast %get3A_1646 : vector<1x16xf32> to vector<16xf32>
        %mul3A_1648 = arith.constant 10 : i32
        %mul3A_1649 = arith.muli %mul3A_1648, %scan3A_253 : i32
        %add3A_1650 = arith.constant 8 : i32
        %add3A_1651 = arith.addi %mul3A_1649, %add3A_1650 : i32
        %get3A_1652 = arith.index_cast %add3A_1651 : i32 to index
        %get3A_1653 = arith.constant 80 : index
        %get3A_1654 = tpu.vector_load %arg15[%get3A_1652, %get3A_1653] {strides = array<i32>} : memref<80x128xf32, #tpu.memory_space<vmem>>, vector<1x16xf32>,
        %get3A_1655 = vector.shape_cast %get3A_1654 : vector<1x16xf32> to vector<16xf32>
        %mul3A_1656 = arith.constant 10 : i32
        %mul3A_1657 = arith.muli %mul3A_1656, %scan3A_253 : i32
        %add3A_1658 = arith.constant 8 : i32
        %add3A_1659 = arith.addi %mul3A_1657, %add3A_1658 : i32
        %add3A_1660 = arith.constant 1 : i32
        %add3A_1661 = arith.addi %add3A_1659, %add3A_1660 : i32
        %get3A_1662 = arith.index_cast %add3A_1661 : i32 to index
        %get3A_1663 = arith.constant 80 : index
        %get3A_1664 = tpu.vector_load %arg15[%get3A_1662, %get3A_1663] {strides = array<i32>} : memref<80x128xf32, #tpu.memory_space<vmem>>, vector<1x16xf32>,
        %get3A_1665 = vector.shape_cast %get3A_1664 : vector<1x16xf32> to vector<16xf32>
        %add3A_1666 = arith.addf %get3A_1403, %get3A_1413 : vector<16xf32>
        %add3A_1667 = arith.addf %get3A_1395, %add3A_1666 : vector<16xf32>
        %gt3A_1668 = arith.constant 1.000000e+00 : f32
        %gt3A_1669 = vector.broadcast %gt3A_1668 : f32 to vector<16xf32>
        %gt3A_1670 = arith.cmpf ogt, %add3A_1667, %gt3A_1669 : vector<16xf32>
        %jit3A_1671 = arith.constant 1.000000e+00 : f32
        %jit3A_1672 = arith.constant 0.000000e+00 : f32
        %broadcast_in_dim3A_1673 = vector.broadcast %jit3A_1671 : f32 to vector<16xf32>
        %broadcast_in_dim3A_1674 = vector.broadcast %jit3A_1672 : f32 to vector<16xf32>
        %select_n3A_1675 = arith.select %gt3A_1670, %broadcast_in_dim3A_1673, %broadcast_in_dim3A_1674 : vector<16xi1>, vector<16xf32>
        %add3A_1676 = arith.addf %select_n3A_1531, %select_n3A_1567 : vector<16xf32>
        %add3A_1677 = arith.addf %select_n3A_1603, %select_n3A_1639 : vector<16xf32>
        %add3A_1678 = arith.addf %add3A_1676, %add3A_1677 : vector<16xf32>
        %add3A_1679 = arith.addf %add3A_1678, %select_n3A_1675 : vector<16xf32>
        %swap3A_1680 = arith.index_cast %add3A_254 : i32 to index
        %swap3A_1681 = arith.constant 192 : index
        %swap3A_1682 = tpu.vector_load %arg17[%swap3A_1680, %swap3A_1681] {strides = array<i32>} : memref<128x256xf32, #tpu.memory_space<vmem>>, vector<1x16xf32>,
        %swap3A_1683 = vector.shape_cast %swap3A_1682 : vector<1x16xf32> to vector<16xf32>
        %swap3A_1684 = vector.shape_cast %add3A_1679 : vector<16xf32> to vector<1x16xf32>
        tpu.vector_store %arg17[%swap3A_1680, %swap3A_1681], %swap3A_1684 {strides = array<i32>} : memref<128x256xf32, #tpu.memory_space<vmem>>, vector<1x16xf32>,
        %mul3A_1685 = arith.constant 5 : i32
        %mul3A_1686 = arith.muli %mul3A_1685, %scan3A_253 : i32
        %add3A_1687 = arith.constant 0 : i32
        %add3A_1688 = arith.addi %mul3A_1686, %add3A_1687 : i32
        %get3A_1689 = arith.index_cast %add3A_1688 : i32 to index
        %get3A_1690 = arith.constant 224 : index
        %get3A_1691 = tpu.vector_load %arg13[%get3A_1689, %get3A_1690] {strides = array<i32>} : memref<40x256xf32, #tpu.memory_space<vmem>>, vector<1x16xf32>,
        %get3A_1692 = vector.shape_cast %get3A_1691 : vector<1x16xf32> to vector<16xf32>
        %mul3A_1693 = arith.constant 5 : i32
        %mul3A_1694 = arith.muli %mul3A_1693, %scan3A_253 : i32
        %add3A_1695 = arith.constant 1 : i32
        %add3A_1696 = arith.addi %mul3A_1694, %add3A_1695 : i32
        %get3A_1697 = arith.index_cast %add3A_1696 : i32 to index
        %get3A_1698 = arith.constant 224 : index
        %get3A_1699 = tpu.vector_load %arg13[%get3A_1697, %get3A_1698] {strides = array<i32>} : memref<40x256xf32, #tpu.memory_space<vmem>>, vector<1x16xf32>,
        %get3A_1700 = vector.shape_cast %get3A_1699 : vector<1x16xf32> to vector<16xf32>
        %mul3A_1701 = arith.constant 5 : i32
        %mul3A_1702 = arith.muli %mul3A_1701, %scan3A_253 : i32
        %add3A_1703 = arith.constant 2 : i32
        %add3A_1704 = arith.addi %mul3A_1702, %add3A_1703 : i32
        %get3A_1705 = arith.index_cast %add3A_1704 : i32 to index
        %get3A_1706 = arith.constant 224 : index
        %get3A_1707 = tpu.vector_load %arg13[%get3A_1705, %get3A_1706] {strides = array<i32>} : memref<40x256xf32, #tpu.memory_space<vmem>>, vector<1x16xf32>,
        %get3A_1708 = vector.shape_cast %get3A_1707 : vector<1x16xf32> to vector<16xf32>
        %mul3A_1709 = arith.constant 5 : i32
        %mul3A_1710 = arith.muli %mul3A_1709, %scan3A_253 : i32
        %add3A_1711 = arith.constant 3 : i32
        %add3A_1712 = arith.addi %mul3A_1710, %add3A_1711 : i32
        %get3A_1713 = arith.index_cast %add3A_1712 : i32 to index
        %get3A_1714 = arith.constant 224 : index
        %get3A_1715 = tpu.vector_load %arg13[%get3A_1713, %get3A_1714] {strides = array<i32>} : memref<40x256xf32, #tpu.memory_space<vmem>>, vector<1x16xf32>,
        %get3A_1716 = vector.shape_cast %get3A_1715 : vector<1x16xf32> to vector<16xf32>
        %mul3A_1717 = arith.constant 5 : i32
        %mul3A_1718 = arith.muli %mul3A_1717, %scan3A_253 : i32
        %add3A_1719 = arith.constant 4 : i32
        %add3A_1720 = arith.addi %mul3A_1718, %add3A_1719 : i32
        %get3A_1721 = arith.index_cast %add3A_1720 : i32 to index
        %get3A_1722 = arith.constant 224 : index
        %get3A_1723 = tpu.vector_load %arg13[%get3A_1721, %get3A_1722] {strides = array<i32>} : memref<40x256xf32, #tpu.memory_space<vmem>>, vector<1x16xf32>,
        %get3A_1724 = vector.shape_cast %get3A_1723 : vector<1x16xf32> to vector<16xf32>
        %add3A_1725 = arith.addi %mul3A_220, %scan3A_253 : i32
        %get3A_1726 = arith.index_cast %add3A_1725 : i32 to index
        %get3A_1727 = arith.constant 96 : index
        %get3A_1728 = tpu.vector_load %arg12[%get3A_1726, %get3A_1727] {strides = array<i32>} : memref<128x128xf32, #tpu.memory_space<vmem>>, vector<1x16xf32>,
        %get3A_1729 = vector.shape_cast %get3A_1728 : vector<1x16xf32> to vector<16xf32>
        %add3A_1730 = arith.addf %get3A_1440, %get3A_1448 : vector<16xf32>
        %add3A_1731 = arith.addf %get3A_1456, %get3A_1464 : vector<16xf32>
        %add3A_1732 = arith.addf %add3A_1730, %add3A_1731 : vector<16xf32>
        %add3A_1733 = arith.addf %get3A_1472, %get3A_1477 : vector<16xf32>
        %add3A_1734 = arith.addf %add3A_1732, %add3A_1733 : vector<16xf32>
        %gt3A_1735 = arith.constant 1.000000e+00 : f32
        %gt3A_1736 = vector.broadcast %gt3A_1735 : f32 to vector<16xf32>
        %gt3A_1737 = arith.cmpf ogt, %add3A_1734, %gt3A_1736 : vector<16xf32>
        %jit3A_1738 = arith.constant 1.000000e+00 : f32
        %jit3A_1739 = arith.constant 0.000000e+00 : f32
        %broadcast_in_dim3A_1740 = vector.broadcast %jit3A_1738 : f32 to vector<16xf32>
        %broadcast_in_dim3A_1741 = vector.broadcast %jit3A_1739 : f32 to vector<16xf32>
        %select_n3A_1742 = arith.select %gt3A_1737, %broadcast_in_dim3A_1740, %broadcast_in_dim3A_1741 : vector<16xi1>, vector<16xf32>
        %swap3A_1743 = arith.index_cast %add3A_254 : i32 to index
        %swap3A_1744 = arith.constant 80 : index
        %swap3A_1745 = tpu.vector_load %arg17[%swap3A_1743, %swap3A_1744] {strides = array<i32>} : memref<128x256xf32, #tpu.memory_space<vmem>>, vector<1x16xf32>,
        %swap3A_1746 = vector.shape_cast %swap3A_1745 : vector<1x16xf32> to vector<16xf32>
        %swap3A_1747 = vector.shape_cast %select_n3A_1742 : vector<16xf32> to vector<1x16xf32>
        tpu.vector_store %arg17[%swap3A_1743, %swap3A_1744], %swap3A_1747 {strides = array<i32>} : memref<128x256xf32, #tpu.memory_space<vmem>>, vector<1x16xf32>,
        %mul3A_1748 = arith.constant 5 : i32
        %mul3A_1749 = arith.muli %mul3A_1748, %scan3A_253 : i32
        %add3A_1750 = arith.constant 0 : i32
        %add3A_1751 = arith.addi %mul3A_1749, %add3A_1750 : i32
        %get3A_1752 = arith.index_cast %add3A_1751 : i32 to index
        %get3A_1753 = arith.constant 96 : index
        %get3A_1754 = tpu.vector_load %arg13[%get3A_1752, %get3A_1753] {strides = array<i32>} : memref<40x256xf32, #tpu.memory_space<vmem>>, vector<1x16xf32>,
        %get3A_1755 = vector.shape_cast %get3A_1754 : vector<1x16xf32> to vector<16xf32>
        %mul3A_1756 = arith.constant 10 : i32
        %mul3A_1757 = arith.muli %mul3A_1756, %scan3A_253 : i32
        %add3A_1758 = arith.constant 0 : i32
        %add3A_1759 = arith.addi %mul3A_1757, %add3A_1758 : i32
        %get3A_1760 = arith.index_cast %add3A_1759 : i32 to index
        %get3A_1761 = arith.constant 96 : index
        %get3A_1762 = tpu.vector_load %arg15[%get3A_1760, %get3A_1761] {strides = array<i32>} : memref<80x128xf32, #tpu.memory_space<vmem>>, vector<1x16xf32>,
        %get3A_1763 = vector.shape_cast %get3A_1762 : vector<1x16xf32> to vector<16xf32>
        %mul3A_1764 = arith.constant 10 : i32
        %mul3A_1765 = arith.muli %mul3A_1764, %scan3A_253 : i32
        %add3A_1766 = arith.constant 0 : i32
        %add3A_1767 = arith.addi %mul3A_1765, %add3A_1766 : i32
        %add3A_1768 = arith.constant 1 : i32
        %add3A_1769 = arith.addi %add3A_1767, %add3A_1768 : i32
        %get3A_1770 = arith.index_cast %add3A_1769 : i32 to index
        %get3A_1771 = arith.constant 96 : index
        %get3A_1772 = tpu.vector_load %arg15[%get3A_1770, %get3A_1771] {strides = array<i32>} : memref<80x128xf32, #tpu.memory_space<vmem>>, vector<1x16xf32>,
        %get3A_1773 = vector.shape_cast %get3A_1772 : vector<1x16xf32> to vector<16xf32>
        %add3A_1774 = arith.addf %get3A_1511, %get3A_1521 : vector<16xf32>
        %add3A_1775 = arith.addf %get3A_1503, %add3A_1774 : vector<16xf32>
        %gt3A_1776 = arith.constant 1.000000e+00 : f32
        %gt3A_1777 = vector.broadcast %gt3A_1776 : f32 to vector<16xf32>
        %gt3A_1778 = arith.cmpf ogt, %add3A_1775, %gt3A_1777 : vector<16xf32>
        %jit3A_1779 = arith.constant 1.000000e+00 : f32
        %jit3A_1780 = arith.constant 0.000000e+00 : f32
        %broadcast_in_dim3A_1781 = vector.broadcast %jit3A_1779 : f32 to vector<16xf32>
        %broadcast_in_dim3A_1782 = vector.broadcast %jit3A_1780 : f32 to vector<16xf32>
        %select_n3A_1783 = arith.select %gt3A_1778, %broadcast_in_dim3A_1781, %broadcast_in_dim3A_1782 : vector<16xi1>, vector<16xf32>
        %mul3A_1784 = arith.constant 5 : i32
        %mul3A_1785 = arith.muli %mul3A_1784, %scan3A_253 : i32
        %add3A_1786 = arith.constant 1 : i32
        %add3A_1787 = arith.addi %mul3A_1785, %add3A_1786 : i32
        %get3A_1788 = arith.index_cast %add3A_1787 : i32 to index
        %get3A_1789 = arith.constant 96 : index
        %get3A_1790 = tpu.vector_load %arg13[%get3A_1788, %get3A_1789] {strides = array<i32>} : memref<40x256xf32, #tpu.memory_space<vmem>>, vector<1x16xf32>,
        %get3A_1791 = vector.shape_cast %get3A_1790 : vector<1x16xf32> to vector<16xf32>
        %mul3A_1792 = arith.constant 10 : i32
        %mul3A_1793 = arith.muli %mul3A_1792, %scan3A_253 : i32
        %add3A_1794 = arith.constant 2 : i32
        %add3A_1795 = arith.addi %mul3A_1793, %add3A_1794 : i32
        %get3A_1796 = arith.index_cast %add3A_1795 : i32 to index
        %get3A_1797 = arith.constant 96 : index
        %get3A_1798 = tpu.vector_load %arg15[%get3A_1796, %get3A_1797] {strides = array<i32>} : memref<80x128xf32, #tpu.memory_space<vmem>>, vector<1x16xf32>,
        %get3A_1799 = vector.shape_cast %get3A_1798 : vector<1x16xf32> to vector<16xf32>
        %mul3A_1800 = arith.constant 10 : i32
        %mul3A_1801 = arith.muli %mul3A_1800, %scan3A_253 : i32
        %add3A_1802 = arith.constant 2 : i32
        %add3A_1803 = arith.addi %mul3A_1801, %add3A_1802 : i32
        %add3A_1804 = arith.constant 1 : i32
        %add3A_1805 = arith.addi %add3A_1803, %add3A_1804 : i32
        %get3A_1806 = arith.index_cast %add3A_1805 : i32 to index
        %get3A_1807 = arith.constant 96 : index
        %get3A_1808 = tpu.vector_load %arg15[%get3A_1806, %get3A_1807] {strides = array<i32>} : memref<80x128xf32, #tpu.memory_space<vmem>>, vector<1x16xf32>,
        %get3A_1809 = vector.shape_cast %get3A_1808 : vector<1x16xf32> to vector<16xf32>
        %add3A_1810 = arith.addf %get3A_1547, %get3A_1557 : vector<16xf32>
        %add3A_1811 = arith.addf %get3A_1539, %add3A_1810 : vector<16xf32>
        %gt3A_1812 = arith.constant 1.000000e+00 : f32
        %gt3A_1813 = vector.broadcast %gt3A_1812 : f32 to vector<16xf32>
        %gt3A_1814 = arith.cmpf ogt, %add3A_1811, %gt3A_1813 : vector<16xf32>
        %jit3A_1815 = arith.constant 1.000000e+00 : f32
        %jit3A_1816 = arith.constant 0.000000e+00 : f32
        %broadcast_in_dim3A_1817 = vector.broadcast %jit3A_1815 : f32 to vector<16xf32>
        %broadcast_in_dim3A_1818 = vector.broadcast %jit3A_1816 : f32 to vector<16xf32>
        %select_n3A_1819 = arith.select %gt3A_1814, %broadcast_in_dim3A_1817, %broadcast_in_dim3A_1818 : vector<16xi1>, vector<16xf32>
        %mul3A_1820 = arith.constant 5 : i32
        %mul3A_1821 = arith.muli %mul3A_1820, %scan3A_253 : i32
        %add3A_1822 = arith.constant 2 : i32
        %add3A_1823 = arith.addi %mul3A_1821, %add3A_1822 : i32
        %get3A_1824 = arith.index_cast %add3A_1823 : i32 to index
        %get3A_1825 = arith.constant 96 : index
        %get3A_1826 = tpu.vector_load %arg13[%get3A_1824, %get3A_1825] {strides = array<i32>} : memref<40x256xf32, #tpu.memory_space<vmem>>, vector<1x16xf32>,
        %get3A_1827 = vector.shape_cast %get3A_1826 : vector<1x16xf32> to vector<16xf32>
        %mul3A_1828 = arith.constant 10 : i32
        %mul3A_1829 = arith.muli %mul3A_1828, %scan3A_253 : i32
        %add3A_1830 = arith.constant 4 : i32
        %add3A_1831 = arith.addi %mul3A_1829, %add3A_1830 : i32
        %get3A_1832 = arith.index_cast %add3A_1831 : i32 to index
        %get3A_1833 = arith.constant 96 : index
        %get3A_1834 = tpu.vector_load %arg15[%get3A_1832, %get3A_1833] {strides = array<i32>} : memref<80x128xf32, #tpu.memory_space<vmem>>, vector<1x16xf32>,
        %get3A_1835 = vector.shape_cast %get3A_1834 : vector<1x16xf32> to vector<16xf32>
        %mul3A_1836 = arith.constant 10 : i32
        %mul3A_1837 = arith.muli %mul3A_1836, %scan3A_253 : i32
        %add3A_1838 = arith.constant 4 : i32
        %add3A_1839 = arith.addi %mul3A_1837, %add3A_1838 : i32
        %add3A_1840 = arith.constant 1 : i32
        %add3A_1841 = arith.addi %add3A_1839, %add3A_1840 : i32
        %get3A_1842 = arith.index_cast %add3A_1841 : i32 to index
        %get3A_1843 = arith.constant 96 : index
        %get3A_1844 = tpu.vector_load %arg15[%get3A_1842, %get3A_1843] {strides = array<i32>} : memref<80x128xf32, #tpu.memory_space<vmem>>, vector<1x16xf32>,
        %get3A_1845 = vector.shape_cast %get3A_1844 : vector<1x16xf32> to vector<16xf32>
        %add3A_1846 = arith.addf %get3A_1583, %get3A_1593 : vector<16xf32>
        %add3A_1847 = arith.addf %get3A_1575, %add3A_1846 : vector<16xf32>
        %gt3A_1848 = arith.constant 1.000000e+00 : f32
        %gt3A_1849 = vector.broadcast %gt3A_1848 : f32 to vector<16xf32>
        %gt3A_1850 = arith.cmpf ogt, %add3A_1847, %gt3A_1849 : vector<16xf32>
        %jit3A_1851 = arith.constant 1.000000e+00 : f32
        %jit3A_1852 = arith.constant 0.000000e+00 : f32
        %broadcast_in_dim3A_1853 = vector.broadcast %jit3A_1851 : f32 to vector<16xf32>
        %broadcast_in_dim3A_1854 = vector.broadcast %jit3A_1852 : f32 to vector<16xf32>
        %select_n3A_1855 = arith.select %gt3A_1850, %broadcast_in_dim3A_1853, %broadcast_in_dim3A_1854 : vector<16xi1>, vector<16xf32>
        %mul3A_1856 = arith.constant 5 : i32
        %mul3A_1857 = arith.muli %mul3A_1856, %scan3A_253 : i32
        %add3A_1858 = arith.constant 3 : i32
        %add3A_1859 = arith.addi %mul3A_1857, %add3A_1858 : i32
        %get3A_1860 = arith.index_cast %add3A_1859 : i32 to index
        %get3A_1861 = arith.constant 96 : index
        %get3A_1862 = tpu.vector_load %arg13[%get3A_1860, %get3A_1861] {strides = array<i32>} : memref<40x256xf32, #tpu.memory_space<vmem>>, vector<1x16xf32>,
        %get3A_1863 = vector.shape_cast %get3A_1862 : vector<1x16xf32> to vector<16xf32>
        %mul3A_1864 = arith.constant 10 : i32
        %mul3A_1865 = arith.muli %mul3A_1864, %scan3A_253 : i32
        %add3A_1866 = arith.constant 6 : i32
        %add3A_1867 = arith.addi %mul3A_1865, %add3A_1866 : i32
        %get3A_1868 = arith.index_cast %add3A_1867 : i32 to index
        %get3A_1869 = arith.constant 96 : index
        %get3A_1870 = tpu.vector_load %arg15[%get3A_1868, %get3A_1869] {strides = array<i32>} : memref<80x128xf32, #tpu.memory_space<vmem>>, vector<1x16xf32>,
        %get3A_1871 = vector.shape_cast %get3A_1870 : vector<1x16xf32> to vector<16xf32>
        %mul3A_1872 = arith.constant 10 : i32
        %mul3A_1873 = arith.muli %mul3A_1872, %scan3A_253 : i32
        %add3A_1874 = arith.constant 6 : i32
        %add3A_1875 = arith.addi %mul3A_1873, %add3A_1874 : i32
        %add3A_1876 = arith.constant 1 : i32
        %add3A_1877 = arith.addi %add3A_1875, %add3A_1876 : i32
        %get3A_1878 = arith.index_cast %add3A_1877 : i32 to index
        %get3A_1879 = arith.constant 96 : index
        %get3A_1880 = tpu.vector_load %arg15[%get3A_1878, %get3A_1879] {strides = array<i32>} : memref<80x128xf32, #tpu.memory_space<vmem>>, vector<1x16xf32>,
        %get3A_1881 = vector.shape_cast %get3A_1880 : vector<1x16xf32> to vector<16xf32>
        %add3A_1882 = arith.addf %get3A_1619, %get3A_1629 : vector<16xf32>
        %add3A_1883 = arith.addf %get3A_1611, %add3A_1882 : vector<16xf32>
        %gt3A_1884 = arith.constant 1.000000e+00 : f32
        %gt3A_1885 = vector.broadcast %gt3A_1884 : f32 to vector<16xf32>
        %gt3A_1886 = arith.cmpf ogt, %add3A_1883, %gt3A_1885 : vector<16xf32>
        %jit3A_1887 = arith.constant 1.000000e+00 : f32
        %jit3A_1888 = arith.constant 0.000000e+00 : f32
        %broadcast_in_dim3A_1889 = vector.broadcast %jit3A_1887 : f32 to vector<16xf32>
        %broadcast_in_dim3A_1890 = vector.broadcast %jit3A_1888 : f32 to vector<16xf32>
        %select_n3A_1891 = arith.select %gt3A_1886, %broadcast_in_dim3A_1889, %broadcast_in_dim3A_1890 : vector<16xi1>, vector<16xf32>
        %mul3A_1892 = arith.constant 5 : i32
        %mul3A_1893 = arith.muli %mul3A_1892, %scan3A_253 : i32
        %add3A_1894 = arith.constant 4 : i32
        %add3A_1895 = arith.addi %mul3A_1893, %add3A_1894 : i32
        %get3A_1896 = arith.index_cast %add3A_1895 : i32 to index
        %get3A_1897 = arith.constant 96 : index
        %get3A_1898 = tpu.vector_load %arg13[%get3A_1896, %get3A_1897] {strides = array<i32>} : memref<40x256xf32, #tpu.memory_space<vmem>>, vector<1x16xf32>,
        %get3A_1899 = vector.shape_cast %get3A_1898 : vector<1x16xf32> to vector<16xf32>
        %mul3A_1900 = arith.constant 10 : i32
        %mul3A_1901 = arith.muli %mul3A_1900, %scan3A_253 : i32
        %add3A_1902 = arith.constant 8 : i32
        %add3A_1903 = arith.addi %mul3A_1901, %add3A_1902 : i32
        %get3A_1904 = arith.index_cast %add3A_1903 : i32 to index
        %get3A_1905 = arith.constant 96 : index
        %get3A_1906 = tpu.vector_load %arg15[%get3A_1904, %get3A_1905] {strides = array<i32>} : memref<80x128xf32, #tpu.memory_space<vmem>>, vector<1x16xf32>,
        %get3A_1907 = vector.shape_cast %get3A_1906 : vector<1x16xf32> to vector<16xf32>
        %mul3A_1908 = arith.constant 10 : i32
        %mul3A_1909 = arith.muli %mul3A_1908, %scan3A_253 : i32
        %add3A_1910 = arith.constant 8 : i32
        %add3A_1911 = arith.addi %mul3A_1909, %add3A_1910 : i32
        %add3A_1912 = arith.constant 1 : i32
        %add3A_1913 = arith.addi %add3A_1911, %add3A_1912 : i32
        %get3A_1914 = arith.index_cast %add3A_1913 : i32 to index
        %get3A_1915 = arith.constant 96 : index
        %get3A_1916 = tpu.vector_load %arg15[%get3A_1914, %get3A_1915] {strides = array<i32>} : memref<80x128xf32, #tpu.memory_space<vmem>>, vector<1x16xf32>,
        %get3A_1917 = vector.shape_cast %get3A_1916 : vector<1x16xf32> to vector<16xf32>
        %add3A_1918 = arith.addf %get3A_1655, %get3A_1665 : vector<16xf32>
        %add3A_1919 = arith.addf %get3A_1647, %add3A_1918 : vector<16xf32>
        %gt3A_1920 = arith.constant 1.000000e+00 : f32
        %gt3A_1921 = vector.broadcast %gt3A_1920 : f32 to vector<16xf32>
        %gt3A_1922 = arith.cmpf ogt, %add3A_1919, %gt3A_1921 : vector<16xf32>
        %jit3A_1923 = arith.constant 1.000000e+00 : f32
        %jit3A_1924 = arith.constant 0.000000e+00 : f32
        %broadcast_in_dim3A_1925 = vector.broadcast %jit3A_1923 : f32 to vector<16xf32>
        %broadcast_in_dim3A_1926 = vector.broadcast %jit3A_1924 : f32 to vector<16xf32>
        %select_n3A_1927 = arith.select %gt3A_1922, %broadcast_in_dim3A_1925, %broadcast_in_dim3A_1926 : vector<16xi1>, vector<16xf32>
        %add3A_1928 = arith.addf %select_n3A_1783, %select_n3A_1819 : vector<16xf32>
        %add3A_1929 = arith.addf %select_n3A_1855, %select_n3A_1891 : vector<16xf32>
        %add3A_1930 = arith.addf %add3A_1928, %add3A_1929 : vector<16xf32>
        %add3A_1931 = arith.addf %add3A_1930, %select_n3A_1927 : vector<16xf32>
        %swap3A_1932 = arith.index_cast %add3A_254 : i32 to index
        %swap3A_1933 = arith.constant 208 : index
        %swap3A_1934 = tpu.vector_load %arg17[%swap3A_1932, %swap3A_1933] {strides = array<i32>} : memref<128x256xf32, #tpu.memory_space<vmem>>, vector<1x16xf32>,
        %swap3A_1935 = vector.shape_cast %swap3A_1934 : vector<1x16xf32> to vector<16xf32>
        %swap3A_1936 = vector.shape_cast %add3A_1931 : vector<16xf32> to vector<1x16xf32>
        tpu.vector_store %arg17[%swap3A_1932, %swap3A_1933], %swap3A_1936 {strides = array<i32>} : memref<128x256xf32, #tpu.memory_space<vmem>>, vector<1x16xf32>,
        %mul3A_1937 = arith.constant 5 : i32
        %mul3A_1938 = arith.muli %mul3A_1937, %scan3A_253 : i32
        %add3A_1939 = arith.constant 0 : i32
        %add3A_1940 = arith.addi %mul3A_1938, %add3A_1939 : i32
        %get3A_1941 = arith.index_cast %add3A_1940 : i32 to index
        %get3A_1942 = arith.constant 240 : index
        %get3A_1943 = tpu.vector_load %arg13[%get3A_1941, %get3A_1942] {strides = array<i32>} : memref<40x256xf32, #tpu.memory_space<vmem>>, vector<1x16xf32>,
        %get3A_1944 = vector.shape_cast %get3A_1943 : vector<1x16xf32> to vector<16xf32>
        %mul3A_1945 = arith.constant 5 : i32
        %mul3A_1946 = arith.muli %mul3A_1945, %scan3A_253 : i32
        %add3A_1947 = arith.constant 1 : i32
        %add3A_1948 = arith.addi %mul3A_1946, %add3A_1947 : i32
        %get3A_1949 = arith.index_cast %add3A_1948 : i32 to index
        %get3A_1950 = arith.constant 240 : index
        %get3A_1951 = tpu.vector_load %arg13[%get3A_1949, %get3A_1950] {strides = array<i32>} : memref<40x256xf32, #tpu.memory_space<vmem>>, vector<1x16xf32>,
        %get3A_1952 = vector.shape_cast %get3A_1951 : vector<1x16xf32> to vector<16xf32>
        %mul3A_1953 = arith.constant 5 : i32
        %mul3A_1954 = arith.muli %mul3A_1953, %scan3A_253 : i32
        %add3A_1955 = arith.constant 2 : i32
        %add3A_1956 = arith.addi %mul3A_1954, %add3A_1955 : i32
        %get3A_1957 = arith.index_cast %add3A_1956 : i32 to index
        %get3A_1958 = arith.constant 240 : index
        %get3A_1959 = tpu.vector_load %arg13[%get3A_1957, %get3A_1958] {strides = array<i32>} : memref<40x256xf32, #tpu.memory_space<vmem>>, vector<1x16xf32>,
        %get3A_1960 = vector.shape_cast %get3A_1959 : vector<1x16xf32> to vector<16xf32>
        %mul3A_1961 = arith.constant 5 : i32
        %mul3A_1962 = arith.muli %mul3A_1961, %scan3A_253 : i32
        %add3A_1963 = arith.constant 3 : i32
        %add3A_1964 = arith.addi %mul3A_1962, %add3A_1963 : i32
        %get3A_1965 = arith.index_cast %add3A_1964 : i32 to index
        %get3A_1966 = arith.constant 240 : index
        %get3A_1967 = tpu.vector_load %arg13[%get3A_1965, %get3A_1966] {strides = array<i32>} : memref<40x256xf32, #tpu.memory_space<vmem>>, vector<1x16xf32>,
        %get3A_1968 = vector.shape_cast %get3A_1967 : vector<1x16xf32> to vector<16xf32>
        %mul3A_1969 = arith.constant 5 : i32
        %mul3A_1970 = arith.muli %mul3A_1969, %scan3A_253 : i32
        %add3A_1971 = arith.constant 4 : i32
        %add3A_1972 = arith.addi %mul3A_1970, %add3A_1971 : i32
        %get3A_1973 = arith.index_cast %add3A_1972 : i32 to index
        %get3A_1974 = arith.constant 240 : index
        %get3A_1975 = tpu.vector_load %arg13[%get3A_1973, %get3A_1974] {strides = array<i32>} : memref<40x256xf32, #tpu.memory_space<vmem>>, vector<1x16xf32>,
        %get3A_1976 = vector.shape_cast %get3A_1975 : vector<1x16xf32> to vector<16xf32>
        %add3A_1977 = arith.addi %mul3A_220, %scan3A_253 : i32
        %get3A_1978 = arith.index_cast %add3A_1977 : i32 to index
        %get3A_1979 = arith.constant 112 : index
        %get3A_1980 = tpu.vector_load %arg12[%get3A_1978, %get3A_1979] {strides = array<i32>} : memref<128x128xf32, #tpu.memory_space<vmem>>, vector<1x16xf32>,
        %get3A_1981 = vector.shape_cast %get3A_1980 : vector<1x16xf32> to vector<16xf32>
        %add3A_1982 = arith.addf %get3A_1692, %get3A_1700 : vector<16xf32>
        %add3A_1983 = arith.addf %get3A_1708, %get3A_1716 : vector<16xf32>
        %add3A_1984 = arith.addf %add3A_1982, %add3A_1983 : vector<16xf32>
        %add3A_1985 = arith.addf %get3A_1724, %get3A_1729 : vector<16xf32>
        %add3A_1986 = arith.addf %add3A_1984, %add3A_1985 : vector<16xf32>
        %gt3A_1987 = arith.constant 1.000000e+00 : f32
        %gt3A_1988 = vector.broadcast %gt3A_1987 : f32 to vector<16xf32>
        %gt3A_1989 = arith.cmpf ogt, %add3A_1986, %gt3A_1988 : vector<16xf32>
        %jit3A_1990 = arith.constant 1.000000e+00 : f32
        %jit3A_1991 = arith.constant 0.000000e+00 : f32
        %broadcast_in_dim3A_1992 = vector.broadcast %jit3A_1990 : f32 to vector<16xf32>
        %broadcast_in_dim3A_1993 = vector.broadcast %jit3A_1991 : f32 to vector<16xf32>
        %select_n3A_1994 = arith.select %gt3A_1989, %broadcast_in_dim3A_1992, %broadcast_in_dim3A_1993 : vector<16xi1>, vector<16xf32>
        %swap3A_1995 = arith.index_cast %add3A_254 : i32 to index
        %swap3A_1996 = arith.constant 96 : index
        %swap3A_1997 = tpu.vector_load %arg17[%swap3A_1995, %swap3A_1996] {strides = array<i32>} : memref<128x256xf32, #tpu.memory_space<vmem>>, vector<1x16xf32>,
        %swap3A_1998 = vector.shape_cast %swap3A_1997 : vector<1x16xf32> to vector<16xf32>
        %swap3A_1999 = vector.shape_cast %select_n3A_1994 : vector<16xf32> to vector<1x16xf32>
        tpu.vector_store %arg17[%swap3A_1995, %swap3A_1996], %swap3A_1999 {strides = array<i32>} : memref<128x256xf32, #tpu.memory_space<vmem>>, vector<1x16xf32>,
        %mul3A_2000 = arith.constant 5 : i32
        %mul3A_2001 = arith.muli %mul3A_2000, %scan3A_253 : i32
        %add3A_2002 = arith.constant 0 : i32
        %add3A_2003 = arith.addi %mul3A_2001, %add3A_2002 : i32
        %get3A_2004 = arith.index_cast %add3A_2003 : i32 to index
        %get3A_2005 = arith.constant 112 : index
        %get3A_2006 = tpu.vector_load %arg13[%get3A_2004, %get3A_2005] {strides = array<i32>} : memref<40x256xf32, #tpu.memory_space<vmem>>, vector<1x16xf32>,
        %get3A_2007 = vector.shape_cast %get3A_2006 : vector<1x16xf32> to vector<16xf32>
        %mul3A_2008 = arith.constant 10 : i32
        %mul3A_2009 = arith.muli %mul3A_2008, %scan3A_253 : i32
        %add3A_2010 = arith.constant 0 : i32
        %add3A_2011 = arith.addi %mul3A_2009, %add3A_2010 : i32
        %get3A_2012 = arith.index_cast %add3A_2011 : i32 to index
        %get3A_2013 = arith.constant 112 : index
        %get3A_2014 = tpu.vector_load %arg15[%get3A_2012, %get3A_2013] {strides = array<i32>} : memref<80x128xf32, #tpu.memory_space<vmem>>, vector<1x16xf32>,
        %get3A_2015 = vector.shape_cast %get3A_2014 : vector<1x16xf32> to vector<16xf32>
        %mul3A_2016 = arith.constant 10 : i32
        %mul3A_2017 = arith.muli %mul3A_2016, %scan3A_253 : i32
        %add3A_2018 = arith.constant 0 : i32
        %add3A_2019 = arith.addi %mul3A_2017, %add3A_2018 : i32
        %add3A_2020 = arith.constant 1 : i32
        %add3A_2021 = arith.addi %add3A_2019, %add3A_2020 : i32
        %get3A_2022 = arith.index_cast %add3A_2021 : i32 to index
        %get3A_2023 = arith.constant 112 : index
        %get3A_2024 = tpu.vector_load %arg15[%get3A_2022, %get3A_2023] {strides = array<i32>} : memref<80x128xf32, #tpu.memory_space<vmem>>, vector<1x16xf32>,
        %get3A_2025 = vector.shape_cast %get3A_2024 : vector<1x16xf32> to vector<16xf32>
        %add3A_2026 = arith.addf %get3A_1763, %get3A_1773 : vector<16xf32>
        %add3A_2027 = arith.addf %get3A_1755, %add3A_2026 : vector<16xf32>
        %gt3A_2028 = arith.constant 1.000000e+00 : f32
        %gt3A_2029 = vector.broadcast %gt3A_2028 : f32 to vector<16xf32>
        %gt3A_2030 = arith.cmpf ogt, %add3A_2027, %gt3A_2029 : vector<16xf32>
        %jit3A_2031 = arith.constant 1.000000e+00 : f32
        %jit3A_2032 = arith.constant 0.000000e+00 : f32
        %broadcast_in_dim3A_2033 = vector.broadcast %jit3A_2031 : f32 to vector<16xf32>
        %broadcast_in_dim3A_2034 = vector.broadcast %jit3A_2032 : f32 to vector<16xf32>
        %select_n3A_2035 = arith.select %gt3A_2030, %broadcast_in_dim3A_2033, %broadcast_in_dim3A_2034 : vector<16xi1>, vector<16xf32>
        %mul3A_2036 = arith.constant 5 : i32
        %mul3A_2037 = arith.muli %mul3A_2036, %scan3A_253 : i32
        %add3A_2038 = arith.constant 1 : i32
        %add3A_2039 = arith.addi %mul3A_2037, %add3A_2038 : i32
        %get3A_2040 = arith.index_cast %add3A_2039 : i32 to index
        %get3A_2041 = arith.constant 112 : index
        %get3A_2042 = tpu.vector_load %arg13[%get3A_2040, %get3A_2041] {strides = array<i32>} : memref<40x256xf32, #tpu.memory_space<vmem>>, vector<1x16xf32>,
        %get3A_2043 = vector.shape_cast %get3A_2042 : vector<1x16xf32> to vector<16xf32>
        %mul3A_2044 = arith.constant 10 : i32
        %mul3A_2045 = arith.muli %mul3A_2044, %scan3A_253 : i32
        %add3A_2046 = arith.constant 2 : i32
        %add3A_2047 = arith.addi %mul3A_2045, %add3A_2046 : i32
        %get3A_2048 = arith.index_cast %add3A_2047 : i32 to index
        %get3A_2049 = arith.constant 112 : index
        %get3A_2050 = tpu.vector_load %arg15[%get3A_2048, %get3A_2049] {strides = array<i32>} : memref<80x128xf32, #tpu.memory_space<vmem>>, vector<1x16xf32>,
        %get3A_2051 = vector.shape_cast %get3A_2050 : vector<1x16xf32> to vector<16xf32>
        %mul3A_2052 = arith.constant 10 : i32
        %mul3A_2053 = arith.muli %mul3A_2052, %scan3A_253 : i32
        %add3A_2054 = arith.constant 2 : i32
        %add3A_2055 = arith.addi %mul3A_2053, %add3A_2054 : i32
        %add3A_2056 = arith.constant 1 : i32
        %add3A_2057 = arith.addi %add3A_2055, %add3A_2056 : i32
        %get3A_2058 = arith.index_cast %add3A_2057 : i32 to index
        %get3A_2059 = arith.constant 112 : index
        %get3A_2060 = tpu.vector_load %arg15[%get3A_2058, %get3A_2059] {strides = array<i32>} : memref<80x128xf32, #tpu.memory_space<vmem>>, vector<1x16xf32>,
        %get3A_2061 = vector.shape_cast %get3A_2060 : vector<1x16xf32> to vector<16xf32>
        %add3A_2062 = arith.addf %get3A_1799, %get3A_1809 : vector<16xf32>
        %add3A_2063 = arith.addf %get3A_1791, %add3A_2062 : vector<16xf32>
        %gt3A_2064 = arith.constant 1.000000e+00 : f32
        %gt3A_2065 = vector.broadcast %gt3A_2064 : f32 to vector<16xf32>
        %gt3A_2066 = arith.cmpf ogt, %add3A_2063, %gt3A_2065 : vector<16xf32>
        %jit3A_2067 = arith.constant 1.000000e+00 : f32
        %jit3A_2068 = arith.constant 0.000000e+00 : f32
        %broadcast_in_dim3A_2069 = vector.broadcast %jit3A_2067 : f32 to vector<16xf32>
        %broadcast_in_dim3A_2070 = vector.broadcast %jit3A_2068 : f32 to vector<16xf32>
        %select_n3A_2071 = arith.select %gt3A_2066, %broadcast_in_dim3A_2069, %broadcast_in_dim3A_2070 : vector<16xi1>, vector<16xf32>
        %mul3A_2072 = arith.constant 5 : i32
        %mul3A_2073 = arith.muli %mul3A_2072, %scan3A_253 : i32
        %add3A_2074 = arith.constant 2 : i32
        %add3A_2075 = arith.addi %mul3A_2073, %add3A_2074 : i32
        %get3A_2076 = arith.index_cast %add3A_2075 : i32 to index
        %get3A_2077 = arith.constant 112 : index
        %get3A_2078 = tpu.vector_load %arg13[%get3A_2076, %get3A_2077] {strides = array<i32>} : memref<40x256xf32, #tpu.memory_space<vmem>>, vector<1x16xf32>,
        %get3A_2079 = vector.shape_cast %get3A_2078 : vector<1x16xf32> to vector<16xf32>
        %mul3A_2080 = arith.constant 10 : i32
        %mul3A_2081 = arith.muli %mul3A_2080, %scan3A_253 : i32
        %add3A_2082 = arith.constant 4 : i32
        %add3A_2083 = arith.addi %mul3A_2081, %add3A_2082 : i32
        %get3A_2084 = arith.index_cast %add3A_2083 : i32 to index
        %get3A_2085 = arith.constant 112 : index
        %get3A_2086 = tpu.vector_load %arg15[%get3A_2084, %get3A_2085] {strides = array<i32>} : memref<80x128xf32, #tpu.memory_space<vmem>>, vector<1x16xf32>,
        %get3A_2087 = vector.shape_cast %get3A_2086 : vector<1x16xf32> to vector<16xf32>
        %mul3A_2088 = arith.constant 10 : i32
        %mul3A_2089 = arith.muli %mul3A_2088, %scan3A_253 : i32
        %add3A_2090 = arith.constant 4 : i32
        %add3A_2091 = arith.addi %mul3A_2089, %add3A_2090 : i32
        %add3A_2092 = arith.constant 1 : i32
        %add3A_2093 = arith.addi %add3A_2091, %add3A_2092 : i32
        %get3A_2094 = arith.index_cast %add3A_2093 : i32 to index
        %get3A_2095 = arith.constant 112 : index
        %get3A_2096 = tpu.vector_load %arg15[%get3A_2094, %get3A_2095] {strides = array<i32>} : memref<80x128xf32, #tpu.memory_space<vmem>>, vector<1x16xf32>,
        %get3A_2097 = vector.shape_cast %get3A_2096 : vector<1x16xf32> to vector<16xf32>
        %add3A_2098 = arith.addf %get3A_1835, %get3A_1845 : vector<16xf32>
        %add3A_2099 = arith.addf %get3A_1827, %add3A_2098 : vector<16xf32>
        %gt3A_2100 = arith.constant 1.000000e+00 : f32
        %gt3A_2101 = vector.broadcast %gt3A_2100 : f32 to vector<16xf32>
        %gt3A_2102 = arith.cmpf ogt, %add3A_2099, %gt3A_2101 : vector<16xf32>
        %jit3A_2103 = arith.constant 1.000000e+00 : f32
        %jit3A_2104 = arith.constant 0.000000e+00 : f32
        %broadcast_in_dim3A_2105 = vector.broadcast %jit3A_2103 : f32 to vector<16xf32>
        %broadcast_in_dim3A_2106 = vector.broadcast %jit3A_2104 : f32 to vector<16xf32>
        %select_n3A_2107 = arith.select %gt3A_2102, %broadcast_in_dim3A_2105, %broadcast_in_dim3A_2106 : vector<16xi1>, vector<16xf32>
        %mul3A_2108 = arith.constant 5 : i32
        %mul3A_2109 = arith.muli %mul3A_2108, %scan3A_253 : i32
        %add3A_2110 = arith.constant 3 : i32
        %add3A_2111 = arith.addi %mul3A_2109, %add3A_2110 : i32
        %get3A_2112 = arith.index_cast %add3A_2111 : i32 to index
        %get3A_2113 = arith.constant 112 : index
        %get3A_2114 = tpu.vector_load %arg13[%get3A_2112, %get3A_2113] {strides = array<i32>} : memref<40x256xf32, #tpu.memory_space<vmem>>, vector<1x16xf32>,
        %get3A_2115 = vector.shape_cast %get3A_2114 : vector<1x16xf32> to vector<16xf32>
        %mul3A_2116 = arith.constant 10 : i32
        %mul3A_2117 = arith.muli %mul3A_2116, %scan3A_253 : i32
        %add3A_2118 = arith.constant 6 : i32
        %add3A_2119 = arith.addi %mul3A_2117, %add3A_2118 : i32
        %get3A_2120 = arith.index_cast %add3A_2119 : i32 to index
        %get3A_2121 = arith.constant 112 : index
        %get3A_2122 = tpu.vector_load %arg15[%get3A_2120, %get3A_2121] {strides = array<i32>} : memref<80x128xf32, #tpu.memory_space<vmem>>, vector<1x16xf32>,
        %get3A_2123 = vector.shape_cast %get3A_2122 : vector<1x16xf32> to vector<16xf32>
        %mul3A_2124 = arith.constant 10 : i32
        %mul3A_2125 = arith.muli %mul3A_2124, %scan3A_253 : i32
        %add3A_2126 = arith.constant 6 : i32
        %add3A_2127 = arith.addi %mul3A_2125, %add3A_2126 : i32
        %add3A_2128 = arith.constant 1 : i32
        %add3A_2129 = arith.addi %add3A_2127, %add3A_2128 : i32
        %get3A_2130 = arith.index_cast %add3A_2129 : i32 to index
        %get3A_2131 = arith.constant 112 : index
        %get3A_2132 = tpu.vector_load %arg15[%get3A_2130, %get3A_2131] {strides = array<i32>} : memref<80x128xf32, #tpu.memory_space<vmem>>, vector<1x16xf32>,
        %get3A_2133 = vector.shape_cast %get3A_2132 : vector<1x16xf32> to vector<16xf32>
        %add3A_2134 = arith.addf %get3A_1871, %get3A_1881 : vector<16xf32>
        %add3A_2135 = arith.addf %get3A_1863, %add3A_2134 : vector<16xf32>
        %gt3A_2136 = arith.constant 1.000000e+00 : f32
        %gt3A_2137 = vector.broadcast %gt3A_2136 : f32 to vector<16xf32>
        %gt3A_2138 = arith.cmpf ogt, %add3A_2135, %gt3A_2137 : vector<16xf32>
        %jit3A_2139 = arith.constant 1.000000e+00 : f32
        %jit3A_2140 = arith.constant 0.000000e+00 : f32
        %broadcast_in_dim3A_2141 = vector.broadcast %jit3A_2139 : f32 to vector<16xf32>
        %broadcast_in_dim3A_2142 = vector.broadcast %jit3A_2140 : f32 to vector<16xf32>
        %select_n3A_2143 = arith.select %gt3A_2138, %broadcast_in_dim3A_2141, %broadcast_in_dim3A_2142 : vector<16xi1>, vector<16xf32>
        %mul3A_2144 = arith.constant 5 : i32
        %mul3A_2145 = arith.muli %mul3A_2144, %scan3A_253 : i32
        %add3A_2146 = arith.constant 4 : i32
        %add3A_2147 = arith.addi %mul3A_2145, %add3A_2146 : i32
        %get3A_2148 = arith.index_cast %add3A_2147 : i32 to index
        %get3A_2149 = arith.constant 112 : index
        %get3A_2150 = tpu.vector_load %arg13[%get3A_2148, %get3A_2149] {strides = array<i32>} : memref<40x256xf32, #tpu.memory_space<vmem>>, vector<1x16xf32>,
        %get3A_2151 = vector.shape_cast %get3A_2150 : vector<1x16xf32> to vector<16xf32>
        %mul3A_2152 = arith.constant 10 : i32
        %mul3A_2153 = arith.muli %mul3A_2152, %scan3A_253 : i32
        %add3A_2154 = arith.constant 8 : i32
        %add3A_2155 = arith.addi %mul3A_2153, %add3A_2154 : i32
        %get3A_2156 = arith.index_cast %add3A_2155 : i32 to index
        %get3A_2157 = arith.constant 112 : index
        %get3A_2158 = tpu.vector_load %arg15[%get3A_2156, %get3A_2157] {strides = array<i32>} : memref<80x128xf32, #tpu.memory_space<vmem>>, vector<1x16xf32>,
        %get3A_2159 = vector.shape_cast %get3A_2158 : vector<1x16xf32> to vector<16xf32>
        %mul3A_2160 = arith.constant 10 : i32
        %mul3A_2161 = arith.muli %mul3A_2160, %scan3A_253 : i32
        %add3A_2162 = arith.constant 8 : i32
        %add3A_2163 = arith.addi %mul3A_2161, %add3A_2162 : i32
        %add3A_2164 = arith.constant 1 : i32
        %add3A_2165 = arith.addi %add3A_2163, %add3A_2164 : i32
        %get3A_2166 = arith.index_cast %add3A_2165 : i32 to index
        %get3A_2167 = arith.constant 112 : index
        %get3A_2168 = tpu.vector_load %arg15[%get3A_2166, %get3A_2167] {strides = array<i32>} : memref<80x128xf32, #tpu.memory_space<vmem>>, vector<1x16xf32>,
        %get3A_2169 = vector.shape_cast %get3A_2168 : vector<1x16xf32> to vector<16xf32>
        %add3A_2170 = arith.addf %get3A_1907, %get3A_1917 : vector<16xf32>
        %add3A_2171 = arith.addf %get3A_1899, %add3A_2170 : vector<16xf32>
        %gt3A_2172 = arith.constant 1.000000e+00 : f32
        %gt3A_2173 = vector.broadcast %gt3A_2172 : f32 to vector<16xf32>
        %gt3A_2174 = arith.cmpf ogt, %add3A_2171, %gt3A_2173 : vector<16xf32>
        %jit3A_2175 = arith.constant 1.000000e+00 : f32
        %jit3A_2176 = arith.constant 0.000000e+00 : f32
        %broadcast_in_dim3A_2177 = vector.broadcast %jit3A_2175 : f32 to vector<16xf32>
        %broadcast_in_dim3A_2178 = vector.broadcast %jit3A_2176 : f32 to vector<16xf32>
        %select_n3A_2179 = arith.select %gt3A_2174, %broadcast_in_dim3A_2177, %broadcast_in_dim3A_2178 : vector<16xi1>, vector<16xf32>
        %add3A_2180 = arith.addf %select_n3A_2035, %select_n3A_2071 : vector<16xf32>
        %add3A_2181 = arith.addf %select_n3A_2107, %select_n3A_2143 : vector<16xf32>
        %add3A_2182 = arith.addf %add3A_2180, %add3A_2181 : vector<16xf32>
        %add3A_2183 = arith.addf %add3A_2182, %select_n3A_2179 : vector<16xf32>
        %swap3A_2184 = arith.index_cast %add3A_254 : i32 to index
        %swap3A_2185 = arith.constant 224 : index
        %swap3A_2186 = tpu.vector_load %arg17[%swap3A_2184, %swap3A_2185] {strides = array<i32>} : memref<128x256xf32, #tpu.memory_space<vmem>>, vector<1x16xf32>,
        %swap3A_2187 = vector.shape_cast %swap3A_2186 : vector<1x16xf32> to vector<16xf32>
        %swap3A_2188 = vector.shape_cast %add3A_2183 : vector<16xf32> to vector<1x16xf32>
        tpu.vector_store %arg17[%swap3A_2184, %swap3A_2185], %swap3A_2188 {strides = array<i32>} : memref<128x256xf32, #tpu.memory_space<vmem>>, vector<1x16xf32>,
        %add3A_2189 = arith.addf %get3A_1944, %get3A_1952 : vector<16xf32>
        %add3A_2190 = arith.addf %get3A_1960, %get3A_1968 : vector<16xf32>
        %add3A_2191 = arith.addf %add3A_2189, %add3A_2190 : vector<16xf32>
        %add3A_2192 = arith.addf %get3A_1976, %get3A_1981 : vector<16xf32>
        %add3A_2193 = arith.addf %add3A_2191, %add3A_2192 : vector<16xf32>
        %gt3A_2194 = arith.constant 1.000000e+00 : f32
        %gt3A_2195 = vector.broadcast %gt3A_2194 : f32 to vector<16xf32>
        %gt3A_2196 = arith.cmpf ogt, %add3A_2193, %gt3A_2195 : vector<16xf32>
        %jit3A_2197 = arith.constant 1.000000e+00 : f32
        %jit3A_2198 = arith.constant 0.000000e+00 : f32
        %broadcast_in_dim3A_2199 = vector.broadcast %jit3A_2197 : f32 to vector<16xf32>
        %broadcast_in_dim3A_2200 = vector.broadcast %jit3A_2198 : f32 to vector<16xf32>
        %select_n3A_2201 = arith.select %gt3A_2196, %broadcast_in_dim3A_2199, %broadcast_in_dim3A_2200 : vector<16xi1>, vector<16xf32>
        %swap3A_2202 = arith.index_cast %add3A_254 : i32 to index
        %swap3A_2203 = arith.constant 112 : index
        %swap3A_2204 = tpu.vector_load %arg17[%swap3A_2202, %swap3A_2203] {strides = array<i32>} : memref<128x256xf32, #tpu.memory_space<vmem>>, vector<1x16xf32>,
        %swap3A_2205 = vector.shape_cast %swap3A_2204 : vector<1x16xf32> to vector<16xf32>
        %swap3A_2206 = vector.shape_cast %select_n3A_2201 : vector<16xf32> to vector<1x16xf32>
        tpu.vector_store %arg17[%swap3A_2202, %swap3A_2203], %swap3A_2206 {strides = array<i32>} : memref<128x256xf32, #tpu.memory_space<vmem>>, vector<1x16xf32>,
        %add3A_2207 = arith.addf %get3A_2015, %get3A_2025 : vector<16xf32>
        %add3A_2208 = arith.addf %get3A_2007, %add3A_2207 : vector<16xf32>
        %gt3A_2209 = arith.constant 1.000000e+00 : f32
        %gt3A_2210 = vector.broadcast %gt3A_2209 : f32 to vector<16xf32>
        %gt3A_2211 = arith.cmpf ogt, %add3A_2208, %gt3A_2210 : vector<16xf32>
        %jit3A_2212 = arith.constant 1.000000e+00 : f32
        %jit3A_2213 = arith.constant 0.000000e+00 : f32
        %broadcast_in_dim3A_2214 = vector.broadcast %jit3A_2212 : f32 to vector<16xf32>
        %broadcast_in_dim3A_2215 = vector.broadcast %jit3A_2213 : f32 to vector<16xf32>
        %select_n3A_2216 = arith.select %gt3A_2211, %broadcast_in_dim3A_2214, %broadcast_in_dim3A_2215 : vector<16xi1>, vector<16xf32>
        %add3A_2217 = arith.addf %get3A_2051, %get3A_2061 : vector<16xf32>
        %add3A_2218 = arith.addf %get3A_2043, %add3A_2217 : vector<16xf32>
        %gt3A_2219 = arith.constant 1.000000e+00 : f32
        %gt3A_2220 = vector.broadcast %gt3A_2219 : f32 to vector<16xf32>
        %gt3A_2221 = arith.cmpf ogt, %add3A_2218, %gt3A_2220 : vector<16xf32>
        %jit3A_2222 = arith.constant 1.000000e+00 : f32
        %jit3A_2223 = arith.constant 0.000000e+00 : f32
        %broadcast_in_dim3A_2224 = vector.broadcast %jit3A_2222 : f32 to vector<16xf32>
        %broadcast_in_dim3A_2225 = vector.broadcast %jit3A_2223 : f32 to vector<16xf32>
        %select_n3A_2226 = arith.select %gt3A_2221, %broadcast_in_dim3A_2224, %broadcast_in_dim3A_2225 : vector<16xi1>, vector<16xf32>
        %add3A_2227 = arith.addf %get3A_2087, %get3A_2097 : vector<16xf32>
        %add3A_2228 = arith.addf %get3A_2079, %add3A_2227 : vector<16xf32>
        %gt3A_2229 = arith.constant 1.000000e+00 : f32
        %gt3A_2230 = vector.broadcast %gt3A_2229 : f32 to vector<16xf32>
        %gt3A_2231 = arith.cmpf ogt, %add3A_2228, %gt3A_2230 : vector<16xf32>
        %jit3A_2232 = arith.constant 1.000000e+00 : f32
        %jit3A_2233 = arith.constant 0.000000e+00 : f32
        %broadcast_in_dim3A_2234 = vector.broadcast %jit3A_2232 : f32 to vector<16xf32>
        %broadcast_in_dim3A_2235 = vector.broadcast %jit3A_2233 : f32 to vector<16xf32>
        %select_n3A_2236 = arith.select %gt3A_2231, %broadcast_in_dim3A_2234, %broadcast_in_dim3A_2235 : vector<16xi1>, vector<16xf32>
        %add3A_2237 = arith.addf %get3A_2123, %get3A_2133 : vector<16xf32>
        %add3A_2238 = arith.addf %get3A_2115, %add3A_2237 : vector<16xf32>
        %gt3A_2239 = arith.constant 1.000000e+00 : f32
        %gt3A_2240 = vector.broadcast %gt3A_2239 : f32 to vector<16xf32>
        %gt3A_2241 = arith.cmpf ogt, %add3A_2238, %gt3A_2240 : vector<16xf32>
        %jit3A_2242 = arith.constant 1.000000e+00 : f32
        %jit3A_2243 = arith.constant 0.000000e+00 : f32
        %broadcast_in_dim3A_2244 = vector.broadcast %jit3A_2242 : f32 to vector<16xf32>
        %broadcast_in_dim3A_2245 = vector.broadcast %jit3A_2243 : f32 to vector<16xf32>
        %select_n3A_2246 = arith.select %gt3A_2241, %broadcast_in_dim3A_2244, %broadcast_in_dim3A_2245 : vector<16xi1>, vector<16xf32>
        %add3A_2247 = arith.addf %get3A_2159, %get3A_2169 : vector<16xf32>
        %add3A_2248 = arith.addf %get3A_2151, %add3A_2247 : vector<16xf32>
        %gt3A_2249 = arith.constant 1.000000e+00 : f32
        %gt3A_2250 = vector.broadcast %gt3A_2249 : f32 to vector<16xf32>
        %gt3A_2251 = arith.cmpf ogt, %add3A_2248, %gt3A_2250 : vector<16xf32>
        %jit3A_2252 = arith.constant 1.000000e+00 : f32
        %jit3A_2253 = arith.constant 0.000000e+00 : f32
        %broadcast_in_dim3A_2254 = vector.broadcast %jit3A_2252 : f32 to vector<16xf32>
        %broadcast_in_dim3A_2255 = vector.broadcast %jit3A_2253 : f32 to vector<16xf32>
        %select_n3A_2256 = arith.select %gt3A_2251, %broadcast_in_dim3A_2254, %broadcast_in_dim3A_2255 : vector<16xi1>, vector<16xf32>
        %add3A_2257 = arith.addf %select_n3A_2216, %select_n3A_2226 : vector<16xf32>
        %add3A_2258 = arith.addf %select_n3A_2236, %select_n3A_2246 : vector<16xf32>
        %add3A_2259 = arith.addf %add3A_2257, %add3A_2258 : vector<16xf32>
        %add3A_2260 = arith.addf %add3A_2259, %select_n3A_2256 : vector<16xf32>
        %swap3A_2261 = arith.index_cast %add3A_254 : i32 to index
        %swap3A_2262 = arith.constant 240 : index
        %swap3A_2263 = tpu.vector_load %arg17[%swap3A_2261, %swap3A_2262] {strides = array<i32>} : memref<128x256xf32, #tpu.memory_space<vmem>>, vector<1x16xf32>,
        %swap3A_2264 = vector.shape_cast %swap3A_2263 : vector<1x16xf32> to vector<16xf32>
        %swap3A_2265 = vector.shape_cast %add3A_2260 : vector<16xf32> to vector<1x16xf32>
        tpu.vector_store %arg17[%swap3A_2261, %swap3A_2262], %swap3A_2265 {strides = array<i32>} : memref<128x256xf32, #tpu.memory_space<vmem>>, vector<1x16xf32>,
      }
      %scan3A_226 = arith.constant 8 : i32
      %lt3A = arith.constant 39 : i32
      %lt3A_227 = arith.cmpi slt, %scan3A_186, %lt3A : i32
      %convert_element_type3A_228 = arith.extui %lt3A_227 : i1 to i32
      %cond3A_229 = arith.constant 0 : i32
      %cond3A_230 = arith.cmpi ne, %convert_element_type3A_228, %cond3A_229 : i32
      scf.if %cond3A_230 {
        %add3A_253 = arith.constant 2 : i32
        %add3A_254 = arith.addi %mul3A_188, %add3A_253 : i32
        %mul3A_255 = arith.constant 40 : i32
        %mul3A_256 = arith.muli %add3A_254, %mul3A_255 : i32
        %dma_start3A_257 = tpu.memref_slice %arg10[%mul3A_256] : memref<3200xi32, #tpu.memory_space<vmem>> -> memref<40xi32, #tpu.memory_space<vmem>>
        %dma_start3A_258 = arith.constant 0 : i32
        %dma_start3A_259 = arith.constant 0 : i32
        %dma_start3A_260 = tpu.memref_slice %arg2[%dma_start3A_258, %dma_start3A_259] : memref<10000x256xf32, #tpu.memory_space<hbm>> -> memref<10000x256xf32, #tpu.memory_space<hbm>>
        tpu.enqueue_indirect_dma source(%dma_start3A_260 : memref<10000x256xf32, #tpu.memory_space<hbm>>) target(%arg13 : memref<40x256xf32, #tpu.memory_space<vmem>>) offsets(%dma_start3A_257 : memref<40xi32, #tpu.memory_space<vmem>>) semaphore(%arg18 : memref<!tpu.dma_semaphore, #tpu.memory_space<semaphore_mem>>)
        %mul3A_261 = arith.constant 80 : i32
        %mul3A_262 = arith.muli %add3A_254, %mul3A_261 : i32
        %dma_start3A_263 = tpu.memref_slice %arg11[%mul3A_262] : memref<6400xi32, #tpu.memory_space<vmem>> -> memref<80xi32, #tpu.memory_space<vmem>>
        %dma_start3A_264 = arith.constant 0 : i32
        %dma_start3A_265 = arith.constant 0 : i32
        %dma_start3A_266 = tpu.memref_slice %arg3[%dma_start3A_264, %dma_start3A_265] : memref<10000x128xf32, #tpu.memory_space<hbm>> -> memref<10000x128xf32, #tpu.memory_space<hbm>>
        tpu.enqueue_indirect_dma source(%dma_start3A_266 : memref<10000x128xf32, #tpu.memory_space<hbm>>) target(%arg15 : memref<80x128xf32, #tpu.memory_space<vmem>>) offsets(%dma_start3A_263 : memref<80xi32, #tpu.memory_space<vmem>>) semaphore(%arg18 : memref<!tpu.dma_semaphore, #tpu.memory_space<semaphore_mem>>)
      } else {
      }
      %dma_wait3A_231 = arith.constant 0 : i32
      %dma_wait3A_232 = tpu.memref_slice %arg10[%dma_wait3A_231] : memref<3200xi32, #tpu.memory_space<vmem>> -> memref<40xi32, #tpu.memory_space<vmem>>
      %dma_wait3A_233 = arith.constant 0 : i32
      %dma_wait3A_234 = arith.constant 0 : i32
      %dma_wait3A_235 = tpu.memref_slice %arg2[%dma_wait3A_233, %dma_wait3A_234] : memref<10000x256xf32, #tpu.memory_space<hbm>> -> memref<10000x256xf32, #tpu.memory_space<hbm>>
      tpu.wait_indirect_dma semaphore(%arg19 : memref<!tpu.dma_semaphore, #tpu.memory_space<semaphore_mem>>) src(%dma_wait3A_235 : memref<10000x256xf32, #tpu.memory_space<hbm>>) dst(%arg14 : memref<40x256xf32, #tpu.memory_space<vmem>>)
      %dma_wait3A_236 = arith.constant 0 : i32
      %dma_wait3A_237 = tpu.memref_slice %arg11[%dma_wait3A_236] : memref<6400xi32, #tpu.memory_space<vmem>> -> memref<80xi32, #tpu.memory_space<vmem>>
      %dma_wait3A_238 = arith.constant 0 : i32
      %dma_wait3A_239 = arith.constant 0 : i32
      %dma_wait3A_240 = tpu.memref_slice %arg3[%dma_wait3A_238, %dma_wait3A_239] : memref<10000x128xf32, #tpu.memory_space<hbm>> -> memref<10000x128xf32, #tpu.memory_space<hbm>>
      tpu.wait_indirect_dma semaphore(%arg19 : memref<!tpu.dma_semaphore, #tpu.memory_space<semaphore_mem>>) src(%dma_wait3A_240 : memref<10000x128xf32, #tpu.memory_space<hbm>>) dst(%arg16 : memref<80x128xf32, #tpu.memory_space<vmem>>)
      %add3A_241 = arith.constant 1 : i32
      %add3A_242 = arith.addi %mul3A_188, %add3A_241 : i32
      %rem3A_243 = arith.constant 16 : i32
      %rem3A_244 = arith.remsi %add3A_242, %rem3A_243 : i32
      %mul3A_245 = arith.constant 8 : i32
      %mul3A_246 = arith.muli %rem3A_244, %mul3A_245 : i32
      %scan3A_247 = arith.constant 0 : i32
      %scan3A_248 = arith.constant 0 : i32
      %scan3A_249 = arith.constant 8 : i32
      %scan3A_250 = arith.addi %scan3A_248, %scan3A_249 : i32
      %scan3A_251 = arith.constant 1 : i32
      scf.for %scan3A_253 = %scan3A_248 to %scan3A_250 step %scan3A_251  : i32 {
        %add3A_254 = arith.addi %mul3A_246, %scan3A_253 : i32
        %mul3A_255 = arith.constant 5 : i32
        %mul3A_256 = arith.muli %mul3A_255, %scan3A_253 : i32
        %add3A_257 = arith.constant 0 : i32
        %add3A_258 = arith.addi %mul3A_256, %add3A_257 : i32
        %get3A = arith.index_cast %add3A_258 : i32 to index
        %get3A_259 = arith.constant 128 : index
        %get3A_260 = tpu.vector_load %arg14[%get3A, %get3A_259] {strides = array<i32>} : memref<40x256xf32, #tpu.memory_space<vmem>>, vector<1x16xf32>,
        %get3A_261 = vector.shape_cast %get3A_260 : vector<1x16xf32> to vector<16xf32>
        %mul3A_262 = arith.constant 5 : i32
        %mul3A_263 = arith.muli %mul3A_262, %scan3A_253 : i32
        %add3A_264 = arith.constant 1 : i32
        %add3A_265 = arith.addi %mul3A_263, %add3A_264 : i32
        %get3A_266 = arith.index_cast %add3A_265 : i32 to index
        %get3A_267 = arith.constant 128 : index
        %get3A_268 = tpu.vector_load %arg14[%get3A_266, %get3A_267] {strides = array<i32>} : memref<40x256xf32, #tpu.memory_space<vmem>>, vector<1x16xf32>,
        %get3A_269 = vector.shape_cast %get3A_268 : vector<1x16xf32> to vector<16xf32>
        %mul3A_270 = arith.constant 5 : i32
        %mul3A_271 = arith.muli %mul3A_270, %scan3A_253 : i32
        %add3A_272 = arith.constant 2 : i32
        %add3A_273 = arith.addi %mul3A_271, %add3A_272 : i32
        %get3A_274 = arith.index_cast %add3A_273 : i32 to index
        %get3A_275 = arith.constant 128 : index
        %get3A_276 = tpu.vector_load %arg14[%get3A_274, %get3A_275] {strides = array<i32>} : memref<40x256xf32, #tpu.memory_space<vmem>>, vector<1x16xf32>,
        %get3A_277 = vector.shape_cast %get3A_276 : vector<1x16xf32> to vector<16xf32>
        %mul3A_278 = arith.constant 5 : i32
        %mul3A_279 = arith.muli %mul3A_278, %scan3A_253 : i32
        %add3A_280 = arith.constant 3 : i32
        %add3A_281 = arith.addi %mul3A_279, %add3A_280 : i32
        %get3A_282 = arith.index_cast %add3A_281 : i32 to index
        %get3A_283 = arith.constant 128 : index
        %get3A_284 = tpu.vector_load %arg14[%get3A_282, %get3A_283] {strides = array<i32>} : memref<40x256xf32, #tpu.memory_space<vmem>>, vector<1x16xf32>,
        %get3A_285 = vector.shape_cast %get3A_284 : vector<1x16xf32> to vector<16xf32>
        %mul3A_286 = arith.constant 5 : i32
        %mul3A_287 = arith.muli %mul3A_286, %scan3A_253 : i32
        %add3A_288 = arith.constant 4 : i32
        %add3A_289 = arith.addi %mul3A_287, %add3A_288 : i32
        %get3A_290 = arith.index_cast %add3A_289 : i32 to index
        %get3A_291 = arith.constant 128 : index
        %get3A_292 = tpu.vector_load %arg14[%get3A_290, %get3A_291] {strides = array<i32>} : memref<40x256xf32, #tpu.memory_space<vmem>>, vector<1x16xf32>,
        %get3A_293 = vector.shape_cast %get3A_292 : vector<1x16xf32> to vector<16xf32>
        %add3A_294 = arith.addi %mul3A_246, %scan3A_253 : i32
        %get3A_295 = arith.index_cast %add3A_294 : i32 to index
        %get3A_296 = arith.constant 0 : index
        %get3A_297 = tpu.vector_load %arg12[%get3A_295, %get3A_296] {strides = array<i32>} : memref<128x128xf32, #tpu.memory_space<vmem>>, vector<1x16xf32>,
        %get3A_298 = vector.shape_cast %get3A_297 : vector<1x16xf32> to vector<16xf32>
        %mul3A_299 = arith.constant 5 : i32
        %mul3A_300 = arith.muli %mul3A_299, %scan3A_253 : i32
        %add3A_301 = arith.constant 0 : i32
        %add3A_302 = arith.addi %mul3A_300, %add3A_301 : i32
        %get3A_303 = arith.index_cast %add3A_302 : i32 to index
        %get3A_304 = arith.constant 0 : index
        %get3A_305 = tpu.vector_load %arg14[%get3A_303, %get3A_304] {strides = array<i32>} : memref<40x256xf32, #tpu.memory_space<vmem>>, vector<1x16xf32>,
        %get3A_306 = vector.shape_cast %get3A_305 : vector<1x16xf32> to vector<16xf32>
        %mul3A_307 = arith.constant 10 : i32
        %mul3A_308 = arith.muli %mul3A_307, %scan3A_253 : i32
        %add3A_309 = arith.constant 0 : i32
        %add3A_310 = arith.addi %mul3A_308, %add3A_309 : i32
        %get3A_311 = arith.index_cast %add3A_310 : i32 to index
        %get3A_312 = arith.constant 0 : index
        %get3A_313 = tpu.vector_load %arg16[%get3A_311, %get3A_312] {strides = array<i32>} : memref<80x128xf32, #tpu.memory_space<vmem>>, vector<1x16xf32>,
        %get3A_314 = vector.shape_cast %get3A_313 : vector<1x16xf32> to vector<16xf32>
        %mul3A_315 = arith.constant 10 : i32
        %mul3A_316 = arith.muli %mul3A_315, %scan3A_253 : i32
        %add3A_317 = arith.constant 0 : i32
        %add3A_318 = arith.addi %mul3A_316, %add3A_317 : i32
        %add3A_319 = arith.constant 1 : i32
        %add3A_320 = arith.addi %add3A_318, %add3A_319 : i32
        %get3A_321 = arith.index_cast %add3A_320 : i32 to index
        %get3A_322 = arith.constant 0 : index
        %get3A_323 = tpu.vector_load %arg16[%get3A_321, %get3A_322] {strides = array<i32>} : memref<80x128xf32, #tpu.memory_space<vmem>>, vector<1x16xf32>,
        %get3A_324 = vector.shape_cast %get3A_323 : vector<1x16xf32> to vector<16xf32>
        %mul3A_325 = arith.constant 5 : i32
        %mul3A_326 = arith.muli %mul3A_325, %scan3A_253 : i32
        %add3A_327 = arith.constant 1 : i32
        %add3A_328 = arith.addi %mul3A_326, %add3A_327 : i32
        %get3A_329 = arith.index_cast %add3A_328 : i32 to index
        %get3A_330 = arith.constant 0 : index
        %get3A_331 = tpu.vector_load %arg14[%get3A_329, %get3A_330] {strides = array<i32>} : memref<40x256xf32, #tpu.memory_space<vmem>>, vector<1x16xf32>,
        %get3A_332 = vector.shape_cast %get3A_331 : vector<1x16xf32> to vector<16xf32>
        %mul3A_333 = arith.constant 10 : i32
        %mul3A_334 = arith.muli %mul3A_333, %scan3A_253 : i32
        %add3A_335 = arith.constant 2 : i32
        %add3A_336 = arith.addi %mul3A_334, %add3A_335 : i32
        %get3A_337 = arith.index_cast %add3A_336 : i32 to index
        %get3A_338 = arith.constant 0 : index
        %get3A_339 = tpu.vector_load %arg16[%get3A_337, %get3A_338] {strides = array<i32>} : memref<80x128xf32, #tpu.memory_space<vmem>>, vector<1x16xf32>,
        %get3A_340 = vector.shape_cast %get3A_339 : vector<1x16xf32> to vector<16xf32>
        %mul3A_341 = arith.constant 10 : i32
        %mul3A_342 = arith.muli %mul3A_341, %scan3A_253 : i32
        %add3A_343 = arith.constant 2 : i32
        %add3A_344 = arith.addi %mul3A_342, %add3A_343 : i32
        %add3A_345 = arith.constant 1 : i32
        %add3A_346 = arith.addi %add3A_344, %add3A_345 : i32
        %get3A_347 = arith.index_cast %add3A_346 : i32 to index
        %get3A_348 = arith.constant 0 : index
        %get3A_349 = tpu.vector_load %arg16[%get3A_347, %get3A_348] {strides = array<i32>} : memref<80x128xf32, #tpu.memory_space<vmem>>, vector<1x16xf32>,
        %get3A_350 = vector.shape_cast %get3A_349 : vector<1x16xf32> to vector<16xf32>
        %mul3A_351 = arith.constant 5 : i32
        %mul3A_352 = arith.muli %mul3A_351, %scan3A_253 : i32
        %add3A_353 = arith.constant 2 : i32
        %add3A_354 = arith.addi %mul3A_352, %add3A_353 : i32
        %get3A_355 = arith.index_cast %add3A_354 : i32 to index
        %get3A_356 = arith.constant 0 : index
        %get3A_357 = tpu.vector_load %arg14[%get3A_355, %get3A_356] {strides = array<i32>} : memref<40x256xf32, #tpu.memory_space<vmem>>, vector<1x16xf32>,
        %get3A_358 = vector.shape_cast %get3A_357 : vector<1x16xf32> to vector<16xf32>
        %mul3A_359 = arith.constant 10 : i32
        %mul3A_360 = arith.muli %mul3A_359, %scan3A_253 : i32
        %add3A_361 = arith.constant 4 : i32
        %add3A_362 = arith.addi %mul3A_360, %add3A_361 : i32
        %get3A_363 = arith.index_cast %add3A_362 : i32 to index
        %get3A_364 = arith.constant 0 : index
        %get3A_365 = tpu.vector_load %arg16[%get3A_363, %get3A_364] {strides = array<i32>} : memref<80x128xf32, #tpu.memory_space<vmem>>, vector<1x16xf32>,
        %get3A_366 = vector.shape_cast %get3A_365 : vector<1x16xf32> to vector<16xf32>
        %mul3A_367 = arith.constant 10 : i32
        %mul3A_368 = arith.muli %mul3A_367, %scan3A_253 : i32
        %add3A_369 = arith.constant 4 : i32
        %add3A_370 = arith.addi %mul3A_368, %add3A_369 : i32
        %add3A_371 = arith.constant 1 : i32
        %add3A_372 = arith.addi %add3A_370, %add3A_371 : i32
        %get3A_373 = arith.index_cast %add3A_372 : i32 to index
        %get3A_374 = arith.constant 0 : index
        %get3A_375 = tpu.vector_load %arg16[%get3A_373, %get3A_374] {strides = array<i32>} : memref<80x128xf32, #tpu.memory_space<vmem>>, vector<1x16xf32>,
        %get3A_376 = vector.shape_cast %get3A_375 : vector<1x16xf32> to vector<16xf32>
        %mul3A_377 = arith.constant 5 : i32
        %mul3A_378 = arith.muli %mul3A_377, %scan3A_253 : i32
        %add3A_379 = arith.constant 3 : i32
        %add3A_380 = arith.addi %mul3A_378, %add3A_379 : i32
        %get3A_381 = arith.index_cast %add3A_380 : i32 to index
        %get3A_382 = arith.constant 0 : index
        %get3A_383 = tpu.vector_load %arg14[%get3A_381, %get3A_382] {strides = array<i32>} : memref<40x256xf32, #tpu.memory_space<vmem>>, vector<1x16xf32>,
        %get3A_384 = vector.shape_cast %get3A_383 : vector<1x16xf32> to vector<16xf32>
        %mul3A_385 = arith.constant 10 : i32
        %mul3A_386 = arith.muli %mul3A_385, %scan3A_253 : i32
        %add3A_387 = arith.constant 6 : i32
        %add3A_388 = arith.addi %mul3A_386, %add3A_387 : i32
        %get3A_389 = arith.index_cast %add3A_388 : i32 to index
        %get3A_390 = arith.constant 0 : index
        %get3A_391 = tpu.vector_load %arg16[%get3A_389, %get3A_390] {strides = array<i32>} : memref<80x128xf32, #tpu.memory_space<vmem>>, vector<1x16xf32>,
        %get3A_392 = vector.shape_cast %get3A_391 : vector<1x16xf32> to vector<16xf32>
        %mul3A_393 = arith.constant 10 : i32
        %mul3A_394 = arith.muli %mul3A_393, %scan3A_253 : i32
        %add3A_395 = arith.constant 6 : i32
        %add3A_396 = arith.addi %mul3A_394, %add3A_395 : i32
        %add3A_397 = arith.constant 1 : i32
        %add3A_398 = arith.addi %add3A_396, %add3A_397 : i32
        %get3A_399 = arith.index_cast %add3A_398 : i32 to index
        %get3A_400 = arith.constant 0 : index
        %get3A_401 = tpu.vector_load %arg16[%get3A_399, %get3A_400] {strides = array<i32>} : memref<80x128xf32, #tpu.memory_space<vmem>>, vector<1x16xf32>,
        %get3A_402 = vector.shape_cast %get3A_401 : vector<1x16xf32> to vector<16xf32>
        %mul3A_403 = arith.constant 5 : i32
        %mul3A_404 = arith.muli %mul3A_403, %scan3A_253 : i32
        %add3A_405 = arith.constant 4 : i32
        %add3A_406 = arith.addi %mul3A_404, %add3A_405 : i32
        %get3A_407 = arith.index_cast %add3A_406 : i32 to index
        %get3A_408 = arith.constant 0 : index
        %get3A_409 = tpu.vector_load %arg14[%get3A_407, %get3A_408] {strides = array<i32>} : memref<40x256xf32, #tpu.memory_space<vmem>>, vector<1x16xf32>,
        %get3A_410 = vector.shape_cast %get3A_409 : vector<1x16xf32> to vector<16xf32>
        %mul3A_411 = arith.constant 10 : i32
        %mul3A_412 = arith.muli %mul3A_411, %scan3A_253 : i32
        %add3A_413 = arith.constant 8 : i32
        %add3A_414 = arith.addi %mul3A_412, %add3A_413 : i32
        %get3A_415 = arith.index_cast %add3A_414 : i32 to index
        %get3A_416 = arith.constant 0 : index
        %get3A_417 = tpu.vector_load %arg16[%get3A_415, %get3A_416] {strides = array<i32>} : memref<80x128xf32, #tpu.memory_space<vmem>>, vector<1x16xf32>,
        %get3A_418 = vector.shape_cast %get3A_417 : vector<1x16xf32> to vector<16xf32>
        %mul3A_419 = arith.constant 10 : i32
        %mul3A_420 = arith.muli %mul3A_419, %scan3A_253 : i32
        %add3A_421 = arith.constant 8 : i32
        %add3A_422 = arith.addi %mul3A_420, %add3A_421 : i32
        %add3A_423 = arith.constant 1 : i32
        %add3A_424 = arith.addi %add3A_422, %add3A_423 : i32
        %get3A_425 = arith.index_cast %add3A_424 : i32 to index
        %get3A_426 = arith.constant 0 : index
        %get3A_427 = tpu.vector_load %arg16[%get3A_425, %get3A_426] {strides = array<i32>} : memref<80x128xf32, #tpu.memory_space<vmem>>, vector<1x16xf32>,
        %get3A_428 = vector.shape_cast %get3A_427 : vector<1x16xf32> to vector<16xf32>
        %mul3A_429 = arith.constant 5 : i32
        %mul3A_430 = arith.muli %mul3A_429, %scan3A_253 : i32
        %add3A_431 = arith.constant 0 : i32
        %add3A_432 = arith.addi %mul3A_430, %add3A_431 : i32
        %get3A_433 = arith.index_cast %add3A_432 : i32 to index
        %get3A_434 = arith.constant 144 : index
        %get3A_435 = tpu.vector_load %arg14[%get3A_433, %get3A_434] {strides = array<i32>} : memref<40x256xf32, #tpu.memory_space<vmem>>, vector<1x16xf32>,
        %get3A_436 = vector.shape_cast %get3A_435 : vector<1x16xf32> to vector<16xf32>
        %mul3A_437 = arith.constant 5 : i32
        %mul3A_438 = arith.muli %mul3A_437, %scan3A_253 : i32
        %add3A_439 = arith.constant 1 : i32
        %add3A_440 = arith.addi %mul3A_438, %add3A_439 : i32
        %get3A_441 = arith.index_cast %add3A_440 : i32 to index
        %get3A_442 = arith.constant 144 : index
        %get3A_443 = tpu.vector_load %arg14[%get3A_441, %get3A_442] {strides = array<i32>} : memref<40x256xf32, #tpu.memory_space<vmem>>, vector<1x16xf32>,
        %get3A_444 = vector.shape_cast %get3A_443 : vector<1x16xf32> to vector<16xf32>
        %mul3A_445 = arith.constant 5 : i32
        %mul3A_446 = arith.muli %mul3A_445, %scan3A_253 : i32
        %add3A_447 = arith.constant 2 : i32
        %add3A_448 = arith.addi %mul3A_446, %add3A_447 : i32
        %get3A_449 = arith.index_cast %add3A_448 : i32 to index
        %get3A_450 = arith.constant 144 : index
        %get3A_451 = tpu.vector_load %arg14[%get3A_449, %get3A_450] {strides = array<i32>} : memref<40x256xf32, #tpu.memory_space<vmem>>, vector<1x16xf32>,
        %get3A_452 = vector.shape_cast %get3A_451 : vector<1x16xf32> to vector<16xf32>
        %mul3A_453 = arith.constant 5 : i32
        %mul3A_454 = arith.muli %mul3A_453, %scan3A_253 : i32
        %add3A_455 = arith.constant 3 : i32
        %add3A_456 = arith.addi %mul3A_454, %add3A_455 : i32
        %get3A_457 = arith.index_cast %add3A_456 : i32 to index
        %get3A_458 = arith.constant 144 : index
        %get3A_459 = tpu.vector_load %arg14[%get3A_457, %get3A_458] {strides = array<i32>} : memref<40x256xf32, #tpu.memory_space<vmem>>, vector<1x16xf32>,
        %get3A_460 = vector.shape_cast %get3A_459 : vector<1x16xf32> to vector<16xf32>
        %mul3A_461 = arith.constant 5 : i32
        %mul3A_462 = arith.muli %mul3A_461, %scan3A_253 : i32
        %add3A_463 = arith.constant 4 : i32
        %add3A_464 = arith.addi %mul3A_462, %add3A_463 : i32
        %get3A_465 = arith.index_cast %add3A_464 : i32 to index
        %get3A_466 = arith.constant 144 : index
        %get3A_467 = tpu.vector_load %arg14[%get3A_465, %get3A_466] {strides = array<i32>} : memref<40x256xf32, #tpu.memory_space<vmem>>, vector<1x16xf32>,
        %get3A_468 = vector.shape_cast %get3A_467 : vector<1x16xf32> to vector<16xf32>
        %add3A_469 = arith.addi %mul3A_246, %scan3A_253 : i32
        %get3A_470 = arith.index_cast %add3A_469 : i32 to index
        %get3A_471 = arith.constant 16 : index
        %get3A_472 = tpu.vector_load %arg12[%get3A_470, %get3A_471] {strides = array<i32>} : memref<128x128xf32, #tpu.memory_space<vmem>>, vector<1x16xf32>,
        %get3A_473 = vector.shape_cast %get3A_472 : vector<1x16xf32> to vector<16xf32>
        %add3A_474 = arith.addf %get3A_261, %get3A_269 : vector<16xf32>
        %add3A_475 = arith.addf %get3A_277, %get3A_285 : vector<16xf32>
        %add3A_476 = arith.addf %add3A_474, %add3A_475 : vector<16xf32>
        %add3A_477 = arith.addf %get3A_293, %get3A_298 : vector<16xf32>
        %add3A_478 = arith.addf %add3A_476, %add3A_477 : vector<16xf32>
        %gt3A_479 = arith.constant 1.000000e+00 : f32
        %gt3A_480 = vector.broadcast %gt3A_479 : f32 to vector<16xf32>
        %gt3A_481 = arith.cmpf ogt, %add3A_478, %gt3A_480 : vector<16xf32>
        %jit3A = arith.constant 1.000000e+00 : f32
        %jit3A_482 = arith.constant 0.000000e+00 : f32
        %broadcast_in_dim3A = vector.broadcast %jit3A : f32 to vector<16xf32>
        %broadcast_in_dim3A_483 = vector.broadcast %jit3A_482 : f32 to vector<16xf32>
        %select_n3A = arith.select %gt3A_481, %broadcast_in_dim3A, %broadcast_in_dim3A_483 : vector<16xi1>, vector<16xf32>
        %swap3A = arith.index_cast %add3A_254 : i32 to index
        %swap3A_484 = arith.constant 0 : index
        %swap3A_485 = tpu.vector_load %arg17[%swap3A, %swap3A_484] {strides = array<i32>} : memref<128x256xf32, #tpu.memory_space<vmem>>, vector<1x16xf32>,
        %swap3A_486 = vector.shape_cast %swap3A_485 : vector<1x16xf32> to vector<16xf32>
        %swap3A_487 = vector.shape_cast %select_n3A : vector<16xf32> to vector<1x16xf32>
        tpu.vector_store %arg17[%swap3A, %swap3A_484], %swap3A_487 {strides = array<i32>} : memref<128x256xf32, #tpu.memory_space<vmem>>, vector<1x16xf32>,
        %mul3A_488 = arith.constant 5 : i32
        %mul3A_489 = arith.muli %mul3A_488, %scan3A_253 : i32
        %add3A_490 = arith.constant 0 : i32
        %add3A_491 = arith.addi %mul3A_489, %add3A_490 : i32
        %get3A_492 = arith.index_cast %add3A_491 : i32 to index
        %get3A_493 = arith.constant 16 : index
        %get3A_494 = tpu.vector_load %arg14[%get3A_492, %get3A_493] {strides = array<i32>} : memref<40x256xf32, #tpu.memory_space<vmem>>, vector<1x16xf32>,
        %get3A_495 = vector.shape_cast %get3A_494 : vector<1x16xf32> to vector<16xf32>
        %mul3A_496 = arith.constant 10 : i32
        %mul3A_497 = arith.muli %mul3A_496, %scan3A_253 : i32
        %add3A_498 = arith.constant 0 : i32
        %add3A_499 = arith.addi %mul3A_497, %add3A_498 : i32
        %get3A_500 = arith.index_cast %add3A_499 : i32 to index
        %get3A_501 = arith.constant 16 : index
        %get3A_502 = tpu.vector_load %arg16[%get3A_500, %get3A_501] {strides = array<i32>} : memref<80x128xf32, #tpu.memory_space<vmem>>, vector<1x16xf32>,
        %get3A_503 = vector.shape_cast %get3A_502 : vector<1x16xf32> to vector<16xf32>
        %mul3A_504 = arith.constant 10 : i32
        %mul3A_505 = arith.muli %mul3A_504, %scan3A_253 : i32
        %add3A_506 = arith.constant 0 : i32
        %add3A_507 = arith.addi %mul3A_505, %add3A_506 : i32
        %add3A_508 = arith.constant 1 : i32
        %add3A_509 = arith.addi %add3A_507, %add3A_508 : i32
        %get3A_510 = arith.index_cast %add3A_509 : i32 to index
        %get3A_511 = arith.constant 16 : index
        %get3A_512 = tpu.vector_load %arg16[%get3A_510, %get3A_511] {strides = array<i32>} : memref<80x128xf32, #tpu.memory_space<vmem>>, vector<1x16xf32>,
        %get3A_513 = vector.shape_cast %get3A_512 : vector<1x16xf32> to vector<16xf32>
        %add3A_514 = arith.addf %get3A_314, %get3A_324 : vector<16xf32>
        %add3A_515 = arith.addf %get3A_306, %add3A_514 : vector<16xf32>
        %gt3A_516 = arith.constant 1.000000e+00 : f32
        %gt3A_517 = vector.broadcast %gt3A_516 : f32 to vector<16xf32>
        %gt3A_518 = arith.cmpf ogt, %add3A_515, %gt3A_517 : vector<16xf32>
        %jit3A_519 = arith.constant 1.000000e+00 : f32
        %jit3A_520 = arith.constant 0.000000e+00 : f32
        %broadcast_in_dim3A_521 = vector.broadcast %jit3A_519 : f32 to vector<16xf32>
        %broadcast_in_dim3A_522 = vector.broadcast %jit3A_520 : f32 to vector<16xf32>
        %select_n3A_523 = arith.select %gt3A_518, %broadcast_in_dim3A_521, %broadcast_in_dim3A_522 : vector<16xi1>, vector<16xf32>
        %mul3A_524 = arith.constant 5 : i32
        %mul3A_525 = arith.muli %mul3A_524, %scan3A_253 : i32
        %add3A_526 = arith.constant 1 : i32
        %add3A_527 = arith.addi %mul3A_525, %add3A_526 : i32
        %get3A_528 = arith.index_cast %add3A_527 : i32 to index
        %get3A_529 = arith.constant 16 : index
        %get3A_530 = tpu.vector_load %arg14[%get3A_528, %get3A_529] {strides = array<i32>} : memref<40x256xf32, #tpu.memory_space<vmem>>, vector<1x16xf32>,
        %get3A_531 = vector.shape_cast %get3A_530 : vector<1x16xf32> to vector<16xf32>
        %mul3A_532 = arith.constant 10 : i32
        %mul3A_533 = arith.muli %mul3A_532, %scan3A_253 : i32
        %add3A_534 = arith.constant 2 : i32
        %add3A_535 = arith.addi %mul3A_533, %add3A_534 : i32
        %get3A_536 = arith.index_cast %add3A_535 : i32 to index
        %get3A_537 = arith.constant 16 : index
        %get3A_538 = tpu.vector_load %arg16[%get3A_536, %get3A_537] {strides = array<i32>} : memref<80x128xf32, #tpu.memory_space<vmem>>, vector<1x16xf32>,
        %get3A_539 = vector.shape_cast %get3A_538 : vector<1x16xf32> to vector<16xf32>
        %mul3A_540 = arith.constant 10 : i32
        %mul3A_541 = arith.muli %mul3A_540, %scan3A_253 : i32
        %add3A_542 = arith.constant 2 : i32
        %add3A_543 = arith.addi %mul3A_541, %add3A_542 : i32
        %add3A_544 = arith.constant 1 : i32
        %add3A_545 = arith.addi %add3A_543, %add3A_544 : i32
        %get3A_546 = arith.index_cast %add3A_545 : i32 to index
        %get3A_547 = arith.constant 16 : index
        %get3A_548 = tpu.vector_load %arg16[%get3A_546, %get3A_547] {strides = array<i32>} : memref<80x128xf32, #tpu.memory_space<vmem>>, vector<1x16xf32>,
        %get3A_549 = vector.shape_cast %get3A_548 : vector<1x16xf32> to vector<16xf32>
        %add3A_550 = arith.addf %get3A_340, %get3A_350 : vector<16xf32>
        %add3A_551 = arith.addf %get3A_332, %add3A_550 : vector<16xf32>
        %gt3A_552 = arith.constant 1.000000e+00 : f32
        %gt3A_553 = vector.broadcast %gt3A_552 : f32 to vector<16xf32>
        %gt3A_554 = arith.cmpf ogt, %add3A_551, %gt3A_553 : vector<16xf32>
        %jit3A_555 = arith.constant 1.000000e+00 : f32
        %jit3A_556 = arith.constant 0.000000e+00 : f32
        %broadcast_in_dim3A_557 = vector.broadcast %jit3A_555 : f32 to vector<16xf32>
        %broadcast_in_dim3A_558 = vector.broadcast %jit3A_556 : f32 to vector<16xf32>
        %select_n3A_559 = arith.select %gt3A_554, %broadcast_in_dim3A_557, %broadcast_in_dim3A_558 : vector<16xi1>, vector<16xf32>
        %mul3A_560 = arith.constant 5 : i32
        %mul3A_561 = arith.muli %mul3A_560, %scan3A_253 : i32
        %add3A_562 = arith.constant 2 : i32
        %add3A_563 = arith.addi %mul3A_561, %add3A_562 : i32
        %get3A_564 = arith.index_cast %add3A_563 : i32 to index
        %get3A_565 = arith.constant 16 : index
        %get3A_566 = tpu.vector_load %arg14[%get3A_564, %get3A_565] {strides = array<i32>} : memref<40x256xf32, #tpu.memory_space<vmem>>, vector<1x16xf32>,
        %get3A_567 = vector.shape_cast %get3A_566 : vector<1x16xf32> to vector<16xf32>
        %mul3A_568 = arith.constant 10 : i32
        %mul3A_569 = arith.muli %mul3A_568, %scan3A_253 : i32
        %add3A_570 = arith.constant 4 : i32
        %add3A_571 = arith.addi %mul3A_569, %add3A_570 : i32
        %get3A_572 = arith.index_cast %add3A_571 : i32 to index
        %get3A_573 = arith.constant 16 : index
        %get3A_574 = tpu.vector_load %arg16[%get3A_572, %get3A_573] {strides = array<i32>} : memref<80x128xf32, #tpu.memory_space<vmem>>, vector<1x16xf32>,
        %get3A_575 = vector.shape_cast %get3A_574 : vector<1x16xf32> to vector<16xf32>
        %mul3A_576 = arith.constant 10 : i32
        %mul3A_577 = arith.muli %mul3A_576, %scan3A_253 : i32
        %add3A_578 = arith.constant 4 : i32
        %add3A_579 = arith.addi %mul3A_577, %add3A_578 : i32
        %add3A_580 = arith.constant 1 : i32
        %add3A_581 = arith.addi %add3A_579, %add3A_580 : i32
        %get3A_582 = arith.index_cast %add3A_581 : i32 to index
        %get3A_583 = arith.constant 16 : index
        %get3A_584 = tpu.vector_load %arg16[%get3A_582, %get3A_583] {strides = array<i32>} : memref<80x128xf32, #tpu.memory_space<vmem>>, vector<1x16xf32>,
        %get3A_585 = vector.shape_cast %get3A_584 : vector<1x16xf32> to vector<16xf32>
        %add3A_586 = arith.addf %get3A_366, %get3A_376 : vector<16xf32>
        %add3A_587 = arith.addf %get3A_358, %add3A_586 : vector<16xf32>
        %gt3A_588 = arith.constant 1.000000e+00 : f32
        %gt3A_589 = vector.broadcast %gt3A_588 : f32 to vector<16xf32>
        %gt3A_590 = arith.cmpf ogt, %add3A_587, %gt3A_589 : vector<16xf32>
        %jit3A_591 = arith.constant 1.000000e+00 : f32
        %jit3A_592 = arith.constant 0.000000e+00 : f32
        %broadcast_in_dim3A_593 = vector.broadcast %jit3A_591 : f32 to vector<16xf32>
        %broadcast_in_dim3A_594 = vector.broadcast %jit3A_592 : f32 to vector<16xf32>
        %select_n3A_595 = arith.select %gt3A_590, %broadcast_in_dim3A_593, %broadcast_in_dim3A_594 : vector<16xi1>, vector<16xf32>
        %mul3A_596 = arith.constant 5 : i32
        %mul3A_597 = arith.muli %mul3A_596, %scan3A_253 : i32
        %add3A_598 = arith.constant 3 : i32
        %add3A_599 = arith.addi %mul3A_597, %add3A_598 : i32
        %get3A_600 = arith.index_cast %add3A_599 : i32 to index
        %get3A_601 = arith.constant 16 : index
        %get3A_602 = tpu.vector_load %arg14[%get3A_600, %get3A_601] {strides = array<i32>} : memref<40x256xf32, #tpu.memory_space<vmem>>, vector<1x16xf32>,
        %get3A_603 = vector.shape_cast %get3A_602 : vector<1x16xf32> to vector<16xf32>
        %mul3A_604 = arith.constant 10 : i32
        %mul3A_605 = arith.muli %mul3A_604, %scan3A_253 : i32
        %add3A_606 = arith.constant 6 : i32
        %add3A_607 = arith.addi %mul3A_605, %add3A_606 : i32
        %get3A_608 = arith.index_cast %add3A_607 : i32 to index
        %get3A_609 = arith.constant 16 : index
        %get3A_610 = tpu.vector_load %arg16[%get3A_608, %get3A_609] {strides = array<i32>} : memref<80x128xf32, #tpu.memory_space<vmem>>, vector<1x16xf32>,
        %get3A_611 = vector.shape_cast %get3A_610 : vector<1x16xf32> to vector<16xf32>
        %mul3A_612 = arith.constant 10 : i32
        %mul3A_613 = arith.muli %mul3A_612, %scan3A_253 : i32
        %add3A_614 = arith.constant 6 : i32
        %add3A_615 = arith.addi %mul3A_613, %add3A_614 : i32
        %add3A_616 = arith.constant 1 : i32
        %add3A_617 = arith.addi %add3A_615, %add3A_616 : i32
        %get3A_618 = arith.index_cast %add3A_617 : i32 to index
        %get3A_619 = arith.constant 16 : index
        %get3A_620 = tpu.vector_load %arg16[%get3A_618, %get3A_619] {strides = array<i32>} : memref<80x128xf32, #tpu.memory_space<vmem>>, vector<1x16xf32>,
        %get3A_621 = vector.shape_cast %get3A_620 : vector<1x16xf32> to vector<16xf32>
        %add3A_622 = arith.addf %get3A_392, %get3A_402 : vector<16xf32>
        %add3A_623 = arith.addf %get3A_384, %add3A_622 : vector<16xf32>
        %gt3A_624 = arith.constant 1.000000e+00 : f32
        %gt3A_625 = vector.broadcast %gt3A_624 : f32 to vector<16xf32>
        %gt3A_626 = arith.cmpf ogt, %add3A_623, %gt3A_625 : vector<16xf32>
        %jit3A_627 = arith.constant 1.000000e+00 : f32
        %jit3A_628 = arith.constant 0.000000e+00 : f32
        %broadcast_in_dim3A_629 = vector.broadcast %jit3A_627 : f32 to vector<16xf32>
        %broadcast_in_dim3A_630 = vector.broadcast %jit3A_628 : f32 to vector<16xf32>
        %select_n3A_631 = arith.select %gt3A_626, %broadcast_in_dim3A_629, %broadcast_in_dim3A_630 : vector<16xi1>, vector<16xf32>
        %mul3A_632 = arith.constant 5 : i32
        %mul3A_633 = arith.muli %mul3A_632, %scan3A_253 : i32
        %add3A_634 = arith.constant 4 : i32
        %add3A_635 = arith.addi %mul3A_633, %add3A_634 : i32
        %get3A_636 = arith.index_cast %add3A_635 : i32 to index
        %get3A_637 = arith.constant 16 : index
        %get3A_638 = tpu.vector_load %arg14[%get3A_636, %get3A_637] {strides = array<i32>} : memref<40x256xf32, #tpu.memory_space<vmem>>, vector<1x16xf32>,
        %get3A_639 = vector.shape_cast %get3A_638 : vector<1x16xf32> to vector<16xf32>
        %mul3A_640 = arith.constant 10 : i32
        %mul3A_641 = arith.muli %mul3A_640, %scan3A_253 : i32
        %add3A_642 = arith.constant 8 : i32
        %add3A_643 = arith.addi %mul3A_641, %add3A_642 : i32
        %get3A_644 = arith.index_cast %add3A_643 : i32 to index
        %get3A_645 = arith.constant 16 : index
        %get3A_646 = tpu.vector_load %arg16[%get3A_644, %get3A_645] {strides = array<i32>} : memref<80x128xf32, #tpu.memory_space<vmem>>, vector<1x16xf32>,
        %get3A_647 = vector.shape_cast %get3A_646 : vector<1x16xf32> to vector<16xf32>
        %mul3A_648 = arith.constant 10 : i32
        %mul3A_649 = arith.muli %mul3A_648, %scan3A_253 : i32
        %add3A_650 = arith.constant 8 : i32
        %add3A_651 = arith.addi %mul3A_649, %add3A_650 : i32
        %add3A_652 = arith.constant 1 : i32
        %add3A_653 = arith.addi %add3A_651, %add3A_652 : i32
        %get3A_654 = arith.index_cast %add3A_653 : i32 to index
        %get3A_655 = arith.constant 16 : index
        %get3A_656 = tpu.vector_load %arg16[%get3A_654, %get3A_655] {strides = array<i32>} : memref<80x128xf32, #tpu.memory_space<vmem>>, vector<1x16xf32>,
        %get3A_657 = vector.shape_cast %get3A_656 : vector<1x16xf32> to vector<16xf32>
        %add3A_658 = arith.addf %get3A_418, %get3A_428 : vector<16xf32>
        %add3A_659 = arith.addf %get3A_410, %add3A_658 : vector<16xf32>
        %gt3A_660 = arith.constant 1.000000e+00 : f32
        %gt3A_661 = vector.broadcast %gt3A_660 : f32 to vector<16xf32>
        %gt3A_662 = arith.cmpf ogt, %add3A_659, %gt3A_661 : vector<16xf32>
        %jit3A_663 = arith.constant 1.000000e+00 : f32
        %jit3A_664 = arith.constant 0.000000e+00 : f32
        %broadcast_in_dim3A_665 = vector.broadcast %jit3A_663 : f32 to vector<16xf32>
        %broadcast_in_dim3A_666 = vector.broadcast %jit3A_664 : f32 to vector<16xf32>
        %select_n3A_667 = arith.select %gt3A_662, %broadcast_in_dim3A_665, %broadcast_in_dim3A_666 : vector<16xi1>, vector<16xf32>
        %add3A_668 = arith.addf %select_n3A_523, %select_n3A_559 : vector<16xf32>
        %add3A_669 = arith.addf %select_n3A_595, %select_n3A_631 : vector<16xf32>
        %add3A_670 = arith.addf %add3A_668, %add3A_669 : vector<16xf32>
        %add3A_671 = arith.addf %add3A_670, %select_n3A_667 : vector<16xf32>
        %swap3A_672 = arith.index_cast %add3A_254 : i32 to index
        %swap3A_673 = arith.constant 128 : index
        %swap3A_674 = tpu.vector_load %arg17[%swap3A_672, %swap3A_673] {strides = array<i32>} : memref<128x256xf32, #tpu.memory_space<vmem>>, vector<1x16xf32>,
        %swap3A_675 = vector.shape_cast %swap3A_674 : vector<1x16xf32> to vector<16xf32>
        %swap3A_676 = vector.shape_cast %add3A_671 : vector<16xf32> to vector<1x16xf32>
        tpu.vector_store %arg17[%swap3A_672, %swap3A_673], %swap3A_676 {strides = array<i32>} : memref<128x256xf32, #tpu.memory_space<vmem>>, vector<1x16xf32>,
        %mul3A_677 = arith.constant 5 : i32
        %mul3A_678 = arith.muli %mul3A_677, %scan3A_253 : i32
        %add3A_679 = arith.constant 0 : i32
        %add3A_680 = arith.addi %mul3A_678, %add3A_679 : i32
        %get3A_681 = arith.index_cast %add3A_680 : i32 to index
        %get3A_682 = arith.constant 160 : index
        %get3A_683 = tpu.vector_load %arg14[%get3A_681, %get3A_682] {strides = array<i32>} : memref<40x256xf32, #tpu.memory_space<vmem>>, vector<1x16xf32>,
        %get3A_684 = vector.shape_cast %get3A_683 : vector<1x16xf32> to vector<16xf32>
        %mul3A_685 = arith.constant 5 : i32
        %mul3A_686 = arith.muli %mul3A_685, %scan3A_253 : i32
        %add3A_687 = arith.constant 1 : i32
        %add3A_688 = arith.addi %mul3A_686, %add3A_687 : i32
        %get3A_689 = arith.index_cast %add3A_688 : i32 to index
        %get3A_690 = arith.constant 160 : index
        %get3A_691 = tpu.vector_load %arg14[%get3A_689, %get3A_690] {strides = array<i32>} : memref<40x256xf32, #tpu.memory_space<vmem>>, vector<1x16xf32>,
        %get3A_692 = vector.shape_cast %get3A_691 : vector<1x16xf32> to vector<16xf32>
        %mul3A_693 = arith.constant 5 : i32
        %mul3A_694 = arith.muli %mul3A_693, %scan3A_253 : i32
        %add3A_695 = arith.constant 2 : i32
        %add3A_696 = arith.addi %mul3A_694, %add3A_695 : i32
        %get3A_697 = arith.index_cast %add3A_696 : i32 to index
        %get3A_698 = arith.constant 160 : index
        %get3A_699 = tpu.vector_load %arg14[%get3A_697, %get3A_698] {strides = array<i32>} : memref<40x256xf32, #tpu.memory_space<vmem>>, vector<1x16xf32>,
        %get3A_700 = vector.shape_cast %get3A_699 : vector<1x16xf32> to vector<16xf32>
        %mul3A_701 = arith.constant 5 : i32
        %mul3A_702 = arith.muli %mul3A_701, %scan3A_253 : i32
        %add3A_703 = arith.constant 3 : i32
        %add3A_704 = arith.addi %mul3A_702, %add3A_703 : i32
        %get3A_705 = arith.index_cast %add3A_704 : i32 to index
        %get3A_706 = arith.constant 160 : index
        %get3A_707 = tpu.vector_load %arg14[%get3A_705, %get3A_706] {strides = array<i32>} : memref<40x256xf32, #tpu.memory_space<vmem>>, vector<1x16xf32>,
        %get3A_708 = vector.shape_cast %get3A_707 : vector<1x16xf32> to vector<16xf32>
        %mul3A_709 = arith.constant 5 : i32
        %mul3A_710 = arith.muli %mul3A_709, %scan3A_253 : i32
        %add3A_711 = arith.constant 4 : i32
        %add3A_712 = arith.addi %mul3A_710, %add3A_711 : i32
        %get3A_713 = arith.index_cast %add3A_712 : i32 to index
        %get3A_714 = arith.constant 160 : index
        %get3A_715 = tpu.vector_load %arg14[%get3A_713, %get3A_714] {strides = array<i32>} : memref<40x256xf32, #tpu.memory_space<vmem>>, vector<1x16xf32>,
        %get3A_716 = vector.shape_cast %get3A_715 : vector<1x16xf32> to vector<16xf32>
        %add3A_717 = arith.addi %mul3A_246, %scan3A_253 : i32
        %get3A_718 = arith.index_cast %add3A_717 : i32 to index
        %get3A_719 = arith.constant 32 : index
        %get3A_720 = tpu.vector_load %arg12[%get3A_718, %get3A_719] {strides = array<i32>} : memref<128x128xf32, #tpu.memory_space<vmem>>, vector<1x16xf32>,
        %get3A_721 = vector.shape_cast %get3A_720 : vector<1x16xf32> to vector<16xf32>
        %add3A_722 = arith.addf %get3A_436, %get3A_444 : vector<16xf32>
        %add3A_723 = arith.addf %get3A_452, %get3A_460 : vector<16xf32>
        %add3A_724 = arith.addf %add3A_722, %add3A_723 : vector<16xf32>
        %add3A_725 = arith.addf %get3A_468, %get3A_473 : vector<16xf32>
        %add3A_726 = arith.addf %add3A_724, %add3A_725 : vector<16xf32>
        %gt3A_727 = arith.constant 1.000000e+00 : f32
        %gt3A_728 = vector.broadcast %gt3A_727 : f32 to vector<16xf32>
        %gt3A_729 = arith.cmpf ogt, %add3A_726, %gt3A_728 : vector<16xf32>
        %jit3A_730 = arith.constant 1.000000e+00 : f32
        %jit3A_731 = arith.constant 0.000000e+00 : f32
        %broadcast_in_dim3A_732 = vector.broadcast %jit3A_730 : f32 to vector<16xf32>
        %broadcast_in_dim3A_733 = vector.broadcast %jit3A_731 : f32 to vector<16xf32>
        %select_n3A_734 = arith.select %gt3A_729, %broadcast_in_dim3A_732, %broadcast_in_dim3A_733 : vector<16xi1>, vector<16xf32>
        %swap3A_735 = arith.index_cast %add3A_254 : i32 to index
        %swap3A_736 = arith.constant 16 : index
        %swap3A_737 = tpu.vector_load %arg17[%swap3A_735, %swap3A_736] {strides = array<i32>} : memref<128x256xf32, #tpu.memory_space<vmem>>, vector<1x16xf32>,
        %swap3A_738 = vector.shape_cast %swap3A_737 : vector<1x16xf32> to vector<16xf32>
        %swap3A_739 = vector.shape_cast %select_n3A_734 : vector<16xf32> to vector<1x16xf32>
        tpu.vector_store %arg17[%swap3A_735, %swap3A_736], %swap3A_739 {strides = array<i32>} : memref<128x256xf32, #tpu.memory_space<vmem>>, vector<1x16xf32>,
        %mul3A_740 = arith.constant 5 : i32
        %mul3A_741 = arith.muli %mul3A_740, %scan3A_253 : i32
        %add3A_742 = arith.constant 0 : i32
        %add3A_743 = arith.addi %mul3A_741, %add3A_742 : i32
        %get3A_744 = arith.index_cast %add3A_743 : i32 to index
        %get3A_745 = arith.constant 32 : index
        %get3A_746 = tpu.vector_load %arg14[%get3A_744, %get3A_745] {strides = array<i32>} : memref<40x256xf32, #tpu.memory_space<vmem>>, vector<1x16xf32>,
        %get3A_747 = vector.shape_cast %get3A_746 : vector<1x16xf32> to vector<16xf32>
        %mul3A_748 = arith.constant 10 : i32
        %mul3A_749 = arith.muli %mul3A_748, %scan3A_253 : i32
        %add3A_750 = arith.constant 0 : i32
        %add3A_751 = arith.addi %mul3A_749, %add3A_750 : i32
        %get3A_752 = arith.index_cast %add3A_751 : i32 to index
        %get3A_753 = arith.constant 32 : index
        %get3A_754 = tpu.vector_load %arg16[%get3A_752, %get3A_753] {strides = array<i32>} : memref<80x128xf32, #tpu.memory_space<vmem>>, vector<1x16xf32>,
        %get3A_755 = vector.shape_cast %get3A_754 : vector<1x16xf32> to vector<16xf32>
        %mul3A_756 = arith.constant 10 : i32
        %mul3A_757 = arith.muli %mul3A_756, %scan3A_253 : i32
        %add3A_758 = arith.constant 0 : i32
        %add3A_759 = arith.addi %mul3A_757, %add3A_758 : i32
        %add3A_760 = arith.constant 1 : i32
        %add3A_761 = arith.addi %add3A_759, %add3A_760 : i32
        %get3A_762 = arith.index_cast %add3A_761 : i32 to index
        %get3A_763 = arith.constant 32 : index
        %get3A_764 = tpu.vector_load %arg16[%get3A_762, %get3A_763] {strides = array<i32>} : memref<80x128xf32, #tpu.memory_space<vmem>>, vector<1x16xf32>,
        %get3A_765 = vector.shape_cast %get3A_764 : vector<1x16xf32> to vector<16xf32>
        %add3A_766 = arith.addf %get3A_503, %get3A_513 : vector<16xf32>
        %add3A_767 = arith.addf %get3A_495, %add3A_766 : vector<16xf32>
        %gt3A_768 = arith.constant 1.000000e+00 : f32
        %gt3A_769 = vector.broadcast %gt3A_768 : f32 to vector<16xf32>
        %gt3A_770 = arith.cmpf ogt, %add3A_767, %gt3A_769 : vector<16xf32>
        %jit3A_771 = arith.constant 1.000000e+00 : f32
        %jit3A_772 = arith.constant 0.000000e+00 : f32
        %broadcast_in_dim3A_773 = vector.broadcast %jit3A_771 : f32 to vector<16xf32>
        %broadcast_in_dim3A_774 = vector.broadcast %jit3A_772 : f32 to vector<16xf32>
        %select_n3A_775 = arith.select %gt3A_770, %broadcast_in_dim3A_773, %broadcast_in_dim3A_774 : vector<16xi1>, vector<16xf32>
        %mul3A_776 = arith.constant 5 : i32
        %mul3A_777 = arith.muli %mul3A_776, %scan3A_253 : i32
        %add3A_778 = arith.constant 1 : i32
        %add3A_779 = arith.addi %mul3A_777, %add3A_778 : i32
        %get3A_780 = arith.index_cast %add3A_779 : i32 to index
        %get3A_781 = arith.constant 32 : index
        %get3A_782 = tpu.vector_load %arg14[%get3A_780, %get3A_781] {strides = array<i32>} : memref<40x256xf32, #tpu.memory_space<vmem>>, vector<1x16xf32>,
        %get3A_783 = vector.shape_cast %get3A_782 : vector<1x16xf32> to vector<16xf32>
        %mul3A_784 = arith.constant 10 : i32
        %mul3A_785 = arith.muli %mul3A_784, %scan3A_253 : i32
        %add3A_786 = arith.constant 2 : i32
        %add3A_787 = arith.addi %mul3A_785, %add3A_786 : i32
        %get3A_788 = arith.index_cast %add3A_787 : i32 to index
        %get3A_789 = arith.constant 32 : index
        %get3A_790 = tpu.vector_load %arg16[%get3A_788, %get3A_789] {strides = array<i32>} : memref<80x128xf32, #tpu.memory_space<vmem>>, vector<1x16xf32>,
        %get3A_791 = vector.shape_cast %get3A_790 : vector<1x16xf32> to vector<16xf32>
        %mul3A_792 = arith.constant 10 : i32
        %mul3A_793 = arith.muli %mul3A_792, %scan3A_253 : i32
        %add3A_794 = arith.constant 2 : i32
        %add3A_795 = arith.addi %mul3A_793, %add3A_794 : i32
        %add3A_796 = arith.constant 1 : i32
        %add3A_797 = arith.addi %add3A_795, %add3A_796 : i32
        %get3A_798 = arith.index_cast %add3A_797 : i32 to index
        %get3A_799 = arith.constant 32 : index
        %get3A_800 = tpu.vector_load %arg16[%get3A_798, %get3A_799] {strides = array<i32>} : memref<80x128xf32, #tpu.memory_space<vmem>>, vector<1x16xf32>,
        %get3A_801 = vector.shape_cast %get3A_800 : vector<1x16xf32> to vector<16xf32>
        %add3A_802 = arith.addf %get3A_539, %get3A_549 : vector<16xf32>
        %add3A_803 = arith.addf %get3A_531, %add3A_802 : vector<16xf32>
        %gt3A_804 = arith.constant 1.000000e+00 : f32
        %gt3A_805 = vector.broadcast %gt3A_804 : f32 to vector<16xf32>
        %gt3A_806 = arith.cmpf ogt, %add3A_803, %gt3A_805 : vector<16xf32>
        %jit3A_807 = arith.constant 1.000000e+00 : f32
        %jit3A_808 = arith.constant 0.000000e+00 : f32
        %broadcast_in_dim3A_809 = vector.broadcast %jit3A_807 : f32 to vector<16xf32>
        %broadcast_in_dim3A_810 = vector.broadcast %jit3A_808 : f32 to vector<16xf32>
        %select_n3A_811 = arith.select %gt3A_806, %broadcast_in_dim3A_809, %broadcast_in_dim3A_810 : vector<16xi1>, vector<16xf32>
        %mul3A_812 = arith.constant 5 : i32
        %mul3A_813 = arith.muli %mul3A_812, %scan3A_253 : i32
        %add3A_814 = arith.constant 2 : i32
        %add3A_815 = arith.addi %mul3A_813, %add3A_814 : i32
        %get3A_816 = arith.index_cast %add3A_815 : i32 to index
        %get3A_817 = arith.constant 32 : index
        %get3A_818 = tpu.vector_load %arg14[%get3A_816, %get3A_817] {strides = array<i32>} : memref<40x256xf32, #tpu.memory_space<vmem>>, vector<1x16xf32>,
        %get3A_819 = vector.shape_cast %get3A_818 : vector<1x16xf32> to vector<16xf32>
        %mul3A_820 = arith.constant 10 : i32
        %mul3A_821 = arith.muli %mul3A_820, %scan3A_253 : i32
        %add3A_822 = arith.constant 4 : i32
        %add3A_823 = arith.addi %mul3A_821, %add3A_822 : i32
        %get3A_824 = arith.index_cast %add3A_823 : i32 to index
        %get3A_825 = arith.constant 32 : index
        %get3A_826 = tpu.vector_load %arg16[%get3A_824, %get3A_825] {strides = array<i32>} : memref<80x128xf32, #tpu.memory_space<vmem>>, vector<1x16xf32>,
        %get3A_827 = vector.shape_cast %get3A_826 : vector<1x16xf32> to vector<16xf32>
        %mul3A_828 = arith.constant 10 : i32
        %mul3A_829 = arith.muli %mul3A_828, %scan3A_253 : i32
        %add3A_830 = arith.constant 4 : i32
        %add3A_831 = arith.addi %mul3A_829, %add3A_830 : i32
        %add3A_832 = arith.constant 1 : i32
        %add3A_833 = arith.addi %add3A_831, %add3A_832 : i32
        %get3A_834 = arith.index_cast %add3A_833 : i32 to index
        %get3A_835 = arith.constant 32 : index
        %get3A_836 = tpu.vector_load %arg16[%get3A_834, %get3A_835] {strides = array<i32>} : memref<80x128xf32, #tpu.memory_space<vmem>>, vector<1x16xf32>,
        %get3A_837 = vector.shape_cast %get3A_836 : vector<1x16xf32> to vector<16xf32>
        %add3A_838 = arith.addf %get3A_575, %get3A_585 : vector<16xf32>
        %add3A_839 = arith.addf %get3A_567, %add3A_838 : vector<16xf32>
        %gt3A_840 = arith.constant 1.000000e+00 : f32
        %gt3A_841 = vector.broadcast %gt3A_840 : f32 to vector<16xf32>
        %gt3A_842 = arith.cmpf ogt, %add3A_839, %gt3A_841 : vector<16xf32>
        %jit3A_843 = arith.constant 1.000000e+00 : f32
        %jit3A_844 = arith.constant 0.000000e+00 : f32
        %broadcast_in_dim3A_845 = vector.broadcast %jit3A_843 : f32 to vector<16xf32>
        %broadcast_in_dim3A_846 = vector.broadcast %jit3A_844 : f32 to vector<16xf32>
        %select_n3A_847 = arith.select %gt3A_842, %broadcast_in_dim3A_845, %broadcast_in_dim3A_846 : vector<16xi1>, vector<16xf32>
        %mul3A_848 = arith.constant 5 : i32
        %mul3A_849 = arith.muli %mul3A_848, %scan3A_253 : i32
        %add3A_850 = arith.constant 3 : i32
        %add3A_851 = arith.addi %mul3A_849, %add3A_850 : i32
        %get3A_852 = arith.index_cast %add3A_851 : i32 to index
        %get3A_853 = arith.constant 32 : index
        %get3A_854 = tpu.vector_load %arg14[%get3A_852, %get3A_853] {strides = array<i32>} : memref<40x256xf32, #tpu.memory_space<vmem>>, vector<1x16xf32>,
        %get3A_855 = vector.shape_cast %get3A_854 : vector<1x16xf32> to vector<16xf32>
        %mul3A_856 = arith.constant 10 : i32
        %mul3A_857 = arith.muli %mul3A_856, %scan3A_253 : i32
        %add3A_858 = arith.constant 6 : i32
        %add3A_859 = arith.addi %mul3A_857, %add3A_858 : i32
        %get3A_860 = arith.index_cast %add3A_859 : i32 to index
        %get3A_861 = arith.constant 32 : index
        %get3A_862 = tpu.vector_load %arg16[%get3A_860, %get3A_861] {strides = array<i32>} : memref<80x128xf32, #tpu.memory_space<vmem>>, vector<1x16xf32>,
        %get3A_863 = vector.shape_cast %get3A_862 : vector<1x16xf32> to vector<16xf32>
        %mul3A_864 = arith.constant 10 : i32
        %mul3A_865 = arith.muli %mul3A_864, %scan3A_253 : i32
        %add3A_866 = arith.constant 6 : i32
        %add3A_867 = arith.addi %mul3A_865, %add3A_866 : i32
        %add3A_868 = arith.constant 1 : i32
        %add3A_869 = arith.addi %add3A_867, %add3A_868 : i32
        %get3A_870 = arith.index_cast %add3A_869 : i32 to index
        %get3A_871 = arith.constant 32 : index
        %get3A_872 = tpu.vector_load %arg16[%get3A_870, %get3A_871] {strides = array<i32>} : memref<80x128xf32, #tpu.memory_space<vmem>>, vector<1x16xf32>,
        %get3A_873 = vector.shape_cast %get3A_872 : vector<1x16xf32> to vector<16xf32>
        %add3A_874 = arith.addf %get3A_611, %get3A_621 : vector<16xf32>
        %add3A_875 = arith.addf %get3A_603, %add3A_874 : vector<16xf32>
        %gt3A_876 = arith.constant 1.000000e+00 : f32
        %gt3A_877 = vector.broadcast %gt3A_876 : f32 to vector<16xf32>
        %gt3A_878 = arith.cmpf ogt, %add3A_875, %gt3A_877 : vector<16xf32>
        %jit3A_879 = arith.constant 1.000000e+00 : f32
        %jit3A_880 = arith.constant 0.000000e+00 : f32
        %broadcast_in_dim3A_881 = vector.broadcast %jit3A_879 : f32 to vector<16xf32>
        %broadcast_in_dim3A_882 = vector.broadcast %jit3A_880 : f32 to vector<16xf32>
        %select_n3A_883 = arith.select %gt3A_878, %broadcast_in_dim3A_881, %broadcast_in_dim3A_882 : vector<16xi1>, vector<16xf32>
        %mul3A_884 = arith.constant 5 : i32
        %mul3A_885 = arith.muli %mul3A_884, %scan3A_253 : i32
        %add3A_886 = arith.constant 4 : i32
        %add3A_887 = arith.addi %mul3A_885, %add3A_886 : i32
        %get3A_888 = arith.index_cast %add3A_887 : i32 to index
        %get3A_889 = arith.constant 32 : index
        %get3A_890 = tpu.vector_load %arg14[%get3A_888, %get3A_889] {strides = array<i32>} : memref<40x256xf32, #tpu.memory_space<vmem>>, vector<1x16xf32>,
        %get3A_891 = vector.shape_cast %get3A_890 : vector<1x16xf32> to vector<16xf32>
        %mul3A_892 = arith.constant 10 : i32
        %mul3A_893 = arith.muli %mul3A_892, %scan3A_253 : i32
        %add3A_894 = arith.constant 8 : i32
        %add3A_895 = arith.addi %mul3A_893, %add3A_894 : i32
        %get3A_896 = arith.index_cast %add3A_895 : i32 to index
        %get3A_897 = arith.constant 32 : index
        %get3A_898 = tpu.vector_load %arg16[%get3A_896, %get3A_897] {strides = array<i32>} : memref<80x128xf32, #tpu.memory_space<vmem>>, vector<1x16xf32>,
        %get3A_899 = vector.shape_cast %get3A_898 : vector<1x16xf32> to vector<16xf32>
        %mul3A_900 = arith.constant 10 : i32
        %mul3A_901 = arith.muli %mul3A_900, %scan3A_253 : i32
        %add3A_902 = arith.constant 8 : i32
        %add3A_903 = arith.addi %mul3A_901, %add3A_902 : i32
        %add3A_904 = arith.constant 1 : i32
        %add3A_905 = arith.addi %add3A_903, %add3A_904 : i32
        %get3A_906 = arith.index_cast %add3A_905 : i32 to index
        %get3A_907 = arith.constant 32 : index
        %get3A_908 = tpu.vector_load %arg16[%get3A_906, %get3A_907] {strides = array<i32>} : memref<80x128xf32, #tpu.memory_space<vmem>>, vector<1x16xf32>,
        %get3A_909 = vector.shape_cast %get3A_908 : vector<1x16xf32> to vector<16xf32>
        %add3A_910 = arith.addf %get3A_647, %get3A_657 : vector<16xf32>
        %add3A_911 = arith.addf %get3A_639, %add3A_910 : vector<16xf32>
        %gt3A_912 = arith.constant 1.000000e+00 : f32
        %gt3A_913 = vector.broadcast %gt3A_912 : f32 to vector<16xf32>
        %gt3A_914 = arith.cmpf ogt, %add3A_911, %gt3A_913 : vector<16xf32>
        %jit3A_915 = arith.constant 1.000000e+00 : f32
        %jit3A_916 = arith.constant 0.000000e+00 : f32
        %broadcast_in_dim3A_917 = vector.broadcast %jit3A_915 : f32 to vector<16xf32>
        %broadcast_in_dim3A_918 = vector.broadcast %jit3A_916 : f32 to vector<16xf32>
        %select_n3A_919 = arith.select %gt3A_914, %broadcast_in_dim3A_917, %broadcast_in_dim3A_918 : vector<16xi1>, vector<16xf32>
        %add3A_920 = arith.addf %select_n3A_775, %select_n3A_811 : vector<16xf32>
        %add3A_921 = arith.addf %select_n3A_847, %select_n3A_883 : vector<16xf32>
        %add3A_922 = arith.addf %add3A_920, %add3A_921 : vector<16xf32>
        %add3A_923 = arith.addf %add3A_922, %select_n3A_919 : vector<16xf32>
        %swap3A_924 = arith.index_cast %add3A_254 : i32 to index
        %swap3A_925 = arith.constant 144 : index
        %swap3A_926 = tpu.vector_load %arg17[%swap3A_924, %swap3A_925] {strides = array<i32>} : memref<128x256xf32, #tpu.memory_space<vmem>>, vector<1x16xf32>,
        %swap3A_927 = vector.shape_cast %swap3A_926 : vector<1x16xf32> to vector<16xf32>
        %swap3A_928 = vector.shape_cast %add3A_923 : vector<16xf32> to vector<1x16xf32>
        tpu.vector_store %arg17[%swap3A_924, %swap3A_925], %swap3A_928 {strides = array<i32>} : memref<128x256xf32, #tpu.memory_space<vmem>>, vector<1x16xf32>,
        %mul3A_929 = arith.constant 5 : i32
        %mul3A_930 = arith.muli %mul3A_929, %scan3A_253 : i32
        %add3A_931 = arith.constant 0 : i32
        %add3A_932 = arith.addi %mul3A_930, %add3A_931 : i32
        %get3A_933 = arith.index_cast %add3A_932 : i32 to index
        %get3A_934 = arith.constant 176 : index
        %get3A_935 = tpu.vector_load %arg14[%get3A_933, %get3A_934] {strides = array<i32>} : memref<40x256xf32, #tpu.memory_space<vmem>>, vector<1x16xf32>,
        %get3A_936 = vector.shape_cast %get3A_935 : vector<1x16xf32> to vector<16xf32>
        %mul3A_937 = arith.constant 5 : i32
        %mul3A_938 = arith.muli %mul3A_937, %scan3A_253 : i32
        %add3A_939 = arith.constant 1 : i32
        %add3A_940 = arith.addi %mul3A_938, %add3A_939 : i32
        %get3A_941 = arith.index_cast %add3A_940 : i32 to index
        %get3A_942 = arith.constant 176 : index
        %get3A_943 = tpu.vector_load %arg14[%get3A_941, %get3A_942] {strides = array<i32>} : memref<40x256xf32, #tpu.memory_space<vmem>>, vector<1x16xf32>,
        %get3A_944 = vector.shape_cast %get3A_943 : vector<1x16xf32> to vector<16xf32>
        %mul3A_945 = arith.constant 5 : i32
        %mul3A_946 = arith.muli %mul3A_945, %scan3A_253 : i32
        %add3A_947 = arith.constant 2 : i32
        %add3A_948 = arith.addi %mul3A_946, %add3A_947 : i32
        %get3A_949 = arith.index_cast %add3A_948 : i32 to index
        %get3A_950 = arith.constant 176 : index
        %get3A_951 = tpu.vector_load %arg14[%get3A_949, %get3A_950] {strides = array<i32>} : memref<40x256xf32, #tpu.memory_space<vmem>>, vector<1x16xf32>,
        %get3A_952 = vector.shape_cast %get3A_951 : vector<1x16xf32> to vector<16xf32>
        %mul3A_953 = arith.constant 5 : i32
        %mul3A_954 = arith.muli %mul3A_953, %scan3A_253 : i32
        %add3A_955 = arith.constant 3 : i32
        %add3A_956 = arith.addi %mul3A_954, %add3A_955 : i32
        %get3A_957 = arith.index_cast %add3A_956 : i32 to index
        %get3A_958 = arith.constant 176 : index
        %get3A_959 = tpu.vector_load %arg14[%get3A_957, %get3A_958] {strides = array<i32>} : memref<40x256xf32, #tpu.memory_space<vmem>>, vector<1x16xf32>,
        %get3A_960 = vector.shape_cast %get3A_959 : vector<1x16xf32> to vector<16xf32>
        %mul3A_961 = arith.constant 5 : i32
        %mul3A_962 = arith.muli %mul3A_961, %scan3A_253 : i32
        %add3A_963 = arith.constant 4 : i32
        %add3A_964 = arith.addi %mul3A_962, %add3A_963 : i32
        %get3A_965 = arith.index_cast %add3A_964 : i32 to index
        %get3A_966 = arith.constant 176 : index
        %get3A_967 = tpu.vector_load %arg14[%get3A_965, %get3A_966] {strides = array<i32>} : memref<40x256xf32, #tpu.memory_space<vmem>>, vector<1x16xf32>,
        %get3A_968 = vector.shape_cast %get3A_967 : vector<1x16xf32> to vector<16xf32>
        %add3A_969 = arith.addi %mul3A_246, %scan3A_253 : i32
        %get3A_970 = arith.index_cast %add3A_969 : i32 to index
        %get3A_971 = arith.constant 48 : index
        %get3A_972 = tpu.vector_load %arg12[%get3A_970, %get3A_971] {strides = array<i32>} : memref<128x128xf32, #tpu.memory_space<vmem>>, vector<1x16xf32>,
        %get3A_973 = vector.shape_cast %get3A_972 : vector<1x16xf32> to vector<16xf32>
        %add3A_974 = arith.addf %get3A_684, %get3A_692 : vector<16xf32>
        %add3A_975 = arith.addf %get3A_700, %get3A_708 : vector<16xf32>
        %add3A_976 = arith.addf %add3A_974, %add3A_975 : vector<16xf32>
        %add3A_977 = arith.addf %get3A_716, %get3A_721 : vector<16xf32>
        %add3A_978 = arith.addf %add3A_976, %add3A_977 : vector<16xf32>
        %gt3A_979 = arith.constant 1.000000e+00 : f32
        %gt3A_980 = vector.broadcast %gt3A_979 : f32 to vector<16xf32>
        %gt3A_981 = arith.cmpf ogt, %add3A_978, %gt3A_980 : vector<16xf32>
        %jit3A_982 = arith.constant 1.000000e+00 : f32
        %jit3A_983 = arith.constant 0.000000e+00 : f32
        %broadcast_in_dim3A_984 = vector.broadcast %jit3A_982 : f32 to vector<16xf32>
        %broadcast_in_dim3A_985 = vector.broadcast %jit3A_983 : f32 to vector<16xf32>
        %select_n3A_986 = arith.select %gt3A_981, %broadcast_in_dim3A_984, %broadcast_in_dim3A_985 : vector<16xi1>, vector<16xf32>
        %swap3A_987 = arith.index_cast %add3A_254 : i32 to index
        %swap3A_988 = arith.constant 32 : index
        %swap3A_989 = tpu.vector_load %arg17[%swap3A_987, %swap3A_988] {strides = array<i32>} : memref<128x256xf32, #tpu.memory_space<vmem>>, vector<1x16xf32>,
        %swap3A_990 = vector.shape_cast %swap3A_989 : vector<1x16xf32> to vector<16xf32>
        %swap3A_991 = vector.shape_cast %select_n3A_986 : vector<16xf32> to vector<1x16xf32>
        tpu.vector_store %arg17[%swap3A_987, %swap3A_988], %swap3A_991 {strides = array<i32>} : memref<128x256xf32, #tpu.memory_space<vmem>>, vector<1x16xf32>,
        %mul3A_992 = arith.constant 5 : i32
        %mul3A_993 = arith.muli %mul3A_992, %scan3A_253 : i32
        %add3A_994 = arith.constant 0 : i32
        %add3A_995 = arith.addi %mul3A_993, %add3A_994 : i32
        %get3A_996 = arith.index_cast %add3A_995 : i32 to index
        %get3A_997 = arith.constant 48 : index
        %get3A_998 = tpu.vector_load %arg14[%get3A_996, %get3A_997] {strides = array<i32>} : memref<40x256xf32, #tpu.memory_space<vmem>>, vector<1x16xf32>,
        %get3A_999 = vector.shape_cast %get3A_998 : vector<1x16xf32> to vector<16xf32>
        %mul3A_1000 = arith.constant 10 : i32
        %mul3A_1001 = arith.muli %mul3A_1000, %scan3A_253 : i32
        %add3A_1002 = arith.constant 0 : i32
        %add3A_1003 = arith.addi %mul3A_1001, %add3A_1002 : i32
        %get3A_1004 = arith.index_cast %add3A_1003 : i32 to index
        %get3A_1005 = arith.constant 48 : index
        %get3A_1006 = tpu.vector_load %arg16[%get3A_1004, %get3A_1005] {strides = array<i32>} : memref<80x128xf32, #tpu.memory_space<vmem>>, vector<1x16xf32>,
        %get3A_1007 = vector.shape_cast %get3A_1006 : vector<1x16xf32> to vector<16xf32>
        %mul3A_1008 = arith.constant 10 : i32
        %mul3A_1009 = arith.muli %mul3A_1008, %scan3A_253 : i32
        %add3A_1010 = arith.constant 0 : i32
        %add3A_1011 = arith.addi %mul3A_1009, %add3A_1010 : i32
        %add3A_1012 = arith.constant 1 : i32
        %add3A_1013 = arith.addi %add3A_1011, %add3A_1012 : i32
        %get3A_1014 = arith.index_cast %add3A_1013 : i32 to index
        %get3A_1015 = arith.constant 48 : index
        %get3A_1016 = tpu.vector_load %arg16[%get3A_1014, %get3A_1015] {strides = array<i32>} : memref<80x128xf32, #tpu.memory_space<vmem>>, vector<1x16xf32>,
        %get3A_1017 = vector.shape_cast %get3A_1016 : vector<1x16xf32> to vector<16xf32>
        %add3A_1018 = arith.addf %get3A_755, %get3A_765 : vector<16xf32>
        %add3A_1019 = arith.addf %get3A_747, %add3A_1018 : vector<16xf32>
        %gt3A_1020 = arith.constant 1.000000e+00 : f32
        %gt3A_1021 = vector.broadcast %gt3A_1020 : f32 to vector<16xf32>
        %gt3A_1022 = arith.cmpf ogt, %add3A_1019, %gt3A_1021 : vector<16xf32>
        %jit3A_1023 = arith.constant 1.000000e+00 : f32
        %jit3A_1024 = arith.constant 0.000000e+00 : f32
        %broadcast_in_dim3A_1025 = vector.broadcast %jit3A_1023 : f32 to vector<16xf32>
        %broadcast_in_dim3A_1026 = vector.broadcast %jit3A_1024 : f32 to vector<16xf32>
        %select_n3A_1027 = arith.select %gt3A_1022, %broadcast_in_dim3A_1025, %broadcast_in_dim3A_1026 : vector<16xi1>, vector<16xf32>
        %mul3A_1028 = arith.constant 5 : i32
        %mul3A_1029 = arith.muli %mul3A_1028, %scan3A_253 : i32
        %add3A_1030 = arith.constant 1 : i32
        %add3A_1031 = arith.addi %mul3A_1029, %add3A_1030 : i32
        %get3A_1032 = arith.index_cast %add3A_1031 : i32 to index
        %get3A_1033 = arith.constant 48 : index
        %get3A_1034 = tpu.vector_load %arg14[%get3A_1032, %get3A_1033] {strides = array<i32>} : memref<40x256xf32, #tpu.memory_space<vmem>>, vector<1x16xf32>,
        %get3A_1035 = vector.shape_cast %get3A_1034 : vector<1x16xf32> to vector<16xf32>
        %mul3A_1036 = arith.constant 10 : i32
        %mul3A_1037 = arith.muli %mul3A_1036, %scan3A_253 : i32
        %add3A_1038 = arith.constant 2 : i32
        %add3A_1039 = arith.addi %mul3A_1037, %add3A_1038 : i32
        %get3A_1040 = arith.index_cast %add3A_1039 : i32 to index
        %get3A_1041 = arith.constant 48 : index
        %get3A_1042 = tpu.vector_load %arg16[%get3A_1040, %get3A_1041] {strides = array<i32>} : memref<80x128xf32, #tpu.memory_space<vmem>>, vector<1x16xf32>,
        %get3A_1043 = vector.shape_cast %get3A_1042 : vector<1x16xf32> to vector<16xf32>
        %mul3A_1044 = arith.constant 10 : i32
        %mul3A_1045 = arith.muli %mul3A_1044, %scan3A_253 : i32
        %add3A_1046 = arith.constant 2 : i32
        %add3A_1047 = arith.addi %mul3A_1045, %add3A_1046 : i32
        %add3A_1048 = arith.constant 1 : i32
        %add3A_1049 = arith.addi %add3A_1047, %add3A_1048 : i32
        %get3A_1050 = arith.index_cast %add3A_1049 : i32 to index
        %get3A_1051 = arith.constant 48 : index
        %get3A_1052 = tpu.vector_load %arg16[%get3A_1050, %get3A_1051] {strides = array<i32>} : memref<80x128xf32, #tpu.memory_space<vmem>>, vector<1x16xf32>,
        %get3A_1053 = vector.shape_cast %get3A_1052 : vector<1x16xf32> to vector<16xf32>
        %add3A_1054 = arith.addf %get3A_791, %get3A_801 : vector<16xf32>
        %add3A_1055 = arith.addf %get3A_783, %add3A_1054 : vector<16xf32>
        %gt3A_1056 = arith.constant 1.000000e+00 : f32
        %gt3A_1057 = vector.broadcast %gt3A_1056 : f32 to vector<16xf32>
        %gt3A_1058 = arith.cmpf ogt, %add3A_1055, %gt3A_1057 : vector<16xf32>
        %jit3A_1059 = arith.constant 1.000000e+00 : f32
        %jit3A_1060 = arith.constant 0.000000e+00 : f32
        %broadcast_in_dim3A_1061 = vector.broadcast %jit3A_1059 : f32 to vector<16xf32>
        %broadcast_in_dim3A_1062 = vector.broadcast %jit3A_1060 : f32 to vector<16xf32>
        %select_n3A_1063 = arith.select %gt3A_1058, %broadcast_in_dim3A_1061, %broadcast_in_dim3A_1062 : vector<16xi1>, vector<16xf32>
        %mul3A_1064 = arith.constant 5 : i32
        %mul3A_1065 = arith.muli %mul3A_1064, %scan3A_253 : i32
        %add3A_1066 = arith.constant 2 : i32
        %add3A_1067 = arith.addi %mul3A_1065, %add3A_1066 : i32
        %get3A_1068 = arith.index_cast %add3A_1067 : i32 to index
        %get3A_1069 = arith.constant 48 : index
        %get3A_1070 = tpu.vector_load %arg14[%get3A_1068, %get3A_1069] {strides = array<i32>} : memref<40x256xf32, #tpu.memory_space<vmem>>, vector<1x16xf32>,
        %get3A_1071 = vector.shape_cast %get3A_1070 : vector<1x16xf32> to vector<16xf32>
        %mul3A_1072 = arith.constant 10 : i32
        %mul3A_1073 = arith.muli %mul3A_1072, %scan3A_253 : i32
        %add3A_1074 = arith.constant 4 : i32
        %add3A_1075 = arith.addi %mul3A_1073, %add3A_1074 : i32
        %get3A_1076 = arith.index_cast %add3A_1075 : i32 to index
        %get3A_1077 = arith.constant 48 : index
        %get3A_1078 = tpu.vector_load %arg16[%get3A_1076, %get3A_1077] {strides = array<i32>} : memref<80x128xf32, #tpu.memory_space<vmem>>, vector<1x16xf32>,
        %get3A_1079 = vector.shape_cast %get3A_1078 : vector<1x16xf32> to vector<16xf32>
        %mul3A_1080 = arith.constant 10 : i32
        %mul3A_1081 = arith.muli %mul3A_1080, %scan3A_253 : i32
        %add3A_1082 = arith.constant 4 : i32
        %add3A_1083 = arith.addi %mul3A_1081, %add3A_1082 : i32
        %add3A_1084 = arith.constant 1 : i32
        %add3A_1085 = arith.addi %add3A_1083, %add3A_1084 : i32
        %get3A_1086 = arith.index_cast %add3A_1085 : i32 to index
        %get3A_1087 = arith.constant 48 : index
        %get3A_1088 = tpu.vector_load %arg16[%get3A_1086, %get3A_1087] {strides = array<i32>} : memref<80x128xf32, #tpu.memory_space<vmem>>, vector<1x16xf32>,
        %get3A_1089 = vector.shape_cast %get3A_1088 : vector<1x16xf32> to vector<16xf32>
        %add3A_1090 = arith.addf %get3A_827, %get3A_837 : vector<16xf32>
        %add3A_1091 = arith.addf %get3A_819, %add3A_1090 : vector<16xf32>
        %gt3A_1092 = arith.constant 1.000000e+00 : f32
        %gt3A_1093 = vector.broadcast %gt3A_1092 : f32 to vector<16xf32>
        %gt3A_1094 = arith.cmpf ogt, %add3A_1091, %gt3A_1093 : vector<16xf32>
        %jit3A_1095 = arith.constant 1.000000e+00 : f32
        %jit3A_1096 = arith.constant 0.000000e+00 : f32
        %broadcast_in_dim3A_1097 = vector.broadcast %jit3A_1095 : f32 to vector<16xf32>
        %broadcast_in_dim3A_1098 = vector.broadcast %jit3A_1096 : f32 to vector<16xf32>
        %select_n3A_1099 = arith.select %gt3A_1094, %broadcast_in_dim3A_1097, %broadcast_in_dim3A_1098 : vector<16xi1>, vector<16xf32>
        %mul3A_1100 = arith.constant 5 : i32
        %mul3A_1101 = arith.muli %mul3A_1100, %scan3A_253 : i32
        %add3A_1102 = arith.constant 3 : i32
        %add3A_1103 = arith.addi %mul3A_1101, %add3A_1102 : i32
        %get3A_1104 = arith.index_cast %add3A_1103 : i32 to index
        %get3A_1105 = arith.constant 48 : index
        %get3A_1106 = tpu.vector_load %arg14[%get3A_1104, %get3A_1105] {strides = array<i32>} : memref<40x256xf32, #tpu.memory_space<vmem>>, vector<1x16xf32>,
        %get3A_1107 = vector.shape_cast %get3A_1106 : vector<1x16xf32> to vector<16xf32>
        %mul3A_1108 = arith.constant 10 : i32
        %mul3A_1109 = arith.muli %mul3A_1108, %scan3A_253 : i32
        %add3A_1110 = arith.constant 6 : i32
        %add3A_1111 = arith.addi %mul3A_1109, %add3A_1110 : i32
        %get3A_1112 = arith.index_cast %add3A_1111 : i32 to index
        %get3A_1113 = arith.constant 48 : index
        %get3A_1114 = tpu.vector_load %arg16[%get3A_1112, %get3A_1113] {strides = array<i32>} : memref<80x128xf32, #tpu.memory_space<vmem>>, vector<1x16xf32>,
        %get3A_1115 = vector.shape_cast %get3A_1114 : vector<1x16xf32> to vector<16xf32>
        %mul3A_1116 = arith.constant 10 : i32
        %mul3A_1117 = arith.muli %mul3A_1116, %scan3A_253 : i32
        %add3A_1118 = arith.constant 6 : i32
        %add3A_1119 = arith.addi %mul3A_1117, %add3A_1118 : i32
        %add3A_1120 = arith.constant 1 : i32
        %add3A_1121 = arith.addi %add3A_1119, %add3A_1120 : i32
        %get3A_1122 = arith.index_cast %add3A_1121 : i32 to index
        %get3A_1123 = arith.constant 48 : index
        %get3A_1124 = tpu.vector_load %arg16[%get3A_1122, %get3A_1123] {strides = array<i32>} : memref<80x128xf32, #tpu.memory_space<vmem>>, vector<1x16xf32>,
        %get3A_1125 = vector.shape_cast %get3A_1124 : vector<1x16xf32> to vector<16xf32>
        %add3A_1126 = arith.addf %get3A_863, %get3A_873 : vector<16xf32>
        %add3A_1127 = arith.addf %get3A_855, %add3A_1126 : vector<16xf32>
        %gt3A_1128 = arith.constant 1.000000e+00 : f32
        %gt3A_1129 = vector.broadcast %gt3A_1128 : f32 to vector<16xf32>
        %gt3A_1130 = arith.cmpf ogt, %add3A_1127, %gt3A_1129 : vector<16xf32>
        %jit3A_1131 = arith.constant 1.000000e+00 : f32
        %jit3A_1132 = arith.constant 0.000000e+00 : f32
        %broadcast_in_dim3A_1133 = vector.broadcast %jit3A_1131 : f32 to vector<16xf32>
        %broadcast_in_dim3A_1134 = vector.broadcast %jit3A_1132 : f32 to vector<16xf32>
        %select_n3A_1135 = arith.select %gt3A_1130, %broadcast_in_dim3A_1133, %broadcast_in_dim3A_1134 : vector<16xi1>, vector<16xf32>
        %mul3A_1136 = arith.constant 5 : i32
        %mul3A_1137 = arith.muli %mul3A_1136, %scan3A_253 : i32
        %add3A_1138 = arith.constant 4 : i32
        %add3A_1139 = arith.addi %mul3A_1137, %add3A_1138 : i32
        %get3A_1140 = arith.index_cast %add3A_1139 : i32 to index
        %get3A_1141 = arith.constant 48 : index
        %get3A_1142 = tpu.vector_load %arg14[%get3A_1140, %get3A_1141] {strides = array<i32>} : memref<40x256xf32, #tpu.memory_space<vmem>>, vector<1x16xf32>,
        %get3A_1143 = vector.shape_cast %get3A_1142 : vector<1x16xf32> to vector<16xf32>
        %mul3A_1144 = arith.constant 10 : i32
        %mul3A_1145 = arith.muli %mul3A_1144, %scan3A_253 : i32
        %add3A_1146 = arith.constant 8 : i32
        %add3A_1147 = arith.addi %mul3A_1145, %add3A_1146 : i32
        %get3A_1148 = arith.index_cast %add3A_1147 : i32 to index
        %get3A_1149 = arith.constant 48 : index
        %get3A_1150 = tpu.vector_load %arg16[%get3A_1148, %get3A_1149] {strides = array<i32>} : memref<80x128xf32, #tpu.memory_space<vmem>>, vector<1x16xf32>,
        %get3A_1151 = vector.shape_cast %get3A_1150 : vector<1x16xf32> to vector<16xf32>
        %mul3A_1152 = arith.constant 10 : i32
        %mul3A_1153 = arith.muli %mul3A_1152, %scan3A_253 : i32
        %add3A_1154 = arith.constant 8 : i32
        %add3A_1155 = arith.addi %mul3A_1153, %add3A_1154 : i32
        %add3A_1156 = arith.constant 1 : i32
        %add3A_1157 = arith.addi %add3A_1155, %add3A_1156 : i32
        %get3A_1158 = arith.index_cast %add3A_1157 : i32 to index
        %get3A_1159 = arith.constant 48 : index
        %get3A_1160 = tpu.vector_load %arg16[%get3A_1158, %get3A_1159] {strides = array<i32>} : memref<80x128xf32, #tpu.memory_space<vmem>>, vector<1x16xf32>,
        %get3A_1161 = vector.shape_cast %get3A_1160 : vector<1x16xf32> to vector<16xf32>
        %add3A_1162 = arith.addf %get3A_899, %get3A_909 : vector<16xf32>
        %add3A_1163 = arith.addf %get3A_891, %add3A_1162 : vector<16xf32>
        %gt3A_1164 = arith.constant 1.000000e+00 : f32
        %gt3A_1165 = vector.broadcast %gt3A_1164 : f32 to vector<16xf32>
        %gt3A_1166 = arith.cmpf ogt, %add3A_1163, %gt3A_1165 : vector<16xf32>
        %jit3A_1167 = arith.constant 1.000000e+00 : f32
        %jit3A_1168 = arith.constant 0.000000e+00 : f32
        %broadcast_in_dim3A_1169 = vector.broadcast %jit3A_1167 : f32 to vector<16xf32>
        %broadcast_in_dim3A_1170 = vector.broadcast %jit3A_1168 : f32 to vector<16xf32>
        %select_n3A_1171 = arith.select %gt3A_1166, %broadcast_in_dim3A_1169, %broadcast_in_dim3A_1170 : vector<16xi1>, vector<16xf32>
        %add3A_1172 = arith.addf %select_n3A_1027, %select_n3A_1063 : vector<16xf32>
        %add3A_1173 = arith.addf %select_n3A_1099, %select_n3A_1135 : vector<16xf32>
        %add3A_1174 = arith.addf %add3A_1172, %add3A_1173 : vector<16xf32>
        %add3A_1175 = arith.addf %add3A_1174, %select_n3A_1171 : vector<16xf32>
        %swap3A_1176 = arith.index_cast %add3A_254 : i32 to index
        %swap3A_1177 = arith.constant 160 : index
        %swap3A_1178 = tpu.vector_load %arg17[%swap3A_1176, %swap3A_1177] {strides = array<i32>} : memref<128x256xf32, #tpu.memory_space<vmem>>, vector<1x16xf32>,
        %swap3A_1179 = vector.shape_cast %swap3A_1178 : vector<1x16xf32> to vector<16xf32>
        %swap3A_1180 = vector.shape_cast %add3A_1175 : vector<16xf32> to vector<1x16xf32>
        tpu.vector_store %arg17[%swap3A_1176, %swap3A_1177], %swap3A_1180 {strides = array<i32>} : memref<128x256xf32, #tpu.memory_space<vmem>>, vector<1x16xf32>,
        %mul3A_1181 = arith.constant 5 : i32
        %mul3A_1182 = arith.muli %mul3A_1181, %scan3A_253 : i32
        %add3A_1183 = arith.constant 0 : i32
        %add3A_1184 = arith.addi %mul3A_1182, %add3A_1183 : i32
        %get3A_1185 = arith.index_cast %add3A_1184 : i32 to index
        %get3A_1186 = arith.constant 192 : index
        %get3A_1187 = tpu.vector_load %arg14[%get3A_1185, %get3A_1186] {strides = array<i32>} : memref<40x256xf32, #tpu.memory_space<vmem>>, vector<1x16xf32>,
        %get3A_1188 = vector.shape_cast %get3A_1187 : vector<1x16xf32> to vector<16xf32>
        %mul3A_1189 = arith.constant 5 : i32
        %mul3A_1190 = arith.muli %mul3A_1189, %scan3A_253 : i32
        %add3A_1191 = arith.constant 1 : i32
        %add3A_1192 = arith.addi %mul3A_1190, %add3A_1191 : i32
        %get3A_1193 = arith.index_cast %add3A_1192 : i32 to index
        %get3A_1194 = arith.constant 192 : index
        %get3A_1195 = tpu.vector_load %arg14[%get3A_1193, %get3A_1194] {strides = array<i32>} : memref<40x256xf32, #tpu.memory_space<vmem>>, vector<1x16xf32>,
        %get3A_1196 = vector.shape_cast %get3A_1195 : vector<1x16xf32> to vector<16xf32>
        %mul3A_1197 = arith.constant 5 : i32
        %mul3A_1198 = arith.muli %mul3A_1197, %scan3A_253 : i32
        %add3A_1199 = arith.constant 2 : i32
        %add3A_1200 = arith.addi %mul3A_1198, %add3A_1199 : i32
        %get3A_1201 = arith.index_cast %add3A_1200 : i32 to index
        %get3A_1202 = arith.constant 192 : index
        %get3A_1203 = tpu.vector_load %arg14[%get3A_1201, %get3A_1202] {strides = array<i32>} : memref<40x256xf32, #tpu.memory_space<vmem>>, vector<1x16xf32>,
        %get3A_1204 = vector.shape_cast %get3A_1203 : vector<1x16xf32> to vector<16xf32>
        %mul3A_1205 = arith.constant 5 : i32
        %mul3A_1206 = arith.muli %mul3A_1205, %scan3A_253 : i32
        %add3A_1207 = arith.constant 3 : i32
        %add3A_1208 = arith.addi %mul3A_1206, %add3A_1207 : i32
        %get3A_1209 = arith.index_cast %add3A_1208 : i32 to index
        %get3A_1210 = arith.constant 192 : index
        %get3A_1211 = tpu.vector_load %arg14[%get3A_1209, %get3A_1210] {strides = array<i32>} : memref<40x256xf32, #tpu.memory_space<vmem>>, vector<1x16xf32>,
        %get3A_1212 = vector.shape_cast %get3A_1211 : vector<1x16xf32> to vector<16xf32>
        %mul3A_1213 = arith.constant 5 : i32
        %mul3A_1214 = arith.muli %mul3A_1213, %scan3A_253 : i32
        %add3A_1215 = arith.constant 4 : i32
        %add3A_1216 = arith.addi %mul3A_1214, %add3A_1215 : i32
        %get3A_1217 = arith.index_cast %add3A_1216 : i32 to index
        %get3A_1218 = arith.constant 192 : index
        %get3A_1219 = tpu.vector_load %arg14[%get3A_1217, %get3A_1218] {strides = array<i32>} : memref<40x256xf32, #tpu.memory_space<vmem>>, vector<1x16xf32>,
        %get3A_1220 = vector.shape_cast %get3A_1219 : vector<1x16xf32> to vector<16xf32>
        %add3A_1221 = arith.addi %mul3A_246, %scan3A_253 : i32
        %get3A_1222 = arith.index_cast %add3A_1221 : i32 to index
        %get3A_1223 = arith.constant 64 : index
        %get3A_1224 = tpu.vector_load %arg12[%get3A_1222, %get3A_1223] {strides = array<i32>} : memref<128x128xf32, #tpu.memory_space<vmem>>, vector<1x16xf32>,
        %get3A_1225 = vector.shape_cast %get3A_1224 : vector<1x16xf32> to vector<16xf32>
        %add3A_1226 = arith.addf %get3A_936, %get3A_944 : vector<16xf32>
        %add3A_1227 = arith.addf %get3A_952, %get3A_960 : vector<16xf32>
        %add3A_1228 = arith.addf %add3A_1226, %add3A_1227 : vector<16xf32>
        %add3A_1229 = arith.addf %get3A_968, %get3A_973 : vector<16xf32>
        %add3A_1230 = arith.addf %add3A_1228, %add3A_1229 : vector<16xf32>
        %gt3A_1231 = arith.constant 1.000000e+00 : f32
        %gt3A_1232 = vector.broadcast %gt3A_1231 : f32 to vector<16xf32>
        %gt3A_1233 = arith.cmpf ogt, %add3A_1230, %gt3A_1232 : vector<16xf32>
        %jit3A_1234 = arith.constant 1.000000e+00 : f32
        %jit3A_1235 = arith.constant 0.000000e+00 : f32
        %broadcast_in_dim3A_1236 = vector.broadcast %jit3A_1234 : f32 to vector<16xf32>
        %broadcast_in_dim3A_1237 = vector.broadcast %jit3A_1235 : f32 to vector<16xf32>
        %select_n3A_1238 = arith.select %gt3A_1233, %broadcast_in_dim3A_1236, %broadcast_in_dim3A_1237 : vector<16xi1>, vector<16xf32>
        %swap3A_1239 = arith.index_cast %add3A_254 : i32 to index
        %swap3A_1240 = arith.constant 48 : index
        %swap3A_1241 = tpu.vector_load %arg17[%swap3A_1239, %swap3A_1240] {strides = array<i32>} : memref<128x256xf32, #tpu.memory_space<vmem>>, vector<1x16xf32>,
        %swap3A_1242 = vector.shape_cast %swap3A_1241 : vector<1x16xf32> to vector<16xf32>
        %swap3A_1243 = vector.shape_cast %select_n3A_1238 : vector<16xf32> to vector<1x16xf32>
        tpu.vector_store %arg17[%swap3A_1239, %swap3A_1240], %swap3A_1243 {strides = array<i32>} : memref<128x256xf32, #tpu.memory_space<vmem>>, vector<1x16xf32>,
        %mul3A_1244 = arith.constant 5 : i32
        %mul3A_1245 = arith.muli %mul3A_1244, %scan3A_253 : i32
        %add3A_1246 = arith.constant 0 : i32
        %add3A_1247 = arith.addi %mul3A_1245, %add3A_1246 : i32
        %get3A_1248 = arith.index_cast %add3A_1247 : i32 to index
        %get3A_1249 = arith.constant 64 : index
        %get3A_1250 = tpu.vector_load %arg14[%get3A_1248, %get3A_1249] {strides = array<i32>} : memref<40x256xf32, #tpu.memory_space<vmem>>, vector<1x16xf32>,
        %get3A_1251 = vector.shape_cast %get3A_1250 : vector<1x16xf32> to vector<16xf32>
        %mul3A_1252 = arith.constant 10 : i32
        %mul3A_1253 = arith.muli %mul3A_1252, %scan3A_253 : i32
        %add3A_1254 = arith.constant 0 : i32
        %add3A_1255 = arith.addi %mul3A_1253, %add3A_1254 : i32
        %get3A_1256 = arith.index_cast %add3A_1255 : i32 to index
        %get3A_1257 = arith.constant 64 : index
        %get3A_1258 = tpu.vector_load %arg16[%get3A_1256, %get3A_1257] {strides = array<i32>} : memref<80x128xf32, #tpu.memory_space<vmem>>, vector<1x16xf32>,
        %get3A_1259 = vector.shape_cast %get3A_1258 : vector<1x16xf32> to vector<16xf32>
        %mul3A_1260 = arith.constant 10 : i32
        %mul3A_1261 = arith.muli %mul3A_1260, %scan3A_253 : i32
        %add3A_1262 = arith.constant 0 : i32
        %add3A_1263 = arith.addi %mul3A_1261, %add3A_1262 : i32
        %add3A_1264 = arith.constant 1 : i32
        %add3A_1265 = arith.addi %add3A_1263, %add3A_1264 : i32
        %get3A_1266 = arith.index_cast %add3A_1265 : i32 to index
        %get3A_1267 = arith.constant 64 : index
        %get3A_1268 = tpu.vector_load %arg16[%get3A_1266, %get3A_1267] {strides = array<i32>} : memref<80x128xf32, #tpu.memory_space<vmem>>, vector<1x16xf32>,
        %get3A_1269 = vector.shape_cast %get3A_1268 : vector<1x16xf32> to vector<16xf32>
        %add3A_1270 = arith.addf %get3A_1007, %get3A_1017 : vector<16xf32>
        %add3A_1271 = arith.addf %get3A_999, %add3A_1270 : vector<16xf32>
        %gt3A_1272 = arith.constant 1.000000e+00 : f32
        %gt3A_1273 = vector.broadcast %gt3A_1272 : f32 to vector<16xf32>
        %gt3A_1274 = arith.cmpf ogt, %add3A_1271, %gt3A_1273 : vector<16xf32>
        %jit3A_1275 = arith.constant 1.000000e+00 : f32
        %jit3A_1276 = arith.constant 0.000000e+00 : f32
        %broadcast_in_dim3A_1277 = vector.broadcast %jit3A_1275 : f32 to vector<16xf32>
        %broadcast_in_dim3A_1278 = vector.broadcast %jit3A_1276 : f32 to vector<16xf32>
        %select_n3A_1279 = arith.select %gt3A_1274, %broadcast_in_dim3A_1277, %broadcast_in_dim3A_1278 : vector<16xi1>, vector<16xf32>
        %mul3A_1280 = arith.constant 5 : i32
        %mul3A_1281 = arith.muli %mul3A_1280, %scan3A_253 : i32
        %add3A_1282 = arith.constant 1 : i32
        %add3A_1283 = arith.addi %mul3A_1281, %add3A_1282 : i32
        %get3A_1284 = arith.index_cast %add3A_1283 : i32 to index
        %get3A_1285 = arith.constant 64 : index
        %get3A_1286 = tpu.vector_load %arg14[%get3A_1284, %get3A_1285] {strides = array<i32>} : memref<40x256xf32, #tpu.memory_space<vmem>>, vector<1x16xf32>,
        %get3A_1287 = vector.shape_cast %get3A_1286 : vector<1x16xf32> to vector<16xf32>
        %mul3A_1288 = arith.constant 10 : i32
        %mul3A_1289 = arith.muli %mul3A_1288, %scan3A_253 : i32
        %add3A_1290 = arith.constant 2 : i32
        %add3A_1291 = arith.addi %mul3A_1289, %add3A_1290 : i32
        %get3A_1292 = arith.index_cast %add3A_1291 : i32 to index
        %get3A_1293 = arith.constant 64 : index
        %get3A_1294 = tpu.vector_load %arg16[%get3A_1292, %get3A_1293] {strides = array<i32>} : memref<80x128xf32, #tpu.memory_space<vmem>>, vector<1x16xf32>,
        %get3A_1295 = vector.shape_cast %get3A_1294 : vector<1x16xf32> to vector<16xf32>
        %mul3A_1296 = arith.constant 10 : i32
        %mul3A_1297 = arith.muli %mul3A_1296, %scan3A_253 : i32
        %add3A_1298 = arith.constant 2 : i32
        %add3A_1299 = arith.addi %mul3A_1297, %add3A_1298 : i32
        %add3A_1300 = arith.constant 1 : i32
        %add3A_1301 = arith.addi %add3A_1299, %add3A_1300 : i32
        %get3A_1302 = arith.index_cast %add3A_1301 : i32 to index
        %get3A_1303 = arith.constant 64 : index
        %get3A_1304 = tpu.vector_load %arg16[%get3A_1302, %get3A_1303] {strides = array<i32>} : memref<80x128xf32, #tpu.memory_space<vmem>>, vector<1x16xf32>,
        %get3A_1305 = vector.shape_cast %get3A_1304 : vector<1x16xf32> to vector<16xf32>
        %add3A_1306 = arith.addf %get3A_1043, %get3A_1053 : vector<16xf32>
        %add3A_1307 = arith.addf %get3A_1035, %add3A_1306 : vector<16xf32>
        %gt3A_1308 = arith.constant 1.000000e+00 : f32
        %gt3A_1309 = vector.broadcast %gt3A_1308 : f32 to vector<16xf32>
        %gt3A_1310 = arith.cmpf ogt, %add3A_1307, %gt3A_1309 : vector<16xf32>
        %jit3A_1311 = arith.constant 1.000000e+00 : f32
        %jit3A_1312 = arith.constant 0.000000e+00 : f32
        %broadcast_in_dim3A_1313 = vector.broadcast %jit3A_1311 : f32 to vector<16xf32>
        %broadcast_in_dim3A_1314 = vector.broadcast %jit3A_1312 : f32 to vector<16xf32>
        %select_n3A_1315 = arith.select %gt3A_1310, %broadcast_in_dim3A_1313, %broadcast_in_dim3A_1314 : vector<16xi1>, vector<16xf32>
        %mul3A_1316 = arith.constant 5 : i32
        %mul3A_1317 = arith.muli %mul3A_1316, %scan3A_253 : i32
        %add3A_1318 = arith.constant 2 : i32
        %add3A_1319 = arith.addi %mul3A_1317, %add3A_1318 : i32
        %get3A_1320 = arith.index_cast %add3A_1319 : i32 to index
        %get3A_1321 = arith.constant 64 : index
        %get3A_1322 = tpu.vector_load %arg14[%get3A_1320, %get3A_1321] {strides = array<i32>} : memref<40x256xf32, #tpu.memory_space<vmem>>, vector<1x16xf32>,
        %get3A_1323 = vector.shape_cast %get3A_1322 : vector<1x16xf32> to vector<16xf32>
        %mul3A_1324 = arith.constant 10 : i32
        %mul3A_1325 = arith.muli %mul3A_1324, %scan3A_253 : i32
        %add3A_1326 = arith.constant 4 : i32
        %add3A_1327 = arith.addi %mul3A_1325, %add3A_1326 : i32
        %get3A_1328 = arith.index_cast %add3A_1327 : i32 to index
        %get3A_1329 = arith.constant 64 : index
        %get3A_1330 = tpu.vector_load %arg16[%get3A_1328, %get3A_1329] {strides = array<i32>} : memref<80x128xf32, #tpu.memory_space<vmem>>, vector<1x16xf32>,
        %get3A_1331 = vector.shape_cast %get3A_1330 : vector<1x16xf32> to vector<16xf32>
        %mul3A_1332 = arith.constant 10 : i32
        %mul3A_1333 = arith.muli %mul3A_1332, %scan3A_253 : i32
        %add3A_1334 = arith.constant 4 : i32
        %add3A_1335 = arith.addi %mul3A_1333, %add3A_1334 : i32
        %add3A_1336 = arith.constant 1 : i32
        %add3A_1337 = arith.addi %add3A_1335, %add3A_1336 : i32
        %get3A_1338 = arith.index_cast %add3A_1337 : i32 to index
        %get3A_1339 = arith.constant 64 : index
        %get3A_1340 = tpu.vector_load %arg16[%get3A_1338, %get3A_1339] {strides = array<i32>} : memref<80x128xf32, #tpu.memory_space<vmem>>, vector<1x16xf32>,
        %get3A_1341 = vector.shape_cast %get3A_1340 : vector<1x16xf32> to vector<16xf32>
        %add3A_1342 = arith.addf %get3A_1079, %get3A_1089 : vector<16xf32>
        %add3A_1343 = arith.addf %get3A_1071, %add3A_1342 : vector<16xf32>
        %gt3A_1344 = arith.constant 1.000000e+00 : f32
        %gt3A_1345 = vector.broadcast %gt3A_1344 : f32 to vector<16xf32>
        %gt3A_1346 = arith.cmpf ogt, %add3A_1343, %gt3A_1345 : vector<16xf32>
        %jit3A_1347 = arith.constant 1.000000e+00 : f32
        %jit3A_1348 = arith.constant 0.000000e+00 : f32
        %broadcast_in_dim3A_1349 = vector.broadcast %jit3A_1347 : f32 to vector<16xf32>
        %broadcast_in_dim3A_1350 = vector.broadcast %jit3A_1348 : f32 to vector<16xf32>
        %select_n3A_1351 = arith.select %gt3A_1346, %broadcast_in_dim3A_1349, %broadcast_in_dim3A_1350 : vector<16xi1>, vector<16xf32>
        %mul3A_1352 = arith.constant 5 : i32
        %mul3A_1353 = arith.muli %mul3A_1352, %scan3A_253 : i32
        %add3A_1354 = arith.constant 3 : i32
        %add3A_1355 = arith.addi %mul3A_1353, %add3A_1354 : i32
        %get3A_1356 = arith.index_cast %add3A_1355 : i32 to index
        %get3A_1357 = arith.constant 64 : index
        %get3A_1358 = tpu.vector_load %arg14[%get3A_1356, %get3A_1357] {strides = array<i32>} : memref<40x256xf32, #tpu.memory_space<vmem>>, vector<1x16xf32>,
        %get3A_1359 = vector.shape_cast %get3A_1358 : vector<1x16xf32> to vector<16xf32>
        %mul3A_1360 = arith.constant 10 : i32
        %mul3A_1361 = arith.muli %mul3A_1360, %scan3A_253 : i32
        %add3A_1362 = arith.constant 6 : i32
        %add3A_1363 = arith.addi %mul3A_1361, %add3A_1362 : i32
        %get3A_1364 = arith.index_cast %add3A_1363 : i32 to index
        %get3A_1365 = arith.constant 64 : index
        %get3A_1366 = tpu.vector_load %arg16[%get3A_1364, %get3A_1365] {strides = array<i32>} : memref<80x128xf32, #tpu.memory_space<vmem>>, vector<1x16xf32>,
        %get3A_1367 = vector.shape_cast %get3A_1366 : vector<1x16xf32> to vector<16xf32>
        %mul3A_1368 = arith.constant 10 : i32
        %mul3A_1369 = arith.muli %mul3A_1368, %scan3A_253 : i32
        %add3A_1370 = arith.constant 6 : i32
        %add3A_1371 = arith.addi %mul3A_1369, %add3A_1370 : i32
        %add3A_1372 = arith.constant 1 : i32
        %add3A_1373 = arith.addi %add3A_1371, %add3A_1372 : i32
        %get3A_1374 = arith.index_cast %add3A_1373 : i32 to index
        %get3A_1375 = arith.constant 64 : index
        %get3A_1376 = tpu.vector_load %arg16[%get3A_1374, %get3A_1375] {strides = array<i32>} : memref<80x128xf32, #tpu.memory_space<vmem>>, vector<1x16xf32>,
        %get3A_1377 = vector.shape_cast %get3A_1376 : vector<1x16xf32> to vector<16xf32>
        %add3A_1378 = arith.addf %get3A_1115, %get3A_1125 : vector<16xf32>
        %add3A_1379 = arith.addf %get3A_1107, %add3A_1378 : vector<16xf32>
        %gt3A_1380 = arith.constant 1.000000e+00 : f32
        %gt3A_1381 = vector.broadcast %gt3A_1380 : f32 to vector<16xf32>
        %gt3A_1382 = arith.cmpf ogt, %add3A_1379, %gt3A_1381 : vector<16xf32>
        %jit3A_1383 = arith.constant 1.000000e+00 : f32
        %jit3A_1384 = arith.constant 0.000000e+00 : f32
        %broadcast_in_dim3A_1385 = vector.broadcast %jit3A_1383 : f32 to vector<16xf32>
        %broadcast_in_dim3A_1386 = vector.broadcast %jit3A_1384 : f32 to vector<16xf32>
        %select_n3A_1387 = arith.select %gt3A_1382, %broadcast_in_dim3A_1385, %broadcast_in_dim3A_1386 : vector<16xi1>, vector<16xf32>
        %mul3A_1388 = arith.constant 5 : i32
        %mul3A_1389 = arith.muli %mul3A_1388, %scan3A_253 : i32
        %add3A_1390 = arith.constant 4 : i32
        %add3A_1391 = arith.addi %mul3A_1389, %add3A_1390 : i32
        %get3A_1392 = arith.index_cast %add3A_1391 : i32 to index
        %get3A_1393 = arith.constant 64 : index
        %get3A_1394 = tpu.vector_load %arg14[%get3A_1392, %get3A_1393] {strides = array<i32>} : memref<40x256xf32, #tpu.memory_space<vmem>>, vector<1x16xf32>,
        %get3A_1395 = vector.shape_cast %get3A_1394 : vector<1x16xf32> to vector<16xf32>
        %mul3A_1396 = arith.constant 10 : i32
        %mul3A_1397 = arith.muli %mul3A_1396, %scan3A_253 : i32
        %add3A_1398 = arith.constant 8 : i32
        %add3A_1399 = arith.addi %mul3A_1397, %add3A_1398 : i32
        %get3A_1400 = arith.index_cast %add3A_1399 : i32 to index
        %get3A_1401 = arith.constant 64 : index
        %get3A_1402 = tpu.vector_load %arg16[%get3A_1400, %get3A_1401] {strides = array<i32>} : memref<80x128xf32, #tpu.memory_space<vmem>>, vector<1x16xf32>,
        %get3A_1403 = vector.shape_cast %get3A_1402 : vector<1x16xf32> to vector<16xf32>
        %mul3A_1404 = arith.constant 10 : i32
        %mul3A_1405 = arith.muli %mul3A_1404, %scan3A_253 : i32
        %add3A_1406 = arith.constant 8 : i32
        %add3A_1407 = arith.addi %mul3A_1405, %add3A_1406 : i32
        %add3A_1408 = arith.constant 1 : i32
        %add3A_1409 = arith.addi %add3A_1407, %add3A_1408 : i32
        %get3A_1410 = arith.index_cast %add3A_1409 : i32 to index
        %get3A_1411 = arith.constant 64 : index
        %get3A_1412 = tpu.vector_load %arg16[%get3A_1410, %get3A_1411] {strides = array<i32>} : memref<80x128xf32, #tpu.memory_space<vmem>>, vector<1x16xf32>,
        %get3A_1413 = vector.shape_cast %get3A_1412 : vector<1x16xf32> to vector<16xf32>
        %add3A_1414 = arith.addf %get3A_1151, %get3A_1161 : vector<16xf32>
        %add3A_1415 = arith.addf %get3A_1143, %add3A_1414 : vector<16xf32>
        %gt3A_1416 = arith.constant 1.000000e+00 : f32
        %gt3A_1417 = vector.broadcast %gt3A_1416 : f32 to vector<16xf32>
        %gt3A_1418 = arith.cmpf ogt, %add3A_1415, %gt3A_1417 : vector<16xf32>
        %jit3A_1419 = arith.constant 1.000000e+00 : f32
        %jit3A_1420 = arith.constant 0.000000e+00 : f32
        %broadcast_in_dim3A_1421 = vector.broadcast %jit3A_1419 : f32 to vector<16xf32>
        %broadcast_in_dim3A_1422 = vector.broadcast %jit3A_1420 : f32 to vector<16xf32>
        %select_n3A_1423 = arith.select %gt3A_1418, %broadcast_in_dim3A_1421, %broadcast_in_dim3A_1422 : vector<16xi1>, vector<16xf32>
        %add3A_1424 = arith.addf %select_n3A_1279, %select_n3A_1315 : vector<16xf32>
        %add3A_1425 = arith.addf %select_n3A_1351, %select_n3A_1387 : vector<16xf32>
        %add3A_1426 = arith.addf %add3A_1424, %add3A_1425 : vector<16xf32>
        %add3A_1427 = arith.addf %add3A_1426, %select_n3A_1423 : vector<16xf32>
        %swap3A_1428 = arith.index_cast %add3A_254 : i32 to index
        %swap3A_1429 = arith.constant 176 : index
        %swap3A_1430 = tpu.vector_load %arg17[%swap3A_1428, %swap3A_1429] {strides = array<i32>} : memref<128x256xf32, #tpu.memory_space<vmem>>, vector<1x16xf32>,
        %swap3A_1431 = vector.shape_cast %swap3A_1430 : vector<1x16xf32> to vector<16xf32>
        %swap3A_1432 = vector.shape_cast %add3A_1427 : vector<16xf32> to vector<1x16xf32>
        tpu.vector_store %arg17[%swap3A_1428, %swap3A_1429], %swap3A_1432 {strides = array<i32>} : memref<128x256xf32, #tpu.memory_space<vmem>>, vector<1x16xf32>,
        %mul3A_1433 = arith.constant 5 : i32
        %mul3A_1434 = arith.muli %mul3A_1433, %scan3A_253 : i32
        %add3A_1435 = arith.constant 0 : i32
        %add3A_1436 = arith.addi %mul3A_1434, %add3A_1435 : i32
        %get3A_1437 = arith.index_cast %add3A_1436 : i32 to index
        %get3A_1438 = arith.constant 208 : index
        %get3A_1439 = tpu.vector_load %arg14[%get3A_1437, %get3A_1438] {strides = array<i32>} : memref<40x256xf32, #tpu.memory_space<vmem>>, vector<1x16xf32>,
        %get3A_1440 = vector.shape_cast %get3A_1439 : vector<1x16xf32> to vector<16xf32>
        %mul3A_1441 = arith.constant 5 : i32
        %mul3A_1442 = arith.muli %mul3A_1441, %scan3A_253 : i32
        %add3A_1443 = arith.constant 1 : i32
        %add3A_1444 = arith.addi %mul3A_1442, %add3A_1443 : i32
        %get3A_1445 = arith.index_cast %add3A_1444 : i32 to index
        %get3A_1446 = arith.constant 208 : index
        %get3A_1447 = tpu.vector_load %arg14[%get3A_1445, %get3A_1446] {strides = array<i32>} : memref<40x256xf32, #tpu.memory_space<vmem>>, vector<1x16xf32>,
        %get3A_1448 = vector.shape_cast %get3A_1447 : vector<1x16xf32> to vector<16xf32>
        %mul3A_1449 = arith.constant 5 : i32
        %mul3A_1450 = arith.muli %mul3A_1449, %scan3A_253 : i32
        %add3A_1451 = arith.constant 2 : i32
        %add3A_1452 = arith.addi %mul3A_1450, %add3A_1451 : i32
        %get3A_1453 = arith.index_cast %add3A_1452 : i32 to index
        %get3A_1454 = arith.constant 208 : index
        %get3A_1455 = tpu.vector_load %arg14[%get3A_1453, %get3A_1454] {strides = array<i32>} : memref<40x256xf32, #tpu.memory_space<vmem>>, vector<1x16xf32>,
        %get3A_1456 = vector.shape_cast %get3A_1455 : vector<1x16xf32> to vector<16xf32>
        %mul3A_1457 = arith.constant 5 : i32
        %mul3A_1458 = arith.muli %mul3A_1457, %scan3A_253 : i32
        %add3A_1459 = arith.constant 3 : i32
        %add3A_1460 = arith.addi %mul3A_1458, %add3A_1459 : i32
        %get3A_1461 = arith.index_cast %add3A_1460 : i32 to index
        %get3A_1462 = arith.constant 208 : index
        %get3A_1463 = tpu.vector_load %arg14[%get3A_1461, %get3A_1462] {strides = array<i32>} : memref<40x256xf32, #tpu.memory_space<vmem>>, vector<1x16xf32>,
        %get3A_1464 = vector.shape_cast %get3A_1463 : vector<1x16xf32> to vector<16xf32>
        %mul3A_1465 = arith.constant 5 : i32
        %mul3A_1466 = arith.muli %mul3A_1465, %scan3A_253 : i32
        %add3A_1467 = arith.constant 4 : i32
        %add3A_1468 = arith.addi %mul3A_1466, %add3A_1467 : i32
        %get3A_1469 = arith.index_cast %add3A_1468 : i32 to index
        %get3A_1470 = arith.constant 208 : index
        %get3A_1471 = tpu.vector_load %arg14[%get3A_1469, %get3A_1470] {strides = array<i32>} : memref<40x256xf32, #tpu.memory_space<vmem>>, vector<1x16xf32>,
        %get3A_1472 = vector.shape_cast %get3A_1471 : vector<1x16xf32> to vector<16xf32>
        %add3A_1473 = arith.addi %mul3A_246, %scan3A_253 : i32
        %get3A_1474 = arith.index_cast %add3A_1473 : i32 to index
        %get3A_1475 = arith.constant 80 : index
        %get3A_1476 = tpu.vector_load %arg12[%get3A_1474, %get3A_1475] {strides = array<i32>} : memref<128x128xf32, #tpu.memory_space<vmem>>, vector<1x16xf32>,
        %get3A_1477 = vector.shape_cast %get3A_1476 : vector<1x16xf32> to vector<16xf32>
        %add3A_1478 = arith.addf %get3A_1188, %get3A_1196 : vector<16xf32>
        %add3A_1479 = arith.addf %get3A_1204, %get3A_1212 : vector<16xf32>
        %add3A_1480 = arith.addf %add3A_1478, %add3A_1479 : vector<16xf32>
        %add3A_1481 = arith.addf %get3A_1220, %get3A_1225 : vector<16xf32>
        %add3A_1482 = arith.addf %add3A_1480, %add3A_1481 : vector<16xf32>
        %gt3A_1483 = arith.constant 1.000000e+00 : f32
        %gt3A_1484 = vector.broadcast %gt3A_1483 : f32 to vector<16xf32>
        %gt3A_1485 = arith.cmpf ogt, %add3A_1482, %gt3A_1484 : vector<16xf32>
        %jit3A_1486 = arith.constant 1.000000e+00 : f32
        %jit3A_1487 = arith.constant 0.000000e+00 : f32
        %broadcast_in_dim3A_1488 = vector.broadcast %jit3A_1486 : f32 to vector<16xf32>
        %broadcast_in_dim3A_1489 = vector.broadcast %jit3A_1487 : f32 to vector<16xf32>
        %select_n3A_1490 = arith.select %gt3A_1485, %broadcast_in_dim3A_1488, %broadcast_in_dim3A_1489 : vector<16xi1>, vector<16xf32>
        %swap3A_1491 = arith.index_cast %add3A_254 : i32 to index
        %swap3A_1492 = arith.constant 64 : index
        %swap3A_1493 = tpu.vector_load %arg17[%swap3A_1491, %swap3A_1492] {strides = array<i32>} : memref<128x256xf32, #tpu.memory_space<vmem>>, vector<1x16xf32>,
        %swap3A_1494 = vector.shape_cast %swap3A_1493 : vector<1x16xf32> to vector<16xf32>
        %swap3A_1495 = vector.shape_cast %select_n3A_1490 : vector<16xf32> to vector<1x16xf32>
        tpu.vector_store %arg17[%swap3A_1491, %swap3A_1492], %swap3A_1495 {strides = array<i32>} : memref<128x256xf32, #tpu.memory_space<vmem>>, vector<1x16xf32>,
        %mul3A_1496 = arith.constant 5 : i32
        %mul3A_1497 = arith.muli %mul3A_1496, %scan3A_253 : i32
        %add3A_1498 = arith.constant 0 : i32
        %add3A_1499 = arith.addi %mul3A_1497, %add3A_1498 : i32
        %get3A_1500 = arith.index_cast %add3A_1499 : i32 to index
        %get3A_1501 = arith.constant 80 : index
        %get3A_1502 = tpu.vector_load %arg14[%get3A_1500, %get3A_1501] {strides = array<i32>} : memref<40x256xf32, #tpu.memory_space<vmem>>, vector<1x16xf32>,
        %get3A_1503 = vector.shape_cast %get3A_1502 : vector<1x16xf32> to vector<16xf32>
        %mul3A_1504 = arith.constant 10 : i32
        %mul3A_1505 = arith.muli %mul3A_1504, %scan3A_253 : i32
        %add3A_1506 = arith.constant 0 : i32
        %add3A_1507 = arith.addi %mul3A_1505, %add3A_1506 : i32
        %get3A_1508 = arith.index_cast %add3A_1507 : i32 to index
        %get3A_1509 = arith.constant 80 : index
        %get3A_1510 = tpu.vector_load %arg16[%get3A_1508, %get3A_1509] {strides = array<i32>} : memref<80x128xf32, #tpu.memory_space<vmem>>, vector<1x16xf32>,
        %get3A_1511 = vector.shape_cast %get3A_1510 : vector<1x16xf32> to vector<16xf32>
        %mul3A_1512 = arith.constant 10 : i32
        %mul3A_1513 = arith.muli %mul3A_1512, %scan3A_253 : i32
        %add3A_1514 = arith.constant 0 : i32
        %add3A_1515 = arith.addi %mul3A_1513, %add3A_1514 : i32
        %add3A_1516 = arith.constant 1 : i32
        %add3A_1517 = arith.addi %add3A_1515, %add3A_1516 : i32
        %get3A_1518 = arith.index_cast %add3A_1517 : i32 to index
        %get3A_1519 = arith.constant 80 : index
        %get3A_1520 = tpu.vector_load %arg16[%get3A_1518, %get3A_1519] {strides = array<i32>} : memref<80x128xf32, #tpu.memory_space<vmem>>, vector<1x16xf32>,
        %get3A_1521 = vector.shape_cast %get3A_1520 : vector<1x16xf32> to vector<16xf32>
        %add3A_1522 = arith.addf %get3A_1259, %get3A_1269 : vector<16xf32>
        %add3A_1523 = arith.addf %get3A_1251, %add3A_1522 : vector<16xf32>
        %gt3A_1524 = arith.constant 1.000000e+00 : f32
        %gt3A_1525 = vector.broadcast %gt3A_1524 : f32 to vector<16xf32>
        %gt3A_1526 = arith.cmpf ogt, %add3A_1523, %gt3A_1525 : vector<16xf32>
        %jit3A_1527 = arith.constant 1.000000e+00 : f32
        %jit3A_1528 = arith.constant 0.000000e+00 : f32
        %broadcast_in_dim3A_1529 = vector.broadcast %jit3A_1527 : f32 to vector<16xf32>
        %broadcast_in_dim3A_1530 = vector.broadcast %jit3A_1528 : f32 to vector<16xf32>
        %select_n3A_1531 = arith.select %gt3A_1526, %broadcast_in_dim3A_1529, %broadcast_in_dim3A_1530 : vector<16xi1>, vector<16xf32>
        %mul3A_1532 = arith.constant 5 : i32
        %mul3A_1533 = arith.muli %mul3A_1532, %scan3A_253 : i32
        %add3A_1534 = arith.constant 1 : i32
        %add3A_1535 = arith.addi %mul3A_1533, %add3A_1534 : i32
        %get3A_1536 = arith.index_cast %add3A_1535 : i32 to index
        %get3A_1537 = arith.constant 80 : index
        %get3A_1538 = tpu.vector_load %arg14[%get3A_1536, %get3A_1537] {strides = array<i32>} : memref<40x256xf32, #tpu.memory_space<vmem>>, vector<1x16xf32>,
        %get3A_1539 = vector.shape_cast %get3A_1538 : vector<1x16xf32> to vector<16xf32>
        %mul3A_1540 = arith.constant 10 : i32
        %mul3A_1541 = arith.muli %mul3A_1540, %scan3A_253 : i32
        %add3A_1542 = arith.constant 2 : i32
        %add3A_1543 = arith.addi %mul3A_1541, %add3A_1542 : i32
        %get3A_1544 = arith.index_cast %add3A_1543 : i32 to index
        %get3A_1545 = arith.constant 80 : index
        %get3A_1546 = tpu.vector_load %arg16[%get3A_1544, %get3A_1545] {strides = array<i32>} : memref<80x128xf32, #tpu.memory_space<vmem>>, vector<1x16xf32>,
        %get3A_1547 = vector.shape_cast %get3A_1546 : vector<1x16xf32> to vector<16xf32>
        %mul3A_1548 = arith.constant 10 : i32
        %mul3A_1549 = arith.muli %mul3A_1548, %scan3A_253 : i32
        %add3A_1550 = arith.constant 2 : i32
        %add3A_1551 = arith.addi %mul3A_1549, %add3A_1550 : i32
        %add3A_1552 = arith.constant 1 : i32
        %add3A_1553 = arith.addi %add3A_1551, %add3A_1552 : i32
        %get3A_1554 = arith.index_cast %add3A_1553 : i32 to index
        %get3A_1555 = arith.constant 80 : index
        %get3A_1556 = tpu.vector_load %arg16[%get3A_1554, %get3A_1555] {strides = array<i32>} : memref<80x128xf32, #tpu.memory_space<vmem>>, vector<1x16xf32>,
        %get3A_1557 = vector.shape_cast %get3A_1556 : vector<1x16xf32> to vector<16xf32>
        %add3A_1558 = arith.addf %get3A_1295, %get3A_1305 : vector<16xf32>
        %add3A_1559 = arith.addf %get3A_1287, %add3A_1558 : vector<16xf32>
        %gt3A_1560 = arith.constant 1.000000e+00 : f32
        %gt3A_1561 = vector.broadcast %gt3A_1560 : f32 to vector<16xf32>
        %gt3A_1562 = arith.cmpf ogt, %add3A_1559, %gt3A_1561 : vector<16xf32>
        %jit3A_1563 = arith.constant 1.000000e+00 : f32
        %jit3A_1564 = arith.constant 0.000000e+00 : f32
        %broadcast_in_dim3A_1565 = vector.broadcast %jit3A_1563 : f32 to vector<16xf32>
        %broadcast_in_dim3A_1566 = vector.broadcast %jit3A_1564 : f32 to vector<16xf32>
        %select_n3A_1567 = arith.select %gt3A_1562, %broadcast_in_dim3A_1565, %broadcast_in_dim3A_1566 : vector<16xi1>, vector<16xf32>
        %mul3A_1568 = arith.constant 5 : i32
        %mul3A_1569 = arith.muli %mul3A_1568, %scan3A_253 : i32
        %add3A_1570 = arith.constant 2 : i32
        %add3A_1571 = arith.addi %mul3A_1569, %add3A_1570 : i32
        %get3A_1572 = arith.index_cast %add3A_1571 : i32 to index
        %get3A_1573 = arith.constant 80 : index
        %get3A_1574 = tpu.vector_load %arg14[%get3A_1572, %get3A_1573] {strides = array<i32>} : memref<40x256xf32, #tpu.memory_space<vmem>>, vector<1x16xf32>,
        %get3A_1575 = vector.shape_cast %get3A_1574 : vector<1x16xf32> to vector<16xf32>
        %mul3A_1576 = arith.constant 10 : i32
        %mul3A_1577 = arith.muli %mul3A_1576, %scan3A_253 : i32
        %add3A_1578 = arith.constant 4 : i32
        %add3A_1579 = arith.addi %mul3A_1577, %add3A_1578 : i32
        %get3A_1580 = arith.index_cast %add3A_1579 : i32 to index
        %get3A_1581 = arith.constant 80 : index
        %get3A_1582 = tpu.vector_load %arg16[%get3A_1580, %get3A_1581] {strides = array<i32>} : memref<80x128xf32, #tpu.memory_space<vmem>>, vector<1x16xf32>,
        %get3A_1583 = vector.shape_cast %get3A_1582 : vector<1x16xf32> to vector<16xf32>
        %mul3A_1584 = arith.constant 10 : i32
        %mul3A_1585 = arith.muli %mul3A_1584, %scan3A_253 : i32
        %add3A_1586 = arith.constant 4 : i32
        %add3A_1587 = arith.addi %mul3A_1585, %add3A_1586 : i32
        %add3A_1588 = arith.constant 1 : i32
        %add3A_1589 = arith.addi %add3A_1587, %add3A_1588 : i32
        %get3A_1590 = arith.index_cast %add3A_1589 : i32 to index
        %get3A_1591 = arith.constant 80 : index
        %get3A_1592 = tpu.vector_load %arg16[%get3A_1590, %get3A_1591] {strides = array<i32>} : memref<80x128xf32, #tpu.memory_space<vmem>>, vector<1x16xf32>,
        %get3A_1593 = vector.shape_cast %get3A_1592 : vector<1x16xf32> to vector<16xf32>
        %add3A_1594 = arith.addf %get3A_1331, %get3A_1341 : vector<16xf32>
        %add3A_1595 = arith.addf %get3A_1323, %add3A_1594 : vector<16xf32>
        %gt3A_1596 = arith.constant 1.000000e+00 : f32
        %gt3A_1597 = vector.broadcast %gt3A_1596 : f32 to vector<16xf32>
        %gt3A_1598 = arith.cmpf ogt, %add3A_1595, %gt3A_1597 : vector<16xf32>
        %jit3A_1599 = arith.constant 1.000000e+00 : f32
        %jit3A_1600 = arith.constant 0.000000e+00 : f32
        %broadcast_in_dim3A_1601 = vector.broadcast %jit3A_1599 : f32 to vector<16xf32>
        %broadcast_in_dim3A_1602 = vector.broadcast %jit3A_1600 : f32 to vector<16xf32>
        %select_n3A_1603 = arith.select %gt3A_1598, %broadcast_in_dim3A_1601, %broadcast_in_dim3A_1602 : vector<16xi1>, vector<16xf32>
        %mul3A_1604 = arith.constant 5 : i32
        %mul3A_1605 = arith.muli %mul3A_1604, %scan3A_253 : i32
        %add3A_1606 = arith.constant 3 : i32
        %add3A_1607 = arith.addi %mul3A_1605, %add3A_1606 : i32
        %get3A_1608 = arith.index_cast %add3A_1607 : i32 to index
        %get3A_1609 = arith.constant 80 : index
        %get3A_1610 = tpu.vector_load %arg14[%get3A_1608, %get3A_1609] {strides = array<i32>} : memref<40x256xf32, #tpu.memory_space<vmem>>, vector<1x16xf32>,
        %get3A_1611 = vector.shape_cast %get3A_1610 : vector<1x16xf32> to vector<16xf32>
        %mul3A_1612 = arith.constant 10 : i32
        %mul3A_1613 = arith.muli %mul3A_1612, %scan3A_253 : i32
        %add3A_1614 = arith.constant 6 : i32
        %add3A_1615 = arith.addi %mul3A_1613, %add3A_1614 : i32
        %get3A_1616 = arith.index_cast %add3A_1615 : i32 to index
        %get3A_1617 = arith.constant 80 : index
        %get3A_1618 = tpu.vector_load %arg16[%get3A_1616, %get3A_1617] {strides = array<i32>} : memref<80x128xf32, #tpu.memory_space<vmem>>, vector<1x16xf32>,
        %get3A_1619 = vector.shape_cast %get3A_1618 : vector<1x16xf32> to vector<16xf32>
        %mul3A_1620 = arith.constant 10 : i32
        %mul3A_1621 = arith.muli %mul3A_1620, %scan3A_253 : i32
        %add3A_1622 = arith.constant 6 : i32
        %add3A_1623 = arith.addi %mul3A_1621, %add3A_1622 : i32
        %add3A_1624 = arith.constant 1 : i32
        %add3A_1625 = arith.addi %add3A_1623, %add3A_1624 : i32
        %get3A_1626 = arith.index_cast %add3A_1625 : i32 to index
        %get3A_1627 = arith.constant 80 : index
        %get3A_1628 = tpu.vector_load %arg16[%get3A_1626, %get3A_1627] {strides = array<i32>} : memref<80x128xf32, #tpu.memory_space<vmem>>, vector<1x16xf32>,
        %get3A_1629 = vector.shape_cast %get3A_1628 : vector<1x16xf32> to vector<16xf32>
        %add3A_1630 = arith.addf %get3A_1367, %get3A_1377 : vector<16xf32>
        %add3A_1631 = arith.addf %get3A_1359, %add3A_1630 : vector<16xf32>
        %gt3A_1632 = arith.constant 1.000000e+00 : f32
        %gt3A_1633 = vector.broadcast %gt3A_1632 : f32 to vector<16xf32>
        %gt3A_1634 = arith.cmpf ogt, %add3A_1631, %gt3A_1633 : vector<16xf32>
        %jit3A_1635 = arith.constant 1.000000e+00 : f32
        %jit3A_1636 = arith.constant 0.000000e+00 : f32
        %broadcast_in_dim3A_1637 = vector.broadcast %jit3A_1635 : f32 to vector<16xf32>
        %broadcast_in_dim3A_1638 = vector.broadcast %jit3A_1636 : f32 to vector<16xf32>
        %select_n3A_1639 = arith.select %gt3A_1634, %broadcast_in_dim3A_1637, %broadcast_in_dim3A_1638 : vector<16xi1>, vector<16xf32>
        %mul3A_1640 = arith.constant 5 : i32
        %mul3A_1641 = arith.muli %mul3A_1640, %scan3A_253 : i32
        %add3A_1642 = arith.constant 4 : i32
        %add3A_1643 = arith.addi %mul3A_1641, %add3A_1642 : i32
        %get3A_1644 = arith.index_cast %add3A_1643 : i32 to index
        %get3A_1645 = arith.constant 80 : index
        %get3A_1646 = tpu.vector_load %arg14[%get3A_1644, %get3A_1645] {strides = array<i32>} : memref<40x256xf32, #tpu.memory_space<vmem>>, vector<1x16xf32>,
        %get3A_1647 = vector.shape_cast %get3A_1646 : vector<1x16xf32> to vector<16xf32>
        %mul3A_1648 = arith.constant 10 : i32
        %mul3A_1649 = arith.muli %mul3A_1648, %scan3A_253 : i32
        %add3A_1650 = arith.constant 8 : i32
        %add3A_1651 = arith.addi %mul3A_1649, %add3A_1650 : i32
        %get3A_1652 = arith.index_cast %add3A_1651 : i32 to index
        %get3A_1653 = arith.constant 80 : index
        %get3A_1654 = tpu.vector_load %arg16[%get3A_1652, %get3A_1653] {strides = array<i32>} : memref<80x128xf32, #tpu.memory_space<vmem>>, vector<1x16xf32>,
        %get3A_1655 = vector.shape_cast %get3A_1654 : vector<1x16xf32> to vector<16xf32>
        %mul3A_1656 = arith.constant 10 : i32
        %mul3A_1657 = arith.muli %mul3A_1656, %scan3A_253 : i32
        %add3A_1658 = arith.constant 8 : i32
        %add3A_1659 = arith.addi %mul3A_1657, %add3A_1658 : i32
        %add3A_1660 = arith.constant 1 : i32
        %add3A_1661 = arith.addi %add3A_1659, %add3A_1660 : i32
        %get3A_1662 = arith.index_cast %add3A_1661 : i32 to index
        %get3A_1663 = arith.constant 80 : index
        %get3A_1664 = tpu.vector_load %arg16[%get3A_1662, %get3A_1663] {strides = array<i32>} : memref<80x128xf32, #tpu.memory_space<vmem>>, vector<1x16xf32>,
        %get3A_1665 = vector.shape_cast %get3A_1664 : vector<1x16xf32> to vector<16xf32>
        %add3A_1666 = arith.addf %get3A_1403, %get3A_1413 : vector<16xf32>
        %add3A_1667 = arith.addf %get3A_1395, %add3A_1666 : vector<16xf32>
        %gt3A_1668 = arith.constant 1.000000e+00 : f32
        %gt3A_1669 = vector.broadcast %gt3A_1668 : f32 to vector<16xf32>
        %gt3A_1670 = arith.cmpf ogt, %add3A_1667, %gt3A_1669 : vector<16xf32>
        %jit3A_1671 = arith.constant 1.000000e+00 : f32
        %jit3A_1672 = arith.constant 0.000000e+00 : f32
        %broadcast_in_dim3A_1673 = vector.broadcast %jit3A_1671 : f32 to vector<16xf32>
        %broadcast_in_dim3A_1674 = vector.broadcast %jit3A_1672 : f32 to vector<16xf32>
        %select_n3A_1675 = arith.select %gt3A_1670, %broadcast_in_dim3A_1673, %broadcast_in_dim3A_1674 : vector<16xi1>, vector<16xf32>
        %add3A_1676 = arith.addf %select_n3A_1531, %select_n3A_1567 : vector<16xf32>
        %add3A_1677 = arith.addf %select_n3A_1603, %select_n3A_1639 : vector<16xf32>
        %add3A_1678 = arith.addf %add3A_1676, %add3A_1677 : vector<16xf32>
        %add3A_1679 = arith.addf %add3A_1678, %select_n3A_1675 : vector<16xf32>
        %swap3A_1680 = arith.index_cast %add3A_254 : i32 to index
        %swap3A_1681 = arith.constant 192 : index
        %swap3A_1682 = tpu.vector_load %arg17[%swap3A_1680, %swap3A_1681] {strides = array<i32>} : memref<128x256xf32, #tpu.memory_space<vmem>>, vector<1x16xf32>,
        %swap3A_1683 = vector.shape_cast %swap3A_1682 : vector<1x16xf32> to vector<16xf32>
        %swap3A_1684 = vector.shape_cast %add3A_1679 : vector<16xf32> to vector<1x16xf32>
        tpu.vector_store %arg17[%swap3A_1680, %swap3A_1681], %swap3A_1684 {strides = array<i32>} : memref<128x256xf32, #tpu.memory_space<vmem>>, vector<1x16xf32>,
        %mul3A_1685 = arith.constant 5 : i32
        %mul3A_1686 = arith.muli %mul3A_1685, %scan3A_253 : i32
        %add3A_1687 = arith.constant 0 : i32
        %add3A_1688 = arith.addi %mul3A_1686, %add3A_1687 : i32
        %get3A_1689 = arith.index_cast %add3A_1688 : i32 to index
        %get3A_1690 = arith.constant 224 : index
        %get3A_1691 = tpu.vector_load %arg14[%get3A_1689, %get3A_1690] {strides = array<i32>} : memref<40x256xf32, #tpu.memory_space<vmem>>, vector<1x16xf32>,
        %get3A_1692 = vector.shape_cast %get3A_1691 : vector<1x16xf32> to vector<16xf32>
        %mul3A_1693 = arith.constant 5 : i32
        %mul3A_1694 = arith.muli %mul3A_1693, %scan3A_253 : i32
        %add3A_1695 = arith.constant 1 : i32
        %add3A_1696 = arith.addi %mul3A_1694, %add3A_1695 : i32
        %get3A_1697 = arith.index_cast %add3A_1696 : i32 to index
        %get3A_1698 = arith.constant 224 : index
        %get3A_1699 = tpu.vector_load %arg14[%get3A_1697, %get3A_1698] {strides = array<i32>} : memref<40x256xf32, #tpu.memory_space<vmem>>, vector<1x16xf32>,
        %get3A_1700 = vector.shape_cast %get3A_1699 : vector<1x16xf32> to vector<16xf32>
        %mul3A_1701 = arith.constant 5 : i32
        %mul3A_1702 = arith.muli %mul3A_1701, %scan3A_253 : i32
        %add3A_1703 = arith.constant 2 : i32
        %add3A_1704 = arith.addi %mul3A_1702, %add3A_1703 : i32
        %get3A_1705 = arith.index_cast %add3A_1704 : i32 to index
        %get3A_1706 = arith.constant 224 : index
        %get3A_1707 = tpu.vector_load %arg14[%get3A_1705, %get3A_1706] {strides = array<i32>} : memref<40x256xf32, #tpu.memory_space<vmem>>, vector<1x16xf32>,
        %get3A_1708 = vector.shape_cast %get3A_1707 : vector<1x16xf32> to vector<16xf32>
        %mul3A_1709 = arith.constant 5 : i32
        %mul3A_1710 = arith.muli %mul3A_1709, %scan3A_253 : i32
        %add3A_1711 = arith.constant 3 : i32
        %add3A_1712 = arith.addi %mul3A_1710, %add3A_1711 : i32
        %get3A_1713 = arith.index_cast %add3A_1712 : i32 to index
        %get3A_1714 = arith.constant 224 : index
        %get3A_1715 = tpu.vector_load %arg14[%get3A_1713, %get3A_1714] {strides = array<i32>} : memref<40x256xf32, #tpu.memory_space<vmem>>, vector<1x16xf32>,
        %get3A_1716 = vector.shape_cast %get3A_1715 : vector<1x16xf32> to vector<16xf32>
        %mul3A_1717 = arith.constant 5 : i32
        %mul3A_1718 = arith.muli %mul3A_1717, %scan3A_253 : i32
        %add3A_1719 = arith.constant 4 : i32
        %add3A_1720 = arith.addi %mul3A_1718, %add3A_1719 : i32
        %get3A_1721 = arith.index_cast %add3A_1720 : i32 to index
        %get3A_1722 = arith.constant 224 : index
        %get3A_1723 = tpu.vector_load %arg14[%get3A_1721, %get3A_1722] {strides = array<i32>} : memref<40x256xf32, #tpu.memory_space<vmem>>, vector<1x16xf32>,
        %get3A_1724 = vector.shape_cast %get3A_1723 : vector<1x16xf32> to vector<16xf32>
        %add3A_1725 = arith.addi %mul3A_246, %scan3A_253 : i32
        %get3A_1726 = arith.index_cast %add3A_1725 : i32 to index
        %get3A_1727 = arith.constant 96 : index
        %get3A_1728 = tpu.vector_load %arg12[%get3A_1726, %get3A_1727] {strides = array<i32>} : memref<128x128xf32, #tpu.memory_space<vmem>>, vector<1x16xf32>,
        %get3A_1729 = vector.shape_cast %get3A_1728 : vector<1x16xf32> to vector<16xf32>
        %add3A_1730 = arith.addf %get3A_1440, %get3A_1448 : vector<16xf32>
        %add3A_1731 = arith.addf %get3A_1456, %get3A_1464 : vector<16xf32>
        %add3A_1732 = arith.addf %add3A_1730, %add3A_1731 : vector<16xf32>
        %add3A_1733 = arith.addf %get3A_1472, %get3A_1477 : vector<16xf32>
        %add3A_1734 = arith.addf %add3A_1732, %add3A_1733 : vector<16xf32>
        %gt3A_1735 = arith.constant 1.000000e+00 : f32
        %gt3A_1736 = vector.broadcast %gt3A_1735 : f32 to vector<16xf32>
        %gt3A_1737 = arith.cmpf ogt, %add3A_1734, %gt3A_1736 : vector<16xf32>
        %jit3A_1738 = arith.constant 1.000000e+00 : f32
        %jit3A_1739 = arith.constant 0.000000e+00 : f32
        %broadcast_in_dim3A_1740 = vector.broadcast %jit3A_1738 : f32 to vector<16xf32>
        %broadcast_in_dim3A_1741 = vector.broadcast %jit3A_1739 : f32 to vector<16xf32>
        %select_n3A_1742 = arith.select %gt3A_1737, %broadcast_in_dim3A_1740, %broadcast_in_dim3A_1741 : vector<16xi1>, vector<16xf32>
        %swap3A_1743 = arith.index_cast %add3A_254 : i32 to index
        %swap3A_1744 = arith.constant 80 : index
        %swap3A_1745 = tpu.vector_load %arg17[%swap3A_1743, %swap3A_1744] {strides = array<i32>} : memref<128x256xf32, #tpu.memory_space<vmem>>, vector<1x16xf32>,
        %swap3A_1746 = vector.shape_cast %swap3A_1745 : vector<1x16xf32> to vector<16xf32>
        %swap3A_1747 = vector.shape_cast %select_n3A_1742 : vector<16xf32> to vector<1x16xf32>
        tpu.vector_store %arg17[%swap3A_1743, %swap3A_1744], %swap3A_1747 {strides = array<i32>} : memref<128x256xf32, #tpu.memory_space<vmem>>, vector<1x16xf32>,
        %mul3A_1748 = arith.constant 5 : i32
        %mul3A_1749 = arith.muli %mul3A_1748, %scan3A_253 : i32
        %add3A_1750 = arith.constant 0 : i32
        %add3A_1751 = arith.addi %mul3A_1749, %add3A_1750 : i32
        %get3A_1752 = arith.index_cast %add3A_1751 : i32 to index
        %get3A_1753 = arith.constant 96 : index
        %get3A_1754 = tpu.vector_load %arg14[%get3A_1752, %get3A_1753] {strides = array<i32>} : memref<40x256xf32, #tpu.memory_space<vmem>>, vector<1x16xf32>,
        %get3A_1755 = vector.shape_cast %get3A_1754 : vector<1x16xf32> to vector<16xf32>
        %mul3A_1756 = arith.constant 10 : i32
        %mul3A_1757 = arith.muli %mul3A_1756, %scan3A_253 : i32
        %add3A_1758 = arith.constant 0 : i32
        %add3A_1759 = arith.addi %mul3A_1757, %add3A_1758 : i32
        %get3A_1760 = arith.index_cast %add3A_1759 : i32 to index
        %get3A_1761 = arith.constant 96 : index
        %get3A_1762 = tpu.vector_load %arg16[%get3A_1760, %get3A_1761] {strides = array<i32>} : memref<80x128xf32, #tpu.memory_space<vmem>>, vector<1x16xf32>,
        %get3A_1763 = vector.shape_cast %get3A_1762 : vector<1x16xf32> to vector<16xf32>
        %mul3A_1764 = arith.constant 10 : i32
        %mul3A_1765 = arith.muli %mul3A_1764, %scan3A_253 : i32
        %add3A_1766 = arith.constant 0 : i32
        %add3A_1767 = arith.addi %mul3A_1765, %add3A_1766 : i32
        %add3A_1768 = arith.constant 1 : i32
        %add3A_1769 = arith.addi %add3A_1767, %add3A_1768 : i32
        %get3A_1770 = arith.index_cast %add3A_1769 : i32 to index
        %get3A_1771 = arith.constant 96 : index
        %get3A_1772 = tpu.vector_load %arg16[%get3A_1770, %get3A_1771] {strides = array<i32>} : memref<80x128xf32, #tpu.memory_space<vmem>>, vector<1x16xf32>,
        %get3A_1773 = vector.shape_cast %get3A_1772 : vector<1x16xf32> to vector<16xf32>
        %add3A_1774 = arith.addf %get3A_1511, %get3A_1521 : vector<16xf32>
        %add3A_1775 = arith.addf %get3A_1503, %add3A_1774 : vector<16xf32>
        %gt3A_1776 = arith.constant 1.000000e+00 : f32
        %gt3A_1777 = vector.broadcast %gt3A_1776 : f32 to vector<16xf32>
        %gt3A_1778 = arith.cmpf ogt, %add3A_1775, %gt3A_1777 : vector<16xf32>
        %jit3A_1779 = arith.constant 1.000000e+00 : f32
        %jit3A_1780 = arith.constant 0.000000e+00 : f32
        %broadcast_in_dim3A_1781 = vector.broadcast %jit3A_1779 : f32 to vector<16xf32>
        %broadcast_in_dim3A_1782 = vector.broadcast %jit3A_1780 : f32 to vector<16xf32>
        %select_n3A_1783 = arith.select %gt3A_1778, %broadcast_in_dim3A_1781, %broadcast_in_dim3A_1782 : vector<16xi1>, vector<16xf32>
        %mul3A_1784 = arith.constant 5 : i32
        %mul3A_1785 = arith.muli %mul3A_1784, %scan3A_253 : i32
        %add3A_1786 = arith.constant 1 : i32
        %add3A_1787 = arith.addi %mul3A_1785, %add3A_1786 : i32
        %get3A_1788 = arith.index_cast %add3A_1787 : i32 to index
        %get3A_1789 = arith.constant 96 : index
        %get3A_1790 = tpu.vector_load %arg14[%get3A_1788, %get3A_1789] {strides = array<i32>} : memref<40x256xf32, #tpu.memory_space<vmem>>, vector<1x16xf32>,
        %get3A_1791 = vector.shape_cast %get3A_1790 : vector<1x16xf32> to vector<16xf32>
        %mul3A_1792 = arith.constant 10 : i32
        %mul3A_1793 = arith.muli %mul3A_1792, %scan3A_253 : i32
        %add3A_1794 = arith.constant 2 : i32
        %add3A_1795 = arith.addi %mul3A_1793, %add3A_1794 : i32
        %get3A_1796 = arith.index_cast %add3A_1795 : i32 to index
        %get3A_1797 = arith.constant 96 : index
        %get3A_1798 = tpu.vector_load %arg16[%get3A_1796, %get3A_1797] {strides = array<i32>} : memref<80x128xf32, #tpu.memory_space<vmem>>, vector<1x16xf32>,
        %get3A_1799 = vector.shape_cast %get3A_1798 : vector<1x16xf32> to vector<16xf32>
        %mul3A_1800 = arith.constant 10 : i32
        %mul3A_1801 = arith.muli %mul3A_1800, %scan3A_253 : i32
        %add3A_1802 = arith.constant 2 : i32
        %add3A_1803 = arith.addi %mul3A_1801, %add3A_1802 : i32
        %add3A_1804 = arith.constant 1 : i32
        %add3A_1805 = arith.addi %add3A_1803, %add3A_1804 : i32
        %get3A_1806 = arith.index_cast %add3A_1805 : i32 to index
        %get3A_1807 = arith.constant 96 : index
        %get3A_1808 = tpu.vector_load %arg16[%get3A_1806, %get3A_1807] {strides = array<i32>} : memref<80x128xf32, #tpu.memory_space<vmem>>, vector<1x16xf32>,
        %get3A_1809 = vector.shape_cast %get3A_1808 : vector<1x16xf32> to vector<16xf32>
        %add3A_1810 = arith.addf %get3A_1547, %get3A_1557 : vector<16xf32>
        %add3A_1811 = arith.addf %get3A_1539, %add3A_1810 : vector<16xf32>
        %gt3A_1812 = arith.constant 1.000000e+00 : f32
        %gt3A_1813 = vector.broadcast %gt3A_1812 : f32 to vector<16xf32>
        %gt3A_1814 = arith.cmpf ogt, %add3A_1811, %gt3A_1813 : vector<16xf32>
        %jit3A_1815 = arith.constant 1.000000e+00 : f32
        %jit3A_1816 = arith.constant 0.000000e+00 : f32
        %broadcast_in_dim3A_1817 = vector.broadcast %jit3A_1815 : f32 to vector<16xf32>
        %broadcast_in_dim3A_1818 = vector.broadcast %jit3A_1816 : f32 to vector<16xf32>
        %select_n3A_1819 = arith.select %gt3A_1814, %broadcast_in_dim3A_1817, %broadcast_in_dim3A_1818 : vector<16xi1>, vector<16xf32>
        %mul3A_1820 = arith.constant 5 : i32
        %mul3A_1821 = arith.muli %mul3A_1820, %scan3A_253 : i32
        %add3A_1822 = arith.constant 2 : i32
        %add3A_1823 = arith.addi %mul3A_1821, %add3A_1822 : i32
        %get3A_1824 = arith.index_cast %add3A_1823 : i32 to index
        %get3A_1825 = arith.constant 96 : index
        %get3A_1826 = tpu.vector_load %arg14[%get3A_1824, %get3A_1825] {strides = array<i32>} : memref<40x256xf32, #tpu.memory_space<vmem>>, vector<1x16xf32>,
        %get3A_1827 = vector.shape_cast %get3A_1826 : vector<1x16xf32> to vector<16xf32>
        %mul3A_1828 = arith.constant 10 : i32
        %mul3A_1829 = arith.muli %mul3A_1828, %scan3A_253 : i32
        %add3A_1830 = arith.constant 4 : i32
        %add3A_1831 = arith.addi %mul3A_1829, %add3A_1830 : i32
        %get3A_1832 = arith.index_cast %add3A_1831 : i32 to index
        %get3A_1833 = arith.constant 96 : index
        %get3A_1834 = tpu.vector_load %arg16[%get3A_1832, %get3A_1833] {strides = array<i32>} : memref<80x128xf32, #tpu.memory_space<vmem>>, vector<1x16xf32>,
        %get3A_1835 = vector.shape_cast %get3A_1834 : vector<1x16xf32> to vector<16xf32>
        %mul3A_1836 = arith.constant 10 : i32
        %mul3A_1837 = arith.muli %mul3A_1836, %scan3A_253 : i32
        %add3A_1838 = arith.constant 4 : i32
        %add3A_1839 = arith.addi %mul3A_1837, %add3A_1838 : i32
        %add3A_1840 = arith.constant 1 : i32
        %add3A_1841 = arith.addi %add3A_1839, %add3A_1840 : i32
        %get3A_1842 = arith.index_cast %add3A_1841 : i32 to index
        %get3A_1843 = arith.constant 96 : index
        %get3A_1844 = tpu.vector_load %arg16[%get3A_1842, %get3A_1843] {strides = array<i32>} : memref<80x128xf32, #tpu.memory_space<vmem>>, vector<1x16xf32>,
        %get3A_1845 = vector.shape_cast %get3A_1844 : vector<1x16xf32> to vector<16xf32>
        %add3A_1846 = arith.addf %get3A_1583, %get3A_1593 : vector<16xf32>
        %add3A_1847 = arith.addf %get3A_1575, %add3A_1846 : vector<16xf32>
        %gt3A_1848 = arith.constant 1.000000e+00 : f32
        %gt3A_1849 = vector.broadcast %gt3A_1848 : f32 to vector<16xf32>
        %gt3A_1850 = arith.cmpf ogt, %add3A_1847, %gt3A_1849 : vector<16xf32>
        %jit3A_1851 = arith.constant 1.000000e+00 : f32
        %jit3A_1852 = arith.constant 0.000000e+00 : f32
        %broadcast_in_dim3A_1853 = vector.broadcast %jit3A_1851 : f32 to vector<16xf32>
        %broadcast_in_dim3A_1854 = vector.broadcast %jit3A_1852 : f32 to vector<16xf32>
        %select_n3A_1855 = arith.select %gt3A_1850, %broadcast_in_dim3A_1853, %broadcast_in_dim3A_1854 : vector<16xi1>, vector<16xf32>
        %mul3A_1856 = arith.constant 5 : i32
        %mul3A_1857 = arith.muli %mul3A_1856, %scan3A_253 : i32
        %add3A_1858 = arith.constant 3 : i32
        %add3A_1859 = arith.addi %mul3A_1857, %add3A_1858 : i32
        %get3A_1860 = arith.index_cast %add3A_1859 : i32 to index
        %get3A_1861 = arith.constant 96 : index
        %get3A_1862 = tpu.vector_load %arg14[%get3A_1860, %get3A_1861] {strides = array<i32>} : memref<40x256xf32, #tpu.memory_space<vmem>>, vector<1x16xf32>,
        %get3A_1863 = vector.shape_cast %get3A_1862 : vector<1x16xf32> to vector<16xf32>
        %mul3A_1864 = arith.constant 10 : i32
        %mul3A_1865 = arith.muli %mul3A_1864, %scan3A_253 : i32
        %add3A_1866 = arith.constant 6 : i32
        %add3A_1867 = arith.addi %mul3A_1865, %add3A_1866 : i32
        %get3A_1868 = arith.index_cast %add3A_1867 : i32 to index
        %get3A_1869 = arith.constant 96 : index
        %get3A_1870 = tpu.vector_load %arg16[%get3A_1868, %get3A_1869] {strides = array<i32>} : memref<80x128xf32, #tpu.memory_space<vmem>>, vector<1x16xf32>,
        %get3A_1871 = vector.shape_cast %get3A_1870 : vector<1x16xf32> to vector<16xf32>
        %mul3A_1872 = arith.constant 10 : i32
        %mul3A_1873 = arith.muli %mul3A_1872, %scan3A_253 : i32
        %add3A_1874 = arith.constant 6 : i32
        %add3A_1875 = arith.addi %mul3A_1873, %add3A_1874 : i32
        %add3A_1876 = arith.constant 1 : i32
        %add3A_1877 = arith.addi %add3A_1875, %add3A_1876 : i32
        %get3A_1878 = arith.index_cast %add3A_1877 : i32 to index
        %get3A_1879 = arith.constant 96 : index
        %get3A_1880 = tpu.vector_load %arg16[%get3A_1878, %get3A_1879] {strides = array<i32>} : memref<80x128xf32, #tpu.memory_space<vmem>>, vector<1x16xf32>,
        %get3A_1881 = vector.shape_cast %get3A_1880 : vector<1x16xf32> to vector<16xf32>
        %add3A_1882 = arith.addf %get3A_1619, %get3A_1629 : vector<16xf32>
        %add3A_1883 = arith.addf %get3A_1611, %add3A_1882 : vector<16xf32>
        %gt3A_1884 = arith.constant 1.000000e+00 : f32
        %gt3A_1885 = vector.broadcast %gt3A_1884 : f32 to vector<16xf32>
        %gt3A_1886 = arith.cmpf ogt, %add3A_1883, %gt3A_1885 : vector<16xf32>
        %jit3A_1887 = arith.constant 1.000000e+00 : f32
        %jit3A_1888 = arith.constant 0.000000e+00 : f32
        %broadcast_in_dim3A_1889 = vector.broadcast %jit3A_1887 : f32 to vector<16xf32>
        %broadcast_in_dim3A_1890 = vector.broadcast %jit3A_1888 : f32 to vector<16xf32>
        %select_n3A_1891 = arith.select %gt3A_1886, %broadcast_in_dim3A_1889, %broadcast_in_dim3A_1890 : vector<16xi1>, vector<16xf32>
        %mul3A_1892 = arith.constant 5 : i32
        %mul3A_1893 = arith.muli %mul3A_1892, %scan3A_253 : i32
        %add3A_1894 = arith.constant 4 : i32
        %add3A_1895 = arith.addi %mul3A_1893, %add3A_1894 : i32
        %get3A_1896 = arith.index_cast %add3A_1895 : i32 to index
        %get3A_1897 = arith.constant 96 : index
        %get3A_1898 = tpu.vector_load %arg14[%get3A_1896, %get3A_1897] {strides = array<i32>} : memref<40x256xf32, #tpu.memory_space<vmem>>, vector<1x16xf32>,
        %get3A_1899 = vector.shape_cast %get3A_1898 : vector<1x16xf32> to vector<16xf32>
        %mul3A_1900 = arith.constant 10 : i32
        %mul3A_1901 = arith.muli %mul3A_1900, %scan3A_253 : i32
        %add3A_1902 = arith.constant 8 : i32
        %add3A_1903 = arith.addi %mul3A_1901, %add3A_1902 : i32
        %get3A_1904 = arith.index_cast %add3A_1903 : i32 to index
        %get3A_1905 = arith.constant 96 : index
        %get3A_1906 = tpu.vector_load %arg16[%get3A_1904, %get3A_1905] {strides = array<i32>} : memref<80x128xf32, #tpu.memory_space<vmem>>, vector<1x16xf32>,
        %get3A_1907 = vector.shape_cast %get3A_1906 : vector<1x16xf32> to vector<16xf32>
        %mul3A_1908 = arith.constant 10 : i32
        %mul3A_1909 = arith.muli %mul3A_1908, %scan3A_253 : i32
        %add3A_1910 = arith.constant 8 : i32
        %add3A_1911 = arith.addi %mul3A_1909, %add3A_1910 : i32
        %add3A_1912 = arith.constant 1 : i32
        %add3A_1913 = arith.addi %add3A_1911, %add3A_1912 : i32
        %get3A_1914 = arith.index_cast %add3A_1913 : i32 to index
        %get3A_1915 = arith.constant 96 : index
        %get3A_1916 = tpu.vector_load %arg16[%get3A_1914, %get3A_1915] {strides = array<i32>} : memref<80x128xf32, #tpu.memory_space<vmem>>, vector<1x16xf32>,
        %get3A_1917 = vector.shape_cast %get3A_1916 : vector<1x16xf32> to vector<16xf32>
        %add3A_1918 = arith.addf %get3A_1655, %get3A_1665 : vector<16xf32>
        %add3A_1919 = arith.addf %get3A_1647, %add3A_1918 : vector<16xf32>
        %gt3A_1920 = arith.constant 1.000000e+00 : f32
        %gt3A_1921 = vector.broadcast %gt3A_1920 : f32 to vector<16xf32>
        %gt3A_1922 = arith.cmpf ogt, %add3A_1919, %gt3A_1921 : vector<16xf32>
        %jit3A_1923 = arith.constant 1.000000e+00 : f32
        %jit3A_1924 = arith.constant 0.000000e+00 : f32
        %broadcast_in_dim3A_1925 = vector.broadcast %jit3A_1923 : f32 to vector<16xf32>
        %broadcast_in_dim3A_1926 = vector.broadcast %jit3A_1924 : f32 to vector<16xf32>
        %select_n3A_1927 = arith.select %gt3A_1922, %broadcast_in_dim3A_1925, %broadcast_in_dim3A_1926 : vector<16xi1>, vector<16xf32>
        %add3A_1928 = arith.addf %select_n3A_1783, %select_n3A_1819 : vector<16xf32>
        %add3A_1929 = arith.addf %select_n3A_1855, %select_n3A_1891 : vector<16xf32>
        %add3A_1930 = arith.addf %add3A_1928, %add3A_1929 : vector<16xf32>
        %add3A_1931 = arith.addf %add3A_1930, %select_n3A_1927 : vector<16xf32>
        %swap3A_1932 = arith.index_cast %add3A_254 : i32 to index
        %swap3A_1933 = arith.constant 208 : index
        %swap3A_1934 = tpu.vector_load %arg17[%swap3A_1932, %swap3A_1933] {strides = array<i32>} : memref<128x256xf32, #tpu.memory_space<vmem>>, vector<1x16xf32>,
        %swap3A_1935 = vector.shape_cast %swap3A_1934 : vector<1x16xf32> to vector<16xf32>
        %swap3A_1936 = vector.shape_cast %add3A_1931 : vector<16xf32> to vector<1x16xf32>
        tpu.vector_store %arg17[%swap3A_1932, %swap3A_1933], %swap3A_1936 {strides = array<i32>} : memref<128x256xf32, #tpu.memory_space<vmem>>, vector<1x16xf32>,
        %mul3A_1937 = arith.constant 5 : i32
        %mul3A_1938 = arith.muli %mul3A_1937, %scan3A_253 : i32
        %add3A_1939 = arith.constant 0 : i32
        %add3A_1940 = arith.addi %mul3A_1938, %add3A_1939 : i32
        %get3A_1941 = arith.index_cast %add3A_1940 : i32 to index
        %get3A_1942 = arith.constant 240 : index
        %get3A_1943 = tpu.vector_load %arg14[%get3A_1941, %get3A_1942] {strides = array<i32>} : memref<40x256xf32, #tpu.memory_space<vmem>>, vector<1x16xf32>,
        %get3A_1944 = vector.shape_cast %get3A_1943 : vector<1x16xf32> to vector<16xf32>
        %mul3A_1945 = arith.constant 5 : i32
        %mul3A_1946 = arith.muli %mul3A_1945, %scan3A_253 : i32
        %add3A_1947 = arith.constant 1 : i32
        %add3A_1948 = arith.addi %mul3A_1946, %add3A_1947 : i32
        %get3A_1949 = arith.index_cast %add3A_1948 : i32 to index
        %get3A_1950 = arith.constant 240 : index
        %get3A_1951 = tpu.vector_load %arg14[%get3A_1949, %get3A_1950] {strides = array<i32>} : memref<40x256xf32, #tpu.memory_space<vmem>>, vector<1x16xf32>,
        %get3A_1952 = vector.shape_cast %get3A_1951 : vector<1x16xf32> to vector<16xf32>
        %mul3A_1953 = arith.constant 5 : i32
        %mul3A_1954 = arith.muli %mul3A_1953, %scan3A_253 : i32
        %add3A_1955 = arith.constant 2 : i32
        %add3A_1956 = arith.addi %mul3A_1954, %add3A_1955 : i32
        %get3A_1957 = arith.index_cast %add3A_1956 : i32 to index
        %get3A_1958 = arith.constant 240 : index
        %get3A_1959 = tpu.vector_load %arg14[%get3A_1957, %get3A_1958] {strides = array<i32>} : memref<40x256xf32, #tpu.memory_space<vmem>>, vector<1x16xf32>,
        %get3A_1960 = vector.shape_cast %get3A_1959 : vector<1x16xf32> to vector<16xf32>
        %mul3A_1961 = arith.constant 5 : i32
        %mul3A_1962 = arith.muli %mul3A_1961, %scan3A_253 : i32
        %add3A_1963 = arith.constant 3 : i32
        %add3A_1964 = arith.addi %mul3A_1962, %add3A_1963 : i32
        %get3A_1965 = arith.index_cast %add3A_1964 : i32 to index
        %get3A_1966 = arith.constant 240 : index
        %get3A_1967 = tpu.vector_load %arg14[%get3A_1965, %get3A_1966] {strides = array<i32>} : memref<40x256xf32, #tpu.memory_space<vmem>>, vector<1x16xf32>,
        %get3A_1968 = vector.shape_cast %get3A_1967 : vector<1x16xf32> to vector<16xf32>
        %mul3A_1969 = arith.constant 5 : i32
        %mul3A_1970 = arith.muli %mul3A_1969, %scan3A_253 : i32
        %add3A_1971 = arith.constant 4 : i32
        %add3A_1972 = arith.addi %mul3A_1970, %add3A_1971 : i32
        %get3A_1973 = arith.index_cast %add3A_1972 : i32 to index
        %get3A_1974 = arith.constant 240 : index
        %get3A_1975 = tpu.vector_load %arg14[%get3A_1973, %get3A_1974] {strides = array<i32>} : memref<40x256xf32, #tpu.memory_space<vmem>>, vector<1x16xf32>,
        %get3A_1976 = vector.shape_cast %get3A_1975 : vector<1x16xf32> to vector<16xf32>
        %add3A_1977 = arith.addi %mul3A_246, %scan3A_253 : i32
        %get3A_1978 = arith.index_cast %add3A_1977 : i32 to index
        %get3A_1979 = arith.constant 112 : index
        %get3A_1980 = tpu.vector_load %arg12[%get3A_1978, %get3A_1979] {strides = array<i32>} : memref<128x128xf32, #tpu.memory_space<vmem>>, vector<1x16xf32>,
        %get3A_1981 = vector.shape_cast %get3A_1980 : vector<1x16xf32> to vector<16xf32>
        %add3A_1982 = arith.addf %get3A_1692, %get3A_1700 : vector<16xf32>
        %add3A_1983 = arith.addf %get3A_1708, %get3A_1716 : vector<16xf32>
        %add3A_1984 = arith.addf %add3A_1982, %add3A_1983 : vector<16xf32>
        %add3A_1985 = arith.addf %get3A_1724, %get3A_1729 : vector<16xf32>
        %add3A_1986 = arith.addf %add3A_1984, %add3A_1985 : vector<16xf32>
        %gt3A_1987 = arith.constant 1.000000e+00 : f32
        %gt3A_1988 = vector.broadcast %gt3A_1987 : f32 to vector<16xf32>
        %gt3A_1989 = arith.cmpf ogt, %add3A_1986, %gt3A_1988 : vector<16xf32>
        %jit3A_1990 = arith.constant 1.000000e+00 : f32
        %jit3A_1991 = arith.constant 0.000000e+00 : f32
        %broadcast_in_dim3A_1992 = vector.broadcast %jit3A_1990 : f32 to vector<16xf32>
        %broadcast_in_dim3A_1993 = vector.broadcast %jit3A_1991 : f32 to vector<16xf32>
        %select_n3A_1994 = arith.select %gt3A_1989, %broadcast_in_dim3A_1992, %broadcast_in_dim3A_1993 : vector<16xi1>, vector<16xf32>
        %swap3A_1995 = arith.index_cast %add3A_254 : i32 to index
        %swap3A_1996 = arith.constant 96 : index
        %swap3A_1997 = tpu.vector_load %arg17[%swap3A_1995, %swap3A_1996] {strides = array<i32>} : memref<128x256xf32, #tpu.memory_space<vmem>>, vector<1x16xf32>,
        %swap3A_1998 = vector.shape_cast %swap3A_1997 : vector<1x16xf32> to vector<16xf32>
        %swap3A_1999 = vector.shape_cast %select_n3A_1994 : vector<16xf32> to vector<1x16xf32>
        tpu.vector_store %arg17[%swap3A_1995, %swap3A_1996], %swap3A_1999 {strides = array<i32>} : memref<128x256xf32, #tpu.memory_space<vmem>>, vector<1x16xf32>,
        %mul3A_2000 = arith.constant 5 : i32
        %mul3A_2001 = arith.muli %mul3A_2000, %scan3A_253 : i32
        %add3A_2002 = arith.constant 0 : i32
        %add3A_2003 = arith.addi %mul3A_2001, %add3A_2002 : i32
        %get3A_2004 = arith.index_cast %add3A_2003 : i32 to index
        %get3A_2005 = arith.constant 112 : index
        %get3A_2006 = tpu.vector_load %arg14[%get3A_2004, %get3A_2005] {strides = array<i32>} : memref<40x256xf32, #tpu.memory_space<vmem>>, vector<1x16xf32>,
        %get3A_2007 = vector.shape_cast %get3A_2006 : vector<1x16xf32> to vector<16xf32>
        %mul3A_2008 = arith.constant 10 : i32
        %mul3A_2009 = arith.muli %mul3A_2008, %scan3A_253 : i32
        %add3A_2010 = arith.constant 0 : i32
        %add3A_2011 = arith.addi %mul3A_2009, %add3A_2010 : i32
        %get3A_2012 = arith.index_cast %add3A_2011 : i32 to index
        %get3A_2013 = arith.constant 112 : index
        %get3A_2014 = tpu.vector_load %arg16[%get3A_2012, %get3A_2013] {strides = array<i32>} : memref<80x128xf32, #tpu.memory_space<vmem>>, vector<1x16xf32>,
        %get3A_2015 = vector.shape_cast %get3A_2014 : vector<1x16xf32> to vector<16xf32>
        %mul3A_2016 = arith.constant 10 : i32
        %mul3A_2017 = arith.muli %mul3A_2016, %scan3A_253 : i32
        %add3A_2018 = arith.constant 0 : i32
        %add3A_2019 = arith.addi %mul3A_2017, %add3A_2018 : i32
        %add3A_2020 = arith.constant 1 : i32
        %add3A_2021 = arith.addi %add3A_2019, %add3A_2020 : i32
        %get3A_2022 = arith.index_cast %add3A_2021 : i32 to index
        %get3A_2023 = arith.constant 112 : index
        %get3A_2024 = tpu.vector_load %arg16[%get3A_2022, %get3A_2023] {strides = array<i32>} : memref<80x128xf32, #tpu.memory_space<vmem>>, vector<1x16xf32>,
        %get3A_2025 = vector.shape_cast %get3A_2024 : vector<1x16xf32> to vector<16xf32>
        %add3A_2026 = arith.addf %get3A_1763, %get3A_1773 : vector<16xf32>
        %add3A_2027 = arith.addf %get3A_1755, %add3A_2026 : vector<16xf32>
        %gt3A_2028 = arith.constant 1.000000e+00 : f32
        %gt3A_2029 = vector.broadcast %gt3A_2028 : f32 to vector<16xf32>
        %gt3A_2030 = arith.cmpf ogt, %add3A_2027, %gt3A_2029 : vector<16xf32>
        %jit3A_2031 = arith.constant 1.000000e+00 : f32
        %jit3A_2032 = arith.constant 0.000000e+00 : f32
        %broadcast_in_dim3A_2033 = vector.broadcast %jit3A_2031 : f32 to vector<16xf32>
        %broadcast_in_dim3A_2034 = vector.broadcast %jit3A_2032 : f32 to vector<16xf32>
        %select_n3A_2035 = arith.select %gt3A_2030, %broadcast_in_dim3A_2033, %broadcast_in_dim3A_2034 : vector<16xi1>, vector<16xf32>
        %mul3A_2036 = arith.constant 5 : i32
        %mul3A_2037 = arith.muli %mul3A_2036, %scan3A_253 : i32
        %add3A_2038 = arith.constant 1 : i32
        %add3A_2039 = arith.addi %mul3A_2037, %add3A_2038 : i32
        %get3A_2040 = arith.index_cast %add3A_2039 : i32 to index
        %get3A_2041 = arith.constant 112 : index
        %get3A_2042 = tpu.vector_load %arg14[%get3A_2040, %get3A_2041] {strides = array<i32>} : memref<40x256xf32, #tpu.memory_space<vmem>>, vector<1x16xf32>,
        %get3A_2043 = vector.shape_cast %get3A_2042 : vector<1x16xf32> to vector<16xf32>
        %mul3A_2044 = arith.constant 10 : i32
        %mul3A_2045 = arith.muli %mul3A_2044, %scan3A_253 : i32
        %add3A_2046 = arith.constant 2 : i32
        %add3A_2047 = arith.addi %mul3A_2045, %add3A_2046 : i32
        %get3A_2048 = arith.index_cast %add3A_2047 : i32 to index
        %get3A_2049 = arith.constant 112 : index
        %get3A_2050 = tpu.vector_load %arg16[%get3A_2048, %get3A_2049] {strides = array<i32>} : memref<80x128xf32, #tpu.memory_space<vmem>>, vector<1x16xf32>,
        %get3A_2051 = vector.shape_cast %get3A_2050 : vector<1x16xf32> to vector<16xf32>
        %mul3A_2052 = arith.constant 10 : i32
        %mul3A_2053 = arith.muli %mul3A_2052, %scan3A_253 : i32
        %add3A_2054 = arith.constant 2 : i32
        %add3A_2055 = arith.addi %mul3A_2053, %add3A_2054 : i32
        %add3A_2056 = arith.constant 1 : i32
        %add3A_2057 = arith.addi %add3A_2055, %add3A_2056 : i32
        %get3A_2058 = arith.index_cast %add3A_2057 : i32 to index
        %get3A_2059 = arith.constant 112 : index
        %get3A_2060 = tpu.vector_load %arg16[%get3A_2058, %get3A_2059] {strides = array<i32>} : memref<80x128xf32, #tpu.memory_space<vmem>>, vector<1x16xf32>,
        %get3A_2061 = vector.shape_cast %get3A_2060 : vector<1x16xf32> to vector<16xf32>
        %add3A_2062 = arith.addf %get3A_1799, %get3A_1809 : vector<16xf32>
        %add3A_2063 = arith.addf %get3A_1791, %add3A_2062 : vector<16xf32>
        %gt3A_2064 = arith.constant 1.000000e+00 : f32
        %gt3A_2065 = vector.broadcast %gt3A_2064 : f32 to vector<16xf32>
        %gt3A_2066 = arith.cmpf ogt, %add3A_2063, %gt3A_2065 : vector<16xf32>
        %jit3A_2067 = arith.constant 1.000000e+00 : f32
        %jit3A_2068 = arith.constant 0.000000e+00 : f32
        %broadcast_in_dim3A_2069 = vector.broadcast %jit3A_2067 : f32 to vector<16xf32>
        %broadcast_in_dim3A_2070 = vector.broadcast %jit3A_2068 : f32 to vector<16xf32>
        %select_n3A_2071 = arith.select %gt3A_2066, %broadcast_in_dim3A_2069, %broadcast_in_dim3A_2070 : vector<16xi1>, vector<16xf32>
        %mul3A_2072 = arith.constant 5 : i32
        %mul3A_2073 = arith.muli %mul3A_2072, %scan3A_253 : i32
        %add3A_2074 = arith.constant 2 : i32
        %add3A_2075 = arith.addi %mul3A_2073, %add3A_2074 : i32
        %get3A_2076 = arith.index_cast %add3A_2075 : i32 to index
        %get3A_2077 = arith.constant 112 : index
        %get3A_2078 = tpu.vector_load %arg14[%get3A_2076, %get3A_2077] {strides = array<i32>} : memref<40x256xf32, #tpu.memory_space<vmem>>, vector<1x16xf32>,
        %get3A_2079 = vector.shape_cast %get3A_2078 : vector<1x16xf32> to vector<16xf32>
        %mul3A_2080 = arith.constant 10 : i32
        %mul3A_2081 = arith.muli %mul3A_2080, %scan3A_253 : i32
        %add3A_2082 = arith.constant 4 : i32
        %add3A_2083 = arith.addi %mul3A_2081, %add3A_2082 : i32
        %get3A_2084 = arith.index_cast %add3A_2083 : i32 to index
        %get3A_2085 = arith.constant 112 : index
        %get3A_2086 = tpu.vector_load %arg16[%get3A_2084, %get3A_2085] {strides = array<i32>} : memref<80x128xf32, #tpu.memory_space<vmem>>, vector<1x16xf32>,
        %get3A_2087 = vector.shape_cast %get3A_2086 : vector<1x16xf32> to vector<16xf32>
        %mul3A_2088 = arith.constant 10 : i32
        %mul3A_2089 = arith.muli %mul3A_2088, %scan3A_253 : i32
        %add3A_2090 = arith.constant 4 : i32
        %add3A_2091 = arith.addi %mul3A_2089, %add3A_2090 : i32
        %add3A_2092 = arith.constant 1 : i32
        %add3A_2093 = arith.addi %add3A_2091, %add3A_2092 : i32
        %get3A_2094 = arith.index_cast %add3A_2093 : i32 to index
        %get3A_2095 = arith.constant 112 : index
        %get3A_2096 = tpu.vector_load %arg16[%get3A_2094, %get3A_2095] {strides = array<i32>} : memref<80x128xf32, #tpu.memory_space<vmem>>, vector<1x16xf32>,
        %get3A_2097 = vector.shape_cast %get3A_2096 : vector<1x16xf32> to vector<16xf32>
        %add3A_2098 = arith.addf %get3A_1835, %get3A_1845 : vector<16xf32>
        %add3A_2099 = arith.addf %get3A_1827, %add3A_2098 : vector<16xf32>
        %gt3A_2100 = arith.constant 1.000000e+00 : f32
        %gt3A_2101 = vector.broadcast %gt3A_2100 : f32 to vector<16xf32>
        %gt3A_2102 = arith.cmpf ogt, %add3A_2099, %gt3A_2101 : vector<16xf32>
        %jit3A_2103 = arith.constant 1.000000e+00 : f32
        %jit3A_2104 = arith.constant 0.000000e+00 : f32
        %broadcast_in_dim3A_2105 = vector.broadcast %jit3A_2103 : f32 to vector<16xf32>
        %broadcast_in_dim3A_2106 = vector.broadcast %jit3A_2104 : f32 to vector<16xf32>
        %select_n3A_2107 = arith.select %gt3A_2102, %broadcast_in_dim3A_2105, %broadcast_in_dim3A_2106 : vector<16xi1>, vector<16xf32>
        %mul3A_2108 = arith.constant 5 : i32
        %mul3A_2109 = arith.muli %mul3A_2108, %scan3A_253 : i32
        %add3A_2110 = arith.constant 3 : i32
        %add3A_2111 = arith.addi %mul3A_2109, %add3A_2110 : i32
        %get3A_2112 = arith.index_cast %add3A_2111 : i32 to index
        %get3A_2113 = arith.constant 112 : index
        %get3A_2114 = tpu.vector_load %arg14[%get3A_2112, %get3A_2113] {strides = array<i32>} : memref<40x256xf32, #tpu.memory_space<vmem>>, vector<1x16xf32>,
        %get3A_2115 = vector.shape_cast %get3A_2114 : vector<1x16xf32> to vector<16xf32>
        %mul3A_2116 = arith.constant 10 : i32
        %mul3A_2117 = arith.muli %mul3A_2116, %scan3A_253 : i32
        %add3A_2118 = arith.constant 6 : i32
        %add3A_2119 = arith.addi %mul3A_2117, %add3A_2118 : i32
        %get3A_2120 = arith.index_cast %add3A_2119 : i32 to index
        %get3A_2121 = arith.constant 112 : index
        %get3A_2122 = tpu.vector_load %arg16[%get3A_2120, %get3A_2121] {strides = array<i32>} : memref<80x128xf32, #tpu.memory_space<vmem>>, vector<1x16xf32>,
        %get3A_2123 = vector.shape_cast %get3A_2122 : vector<1x16xf32> to vector<16xf32>
        %mul3A_2124 = arith.constant 10 : i32
        %mul3A_2125 = arith.muli %mul3A_2124, %scan3A_253 : i32
        %add3A_2126 = arith.constant 6 : i32
        %add3A_2127 = arith.addi %mul3A_2125, %add3A_2126 : i32
        %add3A_2128 = arith.constant 1 : i32
        %add3A_2129 = arith.addi %add3A_2127, %add3A_2128 : i32
        %get3A_2130 = arith.index_cast %add3A_2129 : i32 to index
        %get3A_2131 = arith.constant 112 : index
        %get3A_2132 = tpu.vector_load %arg16[%get3A_2130, %get3A_2131] {strides = array<i32>} : memref<80x128xf32, #tpu.memory_space<vmem>>, vector<1x16xf32>,
        %get3A_2133 = vector.shape_cast %get3A_2132 : vector<1x16xf32> to vector<16xf32>
        %add3A_2134 = arith.addf %get3A_1871, %get3A_1881 : vector<16xf32>
        %add3A_2135 = arith.addf %get3A_1863, %add3A_2134 : vector<16xf32>
        %gt3A_2136 = arith.constant 1.000000e+00 : f32
        %gt3A_2137 = vector.broadcast %gt3A_2136 : f32 to vector<16xf32>
        %gt3A_2138 = arith.cmpf ogt, %add3A_2135, %gt3A_2137 : vector<16xf32>
        %jit3A_2139 = arith.constant 1.000000e+00 : f32
        %jit3A_2140 = arith.constant 0.000000e+00 : f32
        %broadcast_in_dim3A_2141 = vector.broadcast %jit3A_2139 : f32 to vector<16xf32>
        %broadcast_in_dim3A_2142 = vector.broadcast %jit3A_2140 : f32 to vector<16xf32>
        %select_n3A_2143 = arith.select %gt3A_2138, %broadcast_in_dim3A_2141, %broadcast_in_dim3A_2142 : vector<16xi1>, vector<16xf32>
        %mul3A_2144 = arith.constant 5 : i32
        %mul3A_2145 = arith.muli %mul3A_2144, %scan3A_253 : i32
        %add3A_2146 = arith.constant 4 : i32
        %add3A_2147 = arith.addi %mul3A_2145, %add3A_2146 : i32
        %get3A_2148 = arith.index_cast %add3A_2147 : i32 to index
        %get3A_2149 = arith.constant 112 : index
        %get3A_2150 = tpu.vector_load %arg14[%get3A_2148, %get3A_2149] {strides = array<i32>} : memref<40x256xf32, #tpu.memory_space<vmem>>, vector<1x16xf32>,
        %get3A_2151 = vector.shape_cast %get3A_2150 : vector<1x16xf32> to vector<16xf32>
        %mul3A_2152 = arith.constant 10 : i32
        %mul3A_2153 = arith.muli %mul3A_2152, %scan3A_253 : i32
        %add3A_2154 = arith.constant 8 : i32
        %add3A_2155 = arith.addi %mul3A_2153, %add3A_2154 : i32
        %get3A_2156 = arith.index_cast %add3A_2155 : i32 to index
        %get3A_2157 = arith.constant 112 : index
        %get3A_2158 = tpu.vector_load %arg16[%get3A_2156, %get3A_2157] {strides = array<i32>} : memref<80x128xf32, #tpu.memory_space<vmem>>, vector<1x16xf32>,
        %get3A_2159 = vector.shape_cast %get3A_2158 : vector<1x16xf32> to vector<16xf32>
        %mul3A_2160 = arith.constant 10 : i32
        %mul3A_2161 = arith.muli %mul3A_2160, %scan3A_253 : i32
        %add3A_2162 = arith.constant 8 : i32
        %add3A_2163 = arith.addi %mul3A_2161, %add3A_2162 : i32
        %add3A_2164 = arith.constant 1 : i32
        %add3A_2165 = arith.addi %add3A_2163, %add3A_2164 : i32
        %get3A_2166 = arith.index_cast %add3A_2165 : i32 to index
        %get3A_2167 = arith.constant 112 : index
        %get3A_2168 = tpu.vector_load %arg16[%get3A_2166, %get3A_2167] {strides = array<i32>} : memref<80x128xf32, #tpu.memory_space<vmem>>, vector<1x16xf32>,
        %get3A_2169 = vector.shape_cast %get3A_2168 : vector<1x16xf32> to vector<16xf32>
        %add3A_2170 = arith.addf %get3A_1907, %get3A_1917 : vector<16xf32>
        %add3A_2171 = arith.addf %get3A_1899, %add3A_2170 : vector<16xf32>
        %gt3A_2172 = arith.constant 1.000000e+00 : f32
        %gt3A_2173 = vector.broadcast %gt3A_2172 : f32 to vector<16xf32>
        %gt3A_2174 = arith.cmpf ogt, %add3A_2171, %gt3A_2173 : vector<16xf32>
        %jit3A_2175 = arith.constant 1.000000e+00 : f32
        %jit3A_2176 = arith.constant 0.000000e+00 : f32
        %broadcast_in_dim3A_2177 = vector.broadcast %jit3A_2175 : f32 to vector<16xf32>
        %broadcast_in_dim3A_2178 = vector.broadcast %jit3A_2176 : f32 to vector<16xf32>
        %select_n3A_2179 = arith.select %gt3A_2174, %broadcast_in_dim3A_2177, %broadcast_in_dim3A_2178 : vector<16xi1>, vector<16xf32>
        %add3A_2180 = arith.addf %select_n3A_2035, %select_n3A_2071 : vector<16xf32>
        %add3A_2181 = arith.addf %select_n3A_2107, %select_n3A_2143 : vector<16xf32>
        %add3A_2182 = arith.addf %add3A_2180, %add3A_2181 : vector<16xf32>
        %add3A_2183 = arith.addf %add3A_2182, %select_n3A_2179 : vector<16xf32>
        %swap3A_2184 = arith.index_cast %add3A_254 : i32 to index
        %swap3A_2185 = arith.constant 224 : index
        %swap3A_2186 = tpu.vector_load %arg17[%swap3A_2184, %swap3A_2185] {strides = array<i32>} : memref<128x256xf32, #tpu.memory_space<vmem>>, vector<1x16xf32>,
        %swap3A_2187 = vector.shape_cast %swap3A_2186 : vector<1x16xf32> to vector<16xf32>
        %swap3A_2188 = vector.shape_cast %add3A_2183 : vector<16xf32> to vector<1x16xf32>
        tpu.vector_store %arg17[%swap3A_2184, %swap3A_2185], %swap3A_2188 {strides = array<i32>} : memref<128x256xf32, #tpu.memory_space<vmem>>, vector<1x16xf32>,
        %add3A_2189 = arith.addf %get3A_1944, %get3A_1952 : vector<16xf32>
        %add3A_2190 = arith.addf %get3A_1960, %get3A_1968 : vector<16xf32>
        %add3A_2191 = arith.addf %add3A_2189, %add3A_2190 : vector<16xf32>
        %add3A_2192 = arith.addf %get3A_1976, %get3A_1981 : vector<16xf32>
        %add3A_2193 = arith.addf %add3A_2191, %add3A_2192 : vector<16xf32>
        %gt3A_2194 = arith.constant 1.000000e+00 : f32
        %gt3A_2195 = vector.broadcast %gt3A_2194 : f32 to vector<16xf32>
        %gt3A_2196 = arith.cmpf ogt, %add3A_2193, %gt3A_2195 : vector<16xf32>
        %jit3A_2197 = arith.constant 1.000000e+00 : f32
        %jit3A_2198 = arith.constant 0.000000e+00 : f32
        %broadcast_in_dim3A_2199 = vector.broadcast %jit3A_2197 : f32 to vector<16xf32>
        %broadcast_in_dim3A_2200 = vector.broadcast %jit3A_2198 : f32 to vector<16xf32>
        %select_n3A_2201 = arith.select %gt3A_2196, %broadcast_in_dim3A_2199, %broadcast_in_dim3A_2200 : vector<16xi1>, vector<16xf32>
        %swap3A_2202 = arith.index_cast %add3A_254 : i32 to index
        %swap3A_2203 = arith.constant 112 : index
        %swap3A_2204 = tpu.vector_load %arg17[%swap3A_2202, %swap3A_2203] {strides = array<i32>} : memref<128x256xf32, #tpu.memory_space<vmem>>, vector<1x16xf32>,
        %swap3A_2205 = vector.shape_cast %swap3A_2204 : vector<1x16xf32> to vector<16xf32>
        %swap3A_2206 = vector.shape_cast %select_n3A_2201 : vector<16xf32> to vector<1x16xf32>
        tpu.vector_store %arg17[%swap3A_2202, %swap3A_2203], %swap3A_2206 {strides = array<i32>} : memref<128x256xf32, #tpu.memory_space<vmem>>, vector<1x16xf32>,
        %add3A_2207 = arith.addf %get3A_2015, %get3A_2025 : vector<16xf32>
        %add3A_2208 = arith.addf %get3A_2007, %add3A_2207 : vector<16xf32>
        %gt3A_2209 = arith.constant 1.000000e+00 : f32
        %gt3A_2210 = vector.broadcast %gt3A_2209 : f32 to vector<16xf32>
        %gt3A_2211 = arith.cmpf ogt, %add3A_2208, %gt3A_2210 : vector<16xf32>
        %jit3A_2212 = arith.constant 1.000000e+00 : f32
        %jit3A_2213 = arith.constant 0.000000e+00 : f32
        %broadcast_in_dim3A_2214 = vector.broadcast %jit3A_2212 : f32 to vector<16xf32>
        %broadcast_in_dim3A_2215 = vector.broadcast %jit3A_2213 : f32 to vector<16xf32>
        %select_n3A_2216 = arith.select %gt3A_2211, %broadcast_in_dim3A_2214, %broadcast_in_dim3A_2215 : vector<16xi1>, vector<16xf32>
        %add3A_2217 = arith.addf %get3A_2051, %get3A_2061 : vector<16xf32>
        %add3A_2218 = arith.addf %get3A_2043, %add3A_2217 : vector<16xf32>
        %gt3A_2219 = arith.constant 1.000000e+00 : f32
        %gt3A_2220 = vector.broadcast %gt3A_2219 : f32 to vector<16xf32>
        %gt3A_2221 = arith.cmpf ogt, %add3A_2218, %gt3A_2220 : vector<16xf32>
        %jit3A_2222 = arith.constant 1.000000e+00 : f32
        %jit3A_2223 = arith.constant 0.000000e+00 : f32
        %broadcast_in_dim3A_2224 = vector.broadcast %jit3A_2222 : f32 to vector<16xf32>
        %broadcast_in_dim3A_2225 = vector.broadcast %jit3A_2223 : f32 to vector<16xf32>
        %select_n3A_2226 = arith.select %gt3A_2221, %broadcast_in_dim3A_2224, %broadcast_in_dim3A_2225 : vector<16xi1>, vector<16xf32>
        %add3A_2227 = arith.addf %get3A_2087, %get3A_2097 : vector<16xf32>
        %add3A_2228 = arith.addf %get3A_2079, %add3A_2227 : vector<16xf32>
        %gt3A_2229 = arith.constant 1.000000e+00 : f32
        %gt3A_2230 = vector.broadcast %gt3A_2229 : f32 to vector<16xf32>
        %gt3A_2231 = arith.cmpf ogt, %add3A_2228, %gt3A_2230 : vector<16xf32>
        %jit3A_2232 = arith.constant 1.000000e+00 : f32
        %jit3A_2233 = arith.constant 0.000000e+00 : f32
        %broadcast_in_dim3A_2234 = vector.broadcast %jit3A_2232 : f32 to vector<16xf32>
        %broadcast_in_dim3A_2235 = vector.broadcast %jit3A_2233 : f32 to vector<16xf32>
        %select_n3A_2236 = arith.select %gt3A_2231, %broadcast_in_dim3A_2234, %broadcast_in_dim3A_2235 : vector<16xi1>, vector<16xf32>
        %add3A_2237 = arith.addf %get3A_2123, %get3A_2133 : vector<16xf32>
        %add3A_2238 = arith.addf %get3A_2115, %add3A_2237 : vector<16xf32>
        %gt3A_2239 = arith.constant 1.000000e+00 : f32
        %gt3A_2240 = vector.broadcast %gt3A_2239 : f32 to vector<16xf32>
        %gt3A_2241 = arith.cmpf ogt, %add3A_2238, %gt3A_2240 : vector<16xf32>
        %jit3A_2242 = arith.constant 1.000000e+00 : f32
        %jit3A_2243 = arith.constant 0.000000e+00 : f32
        %broadcast_in_dim3A_2244 = vector.broadcast %jit3A_2242 : f32 to vector<16xf32>
        %broadcast_in_dim3A_2245 = vector.broadcast %jit3A_2243 : f32 to vector<16xf32>
        %select_n3A_2246 = arith.select %gt3A_2241, %broadcast_in_dim3A_2244, %broadcast_in_dim3A_2245 : vector<16xi1>, vector<16xf32>
        %add3A_2247 = arith.addf %get3A_2159, %get3A_2169 : vector<16xf32>
        %add3A_2248 = arith.addf %get3A_2151, %add3A_2247 : vector<16xf32>
        %gt3A_2249 = arith.constant 1.000000e+00 : f32
        %gt3A_2250 = vector.broadcast %gt3A_2249 : f32 to vector<16xf32>
        %gt3A_2251 = arith.cmpf ogt, %add3A_2248, %gt3A_2250 : vector<16xf32>
        %jit3A_2252 = arith.constant 1.000000e+00 : f32
        %jit3A_2253 = arith.constant 0.000000e+00 : f32
        %broadcast_in_dim3A_2254 = vector.broadcast %jit3A_2252 : f32 to vector<16xf32>
        %broadcast_in_dim3A_2255 = vector.broadcast %jit3A_2253 : f32 to vector<16xf32>
        %select_n3A_2256 = arith.select %gt3A_2251, %broadcast_in_dim3A_2254, %broadcast_in_dim3A_2255 : vector<16xi1>, vector<16xf32>
        %add3A_2257 = arith.addf %select_n3A_2216, %select_n3A_2226 : vector<16xf32>
        %add3A_2258 = arith.addf %select_n3A_2236, %select_n3A_2246 : vector<16xf32>
        %add3A_2259 = arith.addf %add3A_2257, %add3A_2258 : vector<16xf32>
        %add3A_2260 = arith.addf %add3A_2259, %select_n3A_2256 : vector<16xf32>
        %swap3A_2261 = arith.index_cast %add3A_254 : i32 to index
        %swap3A_2262 = arith.constant 240 : index
        %swap3A_2263 = tpu.vector_load %arg17[%swap3A_2261, %swap3A_2262] {strides = array<i32>} : memref<128x256xf32, #tpu.memory_space<vmem>>, vector<1x16xf32>,
        %swap3A_2264 = vector.shape_cast %swap3A_2263 : vector<1x16xf32> to vector<16xf32>
        %swap3A_2265 = vector.shape_cast %add3A_2260 : vector<16xf32> to vector<1x16xf32>
        tpu.vector_store %arg17[%swap3A_2261, %swap3A_2262], %swap3A_2265 {strides = array<i32>} : memref<128x256xf32, #tpu.memory_space<vmem>>, vector<1x16xf32>,
      }
      %scan3A_252 = arith.constant 8 : i32
    }
    %scan3A_185 = arith.constant 40 : i32
    %run_scoped3A = arith.constant 4 : i32
    "tpu.region"() ({
      %run_scoped3A_186 = tpu.sem_alloc : memref<!tpu.dma_semaphore, #tpu.memory_space<semaphore_mem>>
      %dma_start3A_187 = arith.constant 0 : i32
      %dma_start3A_188 = tpu.memref_slice %arg8[%run_scoped3A, %mul3A_2, %dma_start3A_187] : memref<5x4096x256xf32, #tpu.memory_space<hbm>> -> memref<1x128x256xf32, #tpu.memory_space<hbm>>
      %dma_start3A_189 = tpu.memref_squeeze %dma_start3A_188 : memref<1x128x256xf32, #tpu.memory_space<hbm>> -> memref<128x256xf32, #tpu.memory_space<hbm>>
      %dma_start3A_190 = arith.constant 0 : i32
      %dma_start3A_191 = tpu.memref_slice %arg8[%run_scoped3A, %mul3A_2, %dma_start3A_190] : memref<5x4096x256xf32, #tpu.memory_space<hbm>> -> memref<1x128x256xf32, #tpu.memory_space<hbm>>
      %dma_start3A_192 = tpu.memref_squeeze %dma_start3A_191 : memref<1x128x256xf32, #tpu.memory_space<hbm>> -> memref<128x256xf32, #tpu.memory_space<hbm>>
      tpu.enqueue_dma source(%arg17 : memref<128x256xf32, #tpu.memory_space<vmem>>) target(%dma_start3A_192 : memref<128x256xf32, #tpu.memory_space<hbm>>) target_semaphore(%run_scoped3A_186 : memref<!tpu.dma_semaphore, #tpu.memory_space<semaphore_mem>>)
      %dma_wait3A_193 = arith.constant 0 : i32
      %dma_wait3A_194 = tpu.memref_slice %arg8[%run_scoped3A, %mul3A_2, %dma_wait3A_193] : memref<5x4096x256xf32, #tpu.memory_space<hbm>> -> memref<1x128x256xf32, #tpu.memory_space<hbm>>
      %dma_wait3A_195 = tpu.memref_squeeze %dma_wait3A_194 : memref<1x128x256xf32, #tpu.memory_space<hbm>> -> memref<128x256xf32, #tpu.memory_space<hbm>>
      %dma_wait3A_196 = arith.constant 0 : i32
      %dma_wait3A_197 = tpu.memref_slice %arg8[%run_scoped3A, %mul3A_2, %dma_wait3A_196] : memref<5x4096x256xf32, #tpu.memory_space<hbm>> -> memref<1x128x256xf32, #tpu.memory_space<hbm>>
      %dma_wait3A_198 = tpu.memref_squeeze %dma_wait3A_197 : memref<1x128x256xf32, #tpu.memory_space<hbm>> -> memref<128x256xf32, #tpu.memory_space<hbm>>
      tpu.wait_dma2 semaphore(%run_scoped3A_186 : memref<!tpu.dma_semaphore, #tpu.memory_space<semaphore_mem>>) src(%arg17 : memref<128x256xf32, #tpu.memory_space<vmem>>) dst(%dma_wait3A_198 : memref<128x256xf32, #tpu.memory_space<hbm>>)
      tpu.yield
    }) : () -> ()
    return
  }
}

module attributes {stable_mosaic.version = 14 : i64} {
  func.func @_prep_body(%arg0: i32, %arg1: memref<5000x128xf32, #tpu.memory_space<vmem>>, %arg2: memref<128x128xf32, #tpu.memory_space<vmem>>, %arg3: memref<128x128xf32, #tpu.memory_space<vmem>>, %arg4: memref<1x128xf32, #tpu.memory_space<vmem>>, %arg5: memref<5000x256xf32, #tpu.memory_space<vmem>>, %arg6: memref<5000x128xf32, #tpu.memory_space<vmem>>, %arg7: memref<5000x128xf32, #tpu.memory_space<vmem>>) attributes {dimension_semantics = [#tpu.dimension_semantics<arbitrary>], iteration_bounds = array<i64: 2>, scalar_prefetch = 0 : i64, scratch_operands = 0 : i64, tpu.core_type = #tpu.core_type<tc>, window_params = [{transform_indices = @transform_0, window_bounds = array<i64: 5000, 128>}, {pipeline_mode = #tpu.pipeline_mode<synchronous>, transform_indices = @transform_1, window_bounds = array<i64: 128, 128>}, {pipeline_mode = #tpu.pipeline_mode<synchronous>, transform_indices = @transform_2, window_bounds = array<i64: 128, 128>}, {pipeline_mode = #tpu.pipeline_mode<synchronous>, transform_indices = @transform_3, window_bounds = array<i64: 1, 128>}, {transform_indices = @transform_4, window_bounds = array<i64: 5000, 256>}, {transform_indices = @transform_5, window_bounds = array<i64: 5000, 128>}, {transform_indices = @transform_6, window_bounds = array<i64: 5000, 128>}]} {
    %get3A = arith.constant 0 : index
    %get3A_0 = arith.constant 0 : index
    %get3A_1 = vector.load %arg1[%get3A, %get3A_0] : memref<5000x128xf32, #tpu.memory_space<vmem>>, vector<5000x128xf32>
    %get3A_2 = arith.constant 0 : index
    %get3A_3 = arith.constant 0 : index
    %get3A_4 = vector.load %arg2[%get3A_2, %get3A_3] : memref<128x128xf32, #tpu.memory_space<vmem>>, vector<128x128xf32>
    %dot_general3A = arith.constant dense<0.000000e+00> : vector<5000x128xf32>
    %dot_general3A_5 = tpu.matmul %get3A_1, %get3A_4, %dot_general3A {dimension_numbers = #tpu.dot_dimension_numbers<[1], [1], [0], [0], [0, 0, 1, 0], [], []>, precision = #tpu.contract_precision<fp32>, transpose_lhs_hint = false} : vector<5000x128xf32>, vector<128x128xf32>, vector<5000x128xf32> -> vector<5000x128xf32>
    %get3A_6 = arith.constant 0 : index
    %get3A_7 = arith.constant 0 : index
    %get3A_8 = vector.load %arg3[%get3A_6, %get3A_7] : memref<128x128xf32, #tpu.memory_space<vmem>>, vector<128x128xf32>
    %dot_general3A_9 = arith.constant dense<0.000000e+00> : vector<5000x128xf32>
    %dot_general3A_10 = tpu.matmul %get3A_1, %get3A_8, %dot_general3A_9 {dimension_numbers = #tpu.dot_dimension_numbers<[1], [1], [0], [0], [0, 0, 1, 0], [], []>, precision = #tpu.contract_precision<fp32>, transpose_lhs_hint = false} : vector<5000x128xf32>, vector<128x128xf32>, vector<5000x128xf32> -> vector<5000x128xf32>
    %get3A_11 = arith.constant 0 : index
    %get3A_12 = arith.constant 0 : index
    %get3A_13 = vector.load %arg4[%get3A_11, %get3A_12] : memref<1x128xf32, #tpu.memory_space<vmem>>, vector<1x128xf32>
    %get3A_14 = vector.shape_cast %get3A_13 : vector<1x128xf32> to vector<128xf32>
    %broadcast_in_dim3A = vector.shape_cast %get3A_14 : vector<128xf32> to vector<1x128xf32>
    %add3A = vector.broadcast %broadcast_in_dim3A : vector<1x128xf32> to vector<5000x128xf32>
    %add3A_15 = arith.addf %dot_general3A_5, %add3A : vector<5000x128xf32>
    %swap3A = arith.constant 0 : index
    %swap3A_16 = arith.constant 0 : index
    %swap3A_17 = vector.load %arg5[%swap3A, %swap3A_16] : memref<5000x256xf32, #tpu.memory_space<vmem>>, vector<5000x128xf32>
    tpu.vector_store %arg5[%swap3A, %swap3A_16], %add3A_15 {strides = array<i32>} : memref<5000x256xf32, #tpu.memory_space<vmem>>, vector<5000x128xf32>,
    %mul3A = arith.constant 2.000000e-01 : f32
    %mul3A_18 = vector.broadcast %mul3A : f32 to vector<5000x128xf32>
    %mul3A_19 = arith.mulf %dot_general3A_10, %mul3A_18 : vector<5000x128xf32>
    %swap3A_20 = arith.constant 0 : index
    %swap3A_21 = arith.constant 128 : index
    %swap3A_22 = vector.load %arg5[%swap3A_20, %swap3A_21] : memref<5000x256xf32, #tpu.memory_space<vmem>>, vector<5000x128xf32>
    tpu.vector_store %arg5[%swap3A_20, %swap3A_21], %mul3A_19 {strides = array<i32>} : memref<5000x256xf32, #tpu.memory_space<vmem>>, vector<5000x128xf32>,
    %mul3A_23 = arith.constant 5.000000e-01 : f32
    %mul3A_24 = vector.broadcast %mul3A_23 : f32 to vector<5000x128xf32>
    %mul3A_25 = arith.mulf %dot_general3A_10, %mul3A_24 : vector<5000x128xf32>
    %swap3A_26 = arith.constant 0 : index
    %swap3A_27 = arith.constant 0 : index
    %swap3A_28 = vector.load %arg6[%swap3A_26, %swap3A_27] : memref<5000x128xf32, #tpu.memory_space<vmem>>, vector<5000x128xf32>
    tpu.vector_store %arg6[%swap3A_26, %swap3A_27], %mul3A_25 {strides = array<i32>} : memref<5000x128xf32, #tpu.memory_space<vmem>>, vector<5000x128xf32>,
    %swap3A_29 = arith.constant 0 : index
    %swap3A_30 = arith.constant 0 : index
    %swap3A_31 = vector.load %arg7[%swap3A_29, %swap3A_30] : memref<5000x128xf32, #tpu.memory_space<vmem>>, vector<5000x128xf32>
    tpu.vector_store %arg7[%swap3A_29, %swap3A_30], %add3A_15 {strides = array<i32>} : memref<5000x128xf32, #tpu.memory_space<vmem>>, vector<5000x128xf32>,
    return
  }
  func.func @transform_0(%arg0: i32) -> (i32, i32) {
    %c0_i32 = arith.constant 0 : i32
    %c0_i32_0 = arith.constant 0 : i32
    return %arg0, %c0_i32 : i32, i32
  }
  func.func @transform_1(%arg0: i32) -> (i32, i32) {
    %c0_i32 = arith.constant 0 : i32
    %c0_i32_0 = arith.constant 0 : i32
    %c0_i32_1 = arith.constant 0 : i32
    return %c0_i32, %c0_i32_0 : i32, i32
  }
  func.func @transform_2(%arg0: i32) -> (i32, i32) {
    %c0_i32 = arith.constant 0 : i32
    %c0_i32_0 = arith.constant 0 : i32
    %c0_i32_1 = arith.constant 0 : i32
    return %c0_i32, %c0_i32_0 : i32, i32
  }
  func.func @transform_3(%arg0: i32) -> (i32, i32) {
    %c0_i32 = arith.constant 0 : i32
    %c0_i32_0 = arith.constant 0 : i32
    %c0_i32_1 = arith.constant 0 : i32
    return %c0_i32, %c0_i32_0 : i32, i32
  }
  func.func @transform_4(%arg0: i32) -> (i32, i32) {
    %c0_i32 = arith.constant 0 : i32
    %c0_i32_0 = arith.constant 0 : i32
    return %arg0, %c0_i32 : i32, i32
  }
  func.func @transform_5(%arg0: i32) -> (i32, i32) {
    %c0_i32 = arith.constant 0 : i32
    %c0_i32_0 = arith.constant 0 : i32
    return %arg0, %c0_i32 : i32, i32
  }
  func.func @transform_6(%arg0: i32) -> (i32, i32) {
    %c0_i32 = arith.constant 0 : i32
    %c0_i32_0 = arith.constant 0 : i32
    return %arg0, %c0_i32 : i32, i32
  }
}

module attributes {stable_mosaic.version = 14 : i64} {
  func.func @_head_body(%arg0: i32, %arg1: memref<1x4096x256xf32, #tpu.memory_space<vmem>>, %arg2: memref<64x128xf32, #tpu.memory_space<vmem>>, %arg3: memref<64x128xf32, #tpu.memory_space<vmem>>, %arg4: memref<1x64xf32, #tpu.memory_space<vmem>>, %arg5: memref<1x64xf32, #tpu.memory_space<vmem>>, %arg6: memref<1x64x64xf32, #tpu.memory_space<vmem>>, %arg7: memref<1x64xf32, #tpu.memory_space<vmem>>, %arg8: memref<4096x64xf32, #tpu.memory_space<vmem>>) attributes {dimension_semantics = [#tpu.dimension_semantics<arbitrary>], iteration_bounds = array<i64: 5>, scalar_prefetch = 0 : i64, scratch_operands = 0 : i64, tpu.core_type = #tpu.core_type<tc>, window_params = [{transform_indices = @transform_0, window_bounds = array<i64: 1, 4096, 256>}, {pipeline_mode = #tpu.pipeline_mode<synchronous>, transform_indices = @transform_1, window_bounds = array<i64: 64, 128>}, {pipeline_mode = #tpu.pipeline_mode<synchronous>, transform_indices = @transform_2, window_bounds = array<i64: 64, 128>}, {pipeline_mode = #tpu.pipeline_mode<synchronous>, transform_indices = @transform_3, window_bounds = array<i64: 1, 64>}, {pipeline_mode = #tpu.pipeline_mode<synchronous>, transform_indices = @transform_4, window_bounds = array<i64: 1, 64>}, {transform_indices = @transform_5, window_bounds = array<i64: 1, 64, 64>}, {pipeline_mode = #tpu.pipeline_mode<synchronous>, transform_indices = @transform_6, window_bounds = array<i64: 1, 64>}, {pipeline_mode = #tpu.pipeline_mode<synchronous>, transform_indices = @transform_7, window_bounds = array<i64: 4096, 64>}]} {
    %get3A = arith.constant 0 : index
    %get3A_0 = arith.constant 0 : index
    %get3A_1 = arith.constant 0 : index
    %get3A_2 = vector.load %arg1[%get3A, %get3A_0, %get3A_1] : memref<1x4096x256xf32, #tpu.memory_space<vmem>>, vector<1x4096x128xf32>
    %get3A_3 = vector.shape_cast %get3A_2 : vector<1x4096x128xf32> to vector<4096x128xf32>
    %get3A_4 = arith.constant 0 : index
    %get3A_5 = arith.constant 0 : index
    %get3A_6 = arith.constant 128 : index
    %get3A_7 = vector.load %arg1[%get3A_4, %get3A_5, %get3A_6] : memref<1x4096x256xf32, #tpu.memory_space<vmem>>, vector<1x4096x128xf32>
    %get3A_8 = vector.shape_cast %get3A_7 : vector<1x4096x128xf32> to vector<4096x128xf32>
    %get3A_9 = arith.constant 0 : index
    %get3A_10 = arith.constant 0 : index
    %get3A_11 = vector.load %arg2[%get3A_9, %get3A_10] : memref<64x128xf32, #tpu.memory_space<vmem>>, vector<64x128xf32>
    %dot_general3A = arith.constant dense<0.000000e+00> : vector<4096x64xf32>
    %dot_general3A_12 = tpu.matmul %get3A_3, %get3A_11, %dot_general3A {dimension_numbers = #tpu.dot_dimension_numbers<[1], [1], [0], [0], [0, 0, 1, 0], [], []>, precision = #tpu.contract_precision<fp32>, transpose_lhs_hint = false} : vector<4096x128xf32>, vector<64x128xf32>, vector<4096x64xf32> -> vector<4096x64xf32>
    %get3A_13 = arith.constant 0 : index
    %get3A_14 = arith.constant 0 : index
    %get3A_15 = vector.load %arg3[%get3A_13, %get3A_14] : memref<64x128xf32, #tpu.memory_space<vmem>>, vector<64x128xf32>
    %mul3A = arith.constant 2.000000e-01 : f32
    %mul3A_16 = vector.broadcast %mul3A : f32 to vector<64x128xf32>
    %mul3A_17 = arith.mulf %get3A_15, %mul3A_16 : vector<64x128xf32>
    %dot_general3A_18 = arith.constant dense<0.000000e+00> : vector<4096x64xf32>
    %dot_general3A_19 = tpu.matmul %get3A_8, %mul3A_17, %dot_general3A_18 {dimension_numbers = #tpu.dot_dimension_numbers<[1], [1], [0], [0], [0, 0, 1, 0], [], []>, precision = #tpu.contract_precision<fp32>, transpose_lhs_hint = false} : vector<4096x128xf32>, vector<64x128xf32>, vector<4096x64xf32> -> vector<4096x64xf32>
    %get3A_20 = arith.constant 0 : index
    %get3A_21 = arith.constant 0 : index
    %get3A_22 = vector.load %arg4[%get3A_20, %get3A_21] : memref<1x64xf32, #tpu.memory_space<vmem>>, vector<1x64xf32>
    %get3A_23 = vector.shape_cast %get3A_22 : vector<1x64xf32> to vector<64xf32>
    %broadcast_in_dim3A = vector.shape_cast %get3A_23 : vector<64xf32> to vector<1x64xf32>
    %add3A = vector.broadcast %broadcast_in_dim3A : vector<1x64xf32> to vector<4096x64xf32>
    %add3A_24 = arith.addf %dot_general3A_12, %add3A : vector<4096x64xf32>
    %add3A_25 = arith.addf %add3A_24, %dot_general3A_19 : vector<4096x64xf32>
    %get3A_26 = arith.constant 0 : index
    %get3A_27 = arith.constant 0 : index
    %get3A_28 = vector.load %arg5[%get3A_26, %get3A_27] : memref<1x64xf32, #tpu.memory_space<vmem>>, vector<1x64xf32>
    %get3A_29 = vector.shape_cast %get3A_28 : vector<1x64xf32> to vector<64xf32>
    %broadcast_in_dim3A_30 = vector.shape_cast %get3A_29 : vector<64xf32> to vector<1x64xf32>
    %add3A_31 = vector.broadcast %broadcast_in_dim3A_30 : vector<1x64xf32> to vector<4096x64xf32>
    %add3A_32 = arith.addf %add3A_25, %add3A_31 : vector<4096x64xf32>
    %gt3A = arith.constant 1.000000e+00 : f32
    %gt3A_33 = vector.broadcast %gt3A : f32 to vector<4096x64xf32>
    %gt3A_34 = arith.cmpf ogt, %add3A_32, %gt3A_33 : vector<4096x64xf32>
    %jit3A = arith.constant 1.000000e+00 : f32
    %jit3A_35 = arith.constant 0.000000e+00 : f32
    %broadcast_in_dim3A_36 = vector.broadcast %jit3A : f32 to vector<4096x64xf32>
    %broadcast_in_dim3A_37 = vector.broadcast %jit3A_35 : f32 to vector<4096x64xf32>
    %select_n3A = arith.select %gt3A_34, %broadcast_in_dim3A_36, %broadcast_in_dim3A_37 : vector<4096x64xi1>, vector<4096x64xf32>
    %get3A_38 = arith.constant 0 : index
    %get3A_39 = arith.constant 0 : index
    %get3A_40 = arith.constant 0 : index
    %get3A_41 = vector.load %arg6[%get3A_38, %get3A_39, %get3A_40] : memref<1x64x64xf32, #tpu.memory_space<vmem>>, vector<1x64x64xf32>
    %get3A_42 = vector.shape_cast %get3A_41 : vector<1x64x64xf32> to vector<64x64xf32>
    %dot_general3A_43 = arith.constant dense<0.000000e+00> : vector<4096x64xf32>
    %dot_general3A_44 = tpu.matmul %select_n3A, %get3A_42, %dot_general3A_43 {dimension_numbers = #tpu.dot_dimension_numbers<[1], [1], [0], [0], [0, 0, 1, 0], [], []>, precision = #tpu.contract_precision<fp32>, transpose_lhs_hint = false} : vector<4096x64xf32>, vector<64x64xf32>, vector<4096x64xf32> -> vector<4096x64xf32>
    %eq3A = arith.constant 0 : i32
    %eq3A_45 = arith.cmpi eq, %arg0, %eq3A : i32
    %convert_element_type3A = arith.extui %eq3A_45 : i1 to i32
    %cond3A = arith.constant 0 : i32
    %cond3A_46 = arith.cmpi ne, %convert_element_type3A, %cond3A : i32
    scf.if %cond3A_46 {
      %get3A_53 = arith.constant 0 : index
      %get3A_54 = arith.constant 0 : index
      %get3A_55 = vector.load %arg7[%get3A_53, %get3A_54] : memref<1x64xf32, #tpu.memory_space<vmem>>, vector<1x64xf32>
      %get3A_56 = vector.shape_cast %get3A_55 : vector<1x64xf32> to vector<64xf32>
      %broadcast_in_dim3A_57 = vector.shape_cast %get3A_56 : vector<64xf32> to vector<1x64xf32>
      %broadcast_in_dim3A_58 = vector.broadcast %broadcast_in_dim3A_57 : vector<1x64xf32> to vector<4096x64xf32>
      %swap3A_59 = arith.constant 0 : index
      %swap3A_60 = arith.constant 0 : index
      %swap3A_61 = vector.load %arg8[%swap3A_59, %swap3A_60] : memref<4096x64xf32, #tpu.memory_space<vmem>>, vector<4096x64xf32>
      tpu.vector_store %arg8[%swap3A_59, %swap3A_60], %broadcast_in_dim3A_58 {strides = array<i32>} : memref<4096x64xf32, #tpu.memory_space<vmem>>, vector<4096x64xf32>,
    } else {
    }
    %get3A_47 = arith.constant 0 : index
    %get3A_48 = arith.constant 0 : index
    %get3A_49 = vector.load %arg8[%get3A_47, %get3A_48] : memref<4096x64xf32, #tpu.memory_space<vmem>>, vector<4096x64xf32>
    %add3A_50 = arith.addf %get3A_49, %dot_general3A_44 : vector<4096x64xf32>
    %swap3A = arith.constant 0 : index
    %swap3A_51 = arith.constant 0 : index
    %swap3A_52 = vector.load %arg8[%swap3A, %swap3A_51] : memref<4096x64xf32, #tpu.memory_space<vmem>>, vector<4096x64xf32>
    tpu.vector_store %arg8[%swap3A, %swap3A_51], %add3A_50 {strides = array<i32>} : memref<4096x64xf32, #tpu.memory_space<vmem>>, vector<4096x64xf32>,
    return
  }
  func.func @transform_0(%arg0: i32) -> (i32, i32, i32) {
    %c0_i32 = arith.constant 0 : i32
    %c0_i32_0 = arith.constant 0 : i32
    %c0_i32_1 = arith.constant 0 : i32
    return %arg0, %c0_i32, %c0_i32_0 : i32, i32, i32
  }
  func.func @transform_1(%arg0: i32) -> (i32, i32) {
    %c0_i32 = arith.constant 0 : i32
    %c0_i32_0 = arith.constant 0 : i32
    %c0_i32_1 = arith.constant 0 : i32
    return %c0_i32, %c0_i32_0 : i32, i32
  }
  func.func @transform_2(%arg0: i32) -> (i32, i32) {
    %c0_i32 = arith.constant 0 : i32
    %c0_i32_0 = arith.constant 0 : i32
    %c0_i32_1 = arith.constant 0 : i32
    return %c0_i32, %c0_i32_0 : i32, i32
  }
  func.func @transform_3(%arg0: i32) -> (i32, i32) {
    %c0_i32 = arith.constant 0 : i32
    %c0_i32_0 = arith.constant 0 : i32
    %c0_i32_1 = arith.constant 0 : i32
    return %c0_i32, %c0_i32_0 : i32, i32
  }
  func.func @transform_4(%arg0: i32) -> (i32, i32) {
    %c0_i32 = arith.constant 0 : i32
    %c0_i32_0 = arith.constant 0 : i32
    %c0_i32_1 = arith.constant 0 : i32
    return %c0_i32, %c0_i32_0 : i32, i32
  }
  func.func @transform_5(%arg0: i32) -> (i32, i32, i32) {
    %c0_i32 = arith.constant 0 : i32
    %c0_i32_0 = arith.constant 0 : i32
    %c0_i32_1 = arith.constant 0 : i32
    return %arg0, %c0_i32, %c0_i32_0 : i32, i32, i32
  }
  func.func @transform_6(%arg0: i32) -> (i32, i32) {
    %c0_i32 = arith.constant 0 : i32
    %c0_i32_0 = arith.constant 0 : i32
    %c0_i32_1 = arith.constant 0 : i32
    return %c0_i32, %c0_i32_0 : i32, i32
  }
  func.func @transform_7(%arg0: i32) -> (i32, i32) {
    %c0_i32 = arith.constant 0 : i32
    %c0_i32_0 = arith.constant 0 : i32
    %c0_i32_1 = arith.constant 0 : i32
    return %c0_i32, %c0_i32_0 : i32, i32
  }
}

</mosaic_0001>

<sc_bundles>
// kernel: kernel.5.cloned.1.call-start
scs
__scs_entry_jumppad:
0x0: {  	(pc) =	sbr.rel $0x88, $3  }
0x1: {  	(tag) =	ssettag $0x0;
	lr =	simm.s32 $0x1  }
0x2: {  	[smem:$0x3F93] =	sst lr;
	_ =	strace $0xD0000000  }
0x3: {  	_ = 	snop  }
0x4: {  	_ = 	snop  }
0x5: {  	_ = 	snop  }
0x6: {  	_ = 	snop  }
0x7: {  	_ = 	snop  }
__scs_overlays_trampoline_lowered:
0x8: {  	[smem:$0x3FA2] =	sst s0  }
0x9: {  	[smem:$0x3FA3] =	sst s1  }
0xa: {  	[smem:$0x3FA4] =	sst s2  }
0xb: {  	[smem:$0x3FA5] =	sst s3  }
0xc: {  	[smem:$0x3FA6] =	sst s4  }
0xd: {  	[smem:$0x3FA7] =	sst s5  }
0xe: {  	[smem:$0x3FA8] =	sst s6  }
0xf: {  	[smem:$0x3FA9] =	sst s7  }
0x10: {  	[smem:$0x3FAA] =	sst s8  }
0x11: {  	[smem:$0x3FAB] =	sst s9;
	s0 =	simm.s32 @!p0 $0x0  }
0x12: {  	s1 =	sld [smem:$0x3F91];
	s0 =	simm.s32 @p0 $0x1  }
0x13: {  	[smem:$0x3FAC] =	sst s0;
	s0 =	simm.s32 @!p1 $0x0  }
0x14: {  	s2 =	sld [smem:$0x3F90];
	s0 =	simm.s32 @p1 $0x1  }
0x15: {  	[smem:$0x3FAD] =	sst s0;
	s0 =	simm.s32 @!p2 $0x0  }
0x16: {  	s3 =	sld [smem:$0x3FDB];
	s0 =	simm.s32 @p2 $0x1  }
0x17: {  	s4 =	simm.s32 $0x1BF5;
	[smem:$0x3FAF] =	sst s0  }
0x18: {  	s0 =	sld [smem:$0x3F92];
	_ =	swait.ge [sflag:s4], $0x0  }
0x19: {  	s7 =	sld [smem:$0x3F93]  }
0x1a: {  	s8 =	sadd.s32 $0xFFFFE003, lr  }
0x1b: {  	s9 =	sadd.s32 $0xFFFFFEF7, lr;
	s5 =	simm.s32 $0xFFFFFFFF;
	p2 =	slt.u32 s8, $0xFFFFF086  }
0x1c: {  	p1 =	slt.u32 s9, $0xF7A;
	s5 =	simm.s32 @!p2 $0x0  }
0x1d: {  	s5 =	simm.s32 @p1 $0x1;
	p0 =	seq.s32 s7, s2  }
0x1e: {  	s7 =	smul.u32 @!p0 $0xF7A, s2;
	p2 =	seq.s32 @!p0 s5, $0x0  }
0x1f: {  	s9 =	smul.u32 $0xF7A, s1;
	s8 =	simm.s32 @!p0 $0x1BF5;
	p2 =	por !p2, p0  }
0x20: {  	[sflag:s8] =	ssyncset.s32 @!p0 $0xFFFFF086;
	s6 =	sadd.s32 @!p0 s3, s7;
	s7 =	simm.s32 @!p0 $0x108  }
0x21: {  	s3 =	sadd.s32 s3, s9;
	s6 =	sadd.s32 @!p0 $0x88, s6;
	s7 =	simm.s32 @p2 $0x1082  }
0x22: {  	[simem:s7], [sflag:s8] =	dma.local @!p0 [hbm:s6], $0xF7A  }
0x23: {  	s9 =	sor.u32 $0xD0000000, s2;
	s6 =	simm.s32 $0x108;
	_ =	swait.ge @!p0 [sflag:s8], $0x0  }
0x24: {  	s3 =	sadd.s32 $0x88, s3;
	s6 =	simm.s32 @!p1 $0x1082;
	[sflag:s4] =	ssyncset.s32 $0xFFFFF086  }
0x25: {  	[simem:s6], [sflag:s4] =	dma.local [hbm:s3], $0xF7A  }
0x26: {  	[smem:$0x3F93] =	sst s1;
	(tag) =	ssettag s2;
	_ =	strace s9  }
0x27: {  	s1 =	sld [smem:$0x3FA3]  }
0x28: {  	s2 =	sld [smem:$0x3FA4]  }
0x29: {  	s4 =	sld [smem:$0x3FA6]  }
0x2a: {  	p0 =	seq.s32 s5, $0x0;
	s5 =	sld [smem:$0x3FA7]  }
0x2b: {  	s6 =	sld [smem:$0x3FA8]  }
0x2c: {  	s7 =	sld [smem:$0x3FA9]  }
0x2d: {  	s3 =	simm.s32 $0x108;
	s8 =	sld [smem:$0x3FAA]  }
0x2e: {  	s3 =	simm.s32 @!p0 $0x1082;
	s9 =	sld [smem:$0x3FAB]  }
0x2f: {  	lr =	sadd.s32 s0, s3;
	s0 =	sld [smem:$0x3FA2]  }
0x30: {  	s3 =	sld [smem:$0x3FA5]  }
0x31: {  	[smem:$0x3FAE] =	sst s10  }
0x32: {  	s10 =	sld [smem:$0x3FAC];
	_ =	sdelay $0x3  }
0x33: {  	p0 =	seq.s32 s10, $0x1;
	s10 =	sld [smem:$0x3FAE];
	_ =	sdelay $0x3  }
0x34: {  	[smem:$0x3FAE] =	sst s10  }
0x35: {  	s10 =	sld [smem:$0x3FAD];
	_ =	sdelay $0x3  }
0x36: {  	p1 =	seq.s32 s10, $0x1;
	s10 =	sld [smem:$0x3FAE];
	_ =	sdelay $0x3  }
0x37: {  	[smem:$0x3FAE] =	sst s10  }
0x38: {  	s10 =	sld [smem:$0x3FAF]  }
0x39: {  	_ = 	snop;
	(pc) =	sbr.ind lr, $3  }
0x3a: {  	_ = 	snop  }
0x3b: {  	_ = 	snop  }
0x3c: {  	p2 =	seq.s32 s10, $0x1;
	s10 =	sld [smem:$0x3FAE]  }
0x3d: {  	_ =	shalt  }
0x3e: {  	_ =	shalt  }
0x3f: {  	_ =	shalt  }
0x40: {  	_ =	shalt  }
0x41: {  	_ =	shalt  }
0x42: {  	_ =	shalt  }
0x43: {  	_ =	shalt  }
0x44: {  	_ =	shalt  }
0x45: {  	_ =	shalt  }
0x46: {  	_ =	shalt  }
0x47: {  	_ =	shalt  }
0x48: {  	_ =	shalt  }
0x49: {  	_ =	shalt  }
0x4a: {  	_ =	shalt  }
0x4b: {  	_ =	shalt  }
0x4c: {  	_ =	shalt  }
0x4d: {  	_ =	shalt  }
0x4e: {  	_ =	shalt  }
0x4f: {  	_ =	shalt  }
0x50: {  	_ =	shalt  }
0x51: {  	_ =	shalt  }
0x52: {  	_ =	shalt  }
0x53: {  	_ =	shalt  }
0x54: {  	_ =	shalt  }
0x55: {  	_ =	shalt  }
0x56: {  	_ =	shalt  }
0x57: {  	_ =	shalt  }
0x58: {  	_ =	shalt  }
0x59: {  	_ =	shalt  }
0x5a: {  	_ =	shalt  }
0x5b: {  	_ =	shalt  }
0x5c: {  	_ =	shalt  }
0x5d: {  	_ =	shalt  }
0x5e: {  	_ =	shalt  }
0x5f: {  	_ =	shalt  }
0x60: {  	_ =	shalt  }
0x61: {  	_ =	shalt  }
0x62: {  	_ =	shalt  }
0x63: {  	_ =	shalt  }
0x64: {  	_ =	shalt  }
0x65: {  	_ =	shalt  }
0x66: {  	_ =	shalt  }
0x67: {  	_ =	shalt  }
0x68: {  	_ =	shalt  }
0x69: {  	_ =	shalt  }
0x6a: {  	_ =	shalt  }
0x6b: {  	_ =	shalt  }
0x6c: {  	_ =	shalt  }
0x6d: {  	_ =	shalt  }
0x6e: {  	_ =	shalt  }
0x6f: {  	_ =	shalt  }
0x70: {  	_ =	shalt  }
0x71: {  	_ =	shalt  }
0x72: {  	_ =	shalt  }
0x73: {  	_ =	shalt  }
0x74: {  	_ =	shalt  }
0x75: {  	_ =	shalt  }
0x76: {  	_ =	shalt  }
0x77: {  	_ =	shalt  }
0x78: {  	_ =	shalt  }
0x79: {  	_ =	shalt  }
0x7a: {  	_ =	shalt  }
0x7b: {  	_ =	shalt  }
0x7c: {  	_ =	shalt  }
0x7d: {  	_ =	shalt  }
0x7e: {  	_ =	shalt  }
0x7f: {  	_ =	shalt  }
0x80: {  	_ =	shalt  }
0x81: {  	_ =	shalt  }
0x82: {  	_ =	shalt  }
0x83: {  	_ =	shalt  }
0x84: {  	_ =	shalt  }
0x85: {  	_ =	shalt  }
0x86: {  	_ =	shalt  }
0x87: {  	_ =	shalt  }
.Lfunc_end0:
.L_simem_size_0:
called_computation_lowered:
.L_overlay_start_0:
0x88: {  	s2 =	sld [smem:$0x3FD9]  }
0x89: {  	s3 =	sld [smem:$0x3FFE];
	_ =	sdelay $0x1  }
0x8a: {  	s1 =	srdreg.scid  }
0x8b: {  	s0 =	sand.u32 $0x1, s1  }
0x8c: {  	s17 =	sshll.u32 s0, $0xA;
	s2 =	sadd.s32 s3, s2  }
0x8d: {  	s2 =	sadd.s32 s2, s17  }
0x8e: {  	[smem:$0x3FBA] =	sst s2  }
0x8f: {  	_ = 	snop  }
0x90: {  	s2 =	sld [smem:$0x3FC8]  }
0x91: {  	s18 =	sld [smem:$0x3FD0];
	(tm) =	ssettm $0x1  }
0x92: {  	s4 =	sld [smem:$0x3FFB];
	_ =	sdelay $0x3  }
0x93: {  	_ =	strace s4  }
0x94: {  	s4 =	sld [smem:$0x3FFC];
	_ =	sdelay $0x3  }
0x95: {  	_ =	strace s4  }
0x96: {  	s4 =	sld [smem:$0x3FFD];
	_ =	sdelay $0x3  }
0x97: {  	_ =	strace s4  }
0x98: {  	_ =	strace $0x8FFFFFFF  }
0x99: {  	s19 =	sld [smem:$0x3FDB];
	_ =	sdelay $0x1  }
0x9a: {  	s5 =	simm.s32 $_scs_section_size  }
0x9b: {  	s6 =	simm.s32 $_size__tile_overlayer_lowered;
	s7 =	simm.s32 $_tile_overlayer_lowered  }
0x9c: {  	s22 =	simm.s32 $0x1BFF;
	s21 =	sshll.u32 s7, $0x1;
	s4 =	sadd.s32 s5, s19  }
0x9d: {  	s8 =	simm.s32 $0x0;
	s20 =	sshll.u32 s6, $0x1;
	s6 =	sadd.s32 s21, s4  }
0x9e: {  	[timem:s8], [sflag:s22] =	dma.local [hbm:s6], s20  }
0x9f: {  	_ =	swait.ge [sflag:s22], s20  }
0xa0: {  	s5 =	ssub.s32 $0x0, s20;
	[sflag:s22] =	ssyncset.done $0x0  }
0xa1: {  	[sflag:s22] =	ssyncadd.s32 s5;
	_ =	sdelay $0x1  }
0xa2: {  	s23 =	simm.s32 $0x1B8B  }
0xa3: {  	_ =	swait.ge [sflag:s23], $0x1  }
0xa4: {  	[sflag:s23] =	ssyncset.done $0x0  }
0xa5: {  	s25 =	simm.s32 $0x1B8E;
	s24 =	sld [smem:$0x3FFE];
	[sflag:s23] =	ssyncadd.s32 $0xFFFFFFFF  }
0xa6: {  	s26 =	simm.s32 $execute0_lowered;
	[smem:$0x3FD2] =	sst s25  }
0xa7: {  	s6 =	sshll.u32 s26, $0x1;
	_ =	strace $0x80000046;
	[dreg:$0x1] =	wrdreg $0xFFFFFFFF  }
0xa8: {  	s28 =	simm.s32 $_size_execute0_lowered;
	s4 =	sadd.s32 s4, s6;
	[dreg:$0x0] =	wrdreg $0x0  }
0xa9: {  	s6 =	sshll.u32 s28, $0x1;
	[dreg:$0x2] =	wrdreg s4  }
0xaa: {  	[dreg:$0x3] =	wrdreg s6  }
0xab: {  	[dreg:$0x4] =	wrdreg $0xC0  }
0xac: {  	_ =	task [dreg:s8], $0x5FFFF  }
0xad: {  	[dreg:$0x1] =	wrdreg $0xFFFFFFFF  }
0xae: {  	[dreg:$0x0] =	wrdreg $0x60  }
0xaf: {  	[dreg:$0x2] =	wrdreg s24  }
0xb0: {  	[dreg:$0x3] =	wrdreg s2  }
0xb1: {  	[dreg:$0x4] =	wrdreg s18  }
0xb2: {  	[dreg:$0x5] =	wrdreg $0x9  }
0xb3: {  	_ =	task.clear_ibuf [dreg:s8], $0x6FFFF;
	_ =	strace $0x90000046  }
0xb4: {  	s29 =	simm.s32 $0x9;
	_ =	strace $0x80000048  }
0xb5: {  	_ =	swait.ge [sflag:s29], $0x1  }
0xb6: {  	[sflag:s29] =	ssyncadd.s32 $0xFFFFFFFF  }
0xb7: {  	_ =	strace $0x90000048  }
0xb8: {  	_ =	sfence  }
0xb9: {  	s30 =	sld [smem:$0x0];
	_ =	sdelay $0x2  }
0xba: {  	s31 =	sshll.u32 s1, $0xD;
	s1 =	sshrl.u32 s1, $0x2  }
0xbb: {  	s3 =	sand.u32 $0x4000, s31;
	s1 =	sadd.s32 s1, s30  }
0xbc: {  	s0 =	sor.u32 s3, s0;
	s1 =	sshll.u32 s1, $0x11  }
0xbd: {  	s0 =	sor.u32 s1, s0  }
0xbe: {  	s0 =	sadd.s32 $0x8F2B, s0  }
0xbf: {  	[sflag:s0] =	ssyncadd.remote.s32 $0x1  }
0xc0: {  	_ =	sfence.sel $0xFFFF  }
0xc1: {  	[dreg:$0x0] =	wrdreg $0xFFFFFFFF;
	(pc) =	sbr.abs _section_cstart, $3  }
0xc2: {  	[dreg:$0x1] =	wrdreg $0xFFFFFFFF  }
0xc3: {  	_ =	task.clear_ibuf [dreg:s8], $0x2FFFF;
	_ =	strace $0x9FFFFFFF  }
0xc4: {  	(tm) =	ssettm $0x7FFFFFFF  }
0xc5: {  	_ =	shalt  }
tec
execute0_lowered:
.L_overlay_start_1:
0x0: {  	(tag) =	ssettag $0x1  }
0x1: {  	s0 =	rddreg [dreg:$0x0]  }
0x2: {  	s1 =	rddreg [dreg:$0x1]  }
0x3: {  	s2 =	srdreg.scid;
	s3 =	stileid.u32  }
0x4: {  	s5 =	rddreg [dreg:$0x2];
	s29 =	simm.s32 $0x50;
	s28 =	simm.s32 $0x1  }
0x5: {  	s30 =	simm.s32 $0x2;
	s7 =	sand.u32 $0x1, s2;
	s3 =	sshll.u32 s3, $0x1  }
0x6: {  	s2 =	simm.s32 $0x0;
	s4 =	sadd.s32 $0x53000, s0;
	s8 =	sor.u32 s7, s3  }
0x7: {  	s9 =	sadd.s32 $0x7A200, s0;
	[smem:$0x7FF] =	sst s2;
	s6 =	smul.u32 $0x280, s8  }
0x8: {  	s3 =	sadd.s32 $0x4E00, s0;
	s17 =	ssub.s32 $0x2, s7;
	s16 =	smul.u32 $0x500, s8  }
0x9: {  	_ =	strace $0x80000047;
	[dreg:$0x4] =	wrdreg s9;
	s11 =	sshll.u32 s8, $0x4  }
0xa: {  	s1 =	sadd.s32 s1, s11;
	s6 =	sshrl.u32 s6, $0x3;
	s9 =	sshrl.u32 s16, $0x3  }
0xb: {  	[dreg:$0x5] =	wrdreg s1;
	s10 =	sadd.s32 s6, s0;
	s5 =	sadd.s32 s5, s9  }
0xc: {  	s7 =	sshrl.u32 s17, $0x1;
	s18 =	sadd.s32 $0x1C00, s10;
	[dreg:$0x6] =	wrdreg s5  }
0xd: {  	s26 =	sshll.u32 s8, $0xC;
	s19 =	sadd.s32 $0x2600, s10;
	[dreg:$0x7] =	wrdreg s18  }
0xe: {  	s31 =	sshll.u32 s8, $0xF;
	s20 =	sadd.s32 $0x1400, s5;
	[dreg:$0x8] =	wrdreg s19  }
0xf: {  	s6 =	sadd.s32 $0xA1400, s0;
	s21 =	sadd.s32 $0x3000, s10;
	[dreg:$0x9] =	wrdreg s20  }
0x10: {  	s0 =	ssub.s32 s17, s7;
	s22 =	sadd.s32 $0x2800, s5;
	[dreg:$0xa] =	wrdreg s21  }
0x11: {  	s7 =	simm.s32 $0x0;
	s23 =	sadd.s32 $0x3A00, s10;
	[dreg:$0xb] =	wrdreg s22  }
0x12: {  	s24 =	sadd.s32 $0x3C00, s5;
	s25 =	sadd.s32 $0x4400, s10;
	[dreg:$0xc] =	wrdreg s23  }
0x13: {  	s5 =	sadd.s32 $0x5000, s5;
	s1 =	sadd.s32 s26, s6;
	[dreg:$0xd] =	wrdreg s24  }
0x14: {  	s0 =	smax.u32 s0, $0x1;
	s26 =	simm.s32 $0xDE00;
	[dreg:$0xe] =	wrdreg s25  }
0x15: {  	v2 =	vlaneseq.u32;
	[dreg:$0xf] =	wrdreg s5;
	s18 =	sor.u32 $0xFFF00000, s31;
	s1 =	sadd.s32 $0x80000, s1  }
0x16: {  	vm0 =	vmmov $0xffff;
	v3 =	vimm.f32 $0.0e+00;
	v1 =	vshrl.u32 v2, $0x3;
	[dreg:$0x11] =	wrdreg s0;
	s23 =	simm.s32 $0x9E00;
	s24 =	simm.s32 $0xA600  }
0x17: {  	v0 =	vand.u32 $0x7, v2;
	v2 =	vor.u32 $0x8, v2;
	v1 =	vmul.u32 $0x8, v1;
	s25 =	simm.s32 $0xAE00;
	[dreg:$0x10] =	wrdreg s1;
	s1 =	simm.s32 $0x3  }
.LBB2_1:
0x18: {  	[dreg:$0x12] =	wrdreg s7  }
0x19: {  	s0 =	rddreg [dreg:$0x5]  }
0x1a: {  	[tilespmem:s2], [sflag:$0x3] =	stream.linear.gather [hbm4b:s0+s2], $0x80, $0x38;
	[tilespmem:$0x18600] =	vst v63  }
0x1b: {  	s12 =	rddreg [dreg:$0x7];
	s5 =	simm.s32 $0x80  }
0x1c: {  	[tilespmem:s5], [sflag:$0x3] =	stream.linear.gather [hbm4b:s12+s2], $0x280, $0x38;
	[tilespmem:$0x18600] =	vst v63  }
0x1d: {  	s13 =	rddreg [dreg:$0x6];
	s7 =	simm.s32 $0xD00  }
0x1e: {  	[tilespmem:s7], [sflag:$0x3] =	stream.linear.gather [hbm4b:s13+s2], $0x500, $0x38;
	[tilespmem:$0x18600] =	vst v63  }
0x1f: {  	s14 =	rddreg [dreg:$0x8];
	s8 =	simm.s32 $0x300  }
0x20: {  	[tilespmem:s8], [sflag:$0x3] =	stream.linear.gather [hbm4b:s14+s2], $0x280, $0x38;
	[tilespmem:$0x18600] =	vst v63  }
0x21: {  	s15 =	rddreg [dreg:$0x9];
	s16 =	simm.s32 $0x1200  }
0x22: {  	[tilespmem:s16], [sflag:$0x3] =	stream.linear.gather [hbm4b:s15+s2], $0x500, $0x38;
	[tilespmem:$0x18600] =	vst v63  }
0x23: {  	s17 =	rddreg [dreg:$0xa];
	s19 =	simm.s32 $0x580  }
0x24: {  	[tilespmem:s19], [sflag:$0x3] =	stream.linear.gather [hbm4b:s17+s2], $0x280, $0x38;
	[tilespmem:$0x18600] =	vst v63  }
0x25: {  	s20 =	rddreg [dreg:$0xb];
	s21 =	simm.s32 $0x1700  }
0x26: {  	[tilespmem:s21], [sflag:$0x3] =	stream.linear.gather [hbm4b:s20+s2], $0x500, $0x38;
	[tilespmem:$0x18600] =	vst v63  }
0x27: {  	s22 =	rddreg [dreg:$0xc];
	s31 =	simm.s32 $0x800  }
0x28: {  	[tilespmem:s31], [sflag:$0x3] =	stream.linear.gather [hbm4b:s22+s2], $0x280, $0x38;
	[tilespmem:$0x18600] =	vst v63  }
0x29: {  	s9 =	rddreg [dreg:$0xd];
	s10 =	simm.s32 $0x1C00  }
0x2a: {  	[tilespmem:s10], [sflag:$0x3] =	stream.linear.gather [hbm4b:s9+s2], $0x500, $0x38;
	[tilespmem:$0x18600] =	vst v63  }
0x2b: {  	s11 =	rddreg [dreg:$0xe];
	s12 =	simm.s32 $0xA80  }
0x2c: {  	[tilespmem:s12], [sflag:$0x3] =	stream.linear.gather [hbm4b:s11+s2], $0x280, $0x38;
	[tilespmem:$0x18600] =	vst v63  }
0x2d: {  	s13 =	rddreg [dreg:$0xf];
	s14 =	simm.s32 $0x2100  }
0x2e: {  	[tilespmem:s14], [sflag:$0x3] =	stream.linear.gather [hbm4b:s13+s2], $0x500, $0x38;
	[tilespmem:$0x18600] =	vst v63  }
0x2f: {  	_ =	swait.ge [sflag:s1], $0x80  }
0x30: {  	[sflag:s1] =	ssyncset.done $0x0  }
0x31: {  	[sflag:s1] =	ssyncadd.s32 $0xFFFFFF80  }
0x32: {  	_ =	swait.ge [sflag:s1], $0x280  }
0x33: {  	[sflag:s1] =	ssyncset.done $0x0  }
0x34: {  	[sflag:s1] =	ssyncadd.s32 $0xFFFFFD80  }
0x35: {  	_ =	swait.ge [sflag:s1], $0x500  }
0x36: {  	[sflag:s1] =	ssyncset.done $0x0  }
0x37: {  	[sflag:s1] =	ssyncadd.s32 $0xFFFFFB00  }
0x38: {  	_ =	swait.ge [sflag:s1], $0x280  }
0x39: {  	[sflag:s1] =	ssyncset.done $0x0  }
0x3a: {  	[sflag:s1] =	ssyncadd.s32 $0xFFFFFD80  }
0x3b: {  	_ =	swait.ge [sflag:s1], $0x500  }
0x3c: {  	[sflag:s1] =	ssyncset.done $0x0  }
0x3d: {  	[sflag:s1] =	ssyncadd.s32 $0xFFFFFB00  }
0x3e: {  	_ =	swait.ge [sflag:s1], $0x280  }
0x3f: {  	[sflag:s1] =	ssyncset.done $0x0  }
0x40: {  	[sflag:s1] =	ssyncadd.s32 $0xFFFFFD80  }
0x41: {  	_ =	swait.ge [sflag:s1], $0x500  }
0x42: {  	[sflag:s1] =	ssyncset.done $0x0  }
0x43: {  	[sflag:s1] =	ssyncadd.s32 $0xFFFFFB00  }
0x44: {  	_ =	swait.ge [sflag:s1], $0x280  }
0x45: {  	[sflag:s1] =	ssyncset.done $0x0  }
0x46: {  	[sflag:s1] =	ssyncadd.s32 $0xFFFFFD80  }
0x47: {  	_ =	swait.ge [sflag:s1], $0x500  }
0x48: {  	[sflag:s1] =	ssyncset.done $0x0  }
0x49: {  	[sflag:s1] =	ssyncadd.s32 $0xFFFFFB00  }
0x4a: {  	_ =	swait.ge [sflag:s1], $0x280  }
0x4b: {  	[sflag:s1] =	ssyncset.done $0x0  }
0x4c: {  	[sflag:s1] =	ssyncadd.s32 $0xFFFFFD80  }
0x4d: {  	_ =	swait.ge [sflag:s1], $0x500  }
0x4e: {  	[sflag:s1] =	ssyncset.done $0x0  }
0x4f: {  	s16 =	simm.s32 $0x2600;
	s15 =	rddreg [dreg:$0x4];
	[sflag:s1] =	ssyncadd.s32 $0xFFFFFB00  }
0x50: {  	[tilespmem:s16], [sflag:$0x3] =	stream.indirect.gather [hbm4b:s15+s5], $0x80, s2, s5, $0xb8;
	[tilespmem:$0x18600] =	vst v63  }
0x51: {  	_ =	swait.ge [sflag:s1], $0x4000  }
0x52: {  	[sflag:s1] =	ssyncset.done $0x0  }
0x53: {  	[sflag:s1] =	ssyncadd.s32 $0xFFFFC000  }
0x54: {  	v4 =	vld [tilespmem:$0x80];
	_ =	sdelay $0x4  }
0x55: {  	v5 =	vshll.u32 v4, $0x1  }
0x56: {  	v4 =	vand.u32 $0x7, v4;
	v5 =	vand.u32 $0xFFFFFFF0, v5  }
0x57: {  	v4 =	vor.u32 v4, v5  }
0x58: {  	v5 =	vperm.xlane v4, v0;
	_ =	sdelay $0x1  }
0x59: {  	v4 =	vperm.xlane v4, v2;
	v5 =	vadd.s32 v1, v5;
	_ =	sdelay $0x1  }
0x5a: {  	v4 =	vadd.s32 v1, v4;
	_ =	sdelay $0x1  }
0x5b: {  	s17 =	simm.s32 $0x6600  }
0x5c: {  	[tilespmem:s17], [sflag:$0x1] =	stream.indirect_vreg.gather [hbm4b:s3+s2], $0x80, v5, vm0, $0xb8;
	[tilespmem:$0x18600] =	vst v63  }
0x5d: {  	s19 =	simm.s32 $0x6E00  }
0x5e: {  	[tilespmem:s19], [sflag:$0x1] =	stream.indirect_vreg.gather [hbm4b:s3+s2], $0x80, v4, vm0, $0xb8;
	[tilespmem:$0x18600] =	vst v63  }
0x5f: {  	v4 =	vld [tilespmem:$0x90];
	_ =	sdelay $0x4  }
0x60: {  	v5 =	vshll.u32 v4, $0x1  }
0x61: {  	v4 =	vand.u32 $0x7, v4;
	v5 =	vand.u32 $0xFFFFFFF0, v5  }
0x62: {  	v4 =	vor.u32 v4, v5  }
0x63: {  	v5 =	vperm.xlane v4, v0;
	_ =	sdelay $0x1  }
0x64: {  	v4 =	vperm.xlane v4, v2;
	v5 =	vadd.s32 v1, v5;
	_ =	sdelay $0x1  }
0x65: {  	v4 =	vadd.s32 v1, v4;
	_ =	sdelay $0x1  }
0x66: {  	s20 =	simm.s32 $0x7600  }
0x67: {  	[tilespmem:s20], [sflag:$0x1] =	stream.indirect_vreg.gather [hbm4b:s3+s2], $0x80, v5, vm0, $0xb8;
	[tilespmem:$0x18600] =	vst v63  }
0x68: {  	s21 =	simm.s32 $0x7E00  }
0x69: {  	[tilespmem:s21], [sflag:$0x1] =	stream.indirect_vreg.gather [hbm4b:s3+s2], $0x80, v4, vm0, $0xb8;
	[tilespmem:$0x18600] =	vst v63  }
0x6a: {  	v4 =	vld.msk [tilespmem:$0xA0], $0xff;
	_ =	sdelay $0x4  }
0x6b: {  	v5 =	vshll.u32 v4, $0x1  }
0x6c: {  	v4 =	vand.u32 $0x7, v4;
	v5 =	vand.u32 $0xFFFFFFF0, v5  }
0x6d: {  	v4 =	vor.u32 v4, v5  }
0x6e: {  	v4 =	vperm.xlane v4, v0;
	_ =	sdelay $0x1  }
0x6f: {  	v4 =	vadd.s32 v1, v4;
	_ =	sdelay $0x3  }
0x70: {  	s22 =	simm.s32 $0x8600  }
0x71: {  	[tilespmem:s22], [sflag:$0x1] =	stream.indirect_vreg.gather [hbm4b:s3+s2], $0x80, v4, vm0, $0xb8;
	[tilespmem:$0x18600] =	vst v63  }
0x72: {  	s31 =	simm.s32 $0xB600  }
0x73: {  	[tilespmem:s31], [sflag:$0x1] =	stream.indirect.gather [hbm4b:s4+s29], $0x80, s7, s29, $0xb8;
	[tilespmem:$0x18600] =	vst v63  }
0x74: {  	s9 =	simm.s32 $0x0;
	s22 =	simm.s32 $0x0;
	s7 =	simm.s32 $0x0  }
.LBB2_2:
0x75: {  	s5 =	sshllo.u32 s9, $0x1  }
0x76: {  	s8 =	smul.u32 $0xA0, s5;
	_ =	sdelay $0x1  }
0x77: {  	s8 =	sshra.s32 s8, $0x2  }
0x78: {  	v4 =	vld [tilespmem:s8+$0x80];
	_ =	sdelay $0x4  }
0x79: {  	v5 =	vshll.u32 v4, $0x1  }
0x7a: {  	v4 =	vand.u32 $0x7, v4;
	v5 =	vand.u32 $0xFFFFFFF0, v5  }
0x7b: {  	v4 =	vor.u32 v4, v5  }
0x7c: {  	v5 =	vperm.xlane v4, v0;
	_ =	sdelay $0x1  }
0x7d: {  	v4 =	vperm.xlane v4, v2;
	v5 =	vadd.s32 v1, v5;
	_ =	sdelay $0x1  }
0x7e: {  	v4 =	vadd.s32 v1, v4;
	_ =	sdelay $0x1  }
0x7f: {  	s0 =	simm.s32 $0x8E00  }
0x80: {  	[tilespmem:s0], [sflag:$0x2] =	stream.indirect_vreg.gather [hbm4b:s3+s2], $0x80, v5, vm0, $0xb8;
	[tilespmem:$0x18600] =	vst v63  }
0x81: {  	s15 =	simm.s32 $0x9600  }
0x82: {  	[tilespmem:s15], [sflag:$0x2] =	stream.indirect_vreg.gather [hbm4b:s3+s2], $0x80, v4, vm0, $0xb8;
	[tilespmem:$0x18600] =	vst v63  }
0x83: {  	v4 =	vld [tilespmem:s8+$0x90];
	_ =	sdelay $0x4  }
0x84: {  	v5 =	vshll.u32 v4, $0x1  }
0x85: {  	v4 =	vand.u32 $0x7, v4;
	v5 =	vand.u32 $0xFFFFFFF0, v5  }
0x86: {  	v4 =	vor.u32 v4, v5  }
0x87: {  	v5 =	vperm.xlane v4, v0;
	_ =	sdelay $0x1  }
0x88: {  	v4 =	vperm.xlane v4, v2;
	v5 =	vadd.s32 v1, v5;
	_ =	sdelay $0x1  }
0x89: {  	v4 =	vadd.s32 v1, v4;
	_ =	sdelay $0x2  }
0x8a: {  	[tilespmem:s23], [sflag:$0x2] =	stream.indirect_vreg.gather [hbm4b:s3+s2], $0x80, v5, vm0, $0xb8;
	[tilespmem:$0x18600] =	vst v63  }
0x8b: {  	_ = 	snop  }
0x8c: {  	[tilespmem:s24], [sflag:$0x2] =	stream.indirect_vreg.gather [hbm4b:s3+s2], $0x80, v4, vm0, $0xb8;
	[tilespmem:$0x18600] =	vst v63  }
0x8d: {  	v4 =	vld.msk [tilespmem:s8+$0xA0], $0xff;
	_ =	sdelay $0x4  }
0x8e: {  	v5 =	vshll.u32 v4, $0x1  }
0x8f: {  	v4 =	vand.u32 $0x7, v4;
	v5 =	vand.u32 $0xFFFFFFF0, v5  }
0x90: {  	v4 =	vor.u32 v4, v5  }
0x91: {  	v4 =	vperm.xlane v4, v0;
	_ =	sdelay $0x1  }
0x92: {  	v4 =	vadd.s32 v1, v4;
	_ =	sdelay $0x1  }
0x93: {  	s5 =	smul.u32 $0x140, s5;
	_ =	sdelay $0x1  }
0x94: {  	s5 =	sshra.s32 s5, $0x2  }
0x95: {  	[tilespmem:s25], [sflag:$0x2] =	stream.indirect_vreg.gather [hbm4b:s3+s2], $0x80, v4, vm0, $0xb8;
	[tilespmem:$0x18600] =	vst v63  }
0x96: {  	s5 =	sadd.s32 $0xD00, s5  }
0x97: {  	[tilespmem:s26], [sflag:$0x2] =	stream.indirect.gather [hbm4b:s4+s29], $0x80, s5, s29, $0xb8;
	[tilespmem:$0x18600] =	vst v63  }
0x98: {  	p0 =	seq.s32 s9, $0x0;
	s5 =	sand.u32 $0x7, s9  }
0x99: {  	p1 =	sne.s32 @!p0 s5, $0x0  }
0x9a: {  	p0 =	por p1, p0  }
0x9b: {  	s5 =	sshll.u32 @!p0 s9, $0x11  }
0x9c: {  	s5 =	sadd.s32 @!p0 s18, s5  }
0x9d: {  	s5 =	sshrl.u32 @!p0 s5, $0x3  }
0x9e: {  	s8 =	simm.s32 @!p0 $0x0;
	s10 =	simm.s32 @!p0 $0x10600;
	s5 =	sadd.s32 @!p0 s6, s5  }
0x9f: {  	[hbm4b:s5+s8] =	stream.linear.scatter @!p0 [tilespmem:s10], [sflag:$0x4], $0x8000, $0x38;
	[tilespmem:$0x18600] =	vst v63  }
0xa0: {  	s5 =	simm.s32 @!p0 $0x4  }
0xa1: {  	_ =	swait.ge @!p0 [sflag:s5], $0x8000  }
0xa2: {  	[sflag:s5] =	ssyncset.done @!p0 $0x0  }
0xa3: {  	s16 =	sand.u32 $0xF, s22;
	s20 =	sand.u32 $0x7, s7;
	[sflag:s5] =	ssyncadd.s32 @!p0 $0xFFFF8000  }
0xa4: {  	s13 =	sshll.u32 s9, $0x1;
	s17 =	sshll.u32 s16, $0xA;
	_ =	swait.ge [sflag:s28], $0x2800  }
0xa5: {  	s19 =	sshll.u32 s16, $0xB;
	s21 =	sshll.u32 s20, $0xB;
	[sflag:s28] =	ssyncset.done $0x0  }
0xa6: {  	s31 =	sshll.u32 s20, $0xC;
	s16 =	simm.s32 $0xB880;
	[sflag:s28] =	ssyncadd.s32 $0xFFFFD800  }
0xa7: {  	s11 =	sadd.s32 $0x11270, s19;
	s12 =	sadd.s32 $0x2640, s21;
	_ =	swait.ge [sflag:s28], $0x2800  }
0xa8: {  	s14 =	sor.u32 $0x10A00, s31;
	s15 =	simm.s32 $0x0;
	[sflag:s28] =	ssyncset.done $0x0  }
0xa9: {  	s10 =	sadd.s32 $0x2A70, s17;
	s17 =	simm.s32 $0x0;
	[sflag:s28] =	ssyncadd.s32 $0xFFFFD800  }
.LBB2_3:
0xaa: {  	v9 =	vld [tilespmem:s12+$0xFFFFFFC0]  }
0xab: {  	v11 =	vld [tilespmem:s16+$0xFFFFFD80]  }
0xac: {  	v12 =	vld [tilespmem:s16+$0xFFFFFE00]  }
0xad: {  	v14 =	vld [tilespmem:s16+$0xFFFFFE80]  }
0xae: {  	v15 =	vld [tilespmem:s16+$0xFFFFFF00]  }
0xaf: {  	v17 =	vld [tilespmem:s16+$0xFFFFFF80]  }
0xb0: {  	s5 =	sand.u32 $0x3800, s15;
	s8 =	sand.u32 $0x380, s17;
	v18 =	vld [tilespmem:s16+$0x0]  }
0xb1: {  	s19 =	sadd.s32 $0x100, s15;
	s20 =	sadd.s32 $0x80, s17;
	v20 =	vld [tilespmem:s16+$0x80];
	s21 =	sor.u32 s8, s5  }
0xb2: {  	v21 =	vld [tilespmem:s16+$0x100];
	s31 =	sand.u32 $0x7800, s19;
	s0 =	sand.u32 $0x380, s20;
	s19 =	sadd.s32 $0x200, s15  }
0xb3: {  	v23 =	vld [tilespmem:s16+$0x180];
	s20 =	sadd.s32 $0x100, s17;
	s5 =	sor.u32 s0, s31;
	s8 =	sand.u32 $0x7800, s19  }
0xb4: {  	s19 =	sand.u32 $0x380, s20;
	s31 =	sadd.s32 $0x300, s15;
	v4 =	vld [tilespmem:s21+$0x6A00];
	s0 =	sadd.s32 $0x180, s17  }
0xb5: {  	s8 =	sor.u32 s19, s8;
	s19 =	sand.u32 $0x7800, s31;
	v5 =	vld [tilespmem:s5+$0x6A00];
	s20 =	sand.u32 $0x380, s0  }
0xb6: {  	s31 =	sadd.s32 $0x400, s15;
	s0 =	sadd.s32 $0x200, s17;
	s20 =	sor.u32 s20, s19;
	v6 =	vld [tilespmem:s8+$0x6A00]  }
0xb7: {  	s31 =	sand.u32 $0x7800, s31;
	s0 =	sand.u32 $0x380, s0;
	v7 =	vld [tilespmem:s20+$0x6A00]  }
0xb8: {  	v59 =	vld [tilespmem:s16+$0x200];
	s19 =	sor.u32 s0, s31  }
0xb9: {  	v8 =	vld [tilespmem:s19+$0x6A00]  }
0xba: {  	v10 =	vld [tilespmem:s21+$0x6600]  }
0xbb: {  	v60 =	vld [tilespmem:s21+$0x6A10]  }
0xbc: {  	v13 =	vld [tilespmem:s5+$0x6600];
	v4 =	vadd.f32 v5, v4;
	v5 =	vadd.f32 v7, v6  }
0xbd: {  	v61 =	vld [tilespmem:s5+$0x6A10]  }
0xbe: {  	v16 =	vld [tilespmem:s8+$0x6600];
	v4 =	vadd.f32 v5, v4;
	v5 =	vadd.f32 v9, v8  }
0xbf: {  	v62 =	vld [tilespmem:s8+$0x6A10]  }
0xc0: {  	v19 =	vld [tilespmem:s20+$0x6600];
	v4 =	vadd.f32 v5, v4  }
0xc1: {  	v22 =	vld [tilespmem:s19+$0x6600]  }
0xc2: {  	v24 =	vld [tilespmem:s19+$0x6A10];
	vm1 =	vgt.f32 v4, $1.000000000e+00  }
0xc3: {  	v5 =	vld [tilespmem:s20+$0x6A10];
	v25 =	vsel vm1, $0x3F800000, v3  }
0xc4: {  	v4 =	vld [tilespmem:s12+$0xFFFFFFD0];
	[tilespmem:s14+$0xFFFFFC00] =	vst v25  }
0xc5: {  	v11 =	vadd.f32 v12, v11;
	v25 =	vld [tilespmem:s21+$0x6610]  }
0xc6: {  	v27 =	vadd.f32 v15, v14;
	v29 =	vadd.f32 v18, v17;
	v63 =	vld [tilespmem:s16+$0xFFFFFD90]  }
0xc7: {  	v30 =	vadd.f32 v21, v20;
	v10 =	vadd.f32 v11, v10;
	v26 =	vld [tilespmem:s16+$0xFFFFFE10]  }
0xc8: {  	v11 =	vadd.f32 v27, v13;
	v28 =	vld [tilespmem:s5+$0x6610]  }
0xc9: {  	v33 =	vadd.f32 v29, v16;
	v34 =	vadd.f32 v30, v19;
	vm1 =	vgt.f32 v10, $1.000000000e+00;
	v31 =	vld [tilespmem:s16+$0xFFFFFE90]  }
0xca: {  	v6 =	vadd.f32 v59, v23;
	v35 =	vsel vm1, $0x3F800000, v3;
	vm1 =	vgt.f32 v11, $1.000000000e+00;
	v32 =	vld [tilespmem:s16+$0xFFFFFF10]  }
0xcb: {  	vm2 =	vgt.f32 v34, $1.000000000e+00;
	v36 =	vld [tilespmem:s8+$0x6610];
	v37 =	vsel vm1, $0x3F800000, v3;
	vm1 =	vgt.f32 v33, $1.000000000e+00  }
0xcc: {  	v6 =	vadd.f32 v6, v22;
	v41 =	vsel vm2, $0x3F800000, v3;
	v38 =	vld [tilespmem:s16+$0xFFFFFF90];
	v40 =	vsel vm1, $0x3F800000, v3  }
0xcd: {  	v39 =	vld [tilespmem:s16+$0x10];
	v16 =	vadd.f32 v37, v35;
	v15 =	vadd.f32 v41, v40  }
0xce: {  	v42 =	vld [tilespmem:s20+$0x6610]  }
0xcf: {  	v43 =	vld [tilespmem:s16+$0x90];
	vm1 =	vgt.f32 v6, $1.000000000e+00;
	v45 =	vadd.f32 v15, v16  }
0xd0: {  	v7 =	vadd.f32 v61, v60;
	v44 =	vld [tilespmem:s16+$0x110];
	v47 =	vsel vm1, $0x3F800000, v3  }
0xd1: {  	v46 =	vld [tilespmem:s19+$0x6610];
	v5 =	vadd.f32 v5, v62;
	v6 =	vadd.f32 v47, v45  }
0xd2: {  	v48 =	vld [tilespmem:s16+$0x190]  }
0xd3: {  	v49 =	vld [tilespmem:s16+$0x210];
	v5 =	vadd.f32 v5, v7;
	v4 =	vadd.f32 v4, v24;
	[tilespmem:s14+$0x0] =	vst v6  }
0xd4: {  	v6 =	vld [tilespmem:s21+$0x6A20]  }
0xd5: {  	v4 =	vadd.f32 v4, v5;
	v50 =	vld [tilespmem:s5+$0x6A20]  }
0xd6: {  	v51 =	vld [tilespmem:s8+$0x6A20]  }
0xd7: {  	vm1 =	vgt.f32 v4, $1.000000000e+00;
	v5 =	vld [tilespmem:s20+$0x6A20]  }
0xd8: {  	v53 =	vsel vm1, $0x3F800000, v3;
	v52 =	vld [tilespmem:s19+$0x6A20]  }
0xd9: {  	v4 =	vld [tilespmem:s12+$0xFFFFFFE0];
	[tilespmem:s14+$0xFFFFFC10] =	vst v53  }
0xda: {  	v12 =	vadd.f32 v26, v63;
	v23 =	vld [tilespmem:s21+$0x6620]  }
0xdb: {  	v10 =	vadd.f32 v32, v31;
	v13 =	vadd.f32 v39, v38;
	v54 =	vld [tilespmem:s16+$0xFFFFFDA0]  }
0xdc: {  	v17 =	vadd.f32 v44, v43;
	v12 =	vadd.f32 v12, v25;
	v55 =	vld [tilespmem:s16+$0xFFFFFE20]  }
0xdd: {  	v10 =	vadd.f32 v10, v28;
	v56 =	vld [tilespmem:s5+$0x6620]  }
0xde: {  	v11 =	vadd.f32 v13, v36;
	v59 =	vadd.f32 v17, v42;
	vm1 =	vgt.f32 v12, $1.000000000e+00;
	v57 =	vld [tilespmem:s16+$0xFFFFFEA0]  }
0xdf: {  	v16 =	vadd.f32 v49, v48;
	v58 =	vld [tilespmem:s16+$0xFFFFFF20];
	v60 =	vsel vm1, $0x3F800000, v3;
	vm1 =	vgt.f32 v10, $1.000000000e+00  }
0xe0: {  	vm2 =	vgt.f32 v59, $1.000000000e+00;
	v61 =	vld [tilespmem:s8+$0x6620];
	v62 =	vsel vm1, $0x3F800000, v3;
	vm1 =	vgt.f32 v11, $1.000000000e+00  }
0xe1: {  	v15 =	vadd.f32 v16, v46;
	v63 =	vld [tilespmem:s16+$0xFFFFFFA0];
	v30 =	vsel vm2, $0x3F800000, v3;
	v29 =	vsel vm1, $0x3F800000, v3  }
0xe2: {  	v28 =	vld [tilespmem:s16+$0x20];
	v14 =	vadd.f32 v62, v60;
	v13 =	vadd.f32 v30, v29  }
0xe3: {  	v31 =	vld [tilespmem:s20+$0x6620]  }
0xe4: {  	v32 =	vld [tilespmem:s16+$0xA0];
	vm1 =	vgt.f32 v15, $1.000000000e+00;
	v13 =	vadd.f32 v13, v14  }
0xe5: {  	v33 =	vld [tilespmem:s16+$0x120];
	v15 =	vsel vm1, $0x3F800000, v3;
	v6 =	vadd.f32 v50, v6  }
0xe6: {  	v34 =	vld [tilespmem:s19+$0x6620];
	v5 =	vadd.f32 v5, v51;
	v13 =	vadd.f32 v15, v13  }
0xe7: {  	v35 =	vld [tilespmem:s16+$0x1A0]  }
0xe8: {  	v36 =	vld [tilespmem:s16+$0x220];
	v4 =	vadd.f32 v4, v52;
	v5 =	vadd.f32 v5, v6;
	[tilespmem:s14+$0x10] =	vst v13  }
0xe9: {  	v37 =	vld [tilespmem:s21+$0x6A30]  }
0xea: {  	v4 =	vadd.f32 v4, v5;
	v38 =	vld [tilespmem:s5+$0x6A30]  }
0xeb: {  	v39 =	vld [tilespmem:s8+$0x6A30]  }
0xec: {  	v5 =	vld [tilespmem:s20+$0x6A30];
	vm1 =	vgt.f32 v4, $1.000000000e+00  }
0xed: {  	v40 =	vld [tilespmem:s19+$0x6A30];
	v41 =	vsel vm1, $0x3F800000, v3  }
0xee: {  	v4 =	vld [tilespmem:s12+$0xFFFFFFF0];
	[tilespmem:s14+$0xFFFFFC20] =	vst v41  }
0xef: {  	v24 =	vadd.f32 v55, v54;
	v13 =	vld [tilespmem:s21+$0x6630]  }
0xf0: {  	v12 =	vadd.f32 v58, v57;
	v11 =	vadd.f32 v28, v63;
	v42 =	vld [tilespmem:s16+$0xFFFFFDB0]  }
0xf1: {  	v17 =	vadd.f32 v33, v32;
	v23 =	vadd.f32 v24, v23;
	v43 =	vld [tilespmem:s16+$0xFFFFFE30]  }
0xf2: {  	v12 =	vadd.f32 v12, v56;
	v44 =	vld [tilespmem:s5+$0x6630]  }
0xf3: {  	v10 =	vadd.f32 v11, v61;
	v47 =	vadd.f32 v17, v31;
	vm1 =	vgt.f32 v23, $1.000000000e+00;
	v45 =	vld [tilespmem:s16+$0xFFFFFEB0]  }
0xf4: {  	v15 =	vadd.f32 v36, v35;
	v48 =	vsel vm1, $0x3F800000, v3;
	vm1 =	vgt.f32 v12, $1.000000000e+00;
	v46 =	vld [tilespmem:s16+$0xFFFFFF30]  }
0xf5: {  	vm2 =	vgt.f32 v47, $1.000000000e+00;
	v49 =	vld [tilespmem:s8+$0x6630];
	v50 =	vsel vm1, $0x3F800000, v3;
	vm1 =	vgt.f32 v10, $1.000000000e+00  }
0xf6: {  	v14 =	vadd.f32 v15, v34;
	v54 =	vsel vm2, $0x3F800000, v3;
	v51 =	vld [tilespmem:s16+$0xFFFFFFB0];
	v53 =	vsel vm1, $0x3F800000, v3  }
0xf7: {  	v52 =	vld [tilespmem:s16+$0x30];
	v16 =	vadd.f32 v50, v48;
	v11 =	vadd.f32 v54, v53  }
0xf8: {  	v55 =	vld [tilespmem:s20+$0x6630]  }
0xf9: {  	v56 =	vld [tilespmem:s16+$0xB0];
	vm1 =	vgt.f32 v14, $1.000000000e+00;
	v11 =	vadd.f32 v11, v16  }
0xfa: {  	v57 =	vld [tilespmem:s16+$0x130];
	v59 =	vsel vm1, $0x3F800000, v3;
	v6 =	vadd.f32 v38, v37  }
0xfb: {  	v58 =	vld [tilespmem:s19+$0x6630];
	v5 =	vadd.f32 v5, v39;
	v11 =	vadd.f32 v59, v11  }
0xfc: {  	v60 =	vld [tilespmem:s16+$0x1B0]  }
0xfd: {  	v61 =	vld [tilespmem:s16+$0x230];
	v4 =	vadd.f32 v4, v40;
	v5 =	vadd.f32 v5, v6;
	[tilespmem:s14+$0x20] =	vst v11  }
0xfe: {  	v62 =	vld [tilespmem:s21+$0x6A40]  }
0xff: {  	v4 =	vadd.f32 v4, v5;
	v63 =	vld [tilespmem:s5+$0x6A40]  }
0x100: {  	v28 =	vld [tilespmem:s8+$0x6A40]  }
0x101: {  	vm1 =	vgt.f32 v4, $1.000000000e+00;
	v5 =	vld [tilespmem:s20+$0x6A40]  }
0x102: {  	v29 =	vld [tilespmem:s19+$0x6A40];
	v30 =	vsel vm1, $0x3F800000, v3  }
0x103: {  	v4 =	vld [tilespmem:s12+$0x0];
	[tilespmem:s14+$0xFFFFFC30] =	vst v30  }
0x104: {  	v31 =	vadd.f32 v43, v42;
	v11 =	vld [tilespmem:s21+$0x6640]  }
0x105: {  	v18 =	vadd.f32 v46, v45;
	v10 =	vadd.f32 v52, v51;
	v32 =	vld [tilespmem:s16+$0xFFFFFDC0]  }
0x106: {  	v17 =	vadd.f32 v57, v56;
	v13 =	vadd.f32 v31, v13;
	v33 =	vld [tilespmem:s16+$0xFFFFFE40]  }
0x107: {  	v18 =	vadd.f32 v18, v44;
	v34 =	vld [tilespmem:s5+$0x6640]  }
0x108: {  	v10 =	vadd.f32 v10, v49;
	v37 =	vadd.f32 v17, v55;
	vm1 =	vgt.f32 v13, $1.000000000e+00;
	v35 =	vld [tilespmem:s16+$0xFFFFFEC0]  }
0x109: {  	v16 =	vadd.f32 v61, v60;
	v38 =	vsel vm1, $0x3F800000, v3;
	vm1 =	vgt.f32 v18, $1.000000000e+00;
	v36 =	vld [tilespmem:s16+$0xFFFFFF40]  }
0x10a: {  	vm2 =	vgt.f32 v37, $1.000000000e+00;
	v39 =	vld [tilespmem:s8+$0x6640];
	v18 =	vsel vm1, $0x3F800000, v3;
	vm1 =	vgt.f32 v10, $1.000000000e+00  }
0x10b: {  	v14 =	vadd.f32 v16, v58;
	v43 =	vsel vm2, $0x3F800000, v3;
	v40 =	vld [tilespmem:s16+$0xFFFFFFC0];
	v42 =	vsel vm1, $0x3F800000, v3  }
0x10c: {  	v41 =	vld [tilespmem:s16+$0x40];
	v15 =	vadd.f32 v18, v38;
	v12 =	vadd.f32 v43, v42  }
0x10d: {  	v44 =	vld [tilespmem:s20+$0x6640]  }
0x10e: {  	v45 =	vld [tilespmem:s16+$0xC0];
	vm1 =	vgt.f32 v14, $1.000000000e+00;
	v12 =	vadd.f32 v12, v15  }
0x10f: {  	v46 =	vld [tilespmem:s16+$0x140];
	v48 =	vsel vm1, $0x3F800000, v3;
	v6 =	vadd.f32 v63, v62  }
0x110: {  	v47 =	vld [tilespmem:s19+$0x6640];
	v5 =	vadd.f32 v5, v28;
	v12 =	vadd.f32 v48, v12  }
0x111: {  	v49 =	vld [tilespmem:s16+$0x1C0]  }
0x112: {  	v50 =	vld [tilespmem:s16+$0x240];
	v4 =	vadd.f32 v4, v29;
	v5 =	vadd.f32 v5, v6;
	[tilespmem:s14+$0x30] =	vst v12  }
0x113: {  	v51 =	vld [tilespmem:s21+$0x6A50]  }
0x114: {  	v4 =	vadd.f32 v4, v5;
	v52 =	vld [tilespmem:s5+$0x6A50]  }
0x115: {  	v53 =	vld [tilespmem:s8+$0x6A50]  }
0x116: {  	v5 =	vld [tilespmem:s20+$0x6A50];
	vm1 =	vgt.f32 v4, $1.000000000e+00  }
0x117: {  	v54 =	vld [tilespmem:s19+$0x6A50];
	v55 =	vsel vm1, $0x3F800000, v3  }
0x118: {  	v4 =	vld [tilespmem:s12+$0x10];
	[tilespmem:s14+$0xFFFFFC40] =	vst v55  }
0x119: {  	v56 =	vadd.f32 v33, v32;
	v12 =	vld [tilespmem:s21+$0x6650]  }
0x11a: {  	v13 =	vadd.f32 v36, v35;
	v10 =	vadd.f32 v41, v40;
	v57 =	vld [tilespmem:s16+$0xFFFFFDD0]  }
0x11b: {  	v18 =	vadd.f32 v46, v45;
	v11 =	vadd.f32 v56, v11;
	v58 =	vld [tilespmem:s16+$0xFFFFFE50]  }
0x11c: {  	v13 =	vadd.f32 v13, v34;
	v59 =	vld [tilespmem:s5+$0x6650]  }
0x11d: {  	v10 =	vadd.f32 v10, v39;
	v16 =	vadd.f32 v18, v44;
	vm1 =	vgt.f32 v11, $1.000000000e+00;
	v60 =	vld [tilespmem:s16+$0xFFFFFED0]  }
0x11e: {  	v15 =	vadd.f32 v50, v49;
	v62 =	vsel vm1, $0x3F800000, v3;
	vm1 =	vgt.f32 v13, $1.000000000e+00;
	v61 =	vld [tilespmem:s16+$0xFFFFFF50]  }
0x11f: {  	vm2 =	vgt.f32 v16, $1.000000000e+00;
	v63 =	vld [tilespmem:s8+$0x6650];
	v28 =	vsel vm1, $0x3F800000, v3;
	vm1 =	vgt.f32 v10, $1.000000000e+00  }
0x120: {  	v14 =	vadd.f32 v15, v47;
	v32 =	vsel vm2, $0x3F800000, v3;
	v29 =	vld [tilespmem:s16+$0xFFFFFFD0];
	v31 =	vsel vm1, $0x3F800000, v3  }
0x121: {  	v30 =	vld [tilespmem:s16+$0x50];
	v17 =	vadd.f32 v28, v62;
	v16 =	vadd.f32 v32, v31  }
0x122: {  	v33 =	vld [tilespmem:s20+$0x6650]  }
0x123: {  	v34 =	vld [tilespmem:s16+$0xD0];
	vm1 =	vgt.f32 v14, $1.000000000e+00;
	v36 =	vadd.f32 v16, v17  }
0x124: {  	v35 =	vld [tilespmem:s16+$0x150];
	v38 =	vsel vm1, $0x3F800000, v3;
	v6 =	vadd.f32 v52, v51  }
0x125: {  	v37 =	vld [tilespmem:s19+$0x6650];
	v5 =	vadd.f32 v5, v53;
	v14 =	vadd.f32 v38, v36  }
0x126: {  	v39 =	vld [tilespmem:s16+$0x1D0]  }
0x127: {  	v40 =	vld [tilespmem:s16+$0x250];
	v4 =	vadd.f32 v4, v54;
	v5 =	vadd.f32 v5, v6;
	[tilespmem:s14+$0x40] =	vst v14  }
0x128: {  	v41 =	vld [tilespmem:s21+$0x6A60]  }
0x129: {  	v4 =	vadd.f32 v4, v5;
	v42 =	vld [tilespmem:s5+$0x6A60]  }
0x12a: {  	v43 =	vld [tilespmem:s8+$0x6A60]  }
0x12b: {  	vm1 =	vgt.f32 v4, $1.000000000e+00;
	v5 =	vld [tilespmem:s20+$0x6A60]  }
0x12c: {  	v44 =	vld [tilespmem:s19+$0x6A60];
	v45 =	vsel vm1, $0x3F800000, v3  }
0x12d: {  	v4 =	vld [tilespmem:s12+$0x20];
	[tilespmem:s14+$0xFFFFFC50] =	vst v45  }
0x12e: {  	v46 =	vadd.f32 v58, v57;
	v14 =	vld [tilespmem:s21+$0x6660]  }
0x12f: {  	v11 =	vadd.f32 v61, v60;
	v10 =	vadd.f32 v30, v29;
	v47 =	vld [tilespmem:s16+$0xFFFFFDE0]  }
0x130: {  	v18 =	vadd.f32 v35, v34;
	v12 =	vadd.f32 v46, v12;
	v48 =	vld [tilespmem:s16+$0xFFFFFE60]  }
0x131: {  	v11 =	vadd.f32 v11, v59;
	v49 =	vld [tilespmem:s5+$0x6660]  }
0x132: {  	v10 =	vadd.f32 v10, v63;
	v52 =	vadd.f32 v18, v33;
	vm1 =	vgt.f32 v12, $1.000000000e+00;
	v50 =	vld [tilespmem:s16+$0xFFFFFEE0]  }
0x133: {  	v17 =	vadd.f32 v40, v39;
	v53 =	vsel vm1, $0x3F800000, v3;
	vm1 =	vgt.f32 v11, $1.000000000e+00;
	v51 =	vld [tilespmem:s16+$0xFFFFFF60]  }
0x134: {  	vm2 =	vgt.f32 v52, $1.000000000e+00;
	v54 =	vld [tilespmem:s8+$0x6660];
	v55 =	vsel vm1, $0x3F800000, v3;
	vm1 =	vgt.f32 v10, $1.000000000e+00  }
0x135: {  	v16 =	vadd.f32 v17, v37;
	v59 =	vsel vm2, $0x3F800000, v3;
	v56 =	vld [tilespmem:s16+$0xFFFFFFE0];
	v58 =	vsel vm1, $0x3F800000, v3  }
0x136: {  	v57 =	vld [tilespmem:s16+$0x60];
	v15 =	vadd.f32 v55, v53;
	v13 =	vadd.f32 v59, v58  }
0x137: {  	v60 =	vld [tilespmem:s20+$0x6660]  }
0x138: {  	v61 =	vld [tilespmem:s16+$0xE0];
	vm1 =	vgt.f32 v16, $1.000000000e+00;
	v13 =	vadd.f32 v13, v15  }
0x139: {  	v62 =	vld [tilespmem:s16+$0x160];
	v16 =	vsel vm1, $0x3F800000, v3;
	v6 =	vadd.f32 v42, v41  }
0x13a: {  	v63 =	vld [tilespmem:s19+$0x6660];
	v5 =	vadd.f32 v5, v43;
	v13 =	vadd.f32 v16, v13  }
0x13b: {  	v28 =	vld [tilespmem:s16+$0x1E0]  }
0x13c: {  	v29 =	vld [tilespmem:s16+$0x260];
	v4 =	vadd.f32 v4, v44;
	v5 =	vadd.f32 v5, v6;
	[tilespmem:s14+$0x50] =	vst v13  }
0x13d: {  	v30 =	vld [tilespmem:s21+$0x6A70]  }
0x13e: {  	v4 =	vadd.f32 v4, v5;
	v31 =	vld [tilespmem:s5+$0x6A70]  }
0x13f: {  	v32 =	vld [tilespmem:s8+$0x6A70]  }
0x140: {  	v5 =	vld [tilespmem:s20+$0x6A70];
	vm1 =	vgt.f32 v4, $1.000000000e+00  }
0x141: {  	v33 =	vld [tilespmem:s19+$0x6A70];
	v34 =	vsel vm1, $0x3F800000, v3  }
0x142: {  	v4 =	vld [tilespmem:s12+$0x30];
	[tilespmem:s14+$0xFFFFFC60] =	vst v34  }
0x143: {  	v13 =	vld [tilespmem:s21+$0x6670]  }
0x144: {  	v35 =	vld [tilespmem:s16+$0xFFFFFDF0]  }
0x145: {  	v36 =	vld [tilespmem:s16+$0xFFFFFE70]  }
0x146: {  	v25 =	vadd.f32 v48, v47;
	v37 =	vld [tilespmem:s5+$0x6670]  }
0x147: {  	v12 =	vadd.f32 v51, v50;
	v10 =	vadd.f32 v57, v56;
	v38 =	vld [tilespmem:s16+$0xFFFFFEF0]  }
0x148: {  	v18 =	vadd.f32 v62, v61;
	v14 =	vadd.f32 v25, v14;
	v39 =	vld [tilespmem:s16+$0xFFFFFF70]  }
0x149: {  	v12 =	vadd.f32 v12, v49;
	v40 =	vld [tilespmem:s8+$0x6670]  }
0x14a: {  	v10 =	vadd.f32 v10, v54;
	v41 =	vadd.f32 v18, v60;
	vm1 =	vgt.f32 v14, $1.000000000e+00;
	v43 =	vld [tilespmem:s16+$0xFFFFFFF0]  }
0x14b: {  	v16 =	vadd.f32 v29, v28;
	v42 =	vsel vm1, $0x3F800000, v3;
	vm1 =	vgt.f32 v12, $1.000000000e+00;
	v45 =	vld [tilespmem:s16+$0x70]  }
0x14c: {  	vm2 =	vgt.f32 v41, $1.000000000e+00;
	v44 =	vsel vm1, $0x3F800000, v3;
	vm1 =	vgt.f32 v10, $1.000000000e+00;
	v46 =	vld [tilespmem:s16+$0xF0]  }
0x14d: {  	v15 =	vadd.f32 v16, v63;
	v47 =	vsel vm2, $0x3F800000, v3;
	v48 =	vld [tilespmem:s16+$0x170];
	v10 =	vsel vm1, $0x3F800000, v3  }
0x14e: {  	v49 =	vld [tilespmem:s20+$0x6670];
	v17 =	vadd.f32 v44, v42;
	v10 =	vadd.f32 v47, v10  }
0x14f: {  	v50 =	vld [tilespmem:s16+$0x1F0];
	v6 =	vadd.f32 v31, v30;
	v51 =	vadd.f32 v36, v35  }
0x150: {  	v52 =	vld [tilespmem:s16+$0x270];
	v5 =	vadd.f32 v5, v32;
	v53 =	vadd.f32 v39, v38  }
0x151: {  	v12 =	vadd.f32 v45, v43;
	v13 =	vadd.f32 v51, v13  }
0x152: {  	v54 =	vld [tilespmem:s19+$0x6670];
	v11 =	vadd.f32 v48, v46;
	v7 =	vadd.f32 v53, v37  }
0x153: {  	v4 =	vadd.f32 v4, v33;
	v55 =	vadd.f32 v12, v40;
	vm1 =	vgt.f32 v13, $1.000000000e+00  }
0x154: {  	v57 =	vadd.f32 v11, v49;
	v56 =	vsel vm1, $0x3F800000, v3;
	vm1 =	vgt.f32 v7, $1.000000000e+00  }
0x155: {  	v59 =	vadd.f32 v52, v50;
	v58 =	vsel vm1, $0x3F800000, v3;
	vm1 =	vgt.f32 v55, $1.000000000e+00  }
0x156: {  	v10 =	vadd.f32 v10, v17;
	v60 =	vsel vm1, $0x3F800000, v3;
	vm1 =	vgt.f32 v57, $1.000000000e+00  }
0x157: {  	v5 =	vadd.f32 v5, v6;
	v8 =	vadd.f32 v59, v54;
	v7 =	vsel vm1, $0x3F800000, v3  }
0x158: {  	v61 =	vadd.f32 v58, v56;
	vm1 =	vgt.f32 v15, $1.000000000e+00;
	v6 =	vadd.f32 v7, v60  }
0x159: {  	p0 =	sne.s32 s17, $0x1180;
	v4 =	vadd.f32 v4, v5;
	v62 =	vsel vm1, $0x3F800000, v3  }
.Ltmp0:
0x15a: {  	vm1 =	vgt.f32 v8, $1.000000000e+00;
	v5 =	vadd.f32 v62, v10;
	v6 =	vadd.f32 v6, v61;
	(pc) =	sbr.rel @p0 .LBB2_3-.Ltmp0, $4  }
0x15b: {  	v63 =	vsel vm1, $0x3F800000, v3;
	vm1 =	vgt.f32 v4, $1.000000000e+00  }
0x15c: {  	v4 =	vsel vm1, $0x3F800000, v3;
	[tilespmem:s14+$0x60] =	vst v5;
	v5 =	vadd.f32 v63, v6  }
0x15d: {  	s15 =	sadd.s32 $0x500, s15;
	s17 =	sadd.s32 $0x280, s17;
	[tilespmem:s14+$0xFFFFFC70] =	vst v4  }
0x15e: {  	s12 =	sadd.s32 $0x80, s12;
	s16 =	sadd.s32 $0x500, s16;
	[tilespmem:s14+$0x70] =	vst v5;
	s14 =	sadd.s32 $0x80, s14  }
0x15f: {  	p0 =	seq.s32 s9, $0x27  }
0x160: {  	s0 =	sadd.s32 @!p0 $0x2, s13  }
0x161: {  	s5 =	smul.u32 @!p0 $0xA0, s0;
	_ =	sdelay $0x1  }
0x162: {  	s5 =	sshra.s32 @!p0 s5, $0x2  }
0x163: {  	v4 =	vld @!p0 [tilespmem:s5+$0x80];
	_ =	sdelay $0x4  }
0x164: {  	v5 =	vshll.u32 @!p0 v4, $0x1  }
0x165: {  	v6 =	vlaneseq.u32 @!p0;
	v4 =	vand.u32 @!p0 $0x7, v4;
	v5 =	vand.u32 @!p0 $0xFFFFFFF0, v5  }
0x166: {  	v7 =	vshrl.u32 @!p0 v6, $0x3;
	v4 =	vor.u32 @!p0 v4, v5;
	v5 =	vand.u32 @!p0 $0x7, v6  }
0x167: {  	v7 =	vmul.u32 @!p0 $0x8, v7;
	v8 =	vperm.xlane @!p0 v4, v5  }
0x168: {  	v6 =	vor.u32 @!p0 $0x8, v6  }
0x169: {  	v4 =	vperm.xlane @!p0 v4, v6;
	v8 =	vadd.s32 @!p0 v7, v8;
	_ =	sdelay $0x1  }
0x16a: {  	v4 =	vadd.s32 @!p0 v7, v4;
	_ =	sdelay $0x1  }
0x16b: {  	vm1 =	vmmov @!p0 $0xffff;
	s8 =	simm.s32 @!p0 $0x0;
	s12 =	simm.s32 @!p0 $0x6600  }
0x16c: {  	[tilespmem:s12], [sflag:$0x1] =	stream.indirect_vreg.gather @!p0 [hbm4b:s3+s8], $0x80, v8, vm1, $0xb8;
	[tilespmem:$0x18600] =	vst v63  }
0x16d: {  	s12 =	simm.s32 @!p0 $0x6E00  }
0x16e: {  	[tilespmem:s12], [sflag:$0x1] =	stream.indirect_vreg.gather @!p0 [hbm4b:s3+s8], $0x80, v4, vm1, $0xb8;
	[tilespmem:$0x18600] =	vst v63  }
0x16f: {  	v4 =	vld @!p0 [tilespmem:s5+$0x90];
	_ =	sdelay $0x4  }
0x170: {  	v8 =	vshll.u32 @!p0 v4, $0x1  }
0x171: {  	v4 =	vand.u32 @!p0 $0x7, v4;
	v8 =	vand.u32 @!p0 $0xFFFFFFF0, v8  }
0x172: {  	v4 =	vor.u32 @!p0 v4, v8  }
0x173: {  	v8 =	vperm.xlane @!p0 v4, v5;
	_ =	sdelay $0x1  }
0x174: {  	v4 =	vperm.xlane @!p0 v4, v6;
	v8 =	vadd.s32 @!p0 v7, v8;
	_ =	sdelay $0x1  }
0x175: {  	v4 =	vadd.s32 @!p0 v7, v4;
	_ =	sdelay $0x1  }
0x176: {  	s12 =	simm.s32 @!p0 $0x7600  }
0x177: {  	[tilespmem:s12], [sflag:$0x1] =	stream.indirect_vreg.gather @!p0 [hbm4b:s3+s8], $0x80, v8, vm1, $0xb8;
	[tilespmem:$0x18600] =	vst v63  }
0x178: {  	s12 =	simm.s32 @!p0 $0x7E00  }
0x179: {  	[tilespmem:s12], [sflag:$0x1] =	stream.indirect_vreg.gather @!p0 [hbm4b:s3+s8], $0x80, v4, vm1, $0xb8;
	[tilespmem:$0x18600] =	vst v63  }
0x17a: {  	v4 =	vld.msk @!p0 [tilespmem:s5+$0xA0], $0xff;
	_ =	sdelay $0x4  }
0x17b: {  	v6 =	vshll.u32 @!p0 v4, $0x1  }
0x17c: {  	v4 =	vand.u32 @!p0 $0x7, v4;
	v6 =	vand.u32 @!p0 $0xFFFFFFF0, v6  }
0x17d: {  	v4 =	vor.u32 @!p0 v4, v6  }
0x17e: {  	v4 =	vperm.xlane @!p0 v4, v5;
	_ =	sdelay $0x1  }
0x17f: {  	v4 =	vadd.s32 @!p0 v7, v4;
	_ =	sdelay $0x1  }
0x180: {  	s0 =	smul.u32 @!p0 $0x140, s0;
	_ =	sdelay $0x1  }
0x181: {  	s0 =	sshra.s32 @!p0 s0, $0x2;
	s5 =	simm.s32 @!p0 $0x8600  }
0x182: {  	[tilespmem:s5], [sflag:$0x1] =	stream.indirect_vreg.gather @!p0 [hbm4b:s3+s8], $0x80, v4, vm1, $0xb8;
	[tilespmem:$0x18600] =	vst v63  }
0x183: {  	s0 =	sadd.s32 @!p0 $0xD00, s0;
	s5 =	simm.s32 @!p0 $0x50;
	s8 =	simm.s32 @!p0 $0xB600  }
0x184: {  	[tilespmem:s8], [sflag:$0x1] =	stream.indirect.gather @!p0 [hbm4b:s4+s5], $0x80, s0, s5, $0xb8;
	[tilespmem:$0x18600] =	vst v63  }
0x185: {  	_ =	swait.ge [sflag:s30], $0x2800  }
0x186: {  	[sflag:s30] =	ssyncset.done $0x0  }
0x187: {  	[sflag:s30] =	ssyncadd.s32 $0xFFFFD800  }
0x188: {  	_ =	swait.ge [sflag:s30], $0x2800  }
0x189: {  	s14 =	simm.s32 $0x0;
	[sflag:s30] =	ssyncset.done $0x0  }
0x18a: {  	s13 =	simm.s32 $0xE080;
	s12 =	simm.s32 $0x0;
	[sflag:s30] =	ssyncadd.s32 $0xFFFFD800  }
.LBB2_5:
0x18b: {  	v9 =	vld [tilespmem:s10+$0xFFFFFF90]  }
0x18c: {  	v11 =	vld [tilespmem:s13+$0xFFFFFD80]  }
0x18d: {  	v12 =	vld [tilespmem:s13+$0xFFFFFE00]  }
0x18e: {  	v14 =	vld [tilespmem:s13+$0xFFFFFE80]  }
0x18f: {  	v15 =	vld [tilespmem:s13+$0xFFFFFF00]  }
0x190: {  	v17 =	vld [tilespmem:s13+$0xFFFFFF80]  }
0x191: {  	s0 =	sand.u32 $0x3800, s12;
	s5 =	sand.u32 $0x380, s14;
	v18 =	vld [tilespmem:s13+$0x0]  }
0x192: {  	s8 =	sadd.s32 $0x100, s12;
	s15 =	sadd.s32 $0x80, s14;
	s20 =	sadd.s32 $0x200, s12;
	v20 =	vld [tilespmem:s13+$0x80]  }
0x193: {  	s21 =	sadd.s32 $0x100, s14;
	s31 =	sadd.s32 $0x300, s12;
	v21 =	vld [tilespmem:s13+$0x100];
	s17 =	sor.u32 s5, s0  }
0x194: {  	v23 =	vld [tilespmem:s13+$0x180];
	s16 =	sand.u32 $0x7800, s8;
	s19 =	sand.u32 $0x380, s15;
	s0 =	sand.u32 $0x7800, s20  }
0x195: {  	s8 =	sand.u32 $0x380, s21;
	s20 =	sadd.s32 $0x180, s14;
	s5 =	sor.u32 s19, s16;
	v4 =	vld [tilespmem:s17+$0x9200]  }
0x196: {  	s8 =	sor.u32 s8, s0;
	s16 =	sand.u32 $0x7800, s31;
	s15 =	sand.u32 $0x380, s20;
	v5 =	vld [tilespmem:s5+$0x9200]  }
0x197: {  	s19 =	sadd.s32 $0x400, s12;
	s20 =	sadd.s32 $0x200, s14;
	s16 =	sor.u32 s15, s16;
	v6 =	vld [tilespmem:s8+$0x9200]  }
0x198: {  	s21 =	sand.u32 $0x7800, s19;
	s31 =	sand.u32 $0x380, s20;
	v7 =	vld [tilespmem:s16+$0x9200]  }
0x199: {  	v59 =	vld [tilespmem:s13+$0x200];
	s15 =	sor.u32 s31, s21  }
0x19a: {  	v8 =	vld [tilespmem:s15+$0x9200]  }
0x19b: {  	v10 =	vld [tilespmem:s17+$0x8E00]  }
0x19c: {  	v60 =	vld [tilespmem:s17+$0x9210]  }
0x19d: {  	v13 =	vld [tilespmem:s5+$0x8E00];
	v4 =	vadd.f32 v5, v4;
	v5 =	vadd.f32 v7, v6  }
0x19e: {  	v16 =	vld [tilespmem:s8+$0x8E00]  }
0x19f: {  	v61 =	vld [tilespmem:s5+$0x9210];
	v4 =	vadd.f32 v5, v4;
	v5 =	vadd.f32 v9, v8  }
0x1a0: {  	v62 =	vld [tilespmem:s8+$0x9210]  }
0x1a1: {  	v19 =	vld [tilespmem:s16+$0x8E00];
	v4 =	vadd.f32 v5, v4  }
0x1a2: {  	v22 =	vld [tilespmem:s15+$0x8E00]  }
0x1a3: {  	v24 =	vld [tilespmem:s15+$0x9210];
	vm1 =	vgt.f32 v4, $1.000000000e+00  }
0x1a4: {  	v5 =	vld [tilespmem:s16+$0x9210];
	v25 =	vsel vm1, $0x3F800000, v3  }
0x1a5: {  	v4 =	vld [tilespmem:s10+$0xFFFFFFA0];
	[tilespmem:s11+$0xFFFFFB90] =	vst v25  }
0x1a6: {  	v11 =	vadd.f32 v12, v11;
	v25 =	vld [tilespmem:s17+$0x8E10]  }
0x1a7: {  	v27 =	vadd.f32 v15, v14;
	v29 =	vadd.f32 v18, v17;
	v63 =	vld [tilespmem:s13+$0xFFFFFD90]  }
0x1a8: {  	v30 =	vadd.f32 v21, v20;
	v10 =	vadd.f32 v11, v10;
	v26 =	vld [tilespmem:s13+$0xFFFFFE10]  }
0x1a9: {  	v11 =	vadd.f32 v27, v13;
	v28 =	vld [tilespmem:s5+$0x8E10]  }
0x1aa: {  	v33 =	vadd.f32 v29, v16;
	v34 =	vadd.f32 v30, v19;
	vm1 =	vgt.f32 v10, $1.000000000e+00;
	v31 =	vld [tilespmem:s13+$0xFFFFFE90]  }
0x1ab: {  	v6 =	vadd.f32 v59, v23;
	v35 =	vsel vm1, $0x3F800000, v3;
	vm1 =	vgt.f32 v11, $1.000000000e+00;
	v32 =	vld [tilespmem:s13+$0xFFFFFF10]  }
0x1ac: {  	vm2 =	vgt.f32 v34, $1.000000000e+00;
	v36 =	vld [tilespmem:s8+$0x8E10];
	v37 =	vsel vm1, $0x3F800000, v3;
	vm1 =	vgt.f32 v33, $1.000000000e+00  }
0x1ad: {  	v6 =	vadd.f32 v6, v22;
	v41 =	vsel vm2, $0x3F800000, v3;
	v38 =	vld [tilespmem:s13+$0xFFFFFF90];
	v40 =	vsel vm1, $0x3F800000, v3  }
0x1ae: {  	v39 =	vld [tilespmem:s13+$0x10];
	v16 =	vadd.f32 v37, v35;
	v15 =	vadd.f32 v41, v40  }
0x1af: {  	v42 =	vld [tilespmem:s16+$0x8E10]  }
0x1b0: {  	v43 =	vld [tilespmem:s13+$0x90];
	vm1 =	vgt.f32 v6, $1.000000000e+00;
	v45 =	vadd.f32 v15, v16  }
0x1b1: {  	v7 =	vadd.f32 v61, v60;
	v44 =	vld [tilespmem:s13+$0x110];
	v47 =	vsel vm1, $0x3F800000, v3  }
0x1b2: {  	v46 =	vld [tilespmem:s15+$0x8E10];
	v5 =	vadd.f32 v5, v62;
	v6 =	vadd.f32 v47, v45  }
0x1b3: {  	v48 =	vld [tilespmem:s13+$0x190]  }
0x1b4: {  	v49 =	vld [tilespmem:s13+$0x210];
	v5 =	vadd.f32 v5, v7;
	v4 =	vadd.f32 v4, v24;
	[tilespmem:s11+$0xFFFFFF90] =	vst v6  }
0x1b5: {  	v6 =	vld [tilespmem:s17+$0x9220]  }
0x1b6: {  	v4 =	vadd.f32 v4, v5;
	v50 =	vld [tilespmem:s5+$0x9220]  }
0x1b7: {  	v51 =	vld [tilespmem:s8+$0x9220]  }
0x1b8: {  	vm1 =	vgt.f32 v4, $1.000000000e+00;
	v5 =	vld [tilespmem:s16+$0x9220]  }
0x1b9: {  	v53 =	vsel vm1, $0x3F800000, v3;
	v52 =	vld [tilespmem:s15+$0x9220]  }
0x1ba: {  	v4 =	vld [tilespmem:s10+$0xFFFFFFB0];
	[tilespmem:s11+$0xFFFFFBA0] =	vst v53  }
0x1bb: {  	v12 =	vadd.f32 v26, v63;
	v23 =	vld [tilespmem:s17+$0x8E20]  }
0x1bc: {  	v10 =	vadd.f32 v32, v31;
	v13 =	vadd.f32 v39, v38;
	v54 =	vld [tilespmem:s13+$0xFFFFFDA0]  }
0x1bd: {  	v17 =	vadd.f32 v44, v43;
	v12 =	vadd.f32 v12, v25;
	v55 =	vld [tilespmem:s13+$0xFFFFFE20]  }
0x1be: {  	v10 =	vadd.f32 v10, v28;
	v56 =	vld [tilespmem:s5+$0x8E20]  }
0x1bf: {  	v11 =	vadd.f32 v13, v36;
	v59 =	vadd.f32 v17, v42;
	vm1 =	vgt.f32 v12, $1.000000000e+00;
	v57 =	vld [tilespmem:s13+$0xFFFFFEA0]  }
0x1c0: {  	v16 =	vadd.f32 v49, v48;
	v58 =	vld [tilespmem:s13+$0xFFFFFF20];
	v60 =	vsel vm1, $0x3F800000, v3;
	vm1 =	vgt.f32 v10, $1.000000000e+00  }
0x1c1: {  	vm2 =	vgt.f32 v59, $1.000000000e+00;
	v61 =	vld [tilespmem:s8+$0x8E20];
	v62 =	vsel vm1, $0x3F800000, v3;
	vm1 =	vgt.f32 v11, $1.000000000e+00  }
0x1c2: {  	v15 =	vadd.f32 v16, v46;
	v63 =	vld [tilespmem:s13+$0xFFFFFFA0];
	v30 =	vsel vm2, $0x3F800000, v3;
	v29 =	vsel vm1, $0x3F800000, v3  }
0x1c3: {  	v28 =	vld [tilespmem:s13+$0x20];
	v14 =	vadd.f32 v62, v60;
	v13 =	vadd.f32 v30, v29  }
0x1c4: {  	v31 =	vld [tilespmem:s16+$0x8E20]  }
0x1c5: {  	v32 =	vld [tilespmem:s13+$0xA0];
	vm1 =	vgt.f32 v15, $1.000000000e+00;
	v13 =	vadd.f32 v13, v14  }
0x1c6: {  	v33 =	vld [tilespmem:s13+$0x120];
	v15 =	vsel vm1, $0x3F800000, v3;
	v6 =	vadd.f32 v50, v6  }
0x1c7: {  	v34 =	vld [tilespmem:s15+$0x8E20];
	v5 =	vadd.f32 v5, v51;
	v13 =	vadd.f32 v15, v13  }
0x1c8: {  	v35 =	vld [tilespmem:s13+$0x1A0]  }
0x1c9: {  	v36 =	vld [tilespmem:s13+$0x220];
	v4 =	vadd.f32 v4, v52;
	v5 =	vadd.f32 v5, v6;
	[tilespmem:s11+$0xFFFFFFA0] =	vst v13  }
0x1ca: {  	v37 =	vld [tilespmem:s17+$0x9230]  }
0x1cb: {  	v4 =	vadd.f32 v4, v5;
	v38 =	vld [tilespmem:s5+$0x9230]  }
0x1cc: {  	v39 =	vld [tilespmem:s8+$0x9230]  }
0x1cd: {  	v5 =	vld [tilespmem:s16+$0x9230];
	vm1 =	vgt.f32 v4, $1.000000000e+00  }
0x1ce: {  	v40 =	vld [tilespmem:s15+$0x9230];
	v41 =	vsel vm1, $0x3F800000, v3  }
0x1cf: {  	v4 =	vld [tilespmem:s10+$0xFFFFFFC0];
	[tilespmem:s11+$0xFFFFFBB0] =	vst v41  }
0x1d0: {  	v24 =	vadd.f32 v55, v54;
	v13 =	vld [tilespmem:s17+$0x8E30]  }
0x1d1: {  	v12 =	vadd.f32 v58, v57;
	v11 =	vadd.f32 v28, v63;
	v42 =	vld [tilespmem:s13+$0xFFFFFDB0]  }
0x1d2: {  	v17 =	vadd.f32 v33, v32;
	v23 =	vadd.f32 v24, v23;
	v43 =	vld [tilespmem:s13+$0xFFFFFE30]  }
0x1d3: {  	v12 =	vadd.f32 v12, v56;
	v44 =	vld [tilespmem:s5+$0x8E30]  }
0x1d4: {  	v10 =	vadd.f32 v11, v61;
	v47 =	vadd.f32 v17, v31;
	vm1 =	vgt.f32 v23, $1.000000000e+00;
	v45 =	vld [tilespmem:s13+$0xFFFFFEB0]  }
0x1d5: {  	v15 =	vadd.f32 v36, v35;
	v48 =	vsel vm1, $0x3F800000, v3;
	vm1 =	vgt.f32 v12, $1.000000000e+00;
	v46 =	vld [tilespmem:s13+$0xFFFFFF30]  }
0x1d6: {  	vm2 =	vgt.f32 v47, $1.000000000e+00;
	v49 =	vld [tilespmem:s8+$0x8E30];
	v50 =	vsel vm1, $0x3F800000, v3;
	vm1 =	vgt.f32 v10, $1.000000000e+00  }
0x1d7: {  	v14 =	vadd.f32 v15, v34;
	v54 =	vsel vm2, $0x3F800000, v3;
	v51 =	vld [tilespmem:s13+$0xFFFFFFB0];
	v53 =	vsel vm1, $0x3F800000, v3  }
0x1d8: {  	v52 =	vld [tilespmem:s13+$0x30];
	v16 =	vadd.f32 v50, v48;
	v11 =	vadd.f32 v54, v53  }
0x1d9: {  	v55 =	vld [tilespmem:s16+$0x8E30]  }
0x1da: {  	v56 =	vld [tilespmem:s13+$0xB0];
	vm1 =	vgt.f32 v14, $1.000000000e+00;
	v11 =	vadd.f32 v11, v16  }
0x1db: {  	v57 =	vld [tilespmem:s13+$0x130];
	v59 =	vsel vm1, $0x3F800000, v3;
	v6 =	vadd.f32 v38, v37  }
0x1dc: {  	v58 =	vld [tilespmem:s15+$0x8E30];
	v5 =	vadd.f32 v5, v39;
	v11 =	vadd.f32 v59, v11  }
0x1dd: {  	v60 =	vld [tilespmem:s13+$0x1B0]  }
0x1de: {  	v61 =	vld [tilespmem:s13+$0x230];
	v4 =	vadd.f32 v4, v40;
	v5 =	vadd.f32 v5, v6;
	[tilespmem:s11+$0xFFFFFFB0] =	vst v11  }
0x1df: {  	v62 =	vld [tilespmem:s17+$0x9240]  }
0x1e0: {  	v4 =	vadd.f32 v4, v5;
	v63 =	vld [tilespmem:s5+$0x9240]  }
0x1e1: {  	v28 =	vld [tilespmem:s8+$0x9240]  }
0x1e2: {  	vm1 =	vgt.f32 v4, $1.000000000e+00;
	v5 =	vld [tilespmem:s16+$0x9240]  }
0x1e3: {  	v29 =	vld [tilespmem:s15+$0x9240];
	v30 =	vsel vm1, $0x3F800000, v3  }
0x1e4: {  	v4 =	vld [tilespmem:s10+$0xFFFFFFD0];
	[tilespmem:s11+$0xFFFFFBC0] =	vst v30  }
0x1e5: {  	v31 =	vadd.f32 v43, v42;
	v11 =	vld [tilespmem:s17+$0x8E40]  }
0x1e6: {  	v18 =	vadd.f32 v46, v45;
	v10 =	vadd.f32 v52, v51;
	v32 =	vld [tilespmem:s13+$0xFFFFFDC0]  }
0x1e7: {  	v17 =	vadd.f32 v57, v56;
	v13 =	vadd.f32 v31, v13;
	v33 =	vld [tilespmem:s13+$0xFFFFFE40]  }
0x1e8: {  	v18 =	vadd.f32 v18, v44;
	v34 =	vld [tilespmem:s5+$0x8E40]  }
0x1e9: {  	v10 =	vadd.f32 v10, v49;
	v37 =	vadd.f32 v17, v55;
	vm1 =	vgt.f32 v13, $1.000000000e+00;
	v35 =	vld [tilespmem:s13+$0xFFFFFEC0]  }
0x1ea: {  	v16 =	vadd.f32 v61, v60;
	v38 =	vsel vm1, $0x3F800000, v3;
	vm1 =	vgt.f32 v18, $1.000000000e+00;
	v36 =	vld [tilespmem:s13+$0xFFFFFF40]  }
0x1eb: {  	vm2 =	vgt.f32 v37, $1.000000000e+00;
	v39 =	vld [tilespmem:s8+$0x8E40];
	v18 =	vsel vm1, $0x3F800000, v3;
	vm1 =	vgt.f32 v10, $1.000000000e+00  }
0x1ec: {  	v14 =	vadd.f32 v16, v58;
	v43 =	vsel vm2, $0x3F800000, v3;
	v40 =	vld [tilespmem:s13+$0xFFFFFFC0];
	v42 =	vsel vm1, $0x3F800000, v3  }
0x1ed: {  	v41 =	vld [tilespmem:s13+$0x40];
	v15 =	vadd.f32 v18, v38;
	v12 =	vadd.f32 v43, v42  }
0x1ee: {  	v44 =	vld [tilespmem:s16+$0x8E40]  }
0x1ef: {  	v45 =	vld [tilespmem:s13+$0xC0];
	vm1 =	vgt.f32 v14, $1.000000000e+00;
	v12 =	vadd.f32 v12, v15  }
0x1f0: {  	v46 =	vld [tilespmem:s13+$0x140];
	v48 =	vsel vm1, $0x3F800000, v3;
	v6 =	vadd.f32 v63, v62  }
0x1f1: {  	v47 =	vld [tilespmem:s15+$0x8E40];
	v5 =	vadd.f32 v5, v28;
	v12 =	vadd.f32 v48, v12  }
0x1f2: {  	v49 =	vld [tilespmem:s13+$0x1C0]  }
0x1f3: {  	v50 =	vld [tilespmem:s13+$0x240];
	v4 =	vadd.f32 v4, v29;
	v5 =	vadd.f32 v5, v6;
	[tilespmem:s11+$0xFFFFFFC0] =	vst v12  }
0x1f4: {  	v51 =	vld [tilespmem:s17+$0x9250]  }
0x1f5: {  	v4 =	vadd.f32 v4, v5;
	v52 =	vld [tilespmem:s5+$0x9250]  }
0x1f6: {  	v53 =	vld [tilespmem:s8+$0x9250]  }
0x1f7: {  	v5 =	vld [tilespmem:s16+$0x9250];
	vm1 =	vgt.f32 v4, $1.000000000e+00  }
0x1f8: {  	v54 =	vld [tilespmem:s15+$0x9250];
	v55 =	vsel vm1, $0x3F800000, v3  }
0x1f9: {  	v4 =	vld [tilespmem:s10+$0xFFFFFFE0];
	[tilespmem:s11+$0xFFFFFBD0] =	vst v55  }
0x1fa: {  	v56 =	vadd.f32 v33, v32;
	v12 =	vld [tilespmem:s17+$0x8E50]  }
0x1fb: {  	v13 =	vadd.f32 v36, v35;
	v10 =	vadd.f32 v41, v40;
	v57 =	vld [tilespmem:s13+$0xFFFFFDD0]  }
0x1fc: {  	v18 =	vadd.f32 v46, v45;
	v11 =	vadd.f32 v56, v11;
	v58 =	vld [tilespmem:s13+$0xFFFFFE50]  }
0x1fd: {  	v13 =	vadd.f32 v13, v34;
	v59 =	vld [tilespmem:s5+$0x8E50]  }
0x1fe: {  	v10 =	vadd.f32 v10, v39;
	v16 =	vadd.f32 v18, v44;
	vm1 =	vgt.f32 v11, $1.000000000e+00;
	v60 =	vld [tilespmem:s13+$0xFFFFFED0]  }
0x1ff: {  	v15 =	vadd.f32 v50, v49;
	v62 =	vsel vm1, $0x3F800000, v3;
	vm1 =	vgt.f32 v13, $1.000000000e+00;
	v61 =	vld [tilespmem:s13+$0xFFFFFF50]  }
0x200: {  	vm2 =	vgt.f32 v16, $1.000000000e+00;
	v63 =	vld [tilespmem:s8+$0x8E50];
	v28 =	vsel vm1, $0x3F800000, v3;
	vm1 =	vgt.f32 v10, $1.000000000e+00  }
0x201: {  	v14 =	vadd.f32 v15, v47;
	v32 =	vsel vm2, $0x3F800000, v3;
	v29 =	vld [tilespmem:s13+$0xFFFFFFD0];
	v31 =	vsel vm1, $0x3F800000, v3  }
0x202: {  	v30 =	vld [tilespmem:s13+$0x50];
	v17 =	vadd.f32 v28, v62;
	v16 =	vadd.f32 v32, v31  }
0x203: {  	v33 =	vld [tilespmem:s16+$0x8E50]  }
0x204: {  	v34 =	vld [tilespmem:s13+$0xD0];
	vm1 =	vgt.f32 v14, $1.000000000e+00;
	v36 =	vadd.f32 v16, v17  }
0x205: {  	v35 =	vld [tilespmem:s13+$0x150];
	v38 =	vsel vm1, $0x3F800000, v3;
	v6 =	vadd.f32 v52, v51  }
0x206: {  	v37 =	vld [tilespmem:s15+$0x8E50];
	v5 =	vadd.f32 v5, v53;
	v14 =	vadd.f32 v38, v36  }
0x207: {  	v39 =	vld [tilespmem:s13+$0x1D0]  }
0x208: {  	v40 =	vld [tilespmem:s13+$0x250];
	v4 =	vadd.f32 v4, v54;
	v5 =	vadd.f32 v5, v6;
	[tilespmem:s11+$0xFFFFFFD0] =	vst v14  }
0x209: {  	v41 =	vld [tilespmem:s17+$0x9260]  }
0x20a: {  	v4 =	vadd.f32 v4, v5;
	v42 =	vld [tilespmem:s5+$0x9260]  }
0x20b: {  	v43 =	vld [tilespmem:s8+$0x9260]  }
0x20c: {  	vm1 =	vgt.f32 v4, $1.000000000e+00;
	v5 =	vld [tilespmem:s16+$0x9260]  }
0x20d: {  	v44 =	vld [tilespmem:s15+$0x9260];
	v45 =	vsel vm1, $0x3F800000, v3  }
0x20e: {  	v4 =	vld [tilespmem:s10+$0xFFFFFFF0];
	[tilespmem:s11+$0xFFFFFBE0] =	vst v45  }
0x20f: {  	v46 =	vadd.f32 v58, v57;
	v14 =	vld [tilespmem:s17+$0x8E60]  }
0x210: {  	v11 =	vadd.f32 v61, v60;
	v10 =	vadd.f32 v30, v29;
	v47 =	vld [tilespmem:s13+$0xFFFFFDE0]  }
0x211: {  	v18 =	vadd.f32 v35, v34;
	v12 =	vadd.f32 v46, v12;
	v48 =	vld [tilespmem:s13+$0xFFFFFE60]  }
0x212: {  	v11 =	vadd.f32 v11, v59;
	v49 =	vld [tilespmem:s5+$0x8E60]  }
0x213: {  	v10 =	vadd.f32 v10, v63;
	v52 =	vadd.f32 v18, v33;
	vm1 =	vgt.f32 v12, $1.000000000e+00;
	v50 =	vld [tilespmem:s13+$0xFFFFFEE0]  }
0x214: {  	v17 =	vadd.f32 v40, v39;
	v53 =	vsel vm1, $0x3F800000, v3;
	vm1 =	vgt.f32 v11, $1.000000000e+00;
	v51 =	vld [tilespmem:s13+$0xFFFFFF60]  }
0x215: {  	vm2 =	vgt.f32 v52, $1.000000000e+00;
	v54 =	vld [tilespmem:s8+$0x8E60];
	v55 =	vsel vm1, $0x3F800000, v3;
	vm1 =	vgt.f32 v10, $1.000000000e+00  }
0x216: {  	v16 =	vadd.f32 v17, v37;
	v59 =	vsel vm2, $0x3F800000, v3;
	v56 =	vld [tilespmem:s13+$0xFFFFFFE0];
	v58 =	vsel vm1, $0x3F800000, v3  }
0x217: {  	v57 =	vld [tilespmem:s13+$0x60];
	v15 =	vadd.f32 v55, v53;
	v13 =	vadd.f32 v59, v58  }
0x218: {  	v60 =	vld [tilespmem:s16+$0x8E60]  }
0x219: {  	v61 =	vld [tilespmem:s13+$0xE0];
	vm1 =	vgt.f32 v16, $1.000000000e+00;
	v13 =	vadd.f32 v13, v15  }
0x21a: {  	v62 =	vld [tilespmem:s13+$0x160];
	v16 =	vsel vm1, $0x3F800000, v3;
	v6 =	vadd.f32 v42, v41  }
0x21b: {  	v63 =	vld [tilespmem:s15+$0x8E60];
	v5 =	vadd.f32 v5, v43;
	v13 =	vadd.f32 v16, v13  }
0x21c: {  	v28 =	vld [tilespmem:s13+$0x1E0]  }
0x21d: {  	v29 =	vld [tilespmem:s13+$0x260];
	v4 =	vadd.f32 v4, v44;
	v5 =	vadd.f32 v5, v6;
	[tilespmem:s11+$0xFFFFFFE0] =	vst v13  }
0x21e: {  	v30 =	vld [tilespmem:s17+$0x9270]  }
0x21f: {  	v4 =	vadd.f32 v4, v5;
	v31 =	vld [tilespmem:s5+$0x9270]  }
0x220: {  	v32 =	vld [tilespmem:s8+$0x9270]  }
0x221: {  	v5 =	vld [tilespmem:s16+$0x9270];
	vm1 =	vgt.f32 v4, $1.000000000e+00  }
0x222: {  	v33 =	vld [tilespmem:s15+$0x9270];
	v34 =	vsel vm1, $0x3F800000, v3  }
0x223: {  	v4 =	vld [tilespmem:s10+$0x0];
	[tilespmem:s11+$0xFFFFFBF0] =	vst v34  }
0x224: {  	v13 =	vld [tilespmem:s17+$0x8E70]  }
0x225: {  	v35 =	vld [tilespmem:s13+$0xFFFFFDF0]  }
0x226: {  	v36 =	vld [tilespmem:s13+$0xFFFFFE70]  }
0x227: {  	v25 =	vadd.f32 v48, v47;
	v37 =	vld [tilespmem:s5+$0x8E70]  }
0x228: {  	v12 =	vadd.f32 v51, v50;
	v10 =	vadd.f32 v57, v56;
	v38 =	vld [tilespmem:s13+$0xFFFFFEF0]  }
0x229: {  	v18 =	vadd.f32 v62, v61;
	v14 =	vadd.f32 v25, v14;
	v39 =	vld [tilespmem:s13+$0xFFFFFF70]  }
0x22a: {  	v12 =	vadd.f32 v12, v49;
	v40 =	vld [tilespmem:s8+$0x8E70]  }
0x22b: {  	v10 =	vadd.f32 v10, v54;
	v41 =	vadd.f32 v18, v60;
	vm1 =	vgt.f32 v14, $1.000000000e+00;
	v43 =	vld [tilespmem:s13+$0xFFFFFFF0]  }
0x22c: {  	v16 =	vadd.f32 v29, v28;
	v42 =	vsel vm1, $0x3F800000, v3;
	vm1 =	vgt.f32 v12, $1.000000000e+00;
	v45 =	vld [tilespmem:s13+$0x70]  }
0x22d: {  	vm2 =	vgt.f32 v41, $1.000000000e+00;
	v44 =	vsel vm1, $0x3F800000, v3;
	vm1 =	vgt.f32 v10, $1.000000000e+00;
	v46 =	vld [tilespmem:s13+$0xF0]  }
0x22e: {  	v15 =	vadd.f32 v16, v63;
	v47 =	vsel vm2, $0x3F800000, v3;
	v48 =	vld [tilespmem:s13+$0x170];
	v10 =	vsel vm1, $0x3F800000, v3  }
0x22f: {  	v49 =	vld [tilespmem:s16+$0x8E70];
	v17 =	vadd.f32 v44, v42;
	v10 =	vadd.f32 v47, v10  }
0x230: {  	v50 =	vld [tilespmem:s13+$0x1F0];
	v6 =	vadd.f32 v31, v30;
	v51 =	vadd.f32 v36, v35  }
0x231: {  	v52 =	vld [tilespmem:s13+$0x270];
	v5 =	vadd.f32 v5, v32;
	v53 =	vadd.f32 v39, v38  }
0x232: {  	v12 =	vadd.f32 v45, v43;
	v13 =	vadd.f32 v51, v13  }
0x233: {  	v54 =	vld [tilespmem:s15+$0x8E70];
	v11 =	vadd.f32 v48, v46;
	v7 =	vadd.f32 v53, v37  }
0x234: {  	v4 =	vadd.f32 v4, v33;
	v55 =	vadd.f32 v12, v40;
	vm1 =	vgt.f32 v13, $1.000000000e+00  }
0x235: {  	v57 =	vadd.f32 v11, v49;
	v56 =	vsel vm1, $0x3F800000, v3;
	vm1 =	vgt.f32 v7, $1.000000000e+00  }
0x236: {  	v59 =	vadd.f32 v52, v50;
	v58 =	vsel vm1, $0x3F800000, v3;
	vm1 =	vgt.f32 v55, $1.000000000e+00  }
0x237: {  	v10 =	vadd.f32 v10, v17;
	v60 =	vsel vm1, $0x3F800000, v3;
	vm1 =	vgt.f32 v57, $1.000000000e+00  }
0x238: {  	v5 =	vadd.f32 v5, v6;
	v8 =	vadd.f32 v59, v54;
	v7 =	vsel vm1, $0x3F800000, v3  }
0x239: {  	v61 =	vadd.f32 v58, v56;
	vm1 =	vgt.f32 v15, $1.000000000e+00;
	v6 =	vadd.f32 v7, v60  }
0x23a: {  	p0 =	sne.s32 s14, $0x1180;
	v4 =	vadd.f32 v4, v5;
	v62 =	vsel vm1, $0x3F800000, v3  }
.Ltmp1:
0x23b: {  	vm1 =	vgt.f32 v8, $1.000000000e+00;
	v5 =	vadd.f32 v62, v10;
	v6 =	vadd.f32 v6, v61;
	(pc) =	sbr.rel @p0 .LBB2_5-.Ltmp1, $4  }
0x23c: {  	v63 =	vsel vm1, $0x3F800000, v3;
	vm1 =	vgt.f32 v4, $1.000000000e+00  }
0x23d: {  	v4 =	vsel vm1, $0x3F800000, v3;
	[tilespmem:s11+$0xFFFFFFF0] =	vst v5;
	v5 =	vadd.f32 v63, v6  }
0x23e: {  	s12 =	sadd.s32 $0x500, s12;
	s14 =	sadd.s32 $0x280, s14;
	[tilespmem:s11+$0xFFFFFC00] =	vst v4  }
0x23f: {  	s10 =	sadd.s32 $0x80, s10;
	s13 =	sadd.s32 $0x500, s13;
	[tilespmem:s11+$0x0] =	vst v5;
	s11 =	sadd.s32 $0x80, s11  }
0x240: {  	s9 =	sadd.s32 $0x1, s9  }
0x241: {  	p0 =	sne.s32 s9, $0x28  }
.Ltmp2:
0x242: {  	_ = 	snop;
	(pc) =	sbr.rel @p0 .LBB2_2-.Ltmp2, $2  }
0x243: {  	_ =	sdelay $0x2  }
0x244: {  	s7 =	sadd.s32 $0x1, s7;
	s22 =	sadd.s32 $0x2, s22  }
0x245: {  	s0 =	rddreg [dreg:$0x10];
	s5 =	simm.s32 $0x10600;
	s22 =	simm.s32 $0x4  }
0x246: {  	[hbm4b:s0+s2] =	stream.linear.scatter [tilespmem:s5], [sflag:$0x4], $0x8000, $0x38;
	[tilespmem:$0x18600] =	vst v63  }
0x247: {  	_ =	swait.ge [sflag:s22], $0x8000  }
0x248: {  	s7 =	rddreg [dreg:$0x12]  }
0x249: {  	s31 =	rddreg [dreg:$0x11];
	s7 =	sadd.s32 $0x1, s7  }
0x24a: {  	p0 =	sne.s32 s7, s31  }
.Ltmp3:
0x24b: {  	_ = 	snop;
	(pc) =	sbr.rel @p0 .LBB2_1-.Ltmp3, $3  }
0x24c: {  	_ =	sdelay $0x1  }
0x24d: {  	[sflag:s22] =	ssyncset.done $0x0  }
0x24e: {  	[sflag:s22] =	ssyncadd.s32 $0xFFFF8000  }
0x24f: {  	_ =	sfence.sel $0x180000  }
0x250: {  	[bflag:$0x0] =	sbarrier.arrive $0xFFFF  }
0x251: {  	_ =	strace $0x90000047  }
0x252: {  	s0 =	stileid.u32;
	[bflag:$0x2] =	sbarrier.arrive $0xFFFF  }
0x253: {  	p0 =	sne.s32 s0, $0x0;
	s0 =	rddreg [dreg:$0x3]  }
0x254: {  	s0 =	sadd.s32 @!p0 $0x100000, s0  }
0x255: {  	[sflag:s0] =	ssyncadd.tile.s32 @!p0 $0x1;
	_ =	shalt  }
.Lfunc_end2:
_tile_overlayer_lowered:
.L_overlay_start_2:
0x256: {  	(tag) =	ssettag $0x2  }
0x257: {  	s0 =	rddreg [dreg:$0x0];
	s2 =	stileid.u32  }
0x258: {  	s1 =	rddreg [dreg:$0x1];
	p0 =	sne.s32 s2, $0x0  }
0x259: {  	s3 =	rddreg [dreg:$0x2];
	[bflag:$0x3] =	sbarrier.arrive $0xFFFF;
	s2 =	simm.s32 @!p0 $0x1C04  }
0x25a: {  	[timem:s3], [sflag:s2] =	dma.local @!p0 [hbm:s0], s1  }
0x25b: {  	s0 =	simm.s32 @!p0 $0x4  }
0x25c: {  	_ =	swait.ge @!p0 [sflag:s0], s1  }
0x25d: {  	s1 =	ssub.s32 @!p0 $0x0, s1;
	[sflag:s0] =	ssyncset.done @!p0 $0x0  }
0x25e: {  	[sflag:s0] =	ssyncadd.s32 @!p0 s1  }
0x25f: {  	[bflag:$0x3] =	sbarrier.arrive $0xFFFF  }
0x260: {  	_ =	shalt  }

</sc_bundles>
